<compile_context>
chip_gen: v7x
topology: tpu7x:2x2x1
jax: 0.10.2.dev20260603
libtpu: 0.0.44.dev20260713+nightly
codegen_flags: <defaults>
</compile_context>

<pallas_src>
import functools

import jax
import jax.numpy as jnp
from jax import lax
from jax.experimental import pallas as pl
from jax.experimental.pallas import tpu as pltpu
from jax.experimental.pallas import tpu_sc as plsc

NN = 10000
DIN = 128
DHID = 128
NCLS = 40
NE = 320000
ETOT = NE + NN
EPS = 1e-5

C = 128
NCHUNK = 2624
EPAD = NCHUNK * C
NACC = 10240
STRIPE = NACC // 16
BLK = 82
D2P = 48

_mesh = plsc.VectorSubcoreMesh(core_axis_name="c", subcore_axis_name="s")
_f32 = jnp.float32
_sc_params = pltpu.CompilerParams(use_tc_tiling_on_sc=False)

KDEG = NCHUNK // 32


def _stripe_pieces():
    off = 0
    while off < STRIPE:
        n = min(C, STRIPE - off)
        yield off, n
        off += n


@functools.partial(
    pl.kernel,
    out_type=jax.ShapeDtypeStruct((2, NACC, 16), _f32),
    mesh=_mesh,
    scratch_types=[
        pltpu.VMEM((C, 16), _f32),
        pltpu.VMEM((STRIPE, 16), _f32),
        pltpu.VMEM((KDEG, C), jnp.int32),
        pltpu.VMEM_SHARED((NACC, 16), _f32),
    ],
    compiler_params=_sc_params,
)
def _deg_kernel(dst_hbm, out_hbm, ones_v, zbuf_v, didx_v, acc):
    cid = lax.axis_index("c")
    sid = lax.axis_index("s")
    wid = sid * 2 + cid

    @pl.loop(0, C)
    def _(i):
        ones_v[i, :] = jnp.ones((16,), _f32)

    @pl.loop(0, STRIPE)
    def _(i):
        zbuf_v[i, :] = jnp.zeros((16,), _f32)

    pltpu.sync_copy(dst_hbm.at[pl.ds(wid * KDEG, KDEG)], didx_v)
    pltpu.sync_copy(zbuf_v, acc.at[pl.ds(sid * STRIPE, STRIPE)])
    plsc.subcore_barrier()

    @pl.loop(0, KDEG)
    def _(j):
        pltpu.sync_copy(ones_v, acc.at[didx_v.at[j]], add=True)

    plsc.subcore_barrier()
    pltpu.sync_copy(acc.at[pl.ds(sid * STRIPE, STRIPE)],
                    out_hbm.at[cid, pl.ds(sid * STRIPE, STRIPE)])


def _make_pass_kernel(d, k0, k1):
    assert 16 * (k0 + k1) == NCHUNK
    nparts = 1 if k1 == 0 else 2
    out_shape = (NACC, d) if nparts == 1 else (nparts, NACC, d)

    @functools.partial(
        pl.kernel,
        out_type=jax.ShapeDtypeStruct(out_shape, _f32),
        mesh=_mesh,
        scratch_types=[
            pltpu.VMEM((BLK, C), jnp.int32),
            pltpu.VMEM((C,), jnp.int32),
            pltpu.VMEM((C,), jnp.int32),
            pltpu.VMEM((C, d), _f32),
            pltpu.VMEM((C, d), _f32),
            pltpu.VMEM_SHARED((NACC, d), _f32),
            pltpu.SemaphoreType.DMA,
            pltpu.SemaphoreType.DMA,
        ],
        compiler_params=_sc_params,
    )
    def _pass(src_hbm, dst_hbm, table_hbm, out_hbm,
              sidx_v, didx0_v, didx1_v, rows0_v, rows1_v, acc, sem0, sem1):
        cid = lax.axis_index("c")
        sid = lax.axis_index("s")

        def prep():
            @pl.loop(0, C)
            def _(i):
                @pl.loop(0, d, step=16)
                def _(j):
                    rows0_v[i, pl.ds(j, 16)] = jnp.zeros((16,), _f32)

            for off, n in _stripe_pieces():
                pltpu.sync_copy(
                    rows0_v.at[pl.ds(0, n)],
                    acc.at[pl.ds(sid * STRIPE + off, n)])
            plsc.subcore_barrier()

        def edge_block(kk, base):
            pltpu.sync_copy(src_hbm.at[pl.ds(base, kk)],
                            sidx_v.at[pl.ds(0, kk)])
            pltpu.async_copy(table_hbm.at[sidx_v.at[0]], rows0_v, sem0)

            @pl.loop(0, kk - 2, step=2)
            def _(j):
                pltpu.async_copy(
                    table_hbm.at[sidx_v.at[j + 1]], rows1_v, sem1)
                pltpu.make_async_copy(
                    table_hbm.at[sidx_v.at[j]], rows0_v, sem0).wait()
                pltpu.sync_copy(dst_hbm.at[base + j], didx0_v)
                pltpu.sync_copy(rows0_v, acc.at[didx0_v], add=True)
                pltpu.async_copy(
                    table_hbm.at[sidx_v.at[j + 2]], rows0_v, sem0)
                pltpu.make_async_copy(
                    table_hbm.at[sidx_v.at[j + 1]], rows1_v, sem1).wait()
                pltpu.sync_copy(dst_hbm.at[base + j + 1], didx1_v)
                pltpu.sync_copy(rows1_v, acc.at[didx1_v], add=True)

            pltpu.async_copy(table_hbm.at[sidx_v.at[kk - 1]], rows1_v, sem1)
            pltpu.make_async_copy(
                table_hbm.at[sidx_v.at[kk - 2]], rows0_v, sem0).wait()
            pltpu.sync_copy(dst_hbm.at[base + kk - 2], didx0_v)
            pltpu.sync_copy(rows0_v, acc.at[didx0_v], add=True)
            pltpu.make_async_copy(
                table_hbm.at[sidx_v.at[kk - 1]], rows1_v, sem1).wait()
            pltpu.sync_copy(dst_hbm.at[base + kk - 1], didx1_v)
            pltpu.sync_copy(rows1_v, acc.at[didx1_v], add=True)

        def edge_loop(kk, base):
            for off in range(0, kk, BLK):
                edge_block(min(BLK, kk - off), base + off)

        if nparts == 1:
            @pl.when(cid == 0)
            def _():
                prep()
                edge_loop(k0, sid * k0)
                plsc.subcore_barrier()
                for off, n in _stripe_pieces():
                    pltpu.sync_copy(
                        acc.at[pl.ds(sid * STRIPE + off, n)],
                        out_hbm.at[pl.ds(sid * STRIPE + off, n)])
        else:
            prep()

            @pl.when(cid == 0)
            def _():
                edge_loop(k0, sid * k0)

            @pl.when(cid == 1)
            def _():
                edge_loop(k1, 16 * k0 + sid * k1)

            plsc.subcore_barrier()
            for off, n in _stripe_pieces():
                pltpu.sync_copy(
                    acc.at[pl.ds(sid * STRIPE + off, n)],
                    out_hbm.at[cid, pl.ds(sid * STRIPE + off, n)])

    return _pass


_pass128 = _make_pass_kernel(DHID, 146, 18)
_pass48 = _make_pass_kernel(D2P, 114, 50)


_R = 400


def _tc1_body(x_ref, w1_ref, g0_ref, b0_ref, degp_ref, o_ref):
    deg = degp_ref[0, :, 0] + degp_ref[1, :, 0]
    dinv = lax.rsqrt(jnp.maximum(deg, 1.0))
    s0 = g0_ref[...] * lax.rsqrt(jnp.float32(1.0 + EPS))
    h = x_ref[...] * s0[None, :] + b0_ref[...][None, :]
    u = jnp.dot(h, w1_ref[...], preferred_element_type=_f32)
    o_ref[...] = u * dinv[:, None]


def _tc2_body(p_ref, degp_ref, w2_ref, b1_ref, g1_ref, bb1_ref, o_ref):
    deg = degp_ref[0, :, 0] + degp_ref[1, :, 0]
    dinv = lax.rsqrt(jnp.maximum(deg, 1.0))
    agg = (p_ref[0] + p_ref[1]) * dinv[:, None] + b1_ref[...][None, :]
    s1 = g1_ref[...] * lax.rsqrt(jnp.float32(1.0 + EPS))
    h = jnp.maximum(agg * s1[None, :] + bb1_ref[...][None, :], 0.0)
    u = jnp.dot(h, w2_ref[...], preferred_element_type=_f32)
    u = u * dinv[:, None]
    o_ref[...] = jnp.concatenate(
        [u, jnp.zeros((_R, D2P - NCLS), _f32)], axis=1)


def _tc3_body(q_ref, degp_ref, b2_ref, o_ref):
    deg = degp_ref[0, :, 0] + degp_ref[1, :, 0]
    dinv = lax.rsqrt(jnp.maximum(deg, 1.0))
    o_ref[...] = ((q_ref[0] + q_ref[1])[:, :NCLS] * dinv[:, None]
                  + b2_ref[...][None, :])


def _row_spec(d):
    return pl.BlockSpec((_R, d), lambda i: (i, 0))


_degp_spec = pl.BlockSpec((2, _R, 16), lambda i: (0, i, 0))


def _full_spec(shape):
    nd = len(shape)
    return pl.BlockSpec(shape, lambda i: (0,) * nd)


def _tc1(x, w1, g0, b0, degp):
    return pl.pallas_call(
        _tc1_body,
        grid=(NN // _R,),
        in_specs=[_row_spec(DIN), _full_spec((DIN, DHID)),
                  _full_spec((DIN,)), _full_spec((DIN,)), _degp_spec],
        out_specs=_row_spec(DHID),
        out_shape=jax.ShapeDtypeStruct((NN, DHID), _f32),
    )(x, w1, g0, b0, degp)


def _tc2(p, degp, w2, b1, g1, bb1):
    return pl.pallas_call(
        _tc2_body,
        grid=(NN // _R,),
        in_specs=[pl.BlockSpec((2, _R, DHID), lambda i: (0, i, 0)),
                  _degp_spec, _full_spec((DHID, NCLS)),
                  _full_spec((DHID,)), _full_spec((DHID,)),
                  _full_spec((DHID,))],
        out_specs=_row_spec(D2P),
        out_shape=jax.ShapeDtypeStruct((NN, D2P), _f32),
    )(p, degp, w2, b1, g1, bb1)


def _tc3(q, degp, b2):
    return pl.pallas_call(
        _tc3_body,
        grid=(NN // _R,),
        in_specs=[pl.BlockSpec((2, _R, D2P), lambda i: (0, i, 0)),
                  _degp_spec, _full_spec((NCLS,))],
        out_specs=_row_spec(NCLS),
        out_shape=jax.ShapeDtypeStruct((NN, NCLS), _f32),
    )(q, degp, b2)


def kernel(x, edge_index, bn0_gamma, bn0_beta, W1, b1, bn1_gamma, bn1_beta,
           W2, b2):
    sl = jnp.arange(NN, dtype=jnp.int32)
    npad = EPAD - ETOT
    src = jnp.concatenate(
        [edge_index[0].astype(jnp.int32), sl,
         jnp.zeros((npad,), jnp.int32)]).reshape(NCHUNK, C)
    pad_dst = NN + (jnp.arange(npad, dtype=jnp.int32) % (NACC - NN))
    dst = jnp.concatenate(
        [edge_index[1].astype(jnp.int32), sl, pad_dst]).reshape(NCHUNK, C)

    degp = _deg_kernel(dst)
    hw1 = _tc1(x, W1, bn0_gamma, bn0_beta, degp)
    p = _pass128(src, dst, hw1)
    hw2 = _tc2(p, degp, W2, b1, bn1_gamma, bn1_beta)
    q = _pass48(src, dst, hw2)
    return _tc3(q, degp, b2)

# --- scband reference (transcript-rebuilt; emitter-appended) ---
"""Pipeline reference for scband-gcn-node-classification-57750130262575 (READ-ONLY COPY).

The authoritative reference and input builder live on the scoring server;
editing this copy changes nothing except your own understanding.
"""

import jax, jax.numpy as jnp
import numpy as np

N = 10000
D_IN = 128
D_HID = 128
N_CLASSES = 40
N_EDGES = 320000
EPS = 1e-5


def _batch_norm_eval(x, gamma, beta):
    # eval-mode BatchNorm with fresh running stats (mean=0, var=1)
    return (x - 0.0) * jax.lax.rsqrt(jnp.ones_like(gamma) + EPS) * gamma + beta


def _gcn_conv(x, src, dst, W, b):
    # PyG GCNConv: D^{-1/2} (A + I) D^{-1/2} X W + b (self-loops already in src/dst)
    h = x @ W
    ones = jnp.ones(src.shape[0], dtype=x.dtype)
    deg = jax.ops.segment_sum(ones, dst, num_segments=N)
    dinv = jnp.where(deg > 0, jax.lax.rsqrt(deg), 0.0)
    norm = dinv[src] * dinv[dst]
    msg = h[src] * norm[:, None]
    out = jax.ops.segment_sum(msg, dst, num_segments=N)
    return out + b


def setup_inputs(seed: int = 0) -> dict:
    key = jax.random.key(seed)
    ks = jax.random.split(key, 8)
    x = jax.random.normal(ks[0], (N, D_IN), dtype=jnp.float32)
    edge_index = jax.random.randint(ks[1], (2, N_EDGES), 0, N, dtype=jnp.int32)
    bn0_gamma = jnp.ones((D_IN,), dtype=jnp.float32)
    bn0_beta = jnp.zeros((D_IN,), dtype=jnp.float32)
    W1 = jax.random.normal(ks[2], (D_IN, D_HID), dtype=jnp.float32) * (1.0 / np.sqrt(D_IN))
    b1 = jnp.zeros((D_HID,), dtype=jnp.float32)
    bn1_gamma = jnp.ones((D_HID,), dtype=jnp.float32)
    bn1_beta = jnp.zeros((D_HID,), dtype=jnp.float32)
    W2 = jax.random.normal(ks[3], (D_HID, N_CLASSES), dtype=jnp.float32) * (1.0 / np.sqrt(D_HID))
    b2 = jnp.zeros((N_CLASSES,), dtype=jnp.float32)
    return {"x": x, "edge_index": edge_index, "bn0_gamma": bn0_gamma, "bn0_beta": bn0_beta,
            "W1": W1, "b1": b1, "bn1_gamma": bn1_gamma, "bn1_beta": bn1_beta, "W2": W2, "b2": b2}


def reference(x, edge_index, bn0_gamma, bn0_beta, W1, b1, bn1_gamma, bn1_beta, W2, b2):
    # eval mode: dropout / dropout_edge are identity
    sl = jnp.arange(N, dtype=edge_index.dtype)
    src = jnp.concatenate([edge_index[0], sl])
    dst = jnp.concatenate([edge_index[1], sl])
    h = _batch_norm_eval(x, bn0_gamma, bn0_beta)
    h = _gcn_conv(h, src, dst, W1, b1)
    h = _batch_norm_eval(h, bn1_gamma, bn1_beta)
    h = jax.nn.relu(h)
    out = _gcn_conv(h, src, dst, W2, b2)
    return out

if __name__ == "__main__":
    import jax
    _d = setup_inputs()
    print(jax.jit(kernel)(*tuple(_d.values())))

</pallas_src>

<mosaic_0001>
#map = affine_map<(d0, d1) -> (0, 0)>
#map1 = affine_map<(d0, d1) -> (0, 0, 0)>
module attributes {stable_mosaic.version = 14 : i64} {
  func.func @_pass(%arg0: i32, %arg1: i32, %arg2: memref<2624x128xi32, #tpu.memory_space<hbm>>, %arg3: memref<2624x128xi32, #tpu.memory_space<hbm>>, %arg4: memref<10000x48xf32, #tpu.memory_space<hbm>>, %arg5: memref<2x10240x48xf32, #tpu.memory_space<hbm>>, %arg6: memref<82x128xi32, #tpu.memory_space<vmem>>, %arg7: memref<128xi32, #tpu.memory_space<vmem>>, %arg8: memref<128xi32, #tpu.memory_space<vmem>>, %arg9: memref<128x48xf32, #tpu.memory_space<vmem>>, %arg10: memref<128x48xf32, #tpu.memory_space<vmem>>, %arg11: memref<10240x48xf32, #tpu.memory_space<vmem_shared>>, %arg12: memref<!tpu.dma_semaphore, #tpu.memory_space<semaphore_mem>>, %arg13: memref<!tpu.dma_semaphore, #tpu.memory_space<semaphore_mem>>) attributes {dimension_semantics = [#tpu.dimension_semantics<core_parallel>, #tpu.dimension_semantics<subcore_parallel>], iteration_bounds = array<i64: 2, 16>, scalar_prefetch = 0 : i64, scratch_operands = 8 : i64, tpu.core_type = #tpu.core_type<sc_vector_subcore>, window_params = [{transform_indices = #map}, {transform_indices = #map}, {transform_indices = #map}, {transform_indices = #map1}]} {
    %scan3A = arith.constant 0 : i32
    %scan3A_0 = arith.constant 128 : i32
    %scan3A_1 = arith.addi %scan3A, %scan3A_0 : i32
    %scan3A_2 = arith.constant 1 : i32
    scf.for %scan3A_70 = %scan3A to %scan3A_1 step %scan3A_2  : i32 {
      %mul3A_71 = arith.constant 1 : i32
      %mul3A_72 = arith.muli %scan3A_70, %mul3A_71 : i32
      %add3A_73 = arith.constant 0 : i32
      %add3A_74 = arith.addi %add3A_73, %mul3A_72 : i32
      %scan3A_75 = arith.constant 0 : i32
      %scan3A_76 = arith.constant 3 : i32
      %scan3A_77 = arith.addi %scan3A_75, %scan3A_76 : i32
      %scan3A_78 = arith.constant 1 : i32
      scf.for %scan3A_80 = %scan3A_75 to %scan3A_77 step %scan3A_78  : i32 {
        %mul3A_81 = arith.constant 16 : i32
        %mul3A_82 = arith.muli %scan3A_80, %mul3A_81 : i32
        %add3A_83 = arith.constant 0 : i32
        %add3A_84 = arith.addi %add3A_83, %mul3A_82 : i32
        %broadcast_in_dim3A = arith.constant 0.000000e+00 : f32
        %broadcast_in_dim3A_85 = vector.broadcast %broadcast_in_dim3A : f32 to vector<16xf32>
        %swap3A = arith.index_cast %add3A_74 : i32 to index
        %swap3A_86 = arith.index_cast %add3A_84 : i32 to index
        %swap3A_87 = tpu.vector_load %arg9[%swap3A, %swap3A_86] {strides = array<i32>} : memref<128x48xf32, #tpu.memory_space<vmem>>, vector<1x16xf32>,
        %swap3A_88 = vector.shape_cast %swap3A_87 : vector<1x16xf32> to vector<16xf32>
        %swap3A_89 = vector.shape_cast %broadcast_in_dim3A_85 : vector<16xf32> to vector<1x16xf32>
        tpu.vector_store %arg9[%swap3A, %swap3A_86], %swap3A_89 {strides = array<i32>} : memref<128x48xf32, #tpu.memory_space<vmem>>, vector<1x16xf32>,
      }
      %scan3A_79 = arith.constant 3 : i32
    }
    %scan3A_3 = arith.constant 128 : i32
    %mul3A = arith.constant 640 : i32
    %mul3A_4 = arith.muli %arg1, %mul3A : i32
    %add3A = arith.constant 0 : i32
    %add3A_5 = arith.addi %mul3A_4, %add3A : i32
    "tpu.region"() ({
      %run_scoped3A = tpu.sem_alloc : memref<!tpu.dma_semaphore, #tpu.memory_space<semaphore_mem>>
      %dma_start3A = arith.constant 0 : i32
      %dma_start3A_70 = arith.constant 0 : i32
      %dma_start3A_71 = tpu.memref_slice %arg9[%dma_start3A, %dma_start3A_70] : memref<128x48xf32, #tpu.memory_space<vmem>> -> memref<128x48xf32, #tpu.memory_space<vmem>>
      %dma_start3A_72 = arith.constant 0 : i32
      %dma_start3A_73 = tpu.memref_slice %arg11[%add3A_5, %dma_start3A_72] : memref<10240x48xf32, #tpu.memory_space<vmem_shared>> -> memref<128x48xf32, #tpu.memory_space<vmem_shared>>
      %dma_start3A_74 = arith.constant 0 : i32
      %dma_start3A_75 = tpu.memref_slice %arg11[%add3A_5, %dma_start3A_74] : memref<10240x48xf32, #tpu.memory_space<vmem_shared>> -> memref<128x48xf32, #tpu.memory_space<vmem_shared>>
      %dma_start3A_76 = arith.constant 0 : i32
      %dma_start3A_77 = arith.constant 0 : i32
      %dma_start3A_78 = tpu.memref_slice %arg9[%dma_start3A_76, %dma_start3A_77] : memref<128x48xf32, #tpu.memory_space<vmem>> -> memref<128x48xf32, #tpu.memory_space<vmem>>
      tpu.enqueue_dma source(%dma_start3A_78 : memref<128x48xf32, #tpu.memory_space<vmem>>) target(%dma_start3A_75 : memref<128x48xf32, #tpu.memory_space<vmem_shared>>) target_semaphore(%run_scoped3A : memref<!tpu.dma_semaphore, #tpu.memory_space<semaphore_mem>>)
      %dma_wait3A = arith.constant 0 : i32
      %dma_wait3A_79 = arith.constant 0 : i32
      %dma_wait3A_80 = tpu.memref_slice %arg9[%dma_wait3A, %dma_wait3A_79] : memref<128x48xf32, #tpu.memory_space<vmem>> -> memref<128x48xf32, #tpu.memory_space<vmem>>
      %dma_wait3A_81 = arith.constant 0 : i32
      %dma_wait3A_82 = tpu.memref_slice %arg11[%add3A_5, %dma_wait3A_81] : memref<10240x48xf32, #tpu.memory_space<vmem_shared>> -> memref<128x48xf32, #tpu.memory_space<vmem_shared>>
      %dma_wait3A_83 = arith.constant 0 : i32
      %dma_wait3A_84 = tpu.memref_slice %arg11[%add3A_5, %dma_wait3A_83] : memref<10240x48xf32, #tpu.memory_space<vmem_shared>> -> memref<128x48xf32, #tpu.memory_space<vmem_shared>>
      %dma_wait3A_85 = arith.constant 0 : i32
      %dma_wait3A_86 = arith.constant 0 : i32
      %dma_wait3A_87 = tpu.memref_slice %arg9[%dma_wait3A_85, %dma_wait3A_86] : memref<128x48xf32, #tpu.memory_space<vmem>> -> memref<128x48xf32, #tpu.memory_space<vmem>>
      tpu.wait_dma2 semaphore(%run_scoped3A : memref<!tpu.dma_semaphore, #tpu.memory_space<semaphore_mem>>) src(%dma_wait3A_87 : memref<128x48xf32, #tpu.memory_space<vmem>>) dst(%dma_wait3A_84 : memref<128x48xf32, #tpu.memory_space<vmem_shared>>)
      tpu.yield
    }) : () -> ()
    %mul3A_6 = arith.constant 640 : i32
    %mul3A_7 = arith.muli %arg1, %mul3A_6 : i32
    %add3A_8 = arith.constant 128 : i32
    %add3A_9 = arith.addi %mul3A_7, %add3A_8 : i32
    "tpu.region"() ({
      %run_scoped3A = tpu.sem_alloc : memref<!tpu.dma_semaphore, #tpu.memory_space<semaphore_mem>>
      %dma_start3A = arith.constant 0 : i32
      %dma_start3A_70 = arith.constant 0 : i32
      %dma_start3A_71 = tpu.memref_slice %arg9[%dma_start3A, %dma_start3A_70] : memref<128x48xf32, #tpu.memory_space<vmem>> -> memref<128x48xf32, #tpu.memory_space<vmem>>
      %dma_start3A_72 = arith.constant 0 : i32
      %dma_start3A_73 = tpu.memref_slice %arg11[%add3A_9, %dma_start3A_72] : memref<10240x48xf32, #tpu.memory_space<vmem_shared>> -> memref<128x48xf32, #tpu.memory_space<vmem_shared>>
      %dma_start3A_74 = arith.constant 0 : i32
      %dma_start3A_75 = tpu.memref_slice %arg11[%add3A_9, %dma_start3A_74] : memref<10240x48xf32, #tpu.memory_space<vmem_shared>> -> memref<128x48xf32, #tpu.memory_space<vmem_shared>>
      %dma_start3A_76 = arith.constant 0 : i32
      %dma_start3A_77 = arith.constant 0 : i32
      %dma_start3A_78 = tpu.memref_slice %arg9[%dma_start3A_76, %dma_start3A_77] : memref<128x48xf32, #tpu.memory_space<vmem>> -> memref<128x48xf32, #tpu.memory_space<vmem>>
      tpu.enqueue_dma source(%dma_start3A_78 : memref<128x48xf32, #tpu.memory_space<vmem>>) target(%dma_start3A_75 : memref<128x48xf32, #tpu.memory_space<vmem_shared>>) target_semaphore(%run_scoped3A : memref<!tpu.dma_semaphore, #tpu.memory_space<semaphore_mem>>)
      %dma_wait3A = arith.constant 0 : i32
      %dma_wait3A_79 = arith.constant 0 : i32
      %dma_wait3A_80 = tpu.memref_slice %arg9[%dma_wait3A, %dma_wait3A_79] : memref<128x48xf32, #tpu.memory_space<vmem>> -> memref<128x48xf32, #tpu.memory_space<vmem>>
      %dma_wait3A_81 = arith.constant 0 : i32
      %dma_wait3A_82 = tpu.memref_slice %arg11[%add3A_9, %dma_wait3A_81] : memref<10240x48xf32, #tpu.memory_space<vmem_shared>> -> memref<128x48xf32, #tpu.memory_space<vmem_shared>>
      %dma_wait3A_83 = arith.constant 0 : i32
      %dma_wait3A_84 = tpu.memref_slice %arg11[%add3A_9, %dma_wait3A_83] : memref<10240x48xf32, #tpu.memory_space<vmem_shared>> -> memref<128x48xf32, #tpu.memory_space<vmem_shared>>
      %dma_wait3A_85 = arith.constant 0 : i32
      %dma_wait3A_86 = arith.constant 0 : i32
      %dma_wait3A_87 = tpu.memref_slice %arg9[%dma_wait3A_85, %dma_wait3A_86] : memref<128x48xf32, #tpu.memory_space<vmem>> -> memref<128x48xf32, #tpu.memory_space<vmem>>
      tpu.wait_dma2 semaphore(%run_scoped3A : memref<!tpu.dma_semaphore, #tpu.memory_space<semaphore_mem>>) src(%dma_wait3A_87 : memref<128x48xf32, #tpu.memory_space<vmem>>) dst(%dma_wait3A_84 : memref<128x48xf32, #tpu.memory_space<vmem_shared>>)
      tpu.yield
    }) : () -> ()
    %mul3A_10 = arith.constant 640 : i32
    %mul3A_11 = arith.muli %arg1, %mul3A_10 : i32
    %add3A_12 = arith.constant 256 : i32
    %add3A_13 = arith.addi %mul3A_11, %add3A_12 : i32
    "tpu.region"() ({
      %run_scoped3A = tpu.sem_alloc : memref<!tpu.dma_semaphore, #tpu.memory_space<semaphore_mem>>
      %dma_start3A = arith.constant 0 : i32
      %dma_start3A_70 = arith.constant 0 : i32
      %dma_start3A_71 = tpu.memref_slice %arg9[%dma_start3A, %dma_start3A_70] : memref<128x48xf32, #tpu.memory_space<vmem>> -> memref<128x48xf32, #tpu.memory_space<vmem>>
      %dma_start3A_72 = arith.constant 0 : i32
      %dma_start3A_73 = tpu.memref_slice %arg11[%add3A_13, %dma_start3A_72] : memref<10240x48xf32, #tpu.memory_space<vmem_shared>> -> memref<128x48xf32, #tpu.memory_space<vmem_shared>>
      %dma_start3A_74 = arith.constant 0 : i32
      %dma_start3A_75 = tpu.memref_slice %arg11[%add3A_13, %dma_start3A_74] : memref<10240x48xf32, #tpu.memory_space<vmem_shared>> -> memref<128x48xf32, #tpu.memory_space<vmem_shared>>
      %dma_start3A_76 = arith.constant 0 : i32
      %dma_start3A_77 = arith.constant 0 : i32
      %dma_start3A_78 = tpu.memref_slice %arg9[%dma_start3A_76, %dma_start3A_77] : memref<128x48xf32, #tpu.memory_space<vmem>> -> memref<128x48xf32, #tpu.memory_space<vmem>>
      tpu.enqueue_dma source(%dma_start3A_78 : memref<128x48xf32, #tpu.memory_space<vmem>>) target(%dma_start3A_75 : memref<128x48xf32, #tpu.memory_space<vmem_shared>>) target_semaphore(%run_scoped3A : memref<!tpu.dma_semaphore, #tpu.memory_space<semaphore_mem>>)
      %dma_wait3A = arith.constant 0 : i32
      %dma_wait3A_79 = arith.constant 0 : i32
      %dma_wait3A_80 = tpu.memref_slice %arg9[%dma_wait3A, %dma_wait3A_79] : memref<128x48xf32, #tpu.memory_space<vmem>> -> memref<128x48xf32, #tpu.memory_space<vmem>>
      %dma_wait3A_81 = arith.constant 0 : i32
      %dma_wait3A_82 = tpu.memref_slice %arg11[%add3A_13, %dma_wait3A_81] : memref<10240x48xf32, #tpu.memory_space<vmem_shared>> -> memref<128x48xf32, #tpu.memory_space<vmem_shared>>
      %dma_wait3A_83 = arith.constant 0 : i32
      %dma_wait3A_84 = tpu.memref_slice %arg11[%add3A_13, %dma_wait3A_83] : memref<10240x48xf32, #tpu.memory_space<vmem_shared>> -> memref<128x48xf32, #tpu.memory_space<vmem_shared>>
      %dma_wait3A_85 = arith.constant 0 : i32
      %dma_wait3A_86 = arith.constant 0 : i32
      %dma_wait3A_87 = tpu.memref_slice %arg9[%dma_wait3A_85, %dma_wait3A_86] : memref<128x48xf32, #tpu.memory_space<vmem>> -> memref<128x48xf32, #tpu.memory_space<vmem>>
      tpu.wait_dma2 semaphore(%run_scoped3A : memref<!tpu.dma_semaphore, #tpu.memory_space<semaphore_mem>>) src(%dma_wait3A_87 : memref<128x48xf32, #tpu.memory_space<vmem>>) dst(%dma_wait3A_84 : memref<128x48xf32, #tpu.memory_space<vmem_shared>>)
      tpu.yield
    }) : () -> ()
    %mul3A_14 = arith.constant 640 : i32
    %mul3A_15 = arith.muli %arg1, %mul3A_14 : i32
    %add3A_16 = arith.constant 384 : i32
    %add3A_17 = arith.addi %mul3A_15, %add3A_16 : i32
    "tpu.region"() ({
      %run_scoped3A = tpu.sem_alloc : memref<!tpu.dma_semaphore, #tpu.memory_space<semaphore_mem>>
      %dma_start3A = arith.constant 0 : i32
      %dma_start3A_70 = arith.constant 0 : i32
      %dma_start3A_71 = tpu.memref_slice %arg9[%dma_start3A, %dma_start3A_70] : memref<128x48xf32, #tpu.memory_space<vmem>> -> memref<128x48xf32, #tpu.memory_space<vmem>>
      %dma_start3A_72 = arith.constant 0 : i32
      %dma_start3A_73 = tpu.memref_slice %arg11[%add3A_17, %dma_start3A_72] : memref<10240x48xf32, #tpu.memory_space<vmem_shared>> -> memref<128x48xf32, #tpu.memory_space<vmem_shared>>
      %dma_start3A_74 = arith.constant 0 : i32
      %dma_start3A_75 = tpu.memref_slice %arg11[%add3A_17, %dma_start3A_74] : memref<10240x48xf32, #tpu.memory_space<vmem_shared>> -> memref<128x48xf32, #tpu.memory_space<vmem_shared>>
      %dma_start3A_76 = arith.constant 0 : i32
      %dma_start3A_77 = arith.constant 0 : i32
      %dma_start3A_78 = tpu.memref_slice %arg9[%dma_start3A_76, %dma_start3A_77] : memref<128x48xf32, #tpu.memory_space<vmem>> -> memref<128x48xf32, #tpu.memory_space<vmem>>
      tpu.enqueue_dma source(%dma_start3A_78 : memref<128x48xf32, #tpu.memory_space<vmem>>) target(%dma_start3A_75 : memref<128x48xf32, #tpu.memory_space<vmem_shared>>) target_semaphore(%run_scoped3A : memref<!tpu.dma_semaphore, #tpu.memory_space<semaphore_mem>>)
      %dma_wait3A = arith.constant 0 : i32
      %dma_wait3A_79 = arith.constant 0 : i32
      %dma_wait3A_80 = tpu.memref_slice %arg9[%dma_wait3A, %dma_wait3A_79] : memref<128x48xf32, #tpu.memory_space<vmem>> -> memref<128x48xf32, #tpu.memory_space<vmem>>
      %dma_wait3A_81 = arith.constant 0 : i32
      %dma_wait3A_82 = tpu.memref_slice %arg11[%add3A_17, %dma_wait3A_81] : memref<10240x48xf32, #tpu.memory_space<vmem_shared>> -> memref<128x48xf32, #tpu.memory_space<vmem_shared>>
      %dma_wait3A_83 = arith.constant 0 : i32
      %dma_wait3A_84 = tpu.memref_slice %arg11[%add3A_17, %dma_wait3A_83] : memref<10240x48xf32, #tpu.memory_space<vmem_shared>> -> memref<128x48xf32, #tpu.memory_space<vmem_shared>>
      %dma_wait3A_85 = arith.constant 0 : i32
      %dma_wait3A_86 = arith.constant 0 : i32
      %dma_wait3A_87 = tpu.memref_slice %arg9[%dma_wait3A_85, %dma_wait3A_86] : memref<128x48xf32, #tpu.memory_space<vmem>> -> memref<128x48xf32, #tpu.memory_space<vmem>>
      tpu.wait_dma2 semaphore(%run_scoped3A : memref<!tpu.dma_semaphore, #tpu.memory_space<semaphore_mem>>) src(%dma_wait3A_87 : memref<128x48xf32, #tpu.memory_space<vmem>>) dst(%dma_wait3A_84 : memref<128x48xf32, #tpu.memory_space<vmem_shared>>)
      tpu.yield
    }) : () -> ()
    %mul3A_18 = arith.constant 640 : i32
    %mul3A_19 = arith.muli %arg1, %mul3A_18 : i32
    %add3A_20 = arith.constant 512 : i32
    %add3A_21 = arith.addi %mul3A_19, %add3A_20 : i32
    "tpu.region"() ({
      %run_scoped3A = tpu.sem_alloc : memref<!tpu.dma_semaphore, #tpu.memory_space<semaphore_mem>>
      %dma_start3A = arith.constant 0 : i32
      %dma_start3A_70 = arith.constant 0 : i32
      %dma_start3A_71 = tpu.memref_slice %arg9[%dma_start3A, %dma_start3A_70] : memref<128x48xf32, #tpu.memory_space<vmem>> -> memref<128x48xf32, #tpu.memory_space<vmem>>
      %dma_start3A_72 = arith.constant 0 : i32
      %dma_start3A_73 = tpu.memref_slice %arg11[%add3A_21, %dma_start3A_72] : memref<10240x48xf32, #tpu.memory_space<vmem_shared>> -> memref<128x48xf32, #tpu.memory_space<vmem_shared>>
      %dma_start3A_74 = arith.constant 0 : i32
      %dma_start3A_75 = tpu.memref_slice %arg11[%add3A_21, %dma_start3A_74] : memref<10240x48xf32, #tpu.memory_space<vmem_shared>> -> memref<128x48xf32, #tpu.memory_space<vmem_shared>>
      %dma_start3A_76 = arith.constant 0 : i32
      %dma_start3A_77 = arith.constant 0 : i32
      %dma_start3A_78 = tpu.memref_slice %arg9[%dma_start3A_76, %dma_start3A_77] : memref<128x48xf32, #tpu.memory_space<vmem>> -> memref<128x48xf32, #tpu.memory_space<vmem>>
      tpu.enqueue_dma source(%dma_start3A_78 : memref<128x48xf32, #tpu.memory_space<vmem>>) target(%dma_start3A_75 : memref<128x48xf32, #tpu.memory_space<vmem_shared>>) target_semaphore(%run_scoped3A : memref<!tpu.dma_semaphore, #tpu.memory_space<semaphore_mem>>)
      %dma_wait3A = arith.constant 0 : i32
      %dma_wait3A_79 = arith.constant 0 : i32
      %dma_wait3A_80 = tpu.memref_slice %arg9[%dma_wait3A, %dma_wait3A_79] : memref<128x48xf32, #tpu.memory_space<vmem>> -> memref<128x48xf32, #tpu.memory_space<vmem>>
      %dma_wait3A_81 = arith.constant 0 : i32
      %dma_wait3A_82 = tpu.memref_slice %arg11[%add3A_21, %dma_wait3A_81] : memref<10240x48xf32, #tpu.memory_space<vmem_shared>> -> memref<128x48xf32, #tpu.memory_space<vmem_shared>>
      %dma_wait3A_83 = arith.constant 0 : i32
      %dma_wait3A_84 = tpu.memref_slice %arg11[%add3A_21, %dma_wait3A_83] : memref<10240x48xf32, #tpu.memory_space<vmem_shared>> -> memref<128x48xf32, #tpu.memory_space<vmem_shared>>
      %dma_wait3A_85 = arith.constant 0 : i32
      %dma_wait3A_86 = arith.constant 0 : i32
      %dma_wait3A_87 = tpu.memref_slice %arg9[%dma_wait3A_85, %dma_wait3A_86] : memref<128x48xf32, #tpu.memory_space<vmem>> -> memref<128x48xf32, #tpu.memory_space<vmem>>
      tpu.wait_dma2 semaphore(%run_scoped3A : memref<!tpu.dma_semaphore, #tpu.memory_space<semaphore_mem>>) src(%dma_wait3A_87 : memref<128x48xf32, #tpu.memory_space<vmem>>) dst(%dma_wait3A_84 : memref<128x48xf32, #tpu.memory_space<vmem_shared>>)
      tpu.yield
    }) : () -> ()
    %barrier3A = arith.constant 0 : index
    tpu.barrier barrier_id(%barrier3A)
    %eq3A = arith.constant 0 : i32
    %eq3A_22 = arith.cmpi eq, %arg0, %eq3A : i32
    %convert_element_type3A = arith.extui %eq3A_22 : i1 to i32
    %cond3A = arith.constant 0 : i32
    %cond3A_23 = arith.cmpi ne, %convert_element_type3A, %cond3A : i32
    scf.if %cond3A_23 {
      %mul3A_70 = arith.constant 114 : i32
      %mul3A_71 = arith.muli %arg1, %mul3A_70 : i32
      %add3A_72 = arith.constant 0 : i32
      %add3A_73 = arith.addi %mul3A_71, %add3A_72 : i32
      "tpu.region"() ({
        %run_scoped3A = tpu.sem_alloc : memref<!tpu.dma_semaphore, #tpu.memory_space<semaphore_mem>>
        %dma_start3A_155 = arith.constant 0 : i32
        %dma_start3A_156 = arith.constant 0 : i32
        %dma_start3A_157 = tpu.memref_slice %arg6[%dma_start3A_155, %dma_start3A_156] : memref<82x128xi32, #tpu.memory_space<vmem>> -> memref<82x128xi32, #tpu.memory_space<vmem>>
        %dma_start3A_158 = arith.constant 0 : i32
        %dma_start3A_159 = tpu.memref_slice %arg2[%add3A_73, %dma_start3A_158] : memref<2624x128xi32, #tpu.memory_space<hbm>> -> memref<82x128xi32, #tpu.memory_space<hbm>>
        %dma_start3A_160 = arith.constant 0 : i32
        %dma_start3A_161 = arith.constant 0 : i32
        %dma_start3A_162 = tpu.memref_slice %arg6[%dma_start3A_160, %dma_start3A_161] : memref<82x128xi32, #tpu.memory_space<vmem>> -> memref<82x128xi32, #tpu.memory_space<vmem>>
        %dma_start3A_163 = arith.constant 0 : i32
        %dma_start3A_164 = tpu.memref_slice %arg2[%add3A_73, %dma_start3A_163] : memref<2624x128xi32, #tpu.memory_space<hbm>> -> memref<82x128xi32, #tpu.memory_space<hbm>>
        tpu.enqueue_dma source(%dma_start3A_164 : memref<82x128xi32, #tpu.memory_space<hbm>>) target(%dma_start3A_162 : memref<82x128xi32, #tpu.memory_space<vmem>>) target_semaphore(%run_scoped3A : memref<!tpu.dma_semaphore, #tpu.memory_space<semaphore_mem>>)
        %dma_wait3A_165 = arith.constant 0 : i32
        %dma_wait3A_166 = arith.constant 0 : i32
        %dma_wait3A_167 = tpu.memref_slice %arg6[%dma_wait3A_165, %dma_wait3A_166] : memref<82x128xi32, #tpu.memory_space<vmem>> -> memref<82x128xi32, #tpu.memory_space<vmem>>
        %dma_wait3A_168 = arith.constant 0 : i32
        %dma_wait3A_169 = tpu.memref_slice %arg2[%add3A_73, %dma_wait3A_168] : memref<2624x128xi32, #tpu.memory_space<hbm>> -> memref<82x128xi32, #tpu.memory_space<hbm>>
        %dma_wait3A_170 = arith.constant 0 : i32
        %dma_wait3A_171 = arith.constant 0 : i32
        %dma_wait3A_172 = tpu.memref_slice %arg6[%dma_wait3A_170, %dma_wait3A_171] : memref<82x128xi32, #tpu.memory_space<vmem>> -> memref<82x128xi32, #tpu.memory_space<vmem>>
        %dma_wait3A_173 = arith.constant 0 : i32
        %dma_wait3A_174 = tpu.memref_slice %arg2[%add3A_73, %dma_wait3A_173] : memref<2624x128xi32, #tpu.memory_space<hbm>> -> memref<82x128xi32, #tpu.memory_space<hbm>>
        tpu.wait_dma2 semaphore(%run_scoped3A : memref<!tpu.dma_semaphore, #tpu.memory_space<semaphore_mem>>) src(%dma_wait3A_174 : memref<82x128xi32, #tpu.memory_space<hbm>>) dst(%dma_wait3A_172 : memref<82x128xi32, #tpu.memory_space<vmem>>)
        tpu.yield
      }) : () -> ()
      %dma_start3A = arith.constant 0 : i32
      %dma_start3A_74 = arith.constant 0 : i32
      %dma_start3A_75 = tpu.memref_slice %arg6[%dma_start3A, %dma_start3A_74] : memref<82x128xi32, #tpu.memory_space<vmem>> -> memref<1x128xi32, #tpu.memory_space<vmem>>
      %dma_start3A_76 = tpu.memref_squeeze %dma_start3A_75 : memref<1x128xi32, #tpu.memory_space<vmem>> -> memref<128xi32, #tpu.memory_space<vmem>>
      %dma_start3A_77 = arith.constant 0 : i32
      %dma_start3A_78 = arith.constant 0 : i32
      %dma_start3A_79 = tpu.memref_slice %arg4[%dma_start3A_77, %dma_start3A_78] : memref<10000x48xf32, #tpu.memory_space<hbm>> -> memref<10000x48xf32, #tpu.memory_space<hbm>>
      tpu.enqueue_indirect_dma source(%dma_start3A_79 : memref<10000x48xf32, #tpu.memory_space<hbm>>) target(%arg9 : memref<128x48xf32, #tpu.memory_space<vmem>>) offsets(%dma_start3A_76 : memref<128xi32, #tpu.memory_space<vmem>>) semaphore(%arg12 : memref<!tpu.dma_semaphore, #tpu.memory_space<semaphore_mem>>)
      %scan3A_80 = arith.constant 0 : i32
      %scan3A_81 = arith.constant 40 : i32
      %scan3A_82 = arith.addi %scan3A_80, %scan3A_81 : i32
      %scan3A_83 = arith.constant 1 : i32
      scf.for %scan3A_155 = %scan3A_80 to %scan3A_82 step %scan3A_83  : i32 {
        %mul3A_156 = arith.constant 2 : i32
        %mul3A_157 = arith.muli %scan3A_155, %mul3A_156 : i32
        %add3A_158 = arith.constant 0 : i32
        %add3A_159 = arith.addi %add3A_158, %mul3A_157 : i32
        %add3A_160 = arith.constant 1 : i32
        %add3A_161 = arith.addi %add3A_159, %add3A_160 : i32
        %dma_start3A_162 = arith.constant 0 : i32
        %dma_start3A_163 = tpu.memref_slice %arg6[%add3A_161, %dma_start3A_162] : memref<82x128xi32, #tpu.memory_space<vmem>> -> memref<1x128xi32, #tpu.memory_space<vmem>>
        %dma_start3A_164 = tpu.memref_squeeze %dma_start3A_163 : memref<1x128xi32, #tpu.memory_space<vmem>> -> memref<128xi32, #tpu.memory_space<vmem>>
        %dma_start3A_165 = arith.constant 0 : i32
        %dma_start3A_166 = arith.constant 0 : i32
        %dma_start3A_167 = tpu.memref_slice %arg4[%dma_start3A_165, %dma_start3A_166] : memref<10000x48xf32, #tpu.memory_space<hbm>> -> memref<10000x48xf32, #tpu.memory_space<hbm>>
        tpu.enqueue_indirect_dma source(%dma_start3A_167 : memref<10000x48xf32, #tpu.memory_space<hbm>>) target(%arg10 : memref<128x48xf32, #tpu.memory_space<vmem>>) offsets(%dma_start3A_164 : memref<128xi32, #tpu.memory_space<vmem>>) semaphore(%arg13 : memref<!tpu.dma_semaphore, #tpu.memory_space<semaphore_mem>>)
        %dma_wait3A_168 = arith.constant 0 : i32
        %dma_wait3A_169 = tpu.memref_slice %arg6[%add3A_159, %dma_wait3A_168] : memref<82x128xi32, #tpu.memory_space<vmem>> -> memref<1x128xi32, #tpu.memory_space<vmem>>
        %dma_wait3A_170 = tpu.memref_squeeze %dma_wait3A_169 : memref<1x128xi32, #tpu.memory_space<vmem>> -> memref<128xi32, #tpu.memory_space<vmem>>
        %dma_wait3A_171 = arith.constant 0 : i32
        %dma_wait3A_172 = arith.constant 0 : i32
        %dma_wait3A_173 = tpu.memref_slice %arg4[%dma_wait3A_171, %dma_wait3A_172] : memref<10000x48xf32, #tpu.memory_space<hbm>> -> memref<10000x48xf32, #tpu.memory_space<hbm>>
        tpu.wait_indirect_dma semaphore(%arg12 : memref<!tpu.dma_semaphore, #tpu.memory_space<semaphore_mem>>) src(%dma_wait3A_173 : memref<10000x48xf32, #tpu.memory_space<hbm>>) dst(%arg9 : memref<128x48xf32, #tpu.memory_space<vmem>>)
        %add3A_174 = arith.addi %add3A_73, %add3A_159 : i32
        "tpu.region"() ({
          %run_scoped3A = tpu.sem_alloc : memref<!tpu.dma_semaphore, #tpu.memory_space<semaphore_mem>>
          %dma_start3A_194 = arith.constant 0 : i32
          %dma_start3A_195 = tpu.memref_slice %arg3[%add3A_174, %dma_start3A_194] : memref<2624x128xi32, #tpu.memory_space<hbm>> -> memref<1x128xi32, #tpu.memory_space<hbm>>
          %dma_start3A_196 = tpu.memref_squeeze %dma_start3A_195 : memref<1x128xi32, #tpu.memory_space<hbm>> -> memref<128xi32, #tpu.memory_space<hbm>>
          %dma_start3A_197 = arith.constant 0 : i32
          %dma_start3A_198 = tpu.memref_slice %arg3[%add3A_174, %dma_start3A_197] : memref<2624x128xi32, #tpu.memory_space<hbm>> -> memref<1x128xi32, #tpu.memory_space<hbm>>
          %dma_start3A_199 = tpu.memref_squeeze %dma_start3A_198 : memref<1x128xi32, #tpu.memory_space<hbm>> -> memref<128xi32, #tpu.memory_space<hbm>>
          tpu.enqueue_dma source(%dma_start3A_199 : memref<128xi32, #tpu.memory_space<hbm>>) target(%arg7 : memref<128xi32, #tpu.memory_space<vmem>>) target_semaphore(%run_scoped3A : memref<!tpu.dma_semaphore, #tpu.memory_space<semaphore_mem>>)
          %dma_wait3A_200 = arith.constant 0 : i32
          %dma_wait3A_201 = tpu.memref_slice %arg3[%add3A_174, %dma_wait3A_200] : memref<2624x128xi32, #tpu.memory_space<hbm>> -> memref<1x128xi32, #tpu.memory_space<hbm>>
          %dma_wait3A_202 = tpu.memref_squeeze %dma_wait3A_201 : memref<1x128xi32, #tpu.memory_space<hbm>> -> memref<128xi32, #tpu.memory_space<hbm>>
          %dma_wait3A_203 = arith.constant 0 : i32
          %dma_wait3A_204 = tpu.memref_slice %arg3[%add3A_174, %dma_wait3A_203] : memref<2624x128xi32, #tpu.memory_space<hbm>> -> memref<1x128xi32, #tpu.memory_space<hbm>>
          %dma_wait3A_205 = tpu.memref_squeeze %dma_wait3A_204 : memref<1x128xi32, #tpu.memory_space<hbm>> -> memref<128xi32, #tpu.memory_space<hbm>>
          tpu.wait_dma2 semaphore(%run_scoped3A : memref<!tpu.dma_semaphore, #tpu.memory_space<semaphore_mem>>) src(%dma_wait3A_205 : memref<128xi32, #tpu.memory_space<hbm>>) dst(%arg7 : memref<128xi32, #tpu.memory_space<vmem>>)
          tpu.yield
        }) : () -> ()
        "tpu.region"() ({
          %run_scoped3A = tpu.sem_alloc : memref<!tpu.dma_semaphore, #tpu.memory_space<semaphore_mem>>
          %dma_start3A_194 = arith.constant 0 : i32
          %dma_start3A_195 = arith.constant 0 : i32
          %dma_start3A_196 = tpu.memref_slice %arg11[%dma_start3A_194, %dma_start3A_195] : memref<10240x48xf32, #tpu.memory_space<vmem_shared>> -> memref<10240x48xf32, #tpu.memory_space<vmem_shared>>
          tpu.enqueue_indirect_dma source(%arg9 : memref<128x48xf32, #tpu.memory_space<vmem>>) target(%dma_start3A_196 : memref<10240x48xf32, #tpu.memory_space<vmem_shared>>) offsets(%arg7 : memref<128xi32, #tpu.memory_space<vmem>>) semaphore(%run_scoped3A : memref<!tpu.dma_semaphore, #tpu.memory_space<semaphore_mem>>) {add = true}
          %dma_wait3A_197 = arith.constant 0 : i32
          %dma_wait3A_198 = arith.constant 0 : i32
          %dma_wait3A_199 = tpu.memref_slice %arg11[%dma_wait3A_197, %dma_wait3A_198] : memref<10240x48xf32, #tpu.memory_space<vmem_shared>> -> memref<10240x48xf32, #tpu.memory_space<vmem_shared>>
          tpu.wait_indirect_dma semaphore(%run_scoped3A : memref<!tpu.dma_semaphore, #tpu.memory_space<semaphore_mem>>) src(%arg9 : memref<128x48xf32, #tpu.memory_space<vmem>>) dst(%dma_wait3A_199 : memref<10240x48xf32, #tpu.memory_space<vmem_shared>>)
          tpu.yield
        }) : () -> ()
        %add3A_175 = arith.constant 2 : i32
        %add3A_176 = arith.addi %add3A_159, %add3A_175 : i32
        %dma_start3A_177 = arith.constant 0 : i32
        %dma_start3A_178 = tpu.memref_slice %arg6[%add3A_176, %dma_start3A_177] : memref<82x128xi32, #tpu.memory_space<vmem>> -> memref<1x128xi32, #tpu.memory_space<vmem>>
        %dma_start3A_179 = tpu.memref_squeeze %dma_start3A_178 : memref<1x128xi32, #tpu.memory_space<vmem>> -> memref<128xi32, #tpu.memory_space<vmem>>
        %dma_start3A_180 = arith.constant 0 : i32
        %dma_start3A_181 = arith.constant 0 : i32
        %dma_start3A_182 = tpu.memref_slice %arg4[%dma_start3A_180, %dma_start3A_181] : memref<10000x48xf32, #tpu.memory_space<hbm>> -> memref<10000x48xf32, #tpu.memory_space<hbm>>
        tpu.enqueue_indirect_dma source(%dma_start3A_182 : memref<10000x48xf32, #tpu.memory_space<hbm>>) target(%arg9 : memref<128x48xf32, #tpu.memory_space<vmem>>) offsets(%dma_start3A_179 : memref<128xi32, #tpu.memory_space<vmem>>) semaphore(%arg12 : memref<!tpu.dma_semaphore, #tpu.memory_space<semaphore_mem>>)
        %add3A_183 = arith.constant 1 : i32
        %add3A_184 = arith.addi %add3A_159, %add3A_183 : i32
        %dma_wait3A_185 = arith.constant 0 : i32
        %dma_wait3A_186 = tpu.memref_slice %arg6[%add3A_184, %dma_wait3A_185] : memref<82x128xi32, #tpu.memory_space<vmem>> -> memref<1x128xi32, #tpu.memory_space<vmem>>
        %dma_wait3A_187 = tpu.memref_squeeze %dma_wait3A_186 : memref<1x128xi32, #tpu.memory_space<vmem>> -> memref<128xi32, #tpu.memory_space<vmem>>
        %dma_wait3A_188 = arith.constant 0 : i32
        %dma_wait3A_189 = arith.constant 0 : i32
        %dma_wait3A_190 = tpu.memref_slice %arg4[%dma_wait3A_188, %dma_wait3A_189] : memref<10000x48xf32, #tpu.memory_space<hbm>> -> memref<10000x48xf32, #tpu.memory_space<hbm>>
        tpu.wait_indirect_dma semaphore(%arg13 : memref<!tpu.dma_semaphore, #tpu.memory_space<semaphore_mem>>) src(%dma_wait3A_190 : memref<10000x48xf32, #tpu.memory_space<hbm>>) dst(%arg10 : memref<128x48xf32, #tpu.memory_space<vmem>>)
        %add3A_191 = arith.addi %add3A_73, %add3A_159 : i32
        %add3A_192 = arith.constant 1 : i32
        %add3A_193 = arith.addi %add3A_191, %add3A_192 : i32
        "tpu.region"() ({
          %run_scoped3A = tpu.sem_alloc : memref<!tpu.dma_semaphore, #tpu.memory_space<semaphore_mem>>
          %dma_start3A_194 = arith.constant 0 : i32
          %dma_start3A_195 = tpu.memref_slice %arg3[%add3A_193, %dma_start3A_194] : memref<2624x128xi32, #tpu.memory_space<hbm>> -> memref<1x128xi32, #tpu.memory_space<hbm>>
          %dma_start3A_196 = tpu.memref_squeeze %dma_start3A_195 : memref<1x128xi32, #tpu.memory_space<hbm>> -> memref<128xi32, #tpu.memory_space<hbm>>
          %dma_start3A_197 = arith.constant 0 : i32
          %dma_start3A_198 = tpu.memref_slice %arg3[%add3A_193, %dma_start3A_197] : memref<2624x128xi32, #tpu.memory_space<hbm>> -> memref<1x128xi32, #tpu.memory_space<hbm>>
          %dma_start3A_199 = tpu.memref_squeeze %dma_start3A_198 : memref<1x128xi32, #tpu.memory_space<hbm>> -> memref<128xi32, #tpu.memory_space<hbm>>
          tpu.enqueue_dma source(%dma_start3A_199 : memref<128xi32, #tpu.memory_space<hbm>>) target(%arg8 : memref<128xi32, #tpu.memory_space<vmem>>) target_semaphore(%run_scoped3A : memref<!tpu.dma_semaphore, #tpu.memory_space<semaphore_mem>>)
          %dma_wait3A_200 = arith.constant 0 : i32
          %dma_wait3A_201 = tpu.memref_slice %arg3[%add3A_193, %dma_wait3A_200] : memref<2624x128xi32, #tpu.memory_space<hbm>> -> memref<1x128xi32, #tpu.memory_space<hbm>>
          %dma_wait3A_202 = tpu.memref_squeeze %dma_wait3A_201 : memref<1x128xi32, #tpu.memory_space<hbm>> -> memref<128xi32, #tpu.memory_space<hbm>>
          %dma_wait3A_203 = arith.constant 0 : i32
          %dma_wait3A_204 = tpu.memref_slice %arg3[%add3A_193, %dma_wait3A_203] : memref<2624x128xi32, #tpu.memory_space<hbm>> -> memref<1x128xi32, #tpu.memory_space<hbm>>
          %dma_wait3A_205 = tpu.memref_squeeze %dma_wait3A_204 : memref<1x128xi32, #tpu.memory_space<hbm>> -> memref<128xi32, #tpu.memory_space<hbm>>
          tpu.wait_dma2 semaphore(%run_scoped3A : memref<!tpu.dma_semaphore, #tpu.memory_space<semaphore_mem>>) src(%dma_wait3A_205 : memref<128xi32, #tpu.memory_space<hbm>>) dst(%arg8 : memref<128xi32, #tpu.memory_space<vmem>>)
          tpu.yield
        }) : () -> ()
        "tpu.region"() ({
          %run_scoped3A = tpu.sem_alloc : memref<!tpu.dma_semaphore, #tpu.memory_space<semaphore_mem>>
          %dma_start3A_194 = arith.constant 0 : i32
          %dma_start3A_195 = arith.constant 0 : i32
          %dma_start3A_196 = tpu.memref_slice %arg11[%dma_start3A_194, %dma_start3A_195] : memref<10240x48xf32, #tpu.memory_space<vmem_shared>> -> memref<10240x48xf32, #tpu.memory_space<vmem_shared>>
          tpu.enqueue_indirect_dma source(%arg10 : memref<128x48xf32, #tpu.memory_space<vmem>>) target(%dma_start3A_196 : memref<10240x48xf32, #tpu.memory_space<vmem_shared>>) offsets(%arg8 : memref<128xi32, #tpu.memory_space<vmem>>) semaphore(%run_scoped3A : memref<!tpu.dma_semaphore, #tpu.memory_space<semaphore_mem>>) {add = true}
          %dma_wait3A_197 = arith.constant 0 : i32
          %dma_wait3A_198 = arith.constant 0 : i32
          %dma_wait3A_199 = tpu.memref_slice %arg11[%dma_wait3A_197, %dma_wait3A_198] : memref<10240x48xf32, #tpu.memory_space<vmem_shared>> -> memref<10240x48xf32, #tpu.memory_space<vmem_shared>>
          tpu.wait_indirect_dma semaphore(%run_scoped3A : memref<!tpu.dma_semaphore, #tpu.memory_space<semaphore_mem>>) src(%arg10 : memref<128x48xf32, #tpu.memory_space<vmem>>) dst(%dma_wait3A_199 : memref<10240x48xf32, #tpu.memory_space<vmem_shared>>)
          tpu.yield
        }) : () -> ()
      }
      %scan3A_84 = arith.constant 40 : i32
      %dma_start3A_85 = arith.constant 81 : i32
      %dma_start3A_86 = arith.constant 0 : i32
      %dma_start3A_87 = tpu.memref_slice %arg6[%dma_start3A_85, %dma_start3A_86] : memref<82x128xi32, #tpu.memory_space<vmem>> -> memref<1x128xi32, #tpu.memory_space<vmem>>
      %dma_start3A_88 = tpu.memref_squeeze %dma_start3A_87 : memref<1x128xi32, #tpu.memory_space<vmem>> -> memref<128xi32, #tpu.memory_space<vmem>>
      %dma_start3A_89 = arith.constant 0 : i32
      %dma_start3A_90 = arith.constant 0 : i32
      %dma_start3A_91 = tpu.memref_slice %arg4[%dma_start3A_89, %dma_start3A_90] : memref<10000x48xf32, #tpu.memory_space<hbm>> -> memref<10000x48xf32, #tpu.memory_space<hbm>>
      tpu.enqueue_indirect_dma source(%dma_start3A_91 : memref<10000x48xf32, #tpu.memory_space<hbm>>) target(%arg10 : memref<128x48xf32, #tpu.memory_space<vmem>>) offsets(%dma_start3A_88 : memref<128xi32, #tpu.memory_space<vmem>>) semaphore(%arg13 : memref<!tpu.dma_semaphore, #tpu.memory_space<semaphore_mem>>)
      %dma_wait3A = arith.constant 80 : i32
      %dma_wait3A_92 = arith.constant 0 : i32
      %dma_wait3A_93 = tpu.memref_slice %arg6[%dma_wait3A, %dma_wait3A_92] : memref<82x128xi32, #tpu.memory_space<vmem>> -> memref<1x128xi32, #tpu.memory_space<vmem>>
      %dma_wait3A_94 = tpu.memref_squeeze %dma_wait3A_93 : memref<1x128xi32, #tpu.memory_space<vmem>> -> memref<128xi32, #tpu.memory_space<vmem>>
      %dma_wait3A_95 = arith.constant 0 : i32
      %dma_wait3A_96 = arith.constant 0 : i32
      %dma_wait3A_97 = tpu.memref_slice %arg4[%dma_wait3A_95, %dma_wait3A_96] : memref<10000x48xf32, #tpu.memory_space<hbm>> -> memref<10000x48xf32, #tpu.memory_space<hbm>>
      tpu.wait_indirect_dma semaphore(%arg12 : memref<!tpu.dma_semaphore, #tpu.memory_space<semaphore_mem>>) src(%dma_wait3A_97 : memref<10000x48xf32, #tpu.memory_space<hbm>>) dst(%arg9 : memref<128x48xf32, #tpu.memory_space<vmem>>)
      %add3A_98 = arith.constant 82 : i32
      %add3A_99 = arith.addi %add3A_73, %add3A_98 : i32
      %sub3A = arith.constant 2 : i32
      %sub3A_100 = arith.subi %add3A_99, %sub3A : i32
      "tpu.region"() ({
        %run_scoped3A = tpu.sem_alloc : memref<!tpu.dma_semaphore, #tpu.memory_space<semaphore_mem>>
        %dma_start3A_155 = arith.constant 0 : i32
        %dma_start3A_156 = tpu.memref_slice %arg3[%sub3A_100, %dma_start3A_155] : memref<2624x128xi32, #tpu.memory_space<hbm>> -> memref<1x128xi32, #tpu.memory_space<hbm>>
        %dma_start3A_157 = tpu.memref_squeeze %dma_start3A_156 : memref<1x128xi32, #tpu.memory_space<hbm>> -> memref<128xi32, #tpu.memory_space<hbm>>
        %dma_start3A_158 = arith.constant 0 : i32
        %dma_start3A_159 = tpu.memref_slice %arg3[%sub3A_100, %dma_start3A_158] : memref<2624x128xi32, #tpu.memory_space<hbm>> -> memref<1x128xi32, #tpu.memory_space<hbm>>
        %dma_start3A_160 = tpu.memref_squeeze %dma_start3A_159 : memref<1x128xi32, #tpu.memory_space<hbm>> -> memref<128xi32, #tpu.memory_space<hbm>>
        tpu.enqueue_dma source(%dma_start3A_160 : memref<128xi32, #tpu.memory_space<hbm>>) target(%arg7 : memref<128xi32, #tpu.memory_space<vmem>>) target_semaphore(%run_scoped3A : memref<!tpu.dma_semaphore, #tpu.memory_space<semaphore_mem>>)
        %dma_wait3A_161 = arith.constant 0 : i32
        %dma_wait3A_162 = tpu.memref_slice %arg3[%sub3A_100, %dma_wait3A_161] : memref<2624x128xi32, #tpu.memory_space<hbm>> -> memref<1x128xi32, #tpu.memory_space<hbm>>
        %dma_wait3A_163 = tpu.memref_squeeze %dma_wait3A_162 : memref<1x128xi32, #tpu.memory_space<hbm>> -> memref<128xi32, #tpu.memory_space<hbm>>
        %dma_wait3A_164 = arith.constant 0 : i32
        %dma_wait3A_165 = tpu.memref_slice %arg3[%sub3A_100, %dma_wait3A_164] : memref<2624x128xi32, #tpu.memory_space<hbm>> -> memref<1x128xi32, #tpu.memory_space<hbm>>
        %dma_wait3A_166 = tpu.memref_squeeze %dma_wait3A_165 : memref<1x128xi32, #tpu.memory_space<hbm>> -> memref<128xi32, #tpu.memory_space<hbm>>
        tpu.wait_dma2 semaphore(%run_scoped3A : memref<!tpu.dma_semaphore, #tpu.memory_space<semaphore_mem>>) src(%dma_wait3A_166 : memref<128xi32, #tpu.memory_space<hbm>>) dst(%arg7 : memref<128xi32, #tpu.memory_space<vmem>>)
        tpu.yield
      }) : () -> ()
      "tpu.region"() ({
        %run_scoped3A = tpu.sem_alloc : memref<!tpu.dma_semaphore, #tpu.memory_space<semaphore_mem>>
        %dma_start3A_155 = arith.constant 0 : i32
        %dma_start3A_156 = arith.constant 0 : i32
        %dma_start3A_157 = tpu.memref_slice %arg11[%dma_start3A_155, %dma_start3A_156] : memref<10240x48xf32, #tpu.memory_space<vmem_shared>> -> memref<10240x48xf32, #tpu.memory_space<vmem_shared>>
        tpu.enqueue_indirect_dma source(%arg9 : memref<128x48xf32, #tpu.memory_space<vmem>>) target(%dma_start3A_157 : memref<10240x48xf32, #tpu.memory_space<vmem_shared>>) offsets(%arg7 : memref<128xi32, #tpu.memory_space<vmem>>) semaphore(%run_scoped3A : memref<!tpu.dma_semaphore, #tpu.memory_space<semaphore_mem>>) {add = true}
        %dma_wait3A_158 = arith.constant 0 : i32
        %dma_wait3A_159 = arith.constant 0 : i32
        %dma_wait3A_160 = tpu.memref_slice %arg11[%dma_wait3A_158, %dma_wait3A_159] : memref<10240x48xf32, #tpu.memory_space<vmem_shared>> -> memref<10240x48xf32, #tpu.memory_space<vmem_shared>>
        tpu.wait_indirect_dma semaphore(%run_scoped3A : memref<!tpu.dma_semaphore, #tpu.memory_space<semaphore_mem>>) src(%arg9 : memref<128x48xf32, #tpu.memory_space<vmem>>) dst(%dma_wait3A_160 : memref<10240x48xf32, #tpu.memory_space<vmem_shared>>)
        tpu.yield
      }) : () -> ()
      %dma_wait3A_101 = arith.constant 81 : i32
      %dma_wait3A_102 = arith.constant 0 : i32
      %dma_wait3A_103 = tpu.memref_slice %arg6[%dma_wait3A_101, %dma_wait3A_102] : memref<82x128xi32, #tpu.memory_space<vmem>> -> memref<1x128xi32, #tpu.memory_space<vmem>>
      %dma_wait3A_104 = tpu.memref_squeeze %dma_wait3A_103 : memref<1x128xi32, #tpu.memory_space<vmem>> -> memref<128xi32, #tpu.memory_space<vmem>>
      %dma_wait3A_105 = arith.constant 0 : i32
      %dma_wait3A_106 = arith.constant 0 : i32
      %dma_wait3A_107 = tpu.memref_slice %arg4[%dma_wait3A_105, %dma_wait3A_106] : memref<10000x48xf32, #tpu.memory_space<hbm>> -> memref<10000x48xf32, #tpu.memory_space<hbm>>
      tpu.wait_indirect_dma semaphore(%arg13 : memref<!tpu.dma_semaphore, #tpu.memory_space<semaphore_mem>>) src(%dma_wait3A_107 : memref<10000x48xf32, #tpu.memory_space<hbm>>) dst(%arg10 : memref<128x48xf32, #tpu.memory_space<vmem>>)
      %add3A_108 = arith.constant 82 : i32
      %add3A_109 = arith.addi %add3A_73, %add3A_108 : i32
      %sub3A_110 = arith.constant 1 : i32
      %sub3A_111 = arith.subi %add3A_109, %sub3A_110 : i32
      "tpu.region"() ({
        %run_scoped3A = tpu.sem_alloc : memref<!tpu.dma_semaphore, #tpu.memory_space<semaphore_mem>>
        %dma_start3A_155 = arith.constant 0 : i32
        %dma_start3A_156 = tpu.memref_slice %arg3[%sub3A_111, %dma_start3A_155] : memref<2624x128xi32, #tpu.memory_space<hbm>> -> memref<1x128xi32, #tpu.memory_space<hbm>>
        %dma_start3A_157 = tpu.memref_squeeze %dma_start3A_156 : memref<1x128xi32, #tpu.memory_space<hbm>> -> memref<128xi32, #tpu.memory_space<hbm>>
        %dma_start3A_158 = arith.constant 0 : i32
        %dma_start3A_159 = tpu.memref_slice %arg3[%sub3A_111, %dma_start3A_158] : memref<2624x128xi32, #tpu.memory_space<hbm>> -> memref<1x128xi32, #tpu.memory_space<hbm>>
        %dma_start3A_160 = tpu.memref_squeeze %dma_start3A_159 : memref<1x128xi32, #tpu.memory_space<hbm>> -> memref<128xi32, #tpu.memory_space<hbm>>
        tpu.enqueue_dma source(%dma_start3A_160 : memref<128xi32, #tpu.memory_space<hbm>>) target(%arg8 : memref<128xi32, #tpu.memory_space<vmem>>) target_semaphore(%run_scoped3A : memref<!tpu.dma_semaphore, #tpu.memory_space<semaphore_mem>>)
        %dma_wait3A_161 = arith.constant 0 : i32
        %dma_wait3A_162 = tpu.memref_slice %arg3[%sub3A_111, %dma_wait3A_161] : memref<2624x128xi32, #tpu.memory_space<hbm>> -> memref<1x128xi32, #tpu.memory_space<hbm>>
        %dma_wait3A_163 = tpu.memref_squeeze %dma_wait3A_162 : memref<1x128xi32, #tpu.memory_space<hbm>> -> memref<128xi32, #tpu.memory_space<hbm>>
        %dma_wait3A_164 = arith.constant 0 : i32
        %dma_wait3A_165 = tpu.memref_slice %arg3[%sub3A_111, %dma_wait3A_164] : memref<2624x128xi32, #tpu.memory_space<hbm>> -> memref<1x128xi32, #tpu.memory_space<hbm>>
        %dma_wait3A_166 = tpu.memref_squeeze %dma_wait3A_165 : memref<1x128xi32, #tpu.memory_space<hbm>> -> memref<128xi32, #tpu.memory_space<hbm>>
        tpu.wait_dma2 semaphore(%run_scoped3A : memref<!tpu.dma_semaphore, #tpu.memory_space<semaphore_mem>>) src(%dma_wait3A_166 : memref<128xi32, #tpu.memory_space<hbm>>) dst(%arg8 : memref<128xi32, #tpu.memory_space<vmem>>)
        tpu.yield
      }) : () -> ()
      "tpu.region"() ({
        %run_scoped3A = tpu.sem_alloc : memref<!tpu.dma_semaphore, #tpu.memory_space<semaphore_mem>>
        %dma_start3A_155 = arith.constant 0 : i32
        %dma_start3A_156 = arith.constant 0 : i32
        %dma_start3A_157 = tpu.memref_slice %arg11[%dma_start3A_155, %dma_start3A_156] : memref<10240x48xf32, #tpu.memory_space<vmem_shared>> -> memref<10240x48xf32, #tpu.memory_space<vmem_shared>>
        tpu.enqueue_indirect_dma source(%arg10 : memref<128x48xf32, #tpu.memory_space<vmem>>) target(%dma_start3A_157 : memref<10240x48xf32, #tpu.memory_space<vmem_shared>>) offsets(%arg8 : memref<128xi32, #tpu.memory_space<vmem>>) semaphore(%run_scoped3A : memref<!tpu.dma_semaphore, #tpu.memory_space<semaphore_mem>>) {add = true}
        %dma_wait3A_158 = arith.constant 0 : i32
        %dma_wait3A_159 = arith.constant 0 : i32
        %dma_wait3A_160 = tpu.memref_slice %arg11[%dma_wait3A_158, %dma_wait3A_159] : memref<10240x48xf32, #tpu.memory_space<vmem_shared>> -> memref<10240x48xf32, #tpu.memory_space<vmem_shared>>
        tpu.wait_indirect_dma semaphore(%run_scoped3A : memref<!tpu.dma_semaphore, #tpu.memory_space<semaphore_mem>>) src(%arg10 : memref<128x48xf32, #tpu.memory_space<vmem>>) dst(%dma_wait3A_160 : memref<10240x48xf32, #tpu.memory_space<vmem_shared>>)
        tpu.yield
      }) : () -> ()
      %add3A_112 = arith.constant 82 : i32
      %add3A_113 = arith.addi %mul3A_71, %add3A_112 : i32
      "tpu.region"() ({
        %run_scoped3A = tpu.sem_alloc : memref<!tpu.dma_semaphore, #tpu.memory_space<semaphore_mem>>
        %dma_start3A_155 = arith.constant 0 : i32
        %dma_start3A_156 = arith.constant 0 : i32
        %dma_start3A_157 = tpu.memref_slice %arg6[%dma_start3A_155, %dma_start3A_156] : memref<82x128xi32, #tpu.memory_space<vmem>> -> memref<32x128xi32, #tpu.memory_space<vmem>>
        %dma_start3A_158 = arith.constant 0 : i32
        %dma_start3A_159 = tpu.memref_slice %arg2[%add3A_113, %dma_start3A_158] : memref<2624x128xi32, #tpu.memory_space<hbm>> -> memref<32x128xi32, #tpu.memory_space<hbm>>
        %dma_start3A_160 = arith.constant 0 : i32
        %dma_start3A_161 = arith.constant 0 : i32
        %dma_start3A_162 = tpu.memref_slice %arg6[%dma_start3A_160, %dma_start3A_161] : memref<82x128xi32, #tpu.memory_space<vmem>> -> memref<32x128xi32, #tpu.memory_space<vmem>>
        %dma_start3A_163 = arith.constant 0 : i32
        %dma_start3A_164 = tpu.memref_slice %arg2[%add3A_113, %dma_start3A_163] : memref<2624x128xi32, #tpu.memory_space<hbm>> -> memref<32x128xi32, #tpu.memory_space<hbm>>
        tpu.enqueue_dma source(%dma_start3A_164 : memref<32x128xi32, #tpu.memory_space<hbm>>) target(%dma_start3A_162 : memref<32x128xi32, #tpu.memory_space<vmem>>) target_semaphore(%run_scoped3A : memref<!tpu.dma_semaphore, #tpu.memory_space<semaphore_mem>>)
        %dma_wait3A_165 = arith.constant 0 : i32
        %dma_wait3A_166 = arith.constant 0 : i32
        %dma_wait3A_167 = tpu.memref_slice %arg6[%dma_wait3A_165, %dma_wait3A_166] : memref<82x128xi32, #tpu.memory_space<vmem>> -> memref<32x128xi32, #tpu.memory_space<vmem>>
        %dma_wait3A_168 = arith.constant 0 : i32
        %dma_wait3A_169 = tpu.memref_slice %arg2[%add3A_113, %dma_wait3A_168] : memref<2624x128xi32, #tpu.memory_space<hbm>> -> memref<32x128xi32, #tpu.memory_space<hbm>>
        %dma_wait3A_170 = arith.constant 0 : i32
        %dma_wait3A_171 = arith.constant 0 : i32
        %dma_wait3A_172 = tpu.memref_slice %arg6[%dma_wait3A_170, %dma_wait3A_171] : memref<82x128xi32, #tpu.memory_space<vmem>> -> memref<32x128xi32, #tpu.memory_space<vmem>>
        %dma_wait3A_173 = arith.constant 0 : i32
        %dma_wait3A_174 = tpu.memref_slice %arg2[%add3A_113, %dma_wait3A_173] : memref<2624x128xi32, #tpu.memory_space<hbm>> -> memref<32x128xi32, #tpu.memory_space<hbm>>
        tpu.wait_dma2 semaphore(%run_scoped3A : memref<!tpu.dma_semaphore, #tpu.memory_space<semaphore_mem>>) src(%dma_wait3A_174 : memref<32x128xi32, #tpu.memory_space<hbm>>) dst(%dma_wait3A_172 : memref<32x128xi32, #tpu.memory_space<vmem>>)
        tpu.yield
      }) : () -> ()
      %dma_start3A_114 = arith.constant 0 : i32
      %dma_start3A_115 = arith.constant 0 : i32
      %dma_start3A_116 = tpu.memref_slice %arg6[%dma_start3A_114, %dma_start3A_115] : memref<82x128xi32, #tpu.memory_space<vmem>> -> memref<1x128xi32, #tpu.memory_space<vmem>>
      %dma_start3A_117 = tpu.memref_squeeze %dma_start3A_116 : memref<1x128xi32, #tpu.memory_space<vmem>> -> memref<128xi32, #tpu.memory_space<vmem>>
      %dma_start3A_118 = arith.constant 0 : i32
      %dma_start3A_119 = arith.constant 0 : i32
      %dma_start3A_120 = tpu.memref_slice %arg4[%dma_start3A_118, %dma_start3A_119] : memref<10000x48xf32, #tpu.memory_space<hbm>> -> memref<10000x48xf32, #tpu.memory_space<hbm>>
      tpu.enqueue_indirect_dma source(%dma_start3A_120 : memref<10000x48xf32, #tpu.memory_space<hbm>>) target(%arg9 : memref<128x48xf32, #tpu.memory_space<vmem>>) offsets(%dma_start3A_117 : memref<128xi32, #tpu.memory_space<vmem>>) semaphore(%arg12 : memref<!tpu.dma_semaphore, #tpu.memory_space<semaphore_mem>>)
      %scan3A_121 = arith.constant 0 : i32
      %scan3A_122 = arith.constant 15 : i32
      %scan3A_123 = arith.addi %scan3A_121, %scan3A_122 : i32
      %scan3A_124 = arith.constant 1 : i32
      scf.for %scan3A_155 = %scan3A_121 to %scan3A_123 step %scan3A_124  : i32 {
        %mul3A_156 = arith.constant 2 : i32
        %mul3A_157 = arith.muli %scan3A_155, %mul3A_156 : i32
        %add3A_158 = arith.constant 0 : i32
        %add3A_159 = arith.addi %add3A_158, %mul3A_157 : i32
        %add3A_160 = arith.constant 1 : i32
        %add3A_161 = arith.addi %add3A_159, %add3A_160 : i32
        %dma_start3A_162 = arith.constant 0 : i32
        %dma_start3A_163 = tpu.memref_slice %arg6[%add3A_161, %dma_start3A_162] : memref<82x128xi32, #tpu.memory_space<vmem>> -> memref<1x128xi32, #tpu.memory_space<vmem>>
        %dma_start3A_164 = tpu.memref_squeeze %dma_start3A_163 : memref<1x128xi32, #tpu.memory_space<vmem>> -> memref<128xi32, #tpu.memory_space<vmem>>
        %dma_start3A_165 = arith.constant 0 : i32
        %dma_start3A_166 = arith.constant 0 : i32
        %dma_start3A_167 = tpu.memref_slice %arg4[%dma_start3A_165, %dma_start3A_166] : memref<10000x48xf32, #tpu.memory_space<hbm>> -> memref<10000x48xf32, #tpu.memory_space<hbm>>
        tpu.enqueue_indirect_dma source(%dma_start3A_167 : memref<10000x48xf32, #tpu.memory_space<hbm>>) target(%arg10 : memref<128x48xf32, #tpu.memory_space<vmem>>) offsets(%dma_start3A_164 : memref<128xi32, #tpu.memory_space<vmem>>) semaphore(%arg13 : memref<!tpu.dma_semaphore, #tpu.memory_space<semaphore_mem>>)
        %dma_wait3A_168 = arith.constant 0 : i32
        %dma_wait3A_169 = tpu.memref_slice %arg6[%add3A_159, %dma_wait3A_168] : memref<82x128xi32, #tpu.memory_space<vmem>> -> memref<1x128xi32, #tpu.memory_space<vmem>>
        %dma_wait3A_170 = tpu.memref_squeeze %dma_wait3A_169 : memref<1x128xi32, #tpu.memory_space<vmem>> -> memref<128xi32, #tpu.memory_space<vmem>>
        %dma_wait3A_171 = arith.constant 0 : i32
        %dma_wait3A_172 = arith.constant 0 : i32
        %dma_wait3A_173 = tpu.memref_slice %arg4[%dma_wait3A_171, %dma_wait3A_172] : memref<10000x48xf32, #tpu.memory_space<hbm>> -> memref<10000x48xf32, #tpu.memory_space<hbm>>
        tpu.wait_indirect_dma semaphore(%arg12 : memref<!tpu.dma_semaphore, #tpu.memory_space<semaphore_mem>>) src(%dma_wait3A_173 : memref<10000x48xf32, #tpu.memory_space<hbm>>) dst(%arg9 : memref<128x48xf32, #tpu.memory_space<vmem>>)
        %add3A_174 = arith.addi %add3A_113, %add3A_159 : i32
        "tpu.region"() ({
          %run_scoped3A = tpu.sem_alloc : memref<!tpu.dma_semaphore, #tpu.memory_space<semaphore_mem>>
          %dma_start3A_194 = arith.constant 0 : i32
          %dma_start3A_195 = tpu.memref_slice %arg3[%add3A_174, %dma_start3A_194] : memref<2624x128xi32, #tpu.memory_space<hbm>> -> memref<1x128xi32, #tpu.memory_space<hbm>>
          %dma_start3A_196 = tpu.memref_squeeze %dma_start3A_195 : memref<1x128xi32, #tpu.memory_space<hbm>> -> memref<128xi32, #tpu.memory_space<hbm>>
          %dma_start3A_197 = arith.constant 0 : i32
          %dma_start3A_198 = tpu.memref_slice %arg3[%add3A_174, %dma_start3A_197] : memref<2624x128xi32, #tpu.memory_space<hbm>> -> memref<1x128xi32, #tpu.memory_space<hbm>>
          %dma_start3A_199 = tpu.memref_squeeze %dma_start3A_198 : memref<1x128xi32, #tpu.memory_space<hbm>> -> memref<128xi32, #tpu.memory_space<hbm>>
          tpu.enqueue_dma source(%dma_start3A_199 : memref<128xi32, #tpu.memory_space<hbm>>) target(%arg7 : memref<128xi32, #tpu.memory_space<vmem>>) target_semaphore(%run_scoped3A : memref<!tpu.dma_semaphore, #tpu.memory_space<semaphore_mem>>)
          %dma_wait3A_200 = arith.constant 0 : i32
          %dma_wait3A_201 = tpu.memref_slice %arg3[%add3A_174, %dma_wait3A_200] : memref<2624x128xi32, #tpu.memory_space<hbm>> -> memref<1x128xi32, #tpu.memory_space<hbm>>
          %dma_wait3A_202 = tpu.memref_squeeze %dma_wait3A_201 : memref<1x128xi32, #tpu.memory_space<hbm>> -> memref<128xi32, #tpu.memory_space<hbm>>
          %dma_wait3A_203 = arith.constant 0 : i32
          %dma_wait3A_204 = tpu.memref_slice %arg3[%add3A_174, %dma_wait3A_203] : memref<2624x128xi32, #tpu.memory_space<hbm>> -> memref<1x128xi32, #tpu.memory_space<hbm>>
          %dma_wait3A_205 = tpu.memref_squeeze %dma_wait3A_204 : memref<1x128xi32, #tpu.memory_space<hbm>> -> memref<128xi32, #tpu.memory_space<hbm>>
          tpu.wait_dma2 semaphore(%run_scoped3A : memref<!tpu.dma_semaphore, #tpu.memory_space<semaphore_mem>>) src(%dma_wait3A_205 : memref<128xi32, #tpu.memory_space<hbm>>) dst(%arg7 : memref<128xi32, #tpu.memory_space<vmem>>)
          tpu.yield
        }) : () -> ()
        "tpu.region"() ({
          %run_scoped3A = tpu.sem_alloc : memref<!tpu.dma_semaphore, #tpu.memory_space<semaphore_mem>>
          %dma_start3A_194 = arith.constant 0 : i32
          %dma_start3A_195 = arith.constant 0 : i32
          %dma_start3A_196 = tpu.memref_slice %arg11[%dma_start3A_194, %dma_start3A_195] : memref<10240x48xf32, #tpu.memory_space<vmem_shared>> -> memref<10240x48xf32, #tpu.memory_space<vmem_shared>>
          tpu.enqueue_indirect_dma source(%arg9 : memref<128x48xf32, #tpu.memory_space<vmem>>) target(%dma_start3A_196 : memref<10240x48xf32, #tpu.memory_space<vmem_shared>>) offsets(%arg7 : memref<128xi32, #tpu.memory_space<vmem>>) semaphore(%run_scoped3A : memref<!tpu.dma_semaphore, #tpu.memory_space<semaphore_mem>>) {add = true}
          %dma_wait3A_197 = arith.constant 0 : i32
          %dma_wait3A_198 = arith.constant 0 : i32
          %dma_wait3A_199 = tpu.memref_slice %arg11[%dma_wait3A_197, %dma_wait3A_198] : memref<10240x48xf32, #tpu.memory_space<vmem_shared>> -> memref<10240x48xf32, #tpu.memory_space<vmem_shared>>
          tpu.wait_indirect_dma semaphore(%run_scoped3A : memref<!tpu.dma_semaphore, #tpu.memory_space<semaphore_mem>>) src(%arg9 : memref<128x48xf32, #tpu.memory_space<vmem>>) dst(%dma_wait3A_199 : memref<10240x48xf32, #tpu.memory_space<vmem_shared>>)
          tpu.yield
        }) : () -> ()
        %add3A_175 = arith.constant 2 : i32
        %add3A_176 = arith.addi %add3A_159, %add3A_175 : i32
        %dma_start3A_177 = arith.constant 0 : i32
        %dma_start3A_178 = tpu.memref_slice %arg6[%add3A_176, %dma_start3A_177] : memref<82x128xi32, #tpu.memory_space<vmem>> -> memref<1x128xi32, #tpu.memory_space<vmem>>
        %dma_start3A_179 = tpu.memref_squeeze %dma_start3A_178 : memref<1x128xi32, #tpu.memory_space<vmem>> -> memref<128xi32, #tpu.memory_space<vmem>>
        %dma_start3A_180 = arith.constant 0 : i32
        %dma_start3A_181 = arith.constant 0 : i32
        %dma_start3A_182 = tpu.memref_slice %arg4[%dma_start3A_180, %dma_start3A_181] : memref<10000x48xf32, #tpu.memory_space<hbm>> -> memref<10000x48xf32, #tpu.memory_space<hbm>>
        tpu.enqueue_indirect_dma source(%dma_start3A_182 : memref<10000x48xf32, #tpu.memory_space<hbm>>) target(%arg9 : memref<128x48xf32, #tpu.memory_space<vmem>>) offsets(%dma_start3A_179 : memref<128xi32, #tpu.memory_space<vmem>>) semaphore(%arg12 : memref<!tpu.dma_semaphore, #tpu.memory_space<semaphore_mem>>)
        %add3A_183 = arith.constant 1 : i32
        %add3A_184 = arith.addi %add3A_159, %add3A_183 : i32
        %dma_wait3A_185 = arith.constant 0 : i32
        %dma_wait3A_186 = tpu.memref_slice %arg6[%add3A_184, %dma_wait3A_185] : memref<82x128xi32, #tpu.memory_space<vmem>> -> memref<1x128xi32, #tpu.memory_space<vmem>>
        %dma_wait3A_187 = tpu.memref_squeeze %dma_wait3A_186 : memref<1x128xi32, #tpu.memory_space<vmem>> -> memref<128xi32, #tpu.memory_space<vmem>>
        %dma_wait3A_188 = arith.constant 0 : i32
        %dma_wait3A_189 = arith.constant 0 : i32
        %dma_wait3A_190 = tpu.memref_slice %arg4[%dma_wait3A_188, %dma_wait3A_189] : memref<10000x48xf32, #tpu.memory_space<hbm>> -> memref<10000x48xf32, #tpu.memory_space<hbm>>
        tpu.wait_indirect_dma semaphore(%arg13 : memref<!tpu.dma_semaphore, #tpu.memory_space<semaphore_mem>>) src(%dma_wait3A_190 : memref<10000x48xf32, #tpu.memory_space<hbm>>) dst(%arg10 : memref<128x48xf32, #tpu.memory_space<vmem>>)
        %add3A_191 = arith.addi %add3A_113, %add3A_159 : i32
        %add3A_192 = arith.constant 1 : i32
        %add3A_193 = arith.addi %add3A_191, %add3A_192 : i32
        "tpu.region"() ({
          %run_scoped3A = tpu.sem_alloc : memref<!tpu.dma_semaphore, #tpu.memory_space<semaphore_mem>>
          %dma_start3A_194 = arith.constant 0 : i32
          %dma_start3A_195 = tpu.memref_slice %arg3[%add3A_193, %dma_start3A_194] : memref<2624x128xi32, #tpu.memory_space<hbm>> -> memref<1x128xi32, #tpu.memory_space<hbm>>
          %dma_start3A_196 = tpu.memref_squeeze %dma_start3A_195 : memref<1x128xi32, #tpu.memory_space<hbm>> -> memref<128xi32, #tpu.memory_space<hbm>>
          %dma_start3A_197 = arith.constant 0 : i32
          %dma_start3A_198 = tpu.memref_slice %arg3[%add3A_193, %dma_start3A_197] : memref<2624x128xi32, #tpu.memory_space<hbm>> -> memref<1x128xi32, #tpu.memory_space<hbm>>
          %dma_start3A_199 = tpu.memref_squeeze %dma_start3A_198 : memref<1x128xi32, #tpu.memory_space<hbm>> -> memref<128xi32, #tpu.memory_space<hbm>>
          tpu.enqueue_dma source(%dma_start3A_199 : memref<128xi32, #tpu.memory_space<hbm>>) target(%arg8 : memref<128xi32, #tpu.memory_space<vmem>>) target_semaphore(%run_scoped3A : memref<!tpu.dma_semaphore, #tpu.memory_space<semaphore_mem>>)
          %dma_wait3A_200 = arith.constant 0 : i32
          %dma_wait3A_201 = tpu.memref_slice %arg3[%add3A_193, %dma_wait3A_200] : memref<2624x128xi32, #tpu.memory_space<hbm>> -> memref<1x128xi32, #tpu.memory_space<hbm>>
          %dma_wait3A_202 = tpu.memref_squeeze %dma_wait3A_201 : memref<1x128xi32, #tpu.memory_space<hbm>> -> memref<128xi32, #tpu.memory_space<hbm>>
          %dma_wait3A_203 = arith.constant 0 : i32
          %dma_wait3A_204 = tpu.memref_slice %arg3[%add3A_193, %dma_wait3A_203] : memref<2624x128xi32, #tpu.memory_space<hbm>> -> memref<1x128xi32, #tpu.memory_space<hbm>>
          %dma_wait3A_205 = tpu.memref_squeeze %dma_wait3A_204 : memref<1x128xi32, #tpu.memory_space<hbm>> -> memref<128xi32, #tpu.memory_space<hbm>>
          tpu.wait_dma2 semaphore(%run_scoped3A : memref<!tpu.dma_semaphore, #tpu.memory_space<semaphore_mem>>) src(%dma_wait3A_205 : memref<128xi32, #tpu.memory_space<hbm>>) dst(%arg8 : memref<128xi32, #tpu.memory_space<vmem>>)
          tpu.yield
        }) : () -> ()
        "tpu.region"() ({
          %run_scoped3A = tpu.sem_alloc : memref<!tpu.dma_semaphore, #tpu.memory_space<semaphore_mem>>
          %dma_start3A_194 = arith.constant 0 : i32
          %dma_start3A_195 = arith.constant 0 : i32
          %dma_start3A_196 = tpu.memref_slice %arg11[%dma_start3A_194, %dma_start3A_195] : memref<10240x48xf32, #tpu.memory_space<vmem_shared>> -> memref<10240x48xf32, #tpu.memory_space<vmem_shared>>
          tpu.enqueue_indirect_dma source(%arg10 : memref<128x48xf32, #tpu.memory_space<vmem>>) target(%dma_start3A_196 : memref<10240x48xf32, #tpu.memory_space<vmem_shared>>) offsets(%arg8 : memref<128xi32, #tpu.memory_space<vmem>>) semaphore(%run_scoped3A : memref<!tpu.dma_semaphore, #tpu.memory_space<semaphore_mem>>) {add = true}
          %dma_wait3A_197 = arith.constant 0 : i32
          %dma_wait3A_198 = arith.constant 0 : i32
          %dma_wait3A_199 = tpu.memref_slice %arg11[%dma_wait3A_197, %dma_wait3A_198] : memref<10240x48xf32, #tpu.memory_space<vmem_shared>> -> memref<10240x48xf32, #tpu.memory_space<vmem_shared>>
          tpu.wait_indirect_dma semaphore(%run_scoped3A : memref<!tpu.dma_semaphore, #tpu.memory_space<semaphore_mem>>) src(%arg10 : memref<128x48xf32, #tpu.memory_space<vmem>>) dst(%dma_wait3A_199 : memref<10240x48xf32, #tpu.memory_space<vmem_shared>>)
          tpu.yield
        }) : () -> ()
      }
      %scan3A_125 = arith.constant 15 : i32
      %dma_start3A_126 = arith.constant 31 : i32
      %dma_start3A_127 = arith.constant 0 : i32
      %dma_start3A_128 = tpu.memref_slice %arg6[%dma_start3A_126, %dma_start3A_127] : memref<82x128xi32, #tpu.memory_space<vmem>> -> memref<1x128xi32, #tpu.memory_space<vmem>>
      %dma_start3A_129 = tpu.memref_squeeze %dma_start3A_128 : memref<1x128xi32, #tpu.memory_space<vmem>> -> memref<128xi32, #tpu.memory_space<vmem>>
      %dma_start3A_130 = arith.constant 0 : i32
      %dma_start3A_131 = arith.constant 0 : i32
      %dma_start3A_132 = tpu.memref_slice %arg4[%dma_start3A_130, %dma_start3A_131] : memref<10000x48xf32, #tpu.memory_space<hbm>> -> memref<10000x48xf32, #tpu.memory_space<hbm>>
      tpu.enqueue_indirect_dma source(%dma_start3A_132 : memref<10000x48xf32, #tpu.memory_space<hbm>>) target(%arg10 : memref<128x48xf32, #tpu.memory_space<vmem>>) offsets(%dma_start3A_129 : memref<128xi32, #tpu.memory_space<vmem>>) semaphore(%arg13 : memref<!tpu.dma_semaphore, #tpu.memory_space<semaphore_mem>>)
      %dma_wait3A_133 = arith.constant 30 : i32
      %dma_wait3A_134 = arith.constant 0 : i32
      %dma_wait3A_135 = tpu.memref_slice %arg6[%dma_wait3A_133, %dma_wait3A_134] : memref<82x128xi32, #tpu.memory_space<vmem>> -> memref<1x128xi32, #tpu.memory_space<vmem>>
      %dma_wait3A_136 = tpu.memref_squeeze %dma_wait3A_135 : memref<1x128xi32, #tpu.memory_space<vmem>> -> memref<128xi32, #tpu.memory_space<vmem>>
      %dma_wait3A_137 = arith.constant 0 : i32
      %dma_wait3A_138 = arith.constant 0 : i32
      %dma_wait3A_139 = tpu.memref_slice %arg4[%dma_wait3A_137, %dma_wait3A_138] : memref<10000x48xf32, #tpu.memory_space<hbm>> -> memref<10000x48xf32, #tpu.memory_space<hbm>>
      tpu.wait_indirect_dma semaphore(%arg12 : memref<!tpu.dma_semaphore, #tpu.memory_space<semaphore_mem>>) src(%dma_wait3A_139 : memref<10000x48xf32, #tpu.memory_space<hbm>>) dst(%arg9 : memref<128x48xf32, #tpu.memory_space<vmem>>)
      %add3A_140 = arith.constant 32 : i32
      %add3A_141 = arith.addi %add3A_113, %add3A_140 : i32
      %sub3A_142 = arith.constant 2 : i32
      %sub3A_143 = arith.subi %add3A_141, %sub3A_142 : i32
      "tpu.region"() ({
        %run_scoped3A = tpu.sem_alloc : memref<!tpu.dma_semaphore, #tpu.memory_space<semaphore_mem>>
        %dma_start3A_155 = arith.constant 0 : i32
        %dma_start3A_156 = tpu.memref_slice %arg3[%sub3A_143, %dma_start3A_155] : memref<2624x128xi32, #tpu.memory_space<hbm>> -> memref<1x128xi32, #tpu.memory_space<hbm>>
        %dma_start3A_157 = tpu.memref_squeeze %dma_start3A_156 : memref<1x128xi32, #tpu.memory_space<hbm>> -> memref<128xi32, #tpu.memory_space<hbm>>
        %dma_start3A_158 = arith.constant 0 : i32
        %dma_start3A_159 = tpu.memref_slice %arg3[%sub3A_143, %dma_start3A_158] : memref<2624x128xi32, #tpu.memory_space<hbm>> -> memref<1x128xi32, #tpu.memory_space<hbm>>
        %dma_start3A_160 = tpu.memref_squeeze %dma_start3A_159 : memref<1x128xi32, #tpu.memory_space<hbm>> -> memref<128xi32, #tpu.memory_space<hbm>>
        tpu.enqueue_dma source(%dma_start3A_160 : memref<128xi32, #tpu.memory_space<hbm>>) target(%arg7 : memref<128xi32, #tpu.memory_space<vmem>>) target_semaphore(%run_scoped3A : memref<!tpu.dma_semaphore, #tpu.memory_space<semaphore_mem>>)
        %dma_wait3A_161 = arith.constant 0 : i32
        %dma_wait3A_162 = tpu.memref_slice %arg3[%sub3A_143, %dma_wait3A_161] : memref<2624x128xi32, #tpu.memory_space<hbm>> -> memref<1x128xi32, #tpu.memory_space<hbm>>
        %dma_wait3A_163 = tpu.memref_squeeze %dma_wait3A_162 : memref<1x128xi32, #tpu.memory_space<hbm>> -> memref<128xi32, #tpu.memory_space<hbm>>
        %dma_wait3A_164 = arith.constant 0 : i32
        %dma_wait3A_165 = tpu.memref_slice %arg3[%sub3A_143, %dma_wait3A_164] : memref<2624x128xi32, #tpu.memory_space<hbm>> -> memref<1x128xi32, #tpu.memory_space<hbm>>
        %dma_wait3A_166 = tpu.memref_squeeze %dma_wait3A_165 : memref<1x128xi32, #tpu.memory_space<hbm>> -> memref<128xi32, #tpu.memory_space<hbm>>
        tpu.wait_dma2 semaphore(%run_scoped3A : memref<!tpu.dma_semaphore, #tpu.memory_space<semaphore_mem>>) src(%dma_wait3A_166 : memref<128xi32, #tpu.memory_space<hbm>>) dst(%arg7 : memref<128xi32, #tpu.memory_space<vmem>>)
        tpu.yield
      }) : () -> ()
      "tpu.region"() ({
        %run_scoped3A = tpu.sem_alloc : memref<!tpu.dma_semaphore, #tpu.memory_space<semaphore_mem>>
        %dma_start3A_155 = arith.constant 0 : i32
        %dma_start3A_156 = arith.constant 0 : i32
        %dma_start3A_157 = tpu.memref_slice %arg11[%dma_start3A_155, %dma_start3A_156] : memref<10240x48xf32, #tpu.memory_space<vmem_shared>> -> memref<10240x48xf32, #tpu.memory_space<vmem_shared>>
        tpu.enqueue_indirect_dma source(%arg9 : memref<128x48xf32, #tpu.memory_space<vmem>>) target(%dma_start3A_157 : memref<10240x48xf32, #tpu.memory_space<vmem_shared>>) offsets(%arg7 : memref<128xi32, #tpu.memory_space<vmem>>) semaphore(%run_scoped3A : memref<!tpu.dma_semaphore, #tpu.memory_space<semaphore_mem>>) {add = true}
        %dma_wait3A_158 = arith.constant 0 : i32
        %dma_wait3A_159 = arith.constant 0 : i32
        %dma_wait3A_160 = tpu.memref_slice %arg11[%dma_wait3A_158, %dma_wait3A_159] : memref<10240x48xf32, #tpu.memory_space<vmem_shared>> -> memref<10240x48xf32, #tpu.memory_space<vmem_shared>>
        tpu.wait_indirect_dma semaphore(%run_scoped3A : memref<!tpu.dma_semaphore, #tpu.memory_space<semaphore_mem>>) src(%arg9 : memref<128x48xf32, #tpu.memory_space<vmem>>) dst(%dma_wait3A_160 : memref<10240x48xf32, #tpu.memory_space<vmem_shared>>)
        tpu.yield
      }) : () -> ()
      %dma_wait3A_144 = arith.constant 31 : i32
      %dma_wait3A_145 = arith.constant 0 : i32
      %dma_wait3A_146 = tpu.memref_slice %arg6[%dma_wait3A_144, %dma_wait3A_145] : memref<82x128xi32, #tpu.memory_space<vmem>> -> memref<1x128xi32, #tpu.memory_space<vmem>>
      %dma_wait3A_147 = tpu.memref_squeeze %dma_wait3A_146 : memref<1x128xi32, #tpu.memory_space<vmem>> -> memref<128xi32, #tpu.memory_space<vmem>>
      %dma_wait3A_148 = arith.constant 0 : i32
      %dma_wait3A_149 = arith.constant 0 : i32
      %dma_wait3A_150 = tpu.memref_slice %arg4[%dma_wait3A_148, %dma_wait3A_149] : memref<10000x48xf32, #tpu.memory_space<hbm>> -> memref<10000x48xf32, #tpu.memory_space<hbm>>
      tpu.wait_indirect_dma semaphore(%arg13 : memref<!tpu.dma_semaphore, #tpu.memory_space<semaphore_mem>>) src(%dma_wait3A_150 : memref<10000x48xf32, #tpu.memory_space<hbm>>) dst(%arg10 : memref<128x48xf32, #tpu.memory_space<vmem>>)
      %add3A_151 = arith.constant 32 : i32
      %add3A_152 = arith.addi %add3A_113, %add3A_151 : i32
      %sub3A_153 = arith.constant 1 : i32
      %sub3A_154 = arith.subi %add3A_152, %sub3A_153 : i32
      "tpu.region"() ({
        %run_scoped3A = tpu.sem_alloc : memref<!tpu.dma_semaphore, #tpu.memory_space<semaphore_mem>>
        %dma_start3A_155 = arith.constant 0 : i32
        %dma_start3A_156 = tpu.memref_slice %arg3[%sub3A_154, %dma_start3A_155] : memref<2624x128xi32, #tpu.memory_space<hbm>> -> memref<1x128xi32, #tpu.memory_space<hbm>>
        %dma_start3A_157 = tpu.memref_squeeze %dma_start3A_156 : memref<1x128xi32, #tpu.memory_space<hbm>> -> memref<128xi32, #tpu.memory_space<hbm>>
        %dma_start3A_158 = arith.constant 0 : i32
        %dma_start3A_159 = tpu.memref_slice %arg3[%sub3A_154, %dma_start3A_158] : memref<2624x128xi32, #tpu.memory_space<hbm>> -> memref<1x128xi32, #tpu.memory_space<hbm>>
        %dma_start3A_160 = tpu.memref_squeeze %dma_start3A_159 : memref<1x128xi32, #tpu.memory_space<hbm>> -> memref<128xi32, #tpu.memory_space<hbm>>
        tpu.enqueue_dma source(%dma_start3A_160 : memref<128xi32, #tpu.memory_space<hbm>>) target(%arg8 : memref<128xi32, #tpu.memory_space<vmem>>) target_semaphore(%run_scoped3A : memref<!tpu.dma_semaphore, #tpu.memory_space<semaphore_mem>>)
        %dma_wait3A_161 = arith.constant 0 : i32
        %dma_wait3A_162 = tpu.memref_slice %arg3[%sub3A_154, %dma_wait3A_161] : memref<2624x128xi32, #tpu.memory_space<hbm>> -> memref<1x128xi32, #tpu.memory_space<hbm>>
        %dma_wait3A_163 = tpu.memref_squeeze %dma_wait3A_162 : memref<1x128xi32, #tpu.memory_space<hbm>> -> memref<128xi32, #tpu.memory_space<hbm>>
        %dma_wait3A_164 = arith.constant 0 : i32
        %dma_wait3A_165 = tpu.memref_slice %arg3[%sub3A_154, %dma_wait3A_164] : memref<2624x128xi32, #tpu.memory_space<hbm>> -> memref<1x128xi32, #tpu.memory_space<hbm>>
        %dma_wait3A_166 = tpu.memref_squeeze %dma_wait3A_165 : memref<1x128xi32, #tpu.memory_space<hbm>> -> memref<128xi32, #tpu.memory_space<hbm>>
        tpu.wait_dma2 semaphore(%run_scoped3A : memref<!tpu.dma_semaphore, #tpu.memory_space<semaphore_mem>>) src(%dma_wait3A_166 : memref<128xi32, #tpu.memory_space<hbm>>) dst(%arg8 : memref<128xi32, #tpu.memory_space<vmem>>)
        tpu.yield
      }) : () -> ()
      "tpu.region"() ({
        %run_scoped3A = tpu.sem_alloc : memref<!tpu.dma_semaphore, #tpu.memory_space<semaphore_mem>>
        %dma_start3A_155 = arith.constant 0 : i32
        %dma_start3A_156 = arith.constant 0 : i32
        %dma_start3A_157 = tpu.memref_slice %arg11[%dma_start3A_155, %dma_start3A_156] : memref<10240x48xf32, #tpu.memory_space<vmem_shared>> -> memref<10240x48xf32, #tpu.memory_space<vmem_shared>>
        tpu.enqueue_indirect_dma source(%arg10 : memref<128x48xf32, #tpu.memory_space<vmem>>) target(%dma_start3A_157 : memref<10240x48xf32, #tpu.memory_space<vmem_shared>>) offsets(%arg8 : memref<128xi32, #tpu.memory_space<vmem>>) semaphore(%run_scoped3A : memref<!tpu.dma_semaphore, #tpu.memory_space<semaphore_mem>>) {add = true}
        %dma_wait3A_158 = arith.constant 0 : i32
        %dma_wait3A_159 = arith.constant 0 : i32
        %dma_wait3A_160 = tpu.memref_slice %arg11[%dma_wait3A_158, %dma_wait3A_159] : memref<10240x48xf32, #tpu.memory_space<vmem_shared>> -> memref<10240x48xf32, #tpu.memory_space<vmem_shared>>
        tpu.wait_indirect_dma semaphore(%run_scoped3A : memref<!tpu.dma_semaphore, #tpu.memory_space<semaphore_mem>>) src(%arg10 : memref<128x48xf32, #tpu.memory_space<vmem>>) dst(%dma_wait3A_160 : memref<10240x48xf32, #tpu.memory_space<vmem_shared>>)
        tpu.yield
      }) : () -> ()
    } else {
    }
    %eq3A_24 = arith.constant 1 : i32
    %eq3A_25 = arith.cmpi eq, %arg0, %eq3A_24 : i32
    %convert_element_type3A_26 = arith.extui %eq3A_25 : i1 to i32
    %cond3A_27 = arith.constant 0 : i32
    %cond3A_28 = arith.cmpi ne, %convert_element_type3A_26, %cond3A_27 : i32
    scf.if %cond3A_28 {
      %mul3A_70 = arith.constant 50 : i32
      %mul3A_71 = arith.muli %arg1, %mul3A_70 : i32
      %add3A_72 = arith.constant 1824 : i32
      %add3A_73 = arith.addi %add3A_72, %mul3A_71 : i32
      %add3A_74 = arith.constant 0 : i32
      %add3A_75 = arith.addi %add3A_73, %add3A_74 : i32
      "tpu.region"() ({
        %run_scoped3A = tpu.sem_alloc : memref<!tpu.dma_semaphore, #tpu.memory_space<semaphore_mem>>
        %dma_start3A_114 = arith.constant 0 : i32
        %dma_start3A_115 = arith.constant 0 : i32
        %dma_start3A_116 = tpu.memref_slice %arg6[%dma_start3A_114, %dma_start3A_115] : memref<82x128xi32, #tpu.memory_space<vmem>> -> memref<50x128xi32, #tpu.memory_space<vmem>>
        %dma_start3A_117 = arith.constant 0 : i32
        %dma_start3A_118 = tpu.memref_slice %arg2[%add3A_75, %dma_start3A_117] : memref<2624x128xi32, #tpu.memory_space<hbm>> -> memref<50x128xi32, #tpu.memory_space<hbm>>
        %dma_start3A_119 = arith.constant 0 : i32
        %dma_start3A_120 = arith.constant 0 : i32
        %dma_start3A_121 = tpu.memref_slice %arg6[%dma_start3A_119, %dma_start3A_120] : memref<82x128xi32, #tpu.memory_space<vmem>> -> memref<50x128xi32, #tpu.memory_space<vmem>>
        %dma_start3A_122 = arith.constant 0 : i32
        %dma_start3A_123 = tpu.memref_slice %arg2[%add3A_75, %dma_start3A_122] : memref<2624x128xi32, #tpu.memory_space<hbm>> -> memref<50x128xi32, #tpu.memory_space<hbm>>
        tpu.enqueue_dma source(%dma_start3A_123 : memref<50x128xi32, #tpu.memory_space<hbm>>) target(%dma_start3A_121 : memref<50x128xi32, #tpu.memory_space<vmem>>) target_semaphore(%run_scoped3A : memref<!tpu.dma_semaphore, #tpu.memory_space<semaphore_mem>>)
        %dma_wait3A_124 = arith.constant 0 : i32
        %dma_wait3A_125 = arith.constant 0 : i32
        %dma_wait3A_126 = tpu.memref_slice %arg6[%dma_wait3A_124, %dma_wait3A_125] : memref<82x128xi32, #tpu.memory_space<vmem>> -> memref<50x128xi32, #tpu.memory_space<vmem>>
        %dma_wait3A_127 = arith.constant 0 : i32
        %dma_wait3A_128 = tpu.memref_slice %arg2[%add3A_75, %dma_wait3A_127] : memref<2624x128xi32, #tpu.memory_space<hbm>> -> memref<50x128xi32, #tpu.memory_space<hbm>>
        %dma_wait3A_129 = arith.constant 0 : i32
        %dma_wait3A_130 = arith.constant 0 : i32
        %dma_wait3A_131 = tpu.memref_slice %arg6[%dma_wait3A_129, %dma_wait3A_130] : memref<82x128xi32, #tpu.memory_space<vmem>> -> memref<50x128xi32, #tpu.memory_space<vmem>>
        %dma_wait3A_132 = arith.constant 0 : i32
        %dma_wait3A_133 = tpu.memref_slice %arg2[%add3A_75, %dma_wait3A_132] : memref<2624x128xi32, #tpu.memory_space<hbm>> -> memref<50x128xi32, #tpu.memory_space<hbm>>
        tpu.wait_dma2 semaphore(%run_scoped3A : memref<!tpu.dma_semaphore, #tpu.memory_space<semaphore_mem>>) src(%dma_wait3A_133 : memref<50x128xi32, #tpu.memory_space<hbm>>) dst(%dma_wait3A_131 : memref<50x128xi32, #tpu.memory_space<vmem>>)
        tpu.yield
      }) : () -> ()
      %dma_start3A = arith.constant 0 : i32
      %dma_start3A_76 = arith.constant 0 : i32
      %dma_start3A_77 = tpu.memref_slice %arg6[%dma_start3A, %dma_start3A_76] : memref<82x128xi32, #tpu.memory_space<vmem>> -> memref<1x128xi32, #tpu.memory_space<vmem>>
      %dma_start3A_78 = tpu.memref_squeeze %dma_start3A_77 : memref<1x128xi32, #tpu.memory_space<vmem>> -> memref<128xi32, #tpu.memory_space<vmem>>
      %dma_start3A_79 = arith.constant 0 : i32
      %dma_start3A_80 = arith.constant 0 : i32
      %dma_start3A_81 = tpu.memref_slice %arg4[%dma_start3A_79, %dma_start3A_80] : memref<10000x48xf32, #tpu.memory_space<hbm>> -> memref<10000x48xf32, #tpu.memory_space<hbm>>
      tpu.enqueue_indirect_dma source(%dma_start3A_81 : memref<10000x48xf32, #tpu.memory_space<hbm>>) target(%arg9 : memref<128x48xf32, #tpu.memory_space<vmem>>) offsets(%dma_start3A_78 : memref<128xi32, #tpu.memory_space<vmem>>) semaphore(%arg12 : memref<!tpu.dma_semaphore, #tpu.memory_space<semaphore_mem>>)
      %scan3A_82 = arith.constant 0 : i32
      %scan3A_83 = arith.constant 24 : i32
      %scan3A_84 = arith.addi %scan3A_82, %scan3A_83 : i32
      %scan3A_85 = arith.constant 1 : i32
      scf.for %scan3A_114 = %scan3A_82 to %scan3A_84 step %scan3A_85  : i32 {
        %mul3A_115 = arith.constant 2 : i32
        %mul3A_116 = arith.muli %scan3A_114, %mul3A_115 : i32
        %add3A_117 = arith.constant 0 : i32
        %add3A_118 = arith.addi %add3A_117, %mul3A_116 : i32
        %add3A_119 = arith.constant 1 : i32
        %add3A_120 = arith.addi %add3A_118, %add3A_119 : i32
        %dma_start3A_121 = arith.constant 0 : i32
        %dma_start3A_122 = tpu.memref_slice %arg6[%add3A_120, %dma_start3A_121] : memref<82x128xi32, #tpu.memory_space<vmem>> -> memref<1x128xi32, #tpu.memory_space<vmem>>
        %dma_start3A_123 = tpu.memref_squeeze %dma_start3A_122 : memref<1x128xi32, #tpu.memory_space<vmem>> -> memref<128xi32, #tpu.memory_space<vmem>>
        %dma_start3A_124 = arith.constant 0 : i32
        %dma_start3A_125 = arith.constant 0 : i32
        %dma_start3A_126 = tpu.memref_slice %arg4[%dma_start3A_124, %dma_start3A_125] : memref<10000x48xf32, #tpu.memory_space<hbm>> -> memref<10000x48xf32, #tpu.memory_space<hbm>>
        tpu.enqueue_indirect_dma source(%dma_start3A_126 : memref<10000x48xf32, #tpu.memory_space<hbm>>) target(%arg10 : memref<128x48xf32, #tpu.memory_space<vmem>>) offsets(%dma_start3A_123 : memref<128xi32, #tpu.memory_space<vmem>>) semaphore(%arg13 : memref<!tpu.dma_semaphore, #tpu.memory_space<semaphore_mem>>)
        %dma_wait3A_127 = arith.constant 0 : i32
        %dma_wait3A_128 = tpu.memref_slice %arg6[%add3A_118, %dma_wait3A_127] : memref<82x128xi32, #tpu.memory_space<vmem>> -> memref<1x128xi32, #tpu.memory_space<vmem>>
        %dma_wait3A_129 = tpu.memref_squeeze %dma_wait3A_128 : memref<1x128xi32, #tpu.memory_space<vmem>> -> memref<128xi32, #tpu.memory_space<vmem>>
        %dma_wait3A_130 = arith.constant 0 : i32
        %dma_wait3A_131 = arith.constant 0 : i32
        %dma_wait3A_132 = tpu.memref_slice %arg4[%dma_wait3A_130, %dma_wait3A_131] : memref<10000x48xf32, #tpu.memory_space<hbm>> -> memref<10000x48xf32, #tpu.memory_space<hbm>>
        tpu.wait_indirect_dma semaphore(%arg12 : memref<!tpu.dma_semaphore, #tpu.memory_space<semaphore_mem>>) src(%dma_wait3A_132 : memref<10000x48xf32, #tpu.memory_space<hbm>>) dst(%arg9 : memref<128x48xf32, #tpu.memory_space<vmem>>)
        %add3A_133 = arith.addi %add3A_75, %add3A_118 : i32
        "tpu.region"() ({
          %run_scoped3A = tpu.sem_alloc : memref<!tpu.dma_semaphore, #tpu.memory_space<semaphore_mem>>
          %dma_start3A_153 = arith.constant 0 : i32
          %dma_start3A_154 = tpu.memref_slice %arg3[%add3A_133, %dma_start3A_153] : memref<2624x128xi32, #tpu.memory_space<hbm>> -> memref<1x128xi32, #tpu.memory_space<hbm>>
          %dma_start3A_155 = tpu.memref_squeeze %dma_start3A_154 : memref<1x128xi32, #tpu.memory_space<hbm>> -> memref<128xi32, #tpu.memory_space<hbm>>
          %dma_start3A_156 = arith.constant 0 : i32
          %dma_start3A_157 = tpu.memref_slice %arg3[%add3A_133, %dma_start3A_156] : memref<2624x128xi32, #tpu.memory_space<hbm>> -> memref<1x128xi32, #tpu.memory_space<hbm>>
          %dma_start3A_158 = tpu.memref_squeeze %dma_start3A_157 : memref<1x128xi32, #tpu.memory_space<hbm>> -> memref<128xi32, #tpu.memory_space<hbm>>
          tpu.enqueue_dma source(%dma_start3A_158 : memref<128xi32, #tpu.memory_space<hbm>>) target(%arg7 : memref<128xi32, #tpu.memory_space<vmem>>) target_semaphore(%run_scoped3A : memref<!tpu.dma_semaphore, #tpu.memory_space<semaphore_mem>>)
          %dma_wait3A_159 = arith.constant 0 : i32
          %dma_wait3A_160 = tpu.memref_slice %arg3[%add3A_133, %dma_wait3A_159] : memref<2624x128xi32, #tpu.memory_space<hbm>> -> memref<1x128xi32, #tpu.memory_space<hbm>>
          %dma_wait3A_161 = tpu.memref_squeeze %dma_wait3A_160 : memref<1x128xi32, #tpu.memory_space<hbm>> -> memref<128xi32, #tpu.memory_space<hbm>>
          %dma_wait3A_162 = arith.constant 0 : i32
          %dma_wait3A_163 = tpu.memref_slice %arg3[%add3A_133, %dma_wait3A_162] : memref<2624x128xi32, #tpu.memory_space<hbm>> -> memref<1x128xi32, #tpu.memory_space<hbm>>
          %dma_wait3A_164 = tpu.memref_squeeze %dma_wait3A_163 : memref<1x128xi32, #tpu.memory_space<hbm>> -> memref<128xi32, #tpu.memory_space<hbm>>
          tpu.wait_dma2 semaphore(%run_scoped3A : memref<!tpu.dma_semaphore, #tpu.memory_space<semaphore_mem>>) src(%dma_wait3A_164 : memref<128xi32, #tpu.memory_space<hbm>>) dst(%arg7 : memref<128xi32, #tpu.memory_space<vmem>>)
          tpu.yield
        }) : () -> ()
        "tpu.region"() ({
          %run_scoped3A = tpu.sem_alloc : memref<!tpu.dma_semaphore, #tpu.memory_space<semaphore_mem>>
          %dma_start3A_153 = arith.constant 0 : i32
          %dma_start3A_154 = arith.constant 0 : i32
          %dma_start3A_155 = tpu.memref_slice %arg11[%dma_start3A_153, %dma_start3A_154] : memref<10240x48xf32, #tpu.memory_space<vmem_shared>> -> memref<10240x48xf32, #tpu.memory_space<vmem_shared>>
          tpu.enqueue_indirect_dma source(%arg9 : memref<128x48xf32, #tpu.memory_space<vmem>>) target(%dma_start3A_155 : memref<10240x48xf32, #tpu.memory_space<vmem_shared>>) offsets(%arg7 : memref<128xi32, #tpu.memory_space<vmem>>) semaphore(%run_scoped3A : memref<!tpu.dma_semaphore, #tpu.memory_space<semaphore_mem>>) {add = true}
          %dma_wait3A_156 = arith.constant 0 : i32
          %dma_wait3A_157 = arith.constant 0 : i32
          %dma_wait3A_158 = tpu.memref_slice %arg11[%dma_wait3A_156, %dma_wait3A_157] : memref<10240x48xf32, #tpu.memory_space<vmem_shared>> -> memref<10240x48xf32, #tpu.memory_space<vmem_shared>>
          tpu.wait_indirect_dma semaphore(%run_scoped3A : memref<!tpu.dma_semaphore, #tpu.memory_space<semaphore_mem>>) src(%arg9 : memref<128x48xf32, #tpu.memory_space<vmem>>) dst(%dma_wait3A_158 : memref<10240x48xf32, #tpu.memory_space<vmem_shared>>)
          tpu.yield
        }) : () -> ()
        %add3A_134 = arith.constant 2 : i32
        %add3A_135 = arith.addi %add3A_118, %add3A_134 : i32
        %dma_start3A_136 = arith.constant 0 : i32
        %dma_start3A_137 = tpu.memref_slice %arg6[%add3A_135, %dma_start3A_136] : memref<82x128xi32, #tpu.memory_space<vmem>> -> memref<1x128xi32, #tpu.memory_space<vmem>>
        %dma_start3A_138 = tpu.memref_squeeze %dma_start3A_137 : memref<1x128xi32, #tpu.memory_space<vmem>> -> memref<128xi32, #tpu.memory_space<vmem>>
        %dma_start3A_139 = arith.constant 0 : i32
        %dma_start3A_140 = arith.constant 0 : i32
        %dma_start3A_141 = tpu.memref_slice %arg4[%dma_start3A_139, %dma_start3A_140] : memref<10000x48xf32, #tpu.memory_space<hbm>> -> memref<10000x48xf32, #tpu.memory_space<hbm>>
        tpu.enqueue_indirect_dma source(%dma_start3A_141 : memref<10000x48xf32, #tpu.memory_space<hbm>>) target(%arg9 : memref<128x48xf32, #tpu.memory_space<vmem>>) offsets(%dma_start3A_138 : memref<128xi32, #tpu.memory_space<vmem>>) semaphore(%arg12 : memref<!tpu.dma_semaphore, #tpu.memory_space<semaphore_mem>>)
        %add3A_142 = arith.constant 1 : i32
        %add3A_143 = arith.addi %add3A_118, %add3A_142 : i32
        %dma_wait3A_144 = arith.constant 0 : i32
        %dma_wait3A_145 = tpu.memref_slice %arg6[%add3A_143, %dma_wait3A_144] : memref<82x128xi32, #tpu.memory_space<vmem>> -> memref<1x128xi32, #tpu.memory_space<vmem>>
        %dma_wait3A_146 = tpu.memref_squeeze %dma_wait3A_145 : memref<1x128xi32, #tpu.memory_space<vmem>> -> memref<128xi32, #tpu.memory_space<vmem>>
        %dma_wait3A_147 = arith.constant 0 : i32
        %dma_wait3A_148 = arith.constant 0 : i32
        %dma_wait3A_149 = tpu.memref_slice %arg4[%dma_wait3A_147, %dma_wait3A_148] : memref<10000x48xf32, #tpu.memory_space<hbm>> -> memref<10000x48xf32, #tpu.memory_space<hbm>>
        tpu.wait_indirect_dma semaphore(%arg13 : memref<!tpu.dma_semaphore, #tpu.memory_space<semaphore_mem>>) src(%dma_wait3A_149 : memref<10000x48xf32, #tpu.memory_space<hbm>>) dst(%arg10 : memref<128x48xf32, #tpu.memory_space<vmem>>)
        %add3A_150 = arith.addi %add3A_75, %add3A_118 : i32
        %add3A_151 = arith.constant 1 : i32
        %add3A_152 = arith.addi %add3A_150, %add3A_151 : i32
        "tpu.region"() ({
          %run_scoped3A = tpu.sem_alloc : memref<!tpu.dma_semaphore, #tpu.memory_space<semaphore_mem>>
          %dma_start3A_153 = arith.constant 0 : i32
          %dma_start3A_154 = tpu.memref_slice %arg3[%add3A_152, %dma_start3A_153] : memref<2624x128xi32, #tpu.memory_space<hbm>> -> memref<1x128xi32, #tpu.memory_space<hbm>>
          %dma_start3A_155 = tpu.memref_squeeze %dma_start3A_154 : memref<1x128xi32, #tpu.memory_space<hbm>> -> memref<128xi32, #tpu.memory_space<hbm>>
          %dma_start3A_156 = arith.constant 0 : i32
          %dma_start3A_157 = tpu.memref_slice %arg3[%add3A_152, %dma_start3A_156] : memref<2624x128xi32, #tpu.memory_space<hbm>> -> memref<1x128xi32, #tpu.memory_space<hbm>>
          %dma_start3A_158 = tpu.memref_squeeze %dma_start3A_157 : memref<1x128xi32, #tpu.memory_space<hbm>> -> memref<128xi32, #tpu.memory_space<hbm>>
          tpu.enqueue_dma source(%dma_start3A_158 : memref<128xi32, #tpu.memory_space<hbm>>) target(%arg8 : memref<128xi32, #tpu.memory_space<vmem>>) target_semaphore(%run_scoped3A : memref<!tpu.dma_semaphore, #tpu.memory_space<semaphore_mem>>)
          %dma_wait3A_159 = arith.constant 0 : i32
          %dma_wait3A_160 = tpu.memref_slice %arg3[%add3A_152, %dma_wait3A_159] : memref<2624x128xi32, #tpu.memory_space<hbm>> -> memref<1x128xi32, #tpu.memory_space<hbm>>
          %dma_wait3A_161 = tpu.memref_squeeze %dma_wait3A_160 : memref<1x128xi32, #tpu.memory_space<hbm>> -> memref<128xi32, #tpu.memory_space<hbm>>
          %dma_wait3A_162 = arith.constant 0 : i32
          %dma_wait3A_163 = tpu.memref_slice %arg3[%add3A_152, %dma_wait3A_162] : memref<2624x128xi32, #tpu.memory_space<hbm>> -> memref<1x128xi32, #tpu.memory_space<hbm>>
          %dma_wait3A_164 = tpu.memref_squeeze %dma_wait3A_163 : memref<1x128xi32, #tpu.memory_space<hbm>> -> memref<128xi32, #tpu.memory_space<hbm>>
          tpu.wait_dma2 semaphore(%run_scoped3A : memref<!tpu.dma_semaphore, #tpu.memory_space<semaphore_mem>>) src(%dma_wait3A_164 : memref<128xi32, #tpu.memory_space<hbm>>) dst(%arg8 : memref<128xi32, #tpu.memory_space<vmem>>)
          tpu.yield
        }) : () -> ()
        "tpu.region"() ({
          %run_scoped3A = tpu.sem_alloc : memref<!tpu.dma_semaphore, #tpu.memory_space<semaphore_mem>>
          %dma_start3A_153 = arith.constant 0 : i32
          %dma_start3A_154 = arith.constant 0 : i32
          %dma_start3A_155 = tpu.memref_slice %arg11[%dma_start3A_153, %dma_start3A_154] : memref<10240x48xf32, #tpu.memory_space<vmem_shared>> -> memref<10240x48xf32, #tpu.memory_space<vmem_shared>>
          tpu.enqueue_indirect_dma source(%arg10 : memref<128x48xf32, #tpu.memory_space<vmem>>) target(%dma_start3A_155 : memref<10240x48xf32, #tpu.memory_space<vmem_shared>>) offsets(%arg8 : memref<128xi32, #tpu.memory_space<vmem>>) semaphore(%run_scoped3A : memref<!tpu.dma_semaphore, #tpu.memory_space<semaphore_mem>>) {add = true}
          %dma_wait3A_156 = arith.constant 0 : i32
          %dma_wait3A_157 = arith.constant 0 : i32
          %dma_wait3A_158 = tpu.memref_slice %arg11[%dma_wait3A_156, %dma_wait3A_157] : memref<10240x48xf32, #tpu.memory_space<vmem_shared>> -> memref<10240x48xf32, #tpu.memory_space<vmem_shared>>
          tpu.wait_indirect_dma semaphore(%run_scoped3A : memref<!tpu.dma_semaphore, #tpu.memory_space<semaphore_mem>>) src(%arg10 : memref<128x48xf32, #tpu.memory_space<vmem>>) dst(%dma_wait3A_158 : memref<10240x48xf32, #tpu.memory_space<vmem_shared>>)
          tpu.yield
        }) : () -> ()
      }
      %scan3A_86 = arith.constant 24 : i32
      %dma_start3A_87 = arith.constant 49 : i32
      %dma_start3A_88 = arith.constant 0 : i32
      %dma_start3A_89 = tpu.memref_slice %arg6[%dma_start3A_87, %dma_start3A_88] : memref<82x128xi32, #tpu.memory_space<vmem>> -> memref<1x128xi32, #tpu.memory_space<vmem>>
      %dma_start3A_90 = tpu.memref_squeeze %dma_start3A_89 : memref<1x128xi32, #tpu.memory_space<vmem>> -> memref<128xi32, #tpu.memory_space<vmem>>
      %dma_start3A_91 = arith.constant 0 : i32
      %dma_start3A_92 = arith.constant 0 : i32
      %dma_start3A_93 = tpu.memref_slice %arg4[%dma_start3A_91, %dma_start3A_92] : memref<10000x48xf32, #tpu.memory_space<hbm>> -> memref<10000x48xf32, #tpu.memory_space<hbm>>
      tpu.enqueue_indirect_dma source(%dma_start3A_93 : memref<10000x48xf32, #tpu.memory_space<hbm>>) target(%arg10 : memref<128x48xf32, #tpu.memory_space<vmem>>) offsets(%dma_start3A_90 : memref<128xi32, #tpu.memory_space<vmem>>) semaphore(%arg13 : memref<!tpu.dma_semaphore, #tpu.memory_space<semaphore_mem>>)
      %dma_wait3A = arith.constant 48 : i32
      %dma_wait3A_94 = arith.constant 0 : i32
      %dma_wait3A_95 = tpu.memref_slice %arg6[%dma_wait3A, %dma_wait3A_94] : memref<82x128xi32, #tpu.memory_space<vmem>> -> memref<1x128xi32, #tpu.memory_space<vmem>>
      %dma_wait3A_96 = tpu.memref_squeeze %dma_wait3A_95 : memref<1x128xi32, #tpu.memory_space<vmem>> -> memref<128xi32, #tpu.memory_space<vmem>>
      %dma_wait3A_97 = arith.constant 0 : i32
      %dma_wait3A_98 = arith.constant 0 : i32
      %dma_wait3A_99 = tpu.memref_slice %arg4[%dma_wait3A_97, %dma_wait3A_98] : memref<10000x48xf32, #tpu.memory_space<hbm>> -> memref<10000x48xf32, #tpu.memory_space<hbm>>
      tpu.wait_indirect_dma semaphore(%arg12 : memref<!tpu.dma_semaphore, #tpu.memory_space<semaphore_mem>>) src(%dma_wait3A_99 : memref<10000x48xf32, #tpu.memory_space<hbm>>) dst(%arg9 : memref<128x48xf32, #tpu.memory_space<vmem>>)
      %add3A_100 = arith.constant 50 : i32
      %add3A_101 = arith.addi %add3A_75, %add3A_100 : i32
      %sub3A = arith.constant 2 : i32
      %sub3A_102 = arith.subi %add3A_101, %sub3A : i32
      "tpu.region"() ({
        %run_scoped3A = tpu.sem_alloc : memref<!tpu.dma_semaphore, #tpu.memory_space<semaphore_mem>>
        %dma_start3A_114 = arith.constant 0 : i32
        %dma_start3A_115 = tpu.memref_slice %arg3[%sub3A_102, %dma_start3A_114] : memref<2624x128xi32, #tpu.memory_space<hbm>> -> memref<1x128xi32, #tpu.memory_space<hbm>>
        %dma_start3A_116 = tpu.memref_squeeze %dma_start3A_115 : memref<1x128xi32, #tpu.memory_space<hbm>> -> memref<128xi32, #tpu.memory_space<hbm>>
        %dma_start3A_117 = arith.constant 0 : i32
        %dma_start3A_118 = tpu.memref_slice %arg3[%sub3A_102, %dma_start3A_117] : memref<2624x128xi32, #tpu.memory_space<hbm>> -> memref<1x128xi32, #tpu.memory_space<hbm>>
        %dma_start3A_119 = tpu.memref_squeeze %dma_start3A_118 : memref<1x128xi32, #tpu.memory_space<hbm>> -> memref<128xi32, #tpu.memory_space<hbm>>
        tpu.enqueue_dma source(%dma_start3A_119 : memref<128xi32, #tpu.memory_space<hbm>>) target(%arg7 : memref<128xi32, #tpu.memory_space<vmem>>) target_semaphore(%run_scoped3A : memref<!tpu.dma_semaphore, #tpu.memory_space<semaphore_mem>>)
        %dma_wait3A_120 = arith.constant 0 : i32
        %dma_wait3A_121 = tpu.memref_slice %arg3[%sub3A_102, %dma_wait3A_120] : memref<2624x128xi32, #tpu.memory_space<hbm>> -> memref<1x128xi32, #tpu.memory_space<hbm>>
        %dma_wait3A_122 = tpu.memref_squeeze %dma_wait3A_121 : memref<1x128xi32, #tpu.memory_space<hbm>> -> memref<128xi32, #tpu.memory_space<hbm>>
        %dma_wait3A_123 = arith.constant 0 : i32
        %dma_wait3A_124 = tpu.memref_slice %arg3[%sub3A_102, %dma_wait3A_123] : memref<2624x128xi32, #tpu.memory_space<hbm>> -> memref<1x128xi32, #tpu.memory_space<hbm>>
        %dma_wait3A_125 = tpu.memref_squeeze %dma_wait3A_124 : memref<1x128xi32, #tpu.memory_space<hbm>> -> memref<128xi32, #tpu.memory_space<hbm>>
        tpu.wait_dma2 semaphore(%run_scoped3A : memref<!tpu.dma_semaphore, #tpu.memory_space<semaphore_mem>>) src(%dma_wait3A_125 : memref<128xi32, #tpu.memory_space<hbm>>) dst(%arg7 : memref<128xi32, #tpu.memory_space<vmem>>)
        tpu.yield
      }) : () -> ()
      "tpu.region"() ({
        %run_scoped3A = tpu.sem_alloc : memref<!tpu.dma_semaphore, #tpu.memory_space<semaphore_mem>>
        %dma_start3A_114 = arith.constant 0 : i32
        %dma_start3A_115 = arith.constant 0 : i32
        %dma_start3A_116 = tpu.memref_slice %arg11[%dma_start3A_114, %dma_start3A_115] : memref<10240x48xf32, #tpu.memory_space<vmem_shared>> -> memref<10240x48xf32, #tpu.memory_space<vmem_shared>>
        tpu.enqueue_indirect_dma source(%arg9 : memref<128x48xf32, #tpu.memory_space<vmem>>) target(%dma_start3A_116 : memref<10240x48xf32, #tpu.memory_space<vmem_shared>>) offsets(%arg7 : memref<128xi32, #tpu.memory_space<vmem>>) semaphore(%run_scoped3A : memref<!tpu.dma_semaphore, #tpu.memory_space<semaphore_mem>>) {add = true}
        %dma_wait3A_117 = arith.constant 0 : i32
        %dma_wait3A_118 = arith.constant 0 : i32
        %dma_wait3A_119 = tpu.memref_slice %arg11[%dma_wait3A_117, %dma_wait3A_118] : memref<10240x48xf32, #tpu.memory_space<vmem_shared>> -> memref<10240x48xf32, #tpu.memory_space<vmem_shared>>
        tpu.wait_indirect_dma semaphore(%run_scoped3A : memref<!tpu.dma_semaphore, #tpu.memory_space<semaphore_mem>>) src(%arg9 : memref<128x48xf32, #tpu.memory_space<vmem>>) dst(%dma_wait3A_119 : memref<10240x48xf32, #tpu.memory_space<vmem_shared>>)
        tpu.yield
      }) : () -> ()
      %dma_wait3A_103 = arith.constant 49 : i32
      %dma_wait3A_104 = arith.constant 0 : i32
      %dma_wait3A_105 = tpu.memref_slice %arg6[%dma_wait3A_103, %dma_wait3A_104] : memref<82x128xi32, #tpu.memory_space<vmem>> -> memref<1x128xi32, #tpu.memory_space<vmem>>
      %dma_wait3A_106 = tpu.memref_squeeze %dma_wait3A_105 : memref<1x128xi32, #tpu.memory_space<vmem>> -> memref<128xi32, #tpu.memory_space<vmem>>
      %dma_wait3A_107 = arith.constant 0 : i32
      %dma_wait3A_108 = arith.constant 0 : i32
      %dma_wait3A_109 = tpu.memref_slice %arg4[%dma_wait3A_107, %dma_wait3A_108] : memref<10000x48xf32, #tpu.memory_space<hbm>> -> memref<10000x48xf32, #tpu.memory_space<hbm>>
      tpu.wait_indirect_dma semaphore(%arg13 : memref<!tpu.dma_semaphore, #tpu.memory_space<semaphore_mem>>) src(%dma_wait3A_109 : memref<10000x48xf32, #tpu.memory_space<hbm>>) dst(%arg10 : memref<128x48xf32, #tpu.memory_space<vmem>>)
      %add3A_110 = arith.constant 50 : i32
      %add3A_111 = arith.addi %add3A_75, %add3A_110 : i32
      %sub3A_112 = arith.constant 1 : i32
      %sub3A_113 = arith.subi %add3A_111, %sub3A_112 : i32
      "tpu.region"() ({
        %run_scoped3A = tpu.sem_alloc : memref<!tpu.dma_semaphore, #tpu.memory_space<semaphore_mem>>
        %dma_start3A_114 = arith.constant 0 : i32
        %dma_start3A_115 = tpu.memref_slice %arg3[%sub3A_113, %dma_start3A_114] : memref<2624x128xi32, #tpu.memory_space<hbm>> -> memref<1x128xi32, #tpu.memory_space<hbm>>
        %dma_start3A_116 = tpu.memref_squeeze %dma_start3A_115 : memref<1x128xi32, #tpu.memory_space<hbm>> -> memref<128xi32, #tpu.memory_space<hbm>>
        %dma_start3A_117 = arith.constant 0 : i32
        %dma_start3A_118 = tpu.memref_slice %arg3[%sub3A_113, %dma_start3A_117] : memref<2624x128xi32, #tpu.memory_space<hbm>> -> memref<1x128xi32, #tpu.memory_space<hbm>>
        %dma_start3A_119 = tpu.memref_squeeze %dma_start3A_118 : memref<1x128xi32, #tpu.memory_space<hbm>> -> memref<128xi32, #tpu.memory_space<hbm>>
        tpu.enqueue_dma source(%dma_start3A_119 : memref<128xi32, #tpu.memory_space<hbm>>) target(%arg8 : memref<128xi32, #tpu.memory_space<vmem>>) target_semaphore(%run_scoped3A : memref<!tpu.dma_semaphore, #tpu.memory_space<semaphore_mem>>)
        %dma_wait3A_120 = arith.constant 0 : i32
        %dma_wait3A_121 = tpu.memref_slice %arg3[%sub3A_113, %dma_wait3A_120] : memref<2624x128xi32, #tpu.memory_space<hbm>> -> memref<1x128xi32, #tpu.memory_space<hbm>>
        %dma_wait3A_122 = tpu.memref_squeeze %dma_wait3A_121 : memref<1x128xi32, #tpu.memory_space<hbm>> -> memref<128xi32, #tpu.memory_space<hbm>>
        %dma_wait3A_123 = arith.constant 0 : i32
        %dma_wait3A_124 = tpu.memref_slice %arg3[%sub3A_113, %dma_wait3A_123] : memref<2624x128xi32, #tpu.memory_space<hbm>> -> memref<1x128xi32, #tpu.memory_space<hbm>>
        %dma_wait3A_125 = tpu.memref_squeeze %dma_wait3A_124 : memref<1x128xi32, #tpu.memory_space<hbm>> -> memref<128xi32, #tpu.memory_space<hbm>>
        tpu.wait_dma2 semaphore(%run_scoped3A : memref<!tpu.dma_semaphore, #tpu.memory_space<semaphore_mem>>) src(%dma_wait3A_125 : memref<128xi32, #tpu.memory_space<hbm>>) dst(%arg8 : memref<128xi32, #tpu.memory_space<vmem>>)
        tpu.yield
      }) : () -> ()
      "tpu.region"() ({
        %run_scoped3A = tpu.sem_alloc : memref<!tpu.dma_semaphore, #tpu.memory_space<semaphore_mem>>
        %dma_start3A_114 = arith.constant 0 : i32
        %dma_start3A_115 = arith.constant 0 : i32
        %dma_start3A_116 = tpu.memref_slice %arg11[%dma_start3A_114, %dma_start3A_115] : memref<10240x48xf32, #tpu.memory_space<vmem_shared>> -> memref<10240x48xf32, #tpu.memory_space<vmem_shared>>
        tpu.enqueue_indirect_dma source(%arg10 : memref<128x48xf32, #tpu.memory_space<vmem>>) target(%dma_start3A_116 : memref<10240x48xf32, #tpu.memory_space<vmem_shared>>) offsets(%arg8 : memref<128xi32, #tpu.memory_space<vmem>>) semaphore(%run_scoped3A : memref<!tpu.dma_semaphore, #tpu.memory_space<semaphore_mem>>) {add = true}
        %dma_wait3A_117 = arith.constant 0 : i32
        %dma_wait3A_118 = arith.constant 0 : i32
        %dma_wait3A_119 = tpu.memref_slice %arg11[%dma_wait3A_117, %dma_wait3A_118] : memref<10240x48xf32, #tpu.memory_space<vmem_shared>> -> memref<10240x48xf32, #tpu.memory_space<vmem_shared>>
        tpu.wait_indirect_dma semaphore(%run_scoped3A : memref<!tpu.dma_semaphore, #tpu.memory_space<semaphore_mem>>) src(%arg10 : memref<128x48xf32, #tpu.memory_space<vmem>>) dst(%dma_wait3A_119 : memref<10240x48xf32, #tpu.memory_space<vmem_shared>>)
        tpu.yield
      }) : () -> ()
    } else {
    }
    %barrier3A_29 = arith.constant 0 : index
    tpu.barrier barrier_id(%barrier3A_29)
    %mul3A_30 = arith.constant 640 : i32
    %mul3A_31 = arith.muli %arg1, %mul3A_30 : i32
    %add3A_32 = arith.constant 0 : i32
    %add3A_33 = arith.addi %mul3A_31, %add3A_32 : i32
    %mul3A_34 = arith.constant 640 : i32
    %mul3A_35 = arith.muli %arg1, %mul3A_34 : i32
    %add3A_36 = arith.constant 0 : i32
    %add3A_37 = arith.addi %mul3A_35, %add3A_36 : i32
    "tpu.region"() ({
      %run_scoped3A = tpu.sem_alloc : memref<!tpu.dma_semaphore, #tpu.memory_space<semaphore_mem>>
      %dma_start3A = arith.constant 0 : i32
      %dma_start3A_70 = tpu.memref_slice %arg5[%arg0, %add3A_37, %dma_start3A] : memref<2x10240x48xf32, #tpu.memory_space<hbm>> -> memref<1x128x48xf32, #tpu.memory_space<hbm>>
      %dma_start3A_71 = tpu.memref_squeeze %dma_start3A_70 : memref<1x128x48xf32, #tpu.memory_space<hbm>> -> memref<128x48xf32, #tpu.memory_space<hbm>>
      %dma_start3A_72 = arith.constant 0 : i32
      %dma_start3A_73 = tpu.memref_slice %arg11[%add3A_33, %dma_start3A_72] : memref<10240x48xf32, #tpu.memory_space<vmem_shared>> -> memref<128x48xf32, #tpu.memory_space<vmem_shared>>
      tpu.enqueue_dma source(%dma_start3A_73 : memref<128x48xf32, #tpu.memory_space<vmem_shared>>) target(%dma_start3A_71 : memref<128x48xf32, #tpu.memory_space<hbm>>) target_semaphore(%run_scoped3A : memref<!tpu.dma_semaphore, #tpu.memory_space<semaphore_mem>>)
      %dma_wait3A = arith.constant 0 : i32
      %dma_wait3A_74 = tpu.memref_slice %arg5[%arg0, %add3A_37, %dma_wait3A] : memref<2x10240x48xf32, #tpu.memory_space<hbm>> -> memref<1x128x48xf32, #tpu.memory_space<hbm>>
      %dma_wait3A_75 = tpu.memref_squeeze %dma_wait3A_74 : memref<1x128x48xf32, #tpu.memory_space<hbm>> -> memref<128x48xf32, #tpu.memory_space<hbm>>
      %dma_wait3A_76 = arith.constant 0 : i32
      %dma_wait3A_77 = tpu.memref_slice %arg11[%add3A_33, %dma_wait3A_76] : memref<10240x48xf32, #tpu.memory_space<vmem_shared>> -> memref<128x48xf32, #tpu.memory_space<vmem_shared>>
      tpu.wait_dma2 semaphore(%run_scoped3A : memref<!tpu.dma_semaphore, #tpu.memory_space<semaphore_mem>>) src(%dma_wait3A_77 : memref<128x48xf32, #tpu.memory_space<vmem_shared>>) dst(%dma_wait3A_75 : memref<128x48xf32, #tpu.memory_space<hbm>>)
      tpu.yield
    }) : () -> ()
    %mul3A_38 = arith.constant 640 : i32
    %mul3A_39 = arith.muli %arg1, %mul3A_38 : i32
    %add3A_40 = arith.constant 128 : i32
    %add3A_41 = arith.addi %mul3A_39, %add3A_40 : i32
    %mul3A_42 = arith.constant 640 : i32
    %mul3A_43 = arith.muli %arg1, %mul3A_42 : i32
    %add3A_44 = arith.constant 128 : i32
    %add3A_45 = arith.addi %mul3A_43, %add3A_44 : i32
    "tpu.region"() ({
      %run_scoped3A = tpu.sem_alloc : memref<!tpu.dma_semaphore, #tpu.memory_space<semaphore_mem>>
      %dma_start3A = arith.constant 0 : i32
      %dma_start3A_70 = tpu.memref_slice %arg5[%arg0, %add3A_45, %dma_start3A] : memref<2x10240x48xf32, #tpu.memory_space<hbm>> -> memref<1x128x48xf32, #tpu.memory_space<hbm>>
      %dma_start3A_71 = tpu.memref_squeeze %dma_start3A_70 : memref<1x128x48xf32, #tpu.memory_space<hbm>> -> memref<128x48xf32, #tpu.memory_space<hbm>>
      %dma_start3A_72 = arith.constant 0 : i32
      %dma_start3A_73 = tpu.memref_slice %arg11[%add3A_41, %dma_start3A_72] : memref<10240x48xf32, #tpu.memory_space<vmem_shared>> -> memref<128x48xf32, #tpu.memory_space<vmem_shared>>
      tpu.enqueue_dma source(%dma_start3A_73 : memref<128x48xf32, #tpu.memory_space<vmem_shared>>) target(%dma_start3A_71 : memref<128x48xf32, #tpu.memory_space<hbm>>) target_semaphore(%run_scoped3A : memref<!tpu.dma_semaphore, #tpu.memory_space<semaphore_mem>>)
      %dma_wait3A = arith.constant 0 : i32
      %dma_wait3A_74 = tpu.memref_slice %arg5[%arg0, %add3A_45, %dma_wait3A] : memref<2x10240x48xf32, #tpu.memory_space<hbm>> -> memref<1x128x48xf32, #tpu.memory_space<hbm>>
      %dma_wait3A_75 = tpu.memref_squeeze %dma_wait3A_74 : memref<1x128x48xf32, #tpu.memory_space<hbm>> -> memref<128x48xf32, #tpu.memory_space<hbm>>
      %dma_wait3A_76 = arith.constant 0 : i32
      %dma_wait3A_77 = tpu.memref_slice %arg11[%add3A_41, %dma_wait3A_76] : memref<10240x48xf32, #tpu.memory_space<vmem_shared>> -> memref<128x48xf32, #tpu.memory_space<vmem_shared>>
      tpu.wait_dma2 semaphore(%run_scoped3A : memref<!tpu.dma_semaphore, #tpu.memory_space<semaphore_mem>>) src(%dma_wait3A_77 : memref<128x48xf32, #tpu.memory_space<vmem_shared>>) dst(%dma_wait3A_75 : memref<128x48xf32, #tpu.memory_space<hbm>>)
      tpu.yield
    }) : () -> ()
    %mul3A_46 = arith.constant 640 : i32
    %mul3A_47 = arith.muli %arg1, %mul3A_46 : i32
    %add3A_48 = arith.constant 256 : i32
    %add3A_49 = arith.addi %mul3A_47, %add3A_48 : i32
    %mul3A_50 = arith.constant 640 : i32
    %mul3A_51 = arith.muli %arg1, %mul3A_50 : i32
    %add3A_52 = arith.constant 256 : i32
    %add3A_53 = arith.addi %mul3A_51, %add3A_52 : i32
    "tpu.region"() ({
      %run_scoped3A = tpu.sem_alloc : memref<!tpu.dma_semaphore, #tpu.memory_space<semaphore_mem>>
      %dma_start3A = arith.constant 0 : i32
      %dma_start3A_70 = tpu.memref_slice %arg5[%arg0, %add3A_53, %dma_start3A] : memref<2x10240x48xf32, #tpu.memory_space<hbm>> -> memref<1x128x48xf32, #tpu.memory_space<hbm>>
      %dma_start3A_71 = tpu.memref_squeeze %dma_start3A_70 : memref<1x128x48xf32, #tpu.memory_space<hbm>> -> memref<128x48xf32, #tpu.memory_space<hbm>>
      %dma_start3A_72 = arith.constant 0 : i32
      %dma_start3A_73 = tpu.memref_slice %arg11[%add3A_49, %dma_start3A_72] : memref<10240x48xf32, #tpu.memory_space<vmem_shared>> -> memref<128x48xf32, #tpu.memory_space<vmem_shared>>
      tpu.enqueue_dma source(%dma_start3A_73 : memref<128x48xf32, #tpu.memory_space<vmem_shared>>) target(%dma_start3A_71 : memref<128x48xf32, #tpu.memory_space<hbm>>) target_semaphore(%run_scoped3A : memref<!tpu.dma_semaphore, #tpu.memory_space<semaphore_mem>>)
      %dma_wait3A = arith.constant 0 : i32
      %dma_wait3A_74 = tpu.memref_slice %arg5[%arg0, %add3A_53, %dma_wait3A] : memref<2x10240x48xf32, #tpu.memory_space<hbm>> -> memref<1x128x48xf32, #tpu.memory_space<hbm>>
      %dma_wait3A_75 = tpu.memref_squeeze %dma_wait3A_74 : memref<1x128x48xf32, #tpu.memory_space<hbm>> -> memref<128x48xf32, #tpu.memory_space<hbm>>
      %dma_wait3A_76 = arith.constant 0 : i32
      %dma_wait3A_77 = tpu.memref_slice %arg11[%add3A_49, %dma_wait3A_76] : memref<10240x48xf32, #tpu.memory_space<vmem_shared>> -> memref<128x48xf32, #tpu.memory_space<vmem_shared>>
      tpu.wait_dma2 semaphore(%run_scoped3A : memref<!tpu.dma_semaphore, #tpu.memory_space<semaphore_mem>>) src(%dma_wait3A_77 : memref<128x48xf32, #tpu.memory_space<vmem_shared>>) dst(%dma_wait3A_75 : memref<128x48xf32, #tpu.memory_space<hbm>>)
      tpu.yield
    }) : () -> ()
    %mul3A_54 = arith.constant 640 : i32
    %mul3A_55 = arith.muli %arg1, %mul3A_54 : i32
    %add3A_56 = arith.constant 384 : i32
    %add3A_57 = arith.addi %mul3A_55, %add3A_56 : i32
    %mul3A_58 = arith.constant 640 : i32
    %mul3A_59 = arith.muli %arg1, %mul3A_58 : i32
    %add3A_60 = arith.constant 384 : i32
    %add3A_61 = arith.addi %mul3A_59, %add3A_60 : i32
    "tpu.region"() ({
      %run_scoped3A = tpu.sem_alloc : memref<!tpu.dma_semaphore, #tpu.memory_space<semaphore_mem>>
      %dma_start3A = arith.constant 0 : i32
      %dma_start3A_70 = tpu.memref_slice %arg5[%arg0, %add3A_61, %dma_start3A] : memref<2x10240x48xf32, #tpu.memory_space<hbm>> -> memref<1x128x48xf32, #tpu.memory_space<hbm>>
      %dma_start3A_71 = tpu.memref_squeeze %dma_start3A_70 : memref<1x128x48xf32, #tpu.memory_space<hbm>> -> memref<128x48xf32, #tpu.memory_space<hbm>>
      %dma_start3A_72 = arith.constant 0 : i32
      %dma_start3A_73 = tpu.memref_slice %arg11[%add3A_57, %dma_start3A_72] : memref<10240x48xf32, #tpu.memory_space<vmem_shared>> -> memref<128x48xf32, #tpu.memory_space<vmem_shared>>
      tpu.enqueue_dma source(%dma_start3A_73 : memref<128x48xf32, #tpu.memory_space<vmem_shared>>) target(%dma_start3A_71 : memref<128x48xf32, #tpu.memory_space<hbm>>) target_semaphore(%run_scoped3A : memref<!tpu.dma_semaphore, #tpu.memory_space<semaphore_mem>>)
      %dma_wait3A = arith.constant 0 : i32
      %dma_wait3A_74 = tpu.memref_slice %arg5[%arg0, %add3A_61, %dma_wait3A] : memref<2x10240x48xf32, #tpu.memory_space<hbm>> -> memref<1x128x48xf32, #tpu.memory_space<hbm>>
      %dma_wait3A_75 = tpu.memref_squeeze %dma_wait3A_74 : memref<1x128x48xf32, #tpu.memory_space<hbm>> -> memref<128x48xf32, #tpu.memory_space<hbm>>
      %dma_wait3A_76 = arith.constant 0 : i32
      %dma_wait3A_77 = tpu.memref_slice %arg11[%add3A_57, %dma_wait3A_76] : memref<10240x48xf32, #tpu.memory_space<vmem_shared>> -> memref<128x48xf32, #tpu.memory_space<vmem_shared>>
      tpu.wait_dma2 semaphore(%run_scoped3A : memref<!tpu.dma_semaphore, #tpu.memory_space<semaphore_mem>>) src(%dma_wait3A_77 : memref<128x48xf32, #tpu.memory_space<vmem_shared>>) dst(%dma_wait3A_75 : memref<128x48xf32, #tpu.memory_space<hbm>>)
      tpu.yield
    }) : () -> ()
    %mul3A_62 = arith.constant 640 : i32
    %mul3A_63 = arith.muli %arg1, %mul3A_62 : i32
    %add3A_64 = arith.constant 512 : i32
    %add3A_65 = arith.addi %mul3A_63, %add3A_64 : i32
    %mul3A_66 = arith.constant 640 : i32
    %mul3A_67 = arith.muli %arg1, %mul3A_66 : i32
    %add3A_68 = arith.constant 512 : i32
    %add3A_69 = arith.addi %mul3A_67, %add3A_68 : i32
    "tpu.region"() ({
      %run_scoped3A = tpu.sem_alloc : memref<!tpu.dma_semaphore, #tpu.memory_space<semaphore_mem>>
      %dma_start3A = arith.constant 0 : i32
      %dma_start3A_70 = tpu.memref_slice %arg5[%arg0, %add3A_69, %dma_start3A] : memref<2x10240x48xf32, #tpu.memory_space<hbm>> -> memref<1x128x48xf32, #tpu.memory_space<hbm>>
      %dma_start3A_71 = tpu.memref_squeeze %dma_start3A_70 : memref<1x128x48xf32, #tpu.memory_space<hbm>> -> memref<128x48xf32, #tpu.memory_space<hbm>>
      %dma_start3A_72 = arith.constant 0 : i32
      %dma_start3A_73 = tpu.memref_slice %arg11[%add3A_65, %dma_start3A_72] : memref<10240x48xf32, #tpu.memory_space<vmem_shared>> -> memref<128x48xf32, #tpu.memory_space<vmem_shared>>
      tpu.enqueue_dma source(%dma_start3A_73 : memref<128x48xf32, #tpu.memory_space<vmem_shared>>) target(%dma_start3A_71 : memref<128x48xf32, #tpu.memory_space<hbm>>) target_semaphore(%run_scoped3A : memref<!tpu.dma_semaphore, #tpu.memory_space<semaphore_mem>>)
      %dma_wait3A = arith.constant 0 : i32
      %dma_wait3A_74 = tpu.memref_slice %arg5[%arg0, %add3A_69, %dma_wait3A] : memref<2x10240x48xf32, #tpu.memory_space<hbm>> -> memref<1x128x48xf32, #tpu.memory_space<hbm>>
      %dma_wait3A_75 = tpu.memref_squeeze %dma_wait3A_74 : memref<1x128x48xf32, #tpu.memory_space<hbm>> -> memref<128x48xf32, #tpu.memory_space<hbm>>
      %dma_wait3A_76 = arith.constant 0 : i32
      %dma_wait3A_77 = tpu.memref_slice %arg11[%add3A_65, %dma_wait3A_76] : memref<10240x48xf32, #tpu.memory_space<vmem_shared>> -> memref<128x48xf32, #tpu.memory_space<vmem_shared>>
      tpu.wait_dma2 semaphore(%run_scoped3A : memref<!tpu.dma_semaphore, #tpu.memory_space<semaphore_mem>>) src(%dma_wait3A_77 : memref<128x48xf32, #tpu.memory_space<vmem_shared>>) dst(%dma_wait3A_75 : memref<128x48xf32, #tpu.memory_space<hbm>>)
      tpu.yield
    }) : () -> ()
    return
  }
}

#map = affine_map<(d0, d1) -> (0, 0)>
#map1 = affine_map<(d0, d1) -> (0, 0, 0)>
module attributes {stable_mosaic.version = 14 : i64} {
  func.func @_deg_kernel(%arg0: i32, %arg1: i32, %arg2: memref<2624x128xi32, #tpu.memory_space<hbm>>, %arg3: memref<2x10240x16xf32, #tpu.memory_space<hbm>>, %arg4: memref<128x16xf32, #tpu.memory_space<vmem>>, %arg5: memref<640x16xf32, #tpu.memory_space<vmem>>, %arg6: memref<82x128xi32, #tpu.memory_space<vmem>>, %arg7: memref<10240x16xf32, #tpu.memory_space<vmem_shared>>) attributes {dimension_semantics = [#tpu.dimension_semantics<core_parallel>, #tpu.dimension_semantics<subcore_parallel>], iteration_bounds = array<i64: 2, 16>, scalar_prefetch = 0 : i64, scratch_operands = 4 : i64, tpu.core_type = #tpu.core_type<sc_vector_subcore>, window_params = [{transform_indices = #map}, {transform_indices = #map1}]} {
    %mul3A = arith.constant 2 : i32
    %mul3A_0 = arith.muli %arg1, %mul3A : i32
    %add3A = arith.addi %mul3A_0, %arg0 : i32
    %scan3A = arith.constant 0 : i32
    %scan3A_1 = arith.constant 128 : i32
    %scan3A_2 = arith.addi %scan3A, %scan3A_1 : i32
    %scan3A_3 = arith.constant 1 : i32
    scf.for %scan3A_24 = %scan3A to %scan3A_2 step %scan3A_3  : i32 {
      %mul3A_25 = arith.constant 1 : i32
      %mul3A_26 = arith.muli %scan3A_24, %mul3A_25 : i32
      %add3A_27 = arith.constant 0 : i32
      %add3A_28 = arith.addi %add3A_27, %mul3A_26 : i32
      %broadcast_in_dim3A = arith.constant 1.000000e+00 : f32
      %broadcast_in_dim3A_29 = vector.broadcast %broadcast_in_dim3A : f32 to vector<16xf32>
      %swap3A = arith.index_cast %add3A_28 : i32 to index
      %swap3A_30 = arith.constant 0 : index
      %swap3A_31 = tpu.vector_load %arg4[%swap3A, %swap3A_30] {strides = array<i32>} : memref<128x16xf32, #tpu.memory_space<vmem>>, vector<1x16xf32>,
      %swap3A_32 = vector.shape_cast %swap3A_31 : vector<1x16xf32> to vector<16xf32>
      %swap3A_33 = vector.shape_cast %broadcast_in_dim3A_29 : vector<16xf32> to vector<1x16xf32>
      tpu.vector_store %arg4[%swap3A, %swap3A_30], %swap3A_33 {strides = array<i32>} : memref<128x16xf32, #tpu.memory_space<vmem>>, vector<1x16xf32>,
    }
    %scan3A_4 = arith.constant 128 : i32
    %scan3A_5 = arith.constant 0 : i32
    %scan3A_6 = arith.constant 640 : i32
    %scan3A_7 = arith.addi %scan3A_5, %scan3A_6 : i32
    %scan3A_8 = arith.constant 1 : i32
    scf.for %scan3A_24 = %scan3A_5 to %scan3A_7 step %scan3A_8  : i32 {
      %mul3A_25 = arith.constant 1 : i32
      %mul3A_26 = arith.muli %scan3A_24, %mul3A_25 : i32
      %add3A_27 = arith.constant 0 : i32
      %add3A_28 = arith.addi %add3A_27, %mul3A_26 : i32
      %broadcast_in_dim3A = arith.constant 0.000000e+00 : f32
      %broadcast_in_dim3A_29 = vector.broadcast %broadcast_in_dim3A : f32 to vector<16xf32>
      %swap3A = arith.index_cast %add3A_28 : i32 to index
      %swap3A_30 = arith.constant 0 : index
      %swap3A_31 = tpu.vector_load %arg5[%swap3A, %swap3A_30] {strides = array<i32>} : memref<640x16xf32, #tpu.memory_space<vmem>>, vector<1x16xf32>,
      %swap3A_32 = vector.shape_cast %swap3A_31 : vector<1x16xf32> to vector<16xf32>
      %swap3A_33 = vector.shape_cast %broadcast_in_dim3A_29 : vector<16xf32> to vector<1x16xf32>
      tpu.vector_store %arg5[%swap3A, %swap3A_30], %swap3A_33 {strides = array<i32>} : memref<640x16xf32, #tpu.memory_space<vmem>>, vector<1x16xf32>,
    }
    %scan3A_9 = arith.constant 640 : i32
    %mul3A_10 = arith.constant 82 : i32
    %mul3A_11 = arith.muli %add3A, %mul3A_10 : i32
    "tpu.region"() ({
      %run_scoped3A = tpu.sem_alloc : memref<!tpu.dma_semaphore, #tpu.memory_space<semaphore_mem>>
      %dma_start3A = arith.constant 0 : i32
      %dma_start3A_24 = tpu.memref_slice %arg2[%mul3A_11, %dma_start3A] : memref<2624x128xi32, #tpu.memory_space<hbm>> -> memref<82x128xi32, #tpu.memory_space<hbm>>
      %dma_start3A_25 = arith.constant 0 : i32
      %dma_start3A_26 = tpu.memref_slice %arg2[%mul3A_11, %dma_start3A_25] : memref<2624x128xi32, #tpu.memory_space<hbm>> -> memref<82x128xi32, #tpu.memory_space<hbm>>
      tpu.enqueue_dma source(%dma_start3A_26 : memref<82x128xi32, #tpu.memory_space<hbm>>) target(%arg6 : memref<82x128xi32, #tpu.memory_space<vmem>>) target_semaphore(%run_scoped3A : memref<!tpu.dma_semaphore, #tpu.memory_space<semaphore_mem>>)
      %dma_wait3A = arith.constant 0 : i32
      %dma_wait3A_27 = tpu.memref_slice %arg2[%mul3A_11, %dma_wait3A] : memref<2624x128xi32, #tpu.memory_space<hbm>> -> memref<82x128xi32, #tpu.memory_space<hbm>>
      %dma_wait3A_28 = arith.constant 0 : i32
      %dma_wait3A_29 = tpu.memref_slice %arg2[%mul3A_11, %dma_wait3A_28] : memref<2624x128xi32, #tpu.memory_space<hbm>> -> memref<82x128xi32, #tpu.memory_space<hbm>>
      tpu.wait_dma2 semaphore(%run_scoped3A : memref<!tpu.dma_semaphore, #tpu.memory_space<semaphore_mem>>) src(%dma_wait3A_29 : memref<82x128xi32, #tpu.memory_space<hbm>>) dst(%arg6 : memref<82x128xi32, #tpu.memory_space<vmem>>)
      tpu.yield
    }) : () -> ()
    %mul3A_12 = arith.constant 640 : i32
    %mul3A_13 = arith.muli %arg1, %mul3A_12 : i32
    "tpu.region"() ({
      %run_scoped3A = tpu.sem_alloc : memref<!tpu.dma_semaphore, #tpu.memory_space<semaphore_mem>>
      %dma_start3A = arith.constant 0 : i32
      %dma_start3A_24 = tpu.memref_slice %arg7[%mul3A_13, %dma_start3A] : memref<10240x16xf32, #tpu.memory_space<vmem_shared>> -> memref<640x16xf32, #tpu.memory_space<vmem_shared>>
      %dma_start3A_25 = arith.constant 0 : i32
      %dma_start3A_26 = tpu.memref_slice %arg7[%mul3A_13, %dma_start3A_25] : memref<10240x16xf32, #tpu.memory_space<vmem_shared>> -> memref<640x16xf32, #tpu.memory_space<vmem_shared>>
      tpu.enqueue_dma source(%arg5 : memref<640x16xf32, #tpu.memory_space<vmem>>) target(%dma_start3A_26 : memref<640x16xf32, #tpu.memory_space<vmem_shared>>) target_semaphore(%run_scoped3A : memref<!tpu.dma_semaphore, #tpu.memory_space<semaphore_mem>>)
      %dma_wait3A = arith.constant 0 : i32
      %dma_wait3A_27 = tpu.memref_slice %arg7[%mul3A_13, %dma_wait3A] : memref<10240x16xf32, #tpu.memory_space<vmem_shared>> -> memref<640x16xf32, #tpu.memory_space<vmem_shared>>
      %dma_wait3A_28 = arith.constant 0 : i32
      %dma_wait3A_29 = tpu.memref_slice %arg7[%mul3A_13, %dma_wait3A_28] : memref<10240x16xf32, #tpu.memory_space<vmem_shared>> -> memref<640x16xf32, #tpu.memory_space<vmem_shared>>
      tpu.wait_dma2 semaphore(%run_scoped3A : memref<!tpu.dma_semaphore, #tpu.memory_space<semaphore_mem>>) src(%arg5 : memref<640x16xf32, #tpu.memory_space<vmem>>) dst(%dma_wait3A_29 : memref<640x16xf32, #tpu.memory_space<vmem_shared>>)
      tpu.yield
    }) : () -> ()
    %barrier3A = arith.constant 0 : index
    tpu.barrier barrier_id(%barrier3A)
    %scan3A_14 = arith.constant 0 : i32
    %scan3A_15 = arith.constant 82 : i32
    %scan3A_16 = arith.addi %scan3A_14, %scan3A_15 : i32
    %scan3A_17 = arith.constant 1 : i32
    scf.for %scan3A_24 = %scan3A_14 to %scan3A_16 step %scan3A_17  : i32 {
      %mul3A_25 = arith.constant 1 : i32
      %mul3A_26 = arith.muli %scan3A_24, %mul3A_25 : i32
      %add3A_27 = arith.constant 0 : i32
      %add3A_28 = arith.addi %add3A_27, %mul3A_26 : i32
      "tpu.region"() ({
        %run_scoped3A = tpu.sem_alloc : memref<!tpu.dma_semaphore, #tpu.memory_space<semaphore_mem>>
        %dma_start3A = arith.constant 0 : i32
        %dma_start3A_29 = tpu.memref_slice %arg6[%add3A_28, %dma_start3A] : memref<82x128xi32, #tpu.memory_space<vmem>> -> memref<1x128xi32, #tpu.memory_space<vmem>>
        %dma_start3A_30 = tpu.memref_squeeze %dma_start3A_29 : memref<1x128xi32, #tpu.memory_space<vmem>> -> memref<128xi32, #tpu.memory_space<vmem>>
        %dma_start3A_31 = arith.constant 0 : i32
        %dma_start3A_32 = arith.constant 0 : i32
        %dma_start3A_33 = tpu.memref_slice %arg7[%dma_start3A_31, %dma_start3A_32] : memref<10240x16xf32, #tpu.memory_space<vmem_shared>> -> memref<10240x16xf32, #tpu.memory_space<vmem_shared>>
        tpu.enqueue_indirect_dma source(%arg4 : memref<128x16xf32, #tpu.memory_space<vmem>>) target(%dma_start3A_33 : memref<10240x16xf32, #tpu.memory_space<vmem_shared>>) offsets(%dma_start3A_30 : memref<128xi32, #tpu.memory_space<vmem>>) semaphore(%run_scoped3A : memref<!tpu.dma_semaphore, #tpu.memory_space<semaphore_mem>>) {add = true}
        %dma_wait3A = arith.constant 0 : i32
        %dma_wait3A_34 = tpu.memref_slice %arg6[%add3A_28, %dma_wait3A] : memref<82x128xi32, #tpu.memory_space<vmem>> -> memref<1x128xi32, #tpu.memory_space<vmem>>
        %dma_wait3A_35 = tpu.memref_squeeze %dma_wait3A_34 : memref<1x128xi32, #tpu.memory_space<vmem>> -> memref<128xi32, #tpu.memory_space<vmem>>
        %dma_wait3A_36 = arith.constant 0 : i32
        %dma_wait3A_37 = arith.constant 0 : i32
        %dma_wait3A_38 = tpu.memref_slice %arg7[%dma_wait3A_36, %dma_wait3A_37] : memref<10240x16xf32, #tpu.memory_space<vmem_shared>> -> memref<10240x16xf32, #tpu.memory_space<vmem_shared>>
        tpu.wait_indirect_dma semaphore(%run_scoped3A : memref<!tpu.dma_semaphore, #tpu.memory_space<semaphore_mem>>) src(%arg4 : memref<128x16xf32, #tpu.memory_space<vmem>>) dst(%dma_wait3A_38 : memref<10240x16xf32, #tpu.memory_space<vmem_shared>>)
        tpu.yield
      }) : () -> ()
    }
    %scan3A_18 = arith.constant 82 : i32
    %barrier3A_19 = arith.constant 0 : index
    tpu.barrier barrier_id(%barrier3A_19)
    %mul3A_20 = arith.constant 640 : i32
    %mul3A_21 = arith.muli %arg1, %mul3A_20 : i32
    %mul3A_22 = arith.constant 640 : i32
    %mul3A_23 = arith.muli %arg1, %mul3A_22 : i32
    "tpu.region"() ({
      %run_scoped3A = tpu.sem_alloc : memref<!tpu.dma_semaphore, #tpu.memory_space<semaphore_mem>>
      %dma_start3A = arith.constant 0 : i32
      %dma_start3A_24 = tpu.memref_slice %arg3[%arg0, %mul3A_23, %dma_start3A] : memref<2x10240x16xf32, #tpu.memory_space<hbm>> -> memref<1x640x16xf32, #tpu.memory_space<hbm>>
      %dma_start3A_25 = tpu.memref_squeeze %dma_start3A_24 : memref<1x640x16xf32, #tpu.memory_space<hbm>> -> memref<640x16xf32, #tpu.memory_space<hbm>>
      %dma_start3A_26 = arith.constant 0 : i32
      %dma_start3A_27 = tpu.memref_slice %arg7[%mul3A_21, %dma_start3A_26] : memref<10240x16xf32, #tpu.memory_space<vmem_shared>> -> memref<640x16xf32, #tpu.memory_space<vmem_shared>>
      tpu.enqueue_dma source(%dma_start3A_27 : memref<640x16xf32, #tpu.memory_space<vmem_shared>>) target(%dma_start3A_25 : memref<640x16xf32, #tpu.memory_space<hbm>>) target_semaphore(%run_scoped3A : memref<!tpu.dma_semaphore, #tpu.memory_space<semaphore_mem>>)
      %dma_wait3A = arith.constant 0 : i32
      %dma_wait3A_28 = tpu.memref_slice %arg3[%arg0, %mul3A_23, %dma_wait3A] : memref<2x10240x16xf32, #tpu.memory_space<hbm>> -> memref<1x640x16xf32, #tpu.memory_space<hbm>>
      %dma_wait3A_29 = tpu.memref_squeeze %dma_wait3A_28 : memref<1x640x16xf32, #tpu.memory_space<hbm>> -> memref<640x16xf32, #tpu.memory_space<hbm>>
      %dma_wait3A_30 = arith.constant 0 : i32
      %dma_wait3A_31 = tpu.memref_slice %arg7[%mul3A_21, %dma_wait3A_30] : memref<10240x16xf32, #tpu.memory_space<vmem_shared>> -> memref<640x16xf32, #tpu.memory_space<vmem_shared>>
      tpu.wait_dma2 semaphore(%run_scoped3A : memref<!tpu.dma_semaphore, #tpu.memory_space<semaphore_mem>>) src(%dma_wait3A_31 : memref<640x16xf32, #tpu.memory_space<vmem_shared>>) dst(%dma_wait3A_29 : memref<640x16xf32, #tpu.memory_space<hbm>>)
      tpu.yield
    }) : () -> ()
    return
  }
}

#map = affine_map<(d0, d1) -> (0, 0)>
#map1 = affine_map<(d0, d1) -> (0, 0, 0)>
module attributes {stable_mosaic.version = 14 : i64} {
  func.func @_pass(%arg0: i32, %arg1: i32, %arg2: memref<2624x128xi32, #tpu.memory_space<hbm>>, %arg3: memref<2624x128xi32, #tpu.memory_space<hbm>>, %arg4: memref<10000x128xf32, #tpu.memory_space<hbm>>, %arg5: memref<2x10240x128xf32, #tpu.memory_space<hbm>>, %arg6: memref<82x128xi32, #tpu.memory_space<vmem>>, %arg7: memref<128xi32, #tpu.memory_space<vmem>>, %arg8: memref<128xi32, #tpu.memory_space<vmem>>, %arg9: memref<128x128xf32, #tpu.memory_space<vmem>>, %arg10: memref<128x128xf32, #tpu.memory_space<vmem>>, %arg11: memref<10240x128xf32, #tpu.memory_space<vmem_shared>>, %arg12: memref<!tpu.dma_semaphore, #tpu.memory_space<semaphore_mem>>, %arg13: memref<!tpu.dma_semaphore, #tpu.memory_space<semaphore_mem>>) attributes {dimension_semantics = [#tpu.dimension_semantics<core_parallel>, #tpu.dimension_semantics<subcore_parallel>], iteration_bounds = array<i64: 2, 16>, scalar_prefetch = 0 : i64, scratch_operands = 8 : i64, tpu.core_type = #tpu.core_type<sc_vector_subcore>, window_params = [{transform_indices = #map}, {transform_indices = #map}, {transform_indices = #map}, {transform_indices = #map1}]} {
    %scan3A = arith.constant 0 : i32
    %scan3A_0 = arith.constant 128 : i32
    %scan3A_1 = arith.addi %scan3A, %scan3A_0 : i32
    %scan3A_2 = arith.constant 1 : i32
    scf.for %scan3A_70 = %scan3A to %scan3A_1 step %scan3A_2  : i32 {
      %mul3A_71 = arith.constant 1 : i32
      %mul3A_72 = arith.muli %scan3A_70, %mul3A_71 : i32
      %add3A_73 = arith.constant 0 : i32
      %add3A_74 = arith.addi %add3A_73, %mul3A_72 : i32
      %scan3A_75 = arith.constant 0 : i32
      %scan3A_76 = arith.constant 8 : i32
      %scan3A_77 = arith.addi %scan3A_75, %scan3A_76 : i32
      %scan3A_78 = arith.constant 1 : i32
      scf.for %scan3A_80 = %scan3A_75 to %scan3A_77 step %scan3A_78  : i32 {
        %mul3A_81 = arith.constant 16 : i32
        %mul3A_82 = arith.muli %scan3A_80, %mul3A_81 : i32
        %add3A_83 = arith.constant 0 : i32
        %add3A_84 = arith.addi %add3A_83, %mul3A_82 : i32
        %broadcast_in_dim3A = arith.constant 0.000000e+00 : f32
        %broadcast_in_dim3A_85 = vector.broadcast %broadcast_in_dim3A : f32 to vector<16xf32>
        %swap3A = arith.index_cast %add3A_74 : i32 to index
        %swap3A_86 = arith.index_cast %add3A_84 : i32 to index
        %swap3A_87 = tpu.vector_load %arg9[%swap3A, %swap3A_86] {strides = array<i32>} : memref<128x128xf32, #tpu.memory_space<vmem>>, vector<1x16xf32>,
        %swap3A_88 = vector.shape_cast %swap3A_87 : vector<1x16xf32> to vector<16xf32>
        %swap3A_89 = vector.shape_cast %broadcast_in_dim3A_85 : vector<16xf32> to vector<1x16xf32>
        tpu.vector_store %arg9[%swap3A, %swap3A_86], %swap3A_89 {strides = array<i32>} : memref<128x128xf32, #tpu.memory_space<vmem>>, vector<1x16xf32>,
      }
      %scan3A_79 = arith.constant 8 : i32
    }
    %scan3A_3 = arith.constant 128 : i32
    %mul3A = arith.constant 640 : i32
    %mul3A_4 = arith.muli %arg1, %mul3A : i32
    %add3A = arith.constant 0 : i32
    %add3A_5 = arith.addi %mul3A_4, %add3A : i32
    "tpu.region"() ({
      %run_scoped3A = tpu.sem_alloc : memref<!tpu.dma_semaphore, #tpu.memory_space<semaphore_mem>>
      %dma_start3A = arith.constant 0 : i32
      %dma_start3A_70 = arith.constant 0 : i32
      %dma_start3A_71 = tpu.memref_slice %arg9[%dma_start3A, %dma_start3A_70] : memref<128x128xf32, #tpu.memory_space<vmem>> -> memref<128x128xf32, #tpu.memory_space<vmem>>
      %dma_start3A_72 = arith.constant 0 : i32
      %dma_start3A_73 = tpu.memref_slice %arg11[%add3A_5, %dma_start3A_72] : memref<10240x128xf32, #tpu.memory_space<vmem_shared>> -> memref<128x128xf32, #tpu.memory_space<vmem_shared>>
      %dma_start3A_74 = arith.constant 0 : i32
      %dma_start3A_75 = tpu.memref_slice %arg11[%add3A_5, %dma_start3A_74] : memref<10240x128xf32, #tpu.memory_space<vmem_shared>> -> memref<128x128xf32, #tpu.memory_space<vmem_shared>>
      %dma_start3A_76 = arith.constant 0 : i32
      %dma_start3A_77 = arith.constant 0 : i32
      %dma_start3A_78 = tpu.memref_slice %arg9[%dma_start3A_76, %dma_start3A_77] : memref<128x128xf32, #tpu.memory_space<vmem>> -> memref<128x128xf32, #tpu.memory_space<vmem>>
      tpu.enqueue_dma source(%dma_start3A_78 : memref<128x128xf32, #tpu.memory_space<vmem>>) target(%dma_start3A_75 : memref<128x128xf32, #tpu.memory_space<vmem_shared>>) target_semaphore(%run_scoped3A : memref<!tpu.dma_semaphore, #tpu.memory_space<semaphore_mem>>)
      %dma_wait3A = arith.constant 0 : i32
      %dma_wait3A_79 = arith.constant 0 : i32
      %dma_wait3A_80 = tpu.memref_slice %arg9[%dma_wait3A, %dma_wait3A_79] : memref<128x128xf32, #tpu.memory_space<vmem>> -> memref<128x128xf32, #tpu.memory_space<vmem>>
      %dma_wait3A_81 = arith.constant 0 : i32
      %dma_wait3A_82 = tpu.memref_slice %arg11[%add3A_5, %dma_wait3A_81] : memref<10240x128xf32, #tpu.memory_space<vmem_shared>> -> memref<128x128xf32, #tpu.memory_space<vmem_shared>>
      %dma_wait3A_83 = arith.constant 0 : i32
      %dma_wait3A_84 = tpu.memref_slice %arg11[%add3A_5, %dma_wait3A_83] : memref<10240x128xf32, #tpu.memory_space<vmem_shared>> -> memref<128x128xf32, #tpu.memory_space<vmem_shared>>
      %dma_wait3A_85 = arith.constant 0 : i32
      %dma_wait3A_86 = arith.constant 0 : i32
      %dma_wait3A_87 = tpu.memref_slice %arg9[%dma_wait3A_85, %dma_wait3A_86] : memref<128x128xf32, #tpu.memory_space<vmem>> -> memref<128x128xf32, #tpu.memory_space<vmem>>
      tpu.wait_dma2 semaphore(%run_scoped3A : memref<!tpu.dma_semaphore, #tpu.memory_space<semaphore_mem>>) src(%dma_wait3A_87 : memref<128x128xf32, #tpu.memory_space<vmem>>) dst(%dma_wait3A_84 : memref<128x128xf32, #tpu.memory_space<vmem_shared>>)
      tpu.yield
    }) : () -> ()
    %mul3A_6 = arith.constant 640 : i32
    %mul3A_7 = arith.muli %arg1, %mul3A_6 : i32
    %add3A_8 = arith.constant 128 : i32
    %add3A_9 = arith.addi %mul3A_7, %add3A_8 : i32
    "tpu.region"() ({
      %run_scoped3A = tpu.sem_alloc : memref<!tpu.dma_semaphore, #tpu.memory_space<semaphore_mem>>
      %dma_start3A = arith.constant 0 : i32
      %dma_start3A_70 = arith.constant 0 : i32
      %dma_start3A_71 = tpu.memref_slice %arg9[%dma_start3A, %dma_start3A_70] : memref<128x128xf32, #tpu.memory_space<vmem>> -> memref<128x128xf32, #tpu.memory_space<vmem>>
      %dma_start3A_72 = arith.constant 0 : i32
      %dma_start3A_73 = tpu.memref_slice %arg11[%add3A_9, %dma_start3A_72] : memref<10240x128xf32, #tpu.memory_space<vmem_shared>> -> memref<128x128xf32, #tpu.memory_space<vmem_shared>>
      %dma_start3A_74 = arith.constant 0 : i32
      %dma_start3A_75 = tpu.memref_slice %arg11[%add3A_9, %dma_start3A_74] : memref<10240x128xf32, #tpu.memory_space<vmem_shared>> -> memref<128x128xf32, #tpu.memory_space<vmem_shared>>
      %dma_start3A_76 = arith.constant 0 : i32
      %dma_start3A_77 = arith.constant 0 : i32
      %dma_start3A_78 = tpu.memref_slice %arg9[%dma_start3A_76, %dma_start3A_77] : memref<128x128xf32, #tpu.memory_space<vmem>> -> memref<128x128xf32, #tpu.memory_space<vmem>>
      tpu.enqueue_dma source(%dma_start3A_78 : memref<128x128xf32, #tpu.memory_space<vmem>>) target(%dma_start3A_75 : memref<128x128xf32, #tpu.memory_space<vmem_shared>>) target_semaphore(%run_scoped3A : memref<!tpu.dma_semaphore, #tpu.memory_space<semaphore_mem>>)
      %dma_wait3A = arith.constant 0 : i32
      %dma_wait3A_79 = arith.constant 0 : i32
      %dma_wait3A_80 = tpu.memref_slice %arg9[%dma_wait3A, %dma_wait3A_79] : memref<128x128xf32, #tpu.memory_space<vmem>> -> memref<128x128xf32, #tpu.memory_space<vmem>>
      %dma_wait3A_81 = arith.constant 0 : i32
      %dma_wait3A_82 = tpu.memref_slice %arg11[%add3A_9, %dma_wait3A_81] : memref<10240x128xf32, #tpu.memory_space<vmem_shared>> -> memref<128x128xf32, #tpu.memory_space<vmem_shared>>
      %dma_wait3A_83 = arith.constant 0 : i32
      %dma_wait3A_84 = tpu.memref_slice %arg11[%add3A_9, %dma_wait3A_83] : memref<10240x128xf32, #tpu.memory_space<vmem_shared>> -> memref<128x128xf32, #tpu.memory_space<vmem_shared>>
      %dma_wait3A_85 = arith.constant 0 : i32
      %dma_wait3A_86 = arith.constant 0 : i32
      %dma_wait3A_87 = tpu.memref_slice %arg9[%dma_wait3A_85, %dma_wait3A_86] : memref<128x128xf32, #tpu.memory_space<vmem>> -> memref<128x128xf32, #tpu.memory_space<vmem>>
      tpu.wait_dma2 semaphore(%run_scoped3A : memref<!tpu.dma_semaphore, #tpu.memory_space<semaphore_mem>>) src(%dma_wait3A_87 : memref<128x128xf32, #tpu.memory_space<vmem>>) dst(%dma_wait3A_84 : memref<128x128xf32, #tpu.memory_space<vmem_shared>>)
      tpu.yield
    }) : () -> ()
    %mul3A_10 = arith.constant 640 : i32
    %mul3A_11 = arith.muli %arg1, %mul3A_10 : i32
    %add3A_12 = arith.constant 256 : i32
    %add3A_13 = arith.addi %mul3A_11, %add3A_12 : i32
    "tpu.region"() ({
      %run_scoped3A = tpu.sem_alloc : memref<!tpu.dma_semaphore, #tpu.memory_space<semaphore_mem>>
      %dma_start3A = arith.constant 0 : i32
      %dma_start3A_70 = arith.constant 0 : i32
      %dma_start3A_71 = tpu.memref_slice %arg9[%dma_start3A, %dma_start3A_70] : memref<128x128xf32, #tpu.memory_space<vmem>> -> memref<128x128xf32, #tpu.memory_space<vmem>>
      %dma_start3A_72 = arith.constant 0 : i32
      %dma_start3A_73 = tpu.memref_slice %arg11[%add3A_13, %dma_start3A_72] : memref<10240x128xf32, #tpu.memory_space<vmem_shared>> -> memref<128x128xf32, #tpu.memory_space<vmem_shared>>
      %dma_start3A_74 = arith.constant 0 : i32
      %dma_start3A_75 = tpu.memref_slice %arg11[%add3A_13, %dma_start3A_74] : memref<10240x128xf32, #tpu.memory_space<vmem_shared>> -> memref<128x128xf32, #tpu.memory_space<vmem_shared>>
      %dma_start3A_76 = arith.constant 0 : i32
      %dma_start3A_77 = arith.constant 0 : i32
      %dma_start3A_78 = tpu.memref_slice %arg9[%dma_start3A_76, %dma_start3A_77] : memref<128x128xf32, #tpu.memory_space<vmem>> -> memref<128x128xf32, #tpu.memory_space<vmem>>
      tpu.enqueue_dma source(%dma_start3A_78 : memref<128x128xf32, #tpu.memory_space<vmem>>) target(%dma_start3A_75 : memref<128x128xf32, #tpu.memory_space<vmem_shared>>) target_semaphore(%run_scoped3A : memref<!tpu.dma_semaphore, #tpu.memory_space<semaphore_mem>>)
      %dma_wait3A = arith.constant 0 : i32
      %dma_wait3A_79 = arith.constant 0 : i32
      %dma_wait3A_80 = tpu.memref_slice %arg9[%dma_wait3A, %dma_wait3A_79] : memref<128x128xf32, #tpu.memory_space<vmem>> -> memref<128x128xf32, #tpu.memory_space<vmem>>
      %dma_wait3A_81 = arith.constant 0 : i32
      %dma_wait3A_82 = tpu.memref_slice %arg11[%add3A_13, %dma_wait3A_81] : memref<10240x128xf32, #tpu.memory_space<vmem_shared>> -> memref<128x128xf32, #tpu.memory_space<vmem_shared>>
      %dma_wait3A_83 = arith.constant 0 : i32
      %dma_wait3A_84 = tpu.memref_slice %arg11[%add3A_13, %dma_wait3A_83] : memref<10240x128xf32, #tpu.memory_space<vmem_shared>> -> memref<128x128xf32, #tpu.memory_space<vmem_shared>>
      %dma_wait3A_85 = arith.constant 0 : i32
      %dma_wait3A_86 = arith.constant 0 : i32
      %dma_wait3A_87 = tpu.memref_slice %arg9[%dma_wait3A_85, %dma_wait3A_86] : memref<128x128xf32, #tpu.memory_space<vmem>> -> memref<128x128xf32, #tpu.memory_space<vmem>>
      tpu.wait_dma2 semaphore(%run_scoped3A : memref<!tpu.dma_semaphore, #tpu.memory_space<semaphore_mem>>) src(%dma_wait3A_87 : memref<128x128xf32, #tpu.memory_space<vmem>>) dst(%dma_wait3A_84 : memref<128x128xf32, #tpu.memory_space<vmem_shared>>)
      tpu.yield
    }) : () -> ()
    %mul3A_14 = arith.constant 640 : i32
    %mul3A_15 = arith.muli %arg1, %mul3A_14 : i32
    %add3A_16 = arith.constant 384 : i32
    %add3A_17 = arith.addi %mul3A_15, %add3A_16 : i32
    "tpu.region"() ({
      %run_scoped3A = tpu.sem_alloc : memref<!tpu.dma_semaphore, #tpu.memory_space<semaphore_mem>>
      %dma_start3A = arith.constant 0 : i32
      %dma_start3A_70 = arith.constant 0 : i32
      %dma_start3A_71 = tpu.memref_slice %arg9[%dma_start3A, %dma_start3A_70] : memref<128x128xf32, #tpu.memory_space<vmem>> -> memref<128x128xf32, #tpu.memory_space<vmem>>
      %dma_start3A_72 = arith.constant 0 : i32
      %dma_start3A_73 = tpu.memref_slice %arg11[%add3A_17, %dma_start3A_72] : memref<10240x128xf32, #tpu.memory_space<vmem_shared>> -> memref<128x128xf32, #tpu.memory_space<vmem_shared>>
      %dma_start3A_74 = arith.constant 0 : i32
      %dma_start3A_75 = tpu.memref_slice %arg11[%add3A_17, %dma_start3A_74] : memref<10240x128xf32, #tpu.memory_space<vmem_shared>> -> memref<128x128xf32, #tpu.memory_space<vmem_shared>>
      %dma_start3A_76 = arith.constant 0 : i32
      %dma_start3A_77 = arith.constant 0 : i32
      %dma_start3A_78 = tpu.memref_slice %arg9[%dma_start3A_76, %dma_start3A_77] : memref<128x128xf32, #tpu.memory_space<vmem>> -> memref<128x128xf32, #tpu.memory_space<vmem>>
      tpu.enqueue_dma source(%dma_start3A_78 : memref<128x128xf32, #tpu.memory_space<vmem>>) target(%dma_start3A_75 : memref<128x128xf32, #tpu.memory_space<vmem_shared>>) target_semaphore(%run_scoped3A : memref<!tpu.dma_semaphore, #tpu.memory_space<semaphore_mem>>)
      %dma_wait3A = arith.constant 0 : i32
      %dma_wait3A_79 = arith.constant 0 : i32
      %dma_wait3A_80 = tpu.memref_slice %arg9[%dma_wait3A, %dma_wait3A_79] : memref<128x128xf32, #tpu.memory_space<vmem>> -> memref<128x128xf32, #tpu.memory_space<vmem>>
      %dma_wait3A_81 = arith.constant 0 : i32
      %dma_wait3A_82 = tpu.memref_slice %arg11[%add3A_17, %dma_wait3A_81] : memref<10240x128xf32, #tpu.memory_space<vmem_shared>> -> memref<128x128xf32, #tpu.memory_space<vmem_shared>>
      %dma_wait3A_83 = arith.constant 0 : i32
      %dma_wait3A_84 = tpu.memref_slice %arg11[%add3A_17, %dma_wait3A_83] : memref<10240x128xf32, #tpu.memory_space<vmem_shared>> -> memref<128x128xf32, #tpu.memory_space<vmem_shared>>
      %dma_wait3A_85 = arith.constant 0 : i32
      %dma_wait3A_86 = arith.constant 0 : i32
      %dma_wait3A_87 = tpu.memref_slice %arg9[%dma_wait3A_85, %dma_wait3A_86] : memref<128x128xf32, #tpu.memory_space<vmem>> -> memref<128x128xf32, #tpu.memory_space<vmem>>
      tpu.wait_dma2 semaphore(%run_scoped3A : memref<!tpu.dma_semaphore, #tpu.memory_space<semaphore_mem>>) src(%dma_wait3A_87 : memref<128x128xf32, #tpu.memory_space<vmem>>) dst(%dma_wait3A_84 : memref<128x128xf32, #tpu.memory_space<vmem_shared>>)
      tpu.yield
    }) : () -> ()
    %mul3A_18 = arith.constant 640 : i32
    %mul3A_19 = arith.muli %arg1, %mul3A_18 : i32
    %add3A_20 = arith.constant 512 : i32
    %add3A_21 = arith.addi %mul3A_19, %add3A_20 : i32
    "tpu.region"() ({
      %run_scoped3A = tpu.sem_alloc : memref<!tpu.dma_semaphore, #tpu.memory_space<semaphore_mem>>
      %dma_start3A = arith.constant 0 : i32
      %dma_start3A_70 = arith.constant 0 : i32
      %dma_start3A_71 = tpu.memref_slice %arg9[%dma_start3A, %dma_start3A_70] : memref<128x128xf32, #tpu.memory_space<vmem>> -> memref<128x128xf32, #tpu.memory_space<vmem>>
      %dma_start3A_72 = arith.constant 0 : i32
      %dma_start3A_73 = tpu.memref_slice %arg11[%add3A_21, %dma_start3A_72] : memref<10240x128xf32, #tpu.memory_space<vmem_shared>> -> memref<128x128xf32, #tpu.memory_space<vmem_shared>>
      %dma_start3A_74 = arith.constant 0 : i32
      %dma_start3A_75 = tpu.memref_slice %arg11[%add3A_21, %dma_start3A_74] : memref<10240x128xf32, #tpu.memory_space<vmem_shared>> -> memref<128x128xf32, #tpu.memory_space<vmem_shared>>
      %dma_start3A_76 = arith.constant 0 : i32
      %dma_start3A_77 = arith.constant 0 : i32
      %dma_start3A_78 = tpu.memref_slice %arg9[%dma_start3A_76, %dma_start3A_77] : memref<128x128xf32, #tpu.memory_space<vmem>> -> memref<128x128xf32, #tpu.memory_space<vmem>>
      tpu.enqueue_dma source(%dma_start3A_78 : memref<128x128xf32, #tpu.memory_space<vmem>>) target(%dma_start3A_75 : memref<128x128xf32, #tpu.memory_space<vmem_shared>>) target_semaphore(%run_scoped3A : memref<!tpu.dma_semaphore, #tpu.memory_space<semaphore_mem>>)
      %dma_wait3A = arith.constant 0 : i32
      %dma_wait3A_79 = arith.constant 0 : i32
      %dma_wait3A_80 = tpu.memref_slice %arg9[%dma_wait3A, %dma_wait3A_79] : memref<128x128xf32, #tpu.memory_space<vmem>> -> memref<128x128xf32, #tpu.memory_space<vmem>>
      %dma_wait3A_81 = arith.constant 0 : i32
      %dma_wait3A_82 = tpu.memref_slice %arg11[%add3A_21, %dma_wait3A_81] : memref<10240x128xf32, #tpu.memory_space<vmem_shared>> -> memref<128x128xf32, #tpu.memory_space<vmem_shared>>
      %dma_wait3A_83 = arith.constant 0 : i32
      %dma_wait3A_84 = tpu.memref_slice %arg11[%add3A_21, %dma_wait3A_83] : memref<10240x128xf32, #tpu.memory_space<vmem_shared>> -> memref<128x128xf32, #tpu.memory_space<vmem_shared>>
      %dma_wait3A_85 = arith.constant 0 : i32
      %dma_wait3A_86 = arith.constant 0 : i32
      %dma_wait3A_87 = tpu.memref_slice %arg9[%dma_wait3A_85, %dma_wait3A_86] : memref<128x128xf32, #tpu.memory_space<vmem>> -> memref<128x128xf32, #tpu.memory_space<vmem>>
      tpu.wait_dma2 semaphore(%run_scoped3A : memref<!tpu.dma_semaphore, #tpu.memory_space<semaphore_mem>>) src(%dma_wait3A_87 : memref<128x128xf32, #tpu.memory_space<vmem>>) dst(%dma_wait3A_84 : memref<128x128xf32, #tpu.memory_space<vmem_shared>>)
      tpu.yield
    }) : () -> ()
    %barrier3A = arith.constant 0 : index
    tpu.barrier barrier_id(%barrier3A)
    %eq3A = arith.constant 0 : i32
    %eq3A_22 = arith.cmpi eq, %arg0, %eq3A : i32
    %convert_element_type3A = arith.extui %eq3A_22 : i1 to i32
    %cond3A = arith.constant 0 : i32
    %cond3A_23 = arith.cmpi ne, %convert_element_type3A, %cond3A : i32
    scf.if %cond3A_23 {
      %mul3A_70 = arith.constant 146 : i32
      %mul3A_71 = arith.muli %arg1, %mul3A_70 : i32
      %add3A_72 = arith.constant 0 : i32
      %add3A_73 = arith.addi %mul3A_71, %add3A_72 : i32
      "tpu.region"() ({
        %run_scoped3A = tpu.sem_alloc : memref<!tpu.dma_semaphore, #tpu.memory_space<semaphore_mem>>
        %dma_start3A_155 = arith.constant 0 : i32
        %dma_start3A_156 = arith.constant 0 : i32
        %dma_start3A_157 = tpu.memref_slice %arg6[%dma_start3A_155, %dma_start3A_156] : memref<82x128xi32, #tpu.memory_space<vmem>> -> memref<82x128xi32, #tpu.memory_space<vmem>>
        %dma_start3A_158 = arith.constant 0 : i32
        %dma_start3A_159 = tpu.memref_slice %arg2[%add3A_73, %dma_start3A_158] : memref<2624x128xi32, #tpu.memory_space<hbm>> -> memref<82x128xi32, #tpu.memory_space<hbm>>
        %dma_start3A_160 = arith.constant 0 : i32
        %dma_start3A_161 = arith.constant 0 : i32
        %dma_start3A_162 = tpu.memref_slice %arg6[%dma_start3A_160, %dma_start3A_161] : memref<82x128xi32, #tpu.memory_space<vmem>> -> memref<82x128xi32, #tpu.memory_space<vmem>>
        %dma_start3A_163 = arith.constant 0 : i32
        %dma_start3A_164 = tpu.memref_slice %arg2[%add3A_73, %dma_start3A_163] : memref<2624x128xi32, #tpu.memory_space<hbm>> -> memref<82x128xi32, #tpu.memory_space<hbm>>
        tpu.enqueue_dma source(%dma_start3A_164 : memref<82x128xi32, #tpu.memory_space<hbm>>) target(%dma_start3A_162 : memref<82x128xi32, #tpu.memory_space<vmem>>) target_semaphore(%run_scoped3A : memref<!tpu.dma_semaphore, #tpu.memory_space<semaphore_mem>>)
        %dma_wait3A_165 = arith.constant 0 : i32
        %dma_wait3A_166 = arith.constant 0 : i32
        %dma_wait3A_167 = tpu.memref_slice %arg6[%dma_wait3A_165, %dma_wait3A_166] : memref<82x128xi32, #tpu.memory_space<vmem>> -> memref<82x128xi32, #tpu.memory_space<vmem>>
        %dma_wait3A_168 = arith.constant 0 : i32
        %dma_wait3A_169 = tpu.memref_slice %arg2[%add3A_73, %dma_wait3A_168] : memref<2624x128xi32, #tpu.memory_space<hbm>> -> memref<82x128xi32, #tpu.memory_space<hbm>>
        %dma_wait3A_170 = arith.constant 0 : i32
        %dma_wait3A_171 = arith.constant 0 : i32
        %dma_wait3A_172 = tpu.memref_slice %arg6[%dma_wait3A_170, %dma_wait3A_171] : memref<82x128xi32, #tpu.memory_space<vmem>> -> memref<82x128xi32, #tpu.memory_space<vmem>>
        %dma_wait3A_173 = arith.constant 0 : i32
        %dma_wait3A_174 = tpu.memref_slice %arg2[%add3A_73, %dma_wait3A_173] : memref<2624x128xi32, #tpu.memory_space<hbm>> -> memref<82x128xi32, #tpu.memory_space<hbm>>
        tpu.wait_dma2 semaphore(%run_scoped3A : memref<!tpu.dma_semaphore, #tpu.memory_space<semaphore_mem>>) src(%dma_wait3A_174 : memref<82x128xi32, #tpu.memory_space<hbm>>) dst(%dma_wait3A_172 : memref<82x128xi32, #tpu.memory_space<vmem>>)
        tpu.yield
      }) : () -> ()
      %dma_start3A = arith.constant 0 : i32
      %dma_start3A_74 = arith.constant 0 : i32
      %dma_start3A_75 = tpu.memref_slice %arg6[%dma_start3A, %dma_start3A_74] : memref<82x128xi32, #tpu.memory_space<vmem>> -> memref<1x128xi32, #tpu.memory_space<vmem>>
      %dma_start3A_76 = tpu.memref_squeeze %dma_start3A_75 : memref<1x128xi32, #tpu.memory_space<vmem>> -> memref<128xi32, #tpu.memory_space<vmem>>
      %dma_start3A_77 = arith.constant 0 : i32
      %dma_start3A_78 = arith.constant 0 : i32
      %dma_start3A_79 = tpu.memref_slice %arg4[%dma_start3A_77, %dma_start3A_78] : memref<10000x128xf32, #tpu.memory_space<hbm>> -> memref<10000x128xf32, #tpu.memory_space<hbm>>
      tpu.enqueue_indirect_dma source(%dma_start3A_79 : memref<10000x128xf32, #tpu.memory_space<hbm>>) target(%arg9 : memref<128x128xf32, #tpu.memory_space<vmem>>) offsets(%dma_start3A_76 : memref<128xi32, #tpu.memory_space<vmem>>) semaphore(%arg12 : memref<!tpu.dma_semaphore, #tpu.memory_space<semaphore_mem>>)
      %scan3A_80 = arith.constant 0 : i32
      %scan3A_81 = arith.constant 40 : i32
      %scan3A_82 = arith.addi %scan3A_80, %scan3A_81 : i32
      %scan3A_83 = arith.constant 1 : i32
      scf.for %scan3A_155 = %scan3A_80 to %scan3A_82 step %scan3A_83  : i32 {
        %mul3A_156 = arith.constant 2 : i32
        %mul3A_157 = arith.muli %scan3A_155, %mul3A_156 : i32
        %add3A_158 = arith.constant 0 : i32
        %add3A_159 = arith.addi %add3A_158, %mul3A_157 : i32
        %add3A_160 = arith.constant 1 : i32
        %add3A_161 = arith.addi %add3A_159, %add3A_160 : i32
        %dma_start3A_162 = arith.constant 0 : i32
        %dma_start3A_163 = tpu.memref_slice %arg6[%add3A_161, %dma_start3A_162] : memref<82x128xi32, #tpu.memory_space<vmem>> -> memref<1x128xi32, #tpu.memory_space<vmem>>
        %dma_start3A_164 = tpu.memref_squeeze %dma_start3A_163 : memref<1x128xi32, #tpu.memory_space<vmem>> -> memref<128xi32, #tpu.memory_space<vmem>>
        %dma_start3A_165 = arith.constant 0 : i32
        %dma_start3A_166 = arith.constant 0 : i32
        %dma_start3A_167 = tpu.memref_slice %arg4[%dma_start3A_165, %dma_start3A_166] : memref<10000x128xf32, #tpu.memory_space<hbm>> -> memref<10000x128xf32, #tpu.memory_space<hbm>>
        tpu.enqueue_indirect_dma source(%dma_start3A_167 : memref<10000x128xf32, #tpu.memory_space<hbm>>) target(%arg10 : memref<128x128xf32, #tpu.memory_space<vmem>>) offsets(%dma_start3A_164 : memref<128xi32, #tpu.memory_space<vmem>>) semaphore(%arg13 : memref<!tpu.dma_semaphore, #tpu.memory_space<semaphore_mem>>)
        %dma_wait3A_168 = arith.constant 0 : i32
        %dma_wait3A_169 = tpu.memref_slice %arg6[%add3A_159, %dma_wait3A_168] : memref<82x128xi32, #tpu.memory_space<vmem>> -> memref<1x128xi32, #tpu.memory_space<vmem>>
        %dma_wait3A_170 = tpu.memref_squeeze %dma_wait3A_169 : memref<1x128xi32, #tpu.memory_space<vmem>> -> memref<128xi32, #tpu.memory_space<vmem>>
        %dma_wait3A_171 = arith.constant 0 : i32
        %dma_wait3A_172 = arith.constant 0 : i32
        %dma_wait3A_173 = tpu.memref_slice %arg4[%dma_wait3A_171, %dma_wait3A_172] : memref<10000x128xf32, #tpu.memory_space<hbm>> -> memref<10000x128xf32, #tpu.memory_space<hbm>>
        tpu.wait_indirect_dma semaphore(%arg12 : memref<!tpu.dma_semaphore, #tpu.memory_space<semaphore_mem>>) src(%dma_wait3A_173 : memref<10000x128xf32, #tpu.memory_space<hbm>>) dst(%arg9 : memref<128x128xf32, #tpu.memory_space<vmem>>)
        %add3A_174 = arith.addi %add3A_73, %add3A_159 : i32
        "tpu.region"() ({
          %run_scoped3A = tpu.sem_alloc : memref<!tpu.dma_semaphore, #tpu.memory_space<semaphore_mem>>
          %dma_start3A_194 = arith.constant 0 : i32
          %dma_start3A_195 = tpu.memref_slice %arg3[%add3A_174, %dma_start3A_194] : memref<2624x128xi32, #tpu.memory_space<hbm>> -> memref<1x128xi32, #tpu.memory_space<hbm>>
          %dma_start3A_196 = tpu.memref_squeeze %dma_start3A_195 : memref<1x128xi32, #tpu.memory_space<hbm>> -> memref<128xi32, #tpu.memory_space<hbm>>
          %dma_start3A_197 = arith.constant 0 : i32
          %dma_start3A_198 = tpu.memref_slice %arg3[%add3A_174, %dma_start3A_197] : memref<2624x128xi32, #tpu.memory_space<hbm>> -> memref<1x128xi32, #tpu.memory_space<hbm>>
          %dma_start3A_199 = tpu.memref_squeeze %dma_start3A_198 : memref<1x128xi32, #tpu.memory_space<hbm>> -> memref<128xi32, #tpu.memory_space<hbm>>
          tpu.enqueue_dma source(%dma_start3A_199 : memref<128xi32, #tpu.memory_space<hbm>>) target(%arg7 : memref<128xi32, #tpu.memory_space<vmem>>) target_semaphore(%run_scoped3A : memref<!tpu.dma_semaphore, #tpu.memory_space<semaphore_mem>>)
          %dma_wait3A_200 = arith.constant 0 : i32
          %dma_wait3A_201 = tpu.memref_slice %arg3[%add3A_174, %dma_wait3A_200] : memref<2624x128xi32, #tpu.memory_space<hbm>> -> memref<1x128xi32, #tpu.memory_space<hbm>>
          %dma_wait3A_202 = tpu.memref_squeeze %dma_wait3A_201 : memref<1x128xi32, #tpu.memory_space<hbm>> -> memref<128xi32, #tpu.memory_space<hbm>>
          %dma_wait3A_203 = arith.constant 0 : i32
          %dma_wait3A_204 = tpu.memref_slice %arg3[%add3A_174, %dma_wait3A_203] : memref<2624x128xi32, #tpu.memory_space<hbm>> -> memref<1x128xi32, #tpu.memory_space<hbm>>
          %dma_wait3A_205 = tpu.memref_squeeze %dma_wait3A_204 : memref<1x128xi32, #tpu.memory_space<hbm>> -> memref<128xi32, #tpu.memory_space<hbm>>
          tpu.wait_dma2 semaphore(%run_scoped3A : memref<!tpu.dma_semaphore, #tpu.memory_space<semaphore_mem>>) src(%dma_wait3A_205 : memref<128xi32, #tpu.memory_space<hbm>>) dst(%arg7 : memref<128xi32, #tpu.memory_space<vmem>>)
          tpu.yield
        }) : () -> ()
        "tpu.region"() ({
          %run_scoped3A = tpu.sem_alloc : memref<!tpu.dma_semaphore, #tpu.memory_space<semaphore_mem>>
          %dma_start3A_194 = arith.constant 0 : i32
          %dma_start3A_195 = arith.constant 0 : i32
          %dma_start3A_196 = tpu.memref_slice %arg11[%dma_start3A_194, %dma_start3A_195] : memref<10240x128xf32, #tpu.memory_space<vmem_shared>> -> memref<10240x128xf32, #tpu.memory_space<vmem_shared>>
          tpu.enqueue_indirect_dma source(%arg9 : memref<128x128xf32, #tpu.memory_space<vmem>>) target(%dma_start3A_196 : memref<10240x128xf32, #tpu.memory_space<vmem_shared>>) offsets(%arg7 : memref<128xi32, #tpu.memory_space<vmem>>) semaphore(%run_scoped3A : memref<!tpu.dma_semaphore, #tpu.memory_space<semaphore_mem>>) {add = true}
          %dma_wait3A_197 = arith.constant 0 : i32
          %dma_wait3A_198 = arith.constant 0 : i32
          %dma_wait3A_199 = tpu.memref_slice %arg11[%dma_wait3A_197, %dma_wait3A_198] : memref<10240x128xf32, #tpu.memory_space<vmem_shared>> -> memref<10240x128xf32, #tpu.memory_space<vmem_shared>>
          tpu.wait_indirect_dma semaphore(%run_scoped3A : memref<!tpu.dma_semaphore, #tpu.memory_space<semaphore_mem>>) src(%arg9 : memref<128x128xf32, #tpu.memory_space<vmem>>) dst(%dma_wait3A_199 : memref<10240x128xf32, #tpu.memory_space<vmem_shared>>)
          tpu.yield
        }) : () -> ()
        %add3A_175 = arith.constant 2 : i32
        %add3A_176 = arith.addi %add3A_159, %add3A_175 : i32
        %dma_start3A_177 = arith.constant 0 : i32
        %dma_start3A_178 = tpu.memref_slice %arg6[%add3A_176, %dma_start3A_177] : memref<82x128xi32, #tpu.memory_space<vmem>> -> memref<1x128xi32, #tpu.memory_space<vmem>>
        %dma_start3A_179 = tpu.memref_squeeze %dma_start3A_178 : memref<1x128xi32, #tpu.memory_space<vmem>> -> memref<128xi32, #tpu.memory_space<vmem>>
        %dma_start3A_180 = arith.constant 0 : i32
        %dma_start3A_181 = arith.constant 0 : i32
        %dma_start3A_182 = tpu.memref_slice %arg4[%dma_start3A_180, %dma_start3A_181] : memref<10000x128xf32, #tpu.memory_space<hbm>> -> memref<10000x128xf32, #tpu.memory_space<hbm>>
        tpu.enqueue_indirect_dma source(%dma_start3A_182 : memref<10000x128xf32, #tpu.memory_space<hbm>>) target(%arg9 : memref<128x128xf32, #tpu.memory_space<vmem>>) offsets(%dma_start3A_179 : memref<128xi32, #tpu.memory_space<vmem>>) semaphore(%arg12 : memref<!tpu.dma_semaphore, #tpu.memory_space<semaphore_mem>>)
        %add3A_183 = arith.constant 1 : i32
        %add3A_184 = arith.addi %add3A_159, %add3A_183 : i32
        %dma_wait3A_185 = arith.constant 0 : i32
        %dma_wait3A_186 = tpu.memref_slice %arg6[%add3A_184, %dma_wait3A_185] : memref<82x128xi32, #tpu.memory_space<vmem>> -> memref<1x128xi32, #tpu.memory_space<vmem>>
        %dma_wait3A_187 = tpu.memref_squeeze %dma_wait3A_186 : memref<1x128xi32, #tpu.memory_space<vmem>> -> memref<128xi32, #tpu.memory_space<vmem>>
        %dma_wait3A_188 = arith.constant 0 : i32
        %dma_wait3A_189 = arith.constant 0 : i32
        %dma_wait3A_190 = tpu.memref_slice %arg4[%dma_wait3A_188, %dma_wait3A_189] : memref<10000x128xf32, #tpu.memory_space<hbm>> -> memref<10000x128xf32, #tpu.memory_space<hbm>>
        tpu.wait_indirect_dma semaphore(%arg13 : memref<!tpu.dma_semaphore, #tpu.memory_space<semaphore_mem>>) src(%dma_wait3A_190 : memref<10000x128xf32, #tpu.memory_space<hbm>>) dst(%arg10 : memref<128x128xf32, #tpu.memory_space<vmem>>)
        %add3A_191 = arith.addi %add3A_73, %add3A_159 : i32
        %add3A_192 = arith.constant 1 : i32
        %add3A_193 = arith.addi %add3A_191, %add3A_192 : i32
        "tpu.region"() ({
          %run_scoped3A = tpu.sem_alloc : memref<!tpu.dma_semaphore, #tpu.memory_space<semaphore_mem>>
          %dma_start3A_194 = arith.constant 0 : i32
          %dma_start3A_195 = tpu.memref_slice %arg3[%add3A_193, %dma_start3A_194] : memref<2624x128xi32, #tpu.memory_space<hbm>> -> memref<1x128xi32, #tpu.memory_space<hbm>>
          %dma_start3A_196 = tpu.memref_squeeze %dma_start3A_195 : memref<1x128xi32, #tpu.memory_space<hbm>> -> memref<128xi32, #tpu.memory_space<hbm>>
          %dma_start3A_197 = arith.constant 0 : i32
          %dma_start3A_198 = tpu.memref_slice %arg3[%add3A_193, %dma_start3A_197] : memref<2624x128xi32, #tpu.memory_space<hbm>> -> memref<1x128xi32, #tpu.memory_space<hbm>>
          %dma_start3A_199 = tpu.memref_squeeze %dma_start3A_198 : memref<1x128xi32, #tpu.memory_space<hbm>> -> memref<128xi32, #tpu.memory_space<hbm>>
          tpu.enqueue_dma source(%dma_start3A_199 : memref<128xi32, #tpu.memory_space<hbm>>) target(%arg8 : memref<128xi32, #tpu.memory_space<vmem>>) target_semaphore(%run_scoped3A : memref<!tpu.dma_semaphore, #tpu.memory_space<semaphore_mem>>)
          %dma_wait3A_200 = arith.constant 0 : i32
          %dma_wait3A_201 = tpu.memref_slice %arg3[%add3A_193, %dma_wait3A_200] : memref<2624x128xi32, #tpu.memory_space<hbm>> -> memref<1x128xi32, #tpu.memory_space<hbm>>
          %dma_wait3A_202 = tpu.memref_squeeze %dma_wait3A_201 : memref<1x128xi32, #tpu.memory_space<hbm>> -> memref<128xi32, #tpu.memory_space<hbm>>
          %dma_wait3A_203 = arith.constant 0 : i32
          %dma_wait3A_204 = tpu.memref_slice %arg3[%add3A_193, %dma_wait3A_203] : memref<2624x128xi32, #tpu.memory_space<hbm>> -> memref<1x128xi32, #tpu.memory_space<hbm>>
          %dma_wait3A_205 = tpu.memref_squeeze %dma_wait3A_204 : memref<1x128xi32, #tpu.memory_space<hbm>> -> memref<128xi32, #tpu.memory_space<hbm>>
          tpu.wait_dma2 semaphore(%run_scoped3A : memref<!tpu.dma_semaphore, #tpu.memory_space<semaphore_mem>>) src(%dma_wait3A_205 : memref<128xi32, #tpu.memory_space<hbm>>) dst(%arg8 : memref<128xi32, #tpu.memory_space<vmem>>)
          tpu.yield
        }) : () -> ()
        "tpu.region"() ({
          %run_scoped3A = tpu.sem_alloc : memref<!tpu.dma_semaphore, #tpu.memory_space<semaphore_mem>>
          %dma_start3A_194 = arith.constant 0 : i32
          %dma_start3A_195 = arith.constant 0 : i32
          %dma_start3A_196 = tpu.memref_slice %arg11[%dma_start3A_194, %dma_start3A_195] : memref<10240x128xf32, #tpu.memory_space<vmem_shared>> -> memref<10240x128xf32, #tpu.memory_space<vmem_shared>>
          tpu.enqueue_indirect_dma source(%arg10 : memref<128x128xf32, #tpu.memory_space<vmem>>) target(%dma_start3A_196 : memref<10240x128xf32, #tpu.memory_space<vmem_shared>>) offsets(%arg8 : memref<128xi32, #tpu.memory_space<vmem>>) semaphore(%run_scoped3A : memref<!tpu.dma_semaphore, #tpu.memory_space<semaphore_mem>>) {add = true}
          %dma_wait3A_197 = arith.constant 0 : i32
          %dma_wait3A_198 = arith.constant 0 : i32
          %dma_wait3A_199 = tpu.memref_slice %arg11[%dma_wait3A_197, %dma_wait3A_198] : memref<10240x128xf32, #tpu.memory_space<vmem_shared>> -> memref<10240x128xf32, #tpu.memory_space<vmem_shared>>
          tpu.wait_indirect_dma semaphore(%run_scoped3A : memref<!tpu.dma_semaphore, #tpu.memory_space<semaphore_mem>>) src(%arg10 : memref<128x128xf32, #tpu.memory_space<vmem>>) dst(%dma_wait3A_199 : memref<10240x128xf32, #tpu.memory_space<vmem_shared>>)
          tpu.yield
        }) : () -> ()
      }
      %scan3A_84 = arith.constant 40 : i32
      %dma_start3A_85 = arith.constant 81 : i32
      %dma_start3A_86 = arith.constant 0 : i32
      %dma_start3A_87 = tpu.memref_slice %arg6[%dma_start3A_85, %dma_start3A_86] : memref<82x128xi32, #tpu.memory_space<vmem>> -> memref<1x128xi32, #tpu.memory_space<vmem>>
      %dma_start3A_88 = tpu.memref_squeeze %dma_start3A_87 : memref<1x128xi32, #tpu.memory_space<vmem>> -> memref<128xi32, #tpu.memory_space<vmem>>
      %dma_start3A_89 = arith.constant 0 : i32
      %dma_start3A_90 = arith.constant 0 : i32
      %dma_start3A_91 = tpu.memref_slice %arg4[%dma_start3A_89, %dma_start3A_90] : memref<10000x128xf32, #tpu.memory_space<hbm>> -> memref<10000x128xf32, #tpu.memory_space<hbm>>
      tpu.enqueue_indirect_dma source(%dma_start3A_91 : memref<10000x128xf32, #tpu.memory_space<hbm>>) target(%arg10 : memref<128x128xf32, #tpu.memory_space<vmem>>) offsets(%dma_start3A_88 : memref<128xi32, #tpu.memory_space<vmem>>) semaphore(%arg13 : memref<!tpu.dma_semaphore, #tpu.memory_space<semaphore_mem>>)
      %dma_wait3A = arith.constant 80 : i32
      %dma_wait3A_92 = arith.constant 0 : i32
      %dma_wait3A_93 = tpu.memref_slice %arg6[%dma_wait3A, %dma_wait3A_92] : memref<82x128xi32, #tpu.memory_space<vmem>> -> memref<1x128xi32, #tpu.memory_space<vmem>>
      %dma_wait3A_94 = tpu.memref_squeeze %dma_wait3A_93 : memref<1x128xi32, #tpu.memory_space<vmem>> -> memref<128xi32, #tpu.memory_space<vmem>>
      %dma_wait3A_95 = arith.constant 0 : i32
      %dma_wait3A_96 = arith.constant 0 : i32
      %dma_wait3A_97 = tpu.memref_slice %arg4[%dma_wait3A_95, %dma_wait3A_96] : memref<10000x128xf32, #tpu.memory_space<hbm>> -> memref<10000x128xf32, #tpu.memory_space<hbm>>
      tpu.wait_indirect_dma semaphore(%arg12 : memref<!tpu.dma_semaphore, #tpu.memory_space<semaphore_mem>>) src(%dma_wait3A_97 : memref<10000x128xf32, #tpu.memory_space<hbm>>) dst(%arg9 : memref<128x128xf32, #tpu.memory_space<vmem>>)
      %add3A_98 = arith.constant 82 : i32
      %add3A_99 = arith.addi %add3A_73, %add3A_98 : i32
      %sub3A = arith.constant 2 : i32
      %sub3A_100 = arith.subi %add3A_99, %sub3A : i32
      "tpu.region"() ({
        %run_scoped3A = tpu.sem_alloc : memref<!tpu.dma_semaphore, #tpu.memory_space<semaphore_mem>>
        %dma_start3A_155 = arith.constant 0 : i32
        %dma_start3A_156 = tpu.memref_slice %arg3[%sub3A_100, %dma_start3A_155] : memref<2624x128xi32, #tpu.memory_space<hbm>> -> memref<1x128xi32, #tpu.memory_space<hbm>>
        %dma_start3A_157 = tpu.memref_squeeze %dma_start3A_156 : memref<1x128xi32, #tpu.memory_space<hbm>> -> memref<128xi32, #tpu.memory_space<hbm>>
        %dma_start3A_158 = arith.constant 0 : i32
        %dma_start3A_159 = tpu.memref_slice %arg3[%sub3A_100, %dma_start3A_158] : memref<2624x128xi32, #tpu.memory_space<hbm>> -> memref<1x128xi32, #tpu.memory_space<hbm>>
        %dma_start3A_160 = tpu.memref_squeeze %dma_start3A_159 : memref<1x128xi32, #tpu.memory_space<hbm>> -> memref<128xi32, #tpu.memory_space<hbm>>
        tpu.enqueue_dma source(%dma_start3A_160 : memref<128xi32, #tpu.memory_space<hbm>>) target(%arg7 : memref<128xi32, #tpu.memory_space<vmem>>) target_semaphore(%run_scoped3A : memref<!tpu.dma_semaphore, #tpu.memory_space<semaphore_mem>>)
        %dma_wait3A_161 = arith.constant 0 : i32
        %dma_wait3A_162 = tpu.memref_slice %arg3[%sub3A_100, %dma_wait3A_161] : memref<2624x128xi32, #tpu.memory_space<hbm>> -> memref<1x128xi32, #tpu.memory_space<hbm>>
        %dma_wait3A_163 = tpu.memref_squeeze %dma_wait3A_162 : memref<1x128xi32, #tpu.memory_space<hbm>> -> memref<128xi32, #tpu.memory_space<hbm>>
        %dma_wait3A_164 = arith.constant 0 : i32
        %dma_wait3A_165 = tpu.memref_slice %arg3[%sub3A_100, %dma_wait3A_164] : memref<2624x128xi32, #tpu.memory_space<hbm>> -> memref<1x128xi32, #tpu.memory_space<hbm>>
        %dma_wait3A_166 = tpu.memref_squeeze %dma_wait3A_165 : memref<1x128xi32, #tpu.memory_space<hbm>> -> memref<128xi32, #tpu.memory_space<hbm>>
        tpu.wait_dma2 semaphore(%run_scoped3A : memref<!tpu.dma_semaphore, #tpu.memory_space<semaphore_mem>>) src(%dma_wait3A_166 : memref<128xi32, #tpu.memory_space<hbm>>) dst(%arg7 : memref<128xi32, #tpu.memory_space<vmem>>)
        tpu.yield
      }) : () -> ()
      "tpu.region"() ({
        %run_scoped3A = tpu.sem_alloc : memref<!tpu.dma_semaphore, #tpu.memory_space<semaphore_mem>>
        %dma_start3A_155 = arith.constant 0 : i32
        %dma_start3A_156 = arith.constant 0 : i32
        %dma_start3A_157 = tpu.memref_slice %arg11[%dma_start3A_155, %dma_start3A_156] : memref<10240x128xf32, #tpu.memory_space<vmem_shared>> -> memref<10240x128xf32, #tpu.memory_space<vmem_shared>>
        tpu.enqueue_indirect_dma source(%arg9 : memref<128x128xf32, #tpu.memory_space<vmem>>) target(%dma_start3A_157 : memref<10240x128xf32, #tpu.memory_space<vmem_shared>>) offsets(%arg7 : memref<128xi32, #tpu.memory_space<vmem>>) semaphore(%run_scoped3A : memref<!tpu.dma_semaphore, #tpu.memory_space<semaphore_mem>>) {add = true}
        %dma_wait3A_158 = arith.constant 0 : i32
        %dma_wait3A_159 = arith.constant 0 : i32
        %dma_wait3A_160 = tpu.memref_slice %arg11[%dma_wait3A_158, %dma_wait3A_159] : memref<10240x128xf32, #tpu.memory_space<vmem_shared>> -> memref<10240x128xf32, #tpu.memory_space<vmem_shared>>
        tpu.wait_indirect_dma semaphore(%run_scoped3A : memref<!tpu.dma_semaphore, #tpu.memory_space<semaphore_mem>>) src(%arg9 : memref<128x128xf32, #tpu.memory_space<vmem>>) dst(%dma_wait3A_160 : memref<10240x128xf32, #tpu.memory_space<vmem_shared>>)
        tpu.yield
      }) : () -> ()
      %dma_wait3A_101 = arith.constant 81 : i32
      %dma_wait3A_102 = arith.constant 0 : i32
      %dma_wait3A_103 = tpu.memref_slice %arg6[%dma_wait3A_101, %dma_wait3A_102] : memref<82x128xi32, #tpu.memory_space<vmem>> -> memref<1x128xi32, #tpu.memory_space<vmem>>
      %dma_wait3A_104 = tpu.memref_squeeze %dma_wait3A_103 : memref<1x128xi32, #tpu.memory_space<vmem>> -> memref<128xi32, #tpu.memory_space<vmem>>
      %dma_wait3A_105 = arith.constant 0 : i32
      %dma_wait3A_106 = arith.constant 0 : i32
      %dma_wait3A_107 = tpu.memref_slice %arg4[%dma_wait3A_105, %dma_wait3A_106] : memref<10000x128xf32, #tpu.memory_space<hbm>> -> memref<10000x128xf32, #tpu.memory_space<hbm>>
      tpu.wait_indirect_dma semaphore(%arg13 : memref<!tpu.dma_semaphore, #tpu.memory_space<semaphore_mem>>) src(%dma_wait3A_107 : memref<10000x128xf32, #tpu.memory_space<hbm>>) dst(%arg10 : memref<128x128xf32, #tpu.memory_space<vmem>>)
      %add3A_108 = arith.constant 82 : i32
      %add3A_109 = arith.addi %add3A_73, %add3A_108 : i32
      %sub3A_110 = arith.constant 1 : i32
      %sub3A_111 = arith.subi %add3A_109, %sub3A_110 : i32
      "tpu.region"() ({
        %run_scoped3A = tpu.sem_alloc : memref<!tpu.dma_semaphore, #tpu.memory_space<semaphore_mem>>
        %dma_start3A_155 = arith.constant 0 : i32
        %dma_start3A_156 = tpu.memref_slice %arg3[%sub3A_111, %dma_start3A_155] : memref<2624x128xi32, #tpu.memory_space<hbm>> -> memref<1x128xi32, #tpu.memory_space<hbm>>
        %dma_start3A_157 = tpu.memref_squeeze %dma_start3A_156 : memref<1x128xi32, #tpu.memory_space<hbm>> -> memref<128xi32, #tpu.memory_space<hbm>>
        %dma_start3A_158 = arith.constant 0 : i32
        %dma_start3A_159 = tpu.memref_slice %arg3[%sub3A_111, %dma_start3A_158] : memref<2624x128xi32, #tpu.memory_space<hbm>> -> memref<1x128xi32, #tpu.memory_space<hbm>>
        %dma_start3A_160 = tpu.memref_squeeze %dma_start3A_159 : memref<1x128xi32, #tpu.memory_space<hbm>> -> memref<128xi32, #tpu.memory_space<hbm>>
        tpu.enqueue_dma source(%dma_start3A_160 : memref<128xi32, #tpu.memory_space<hbm>>) target(%arg8 : memref<128xi32, #tpu.memory_space<vmem>>) target_semaphore(%run_scoped3A : memref<!tpu.dma_semaphore, #tpu.memory_space<semaphore_mem>>)
        %dma_wait3A_161 = arith.constant 0 : i32
        %dma_wait3A_162 = tpu.memref_slice %arg3[%sub3A_111, %dma_wait3A_161] : memref<2624x128xi32, #tpu.memory_space<hbm>> -> memref<1x128xi32, #tpu.memory_space<hbm>>
        %dma_wait3A_163 = tpu.memref_squeeze %dma_wait3A_162 : memref<1x128xi32, #tpu.memory_space<hbm>> -> memref<128xi32, #tpu.memory_space<hbm>>
        %dma_wait3A_164 = arith.constant 0 : i32
        %dma_wait3A_165 = tpu.memref_slice %arg3[%sub3A_111, %dma_wait3A_164] : memref<2624x128xi32, #tpu.memory_space<hbm>> -> memref<1x128xi32, #tpu.memory_space<hbm>>
        %dma_wait3A_166 = tpu.memref_squeeze %dma_wait3A_165 : memref<1x128xi32, #tpu.memory_space<hbm>> -> memref<128xi32, #tpu.memory_space<hbm>>
        tpu.wait_dma2 semaphore(%run_scoped3A : memref<!tpu.dma_semaphore, #tpu.memory_space<semaphore_mem>>) src(%dma_wait3A_166 : memref<128xi32, #tpu.memory_space<hbm>>) dst(%arg8 : memref<128xi32, #tpu.memory_space<vmem>>)
        tpu.yield
      }) : () -> ()
      "tpu.region"() ({
        %run_scoped3A = tpu.sem_alloc : memref<!tpu.dma_semaphore, #tpu.memory_space<semaphore_mem>>
        %dma_start3A_155 = arith.constant 0 : i32
        %dma_start3A_156 = arith.constant 0 : i32
        %dma_start3A_157 = tpu.memref_slice %arg11[%dma_start3A_155, %dma_start3A_156] : memref<10240x128xf32, #tpu.memory_space<vmem_shared>> -> memref<10240x128xf32, #tpu.memory_space<vmem_shared>>
        tpu.enqueue_indirect_dma source(%arg10 : memref<128x128xf32, #tpu.memory_space<vmem>>) target(%dma_start3A_157 : memref<10240x128xf32, #tpu.memory_space<vmem_shared>>) offsets(%arg8 : memref<128xi32, #tpu.memory_space<vmem>>) semaphore(%run_scoped3A : memref<!tpu.dma_semaphore, #tpu.memory_space<semaphore_mem>>) {add = true}
        %dma_wait3A_158 = arith.constant 0 : i32
        %dma_wait3A_159 = arith.constant 0 : i32
        %dma_wait3A_160 = tpu.memref_slice %arg11[%dma_wait3A_158, %dma_wait3A_159] : memref<10240x128xf32, #tpu.memory_space<vmem_shared>> -> memref<10240x128xf32, #tpu.memory_space<vmem_shared>>
        tpu.wait_indirect_dma semaphore(%run_scoped3A : memref<!tpu.dma_semaphore, #tpu.memory_space<semaphore_mem>>) src(%arg10 : memref<128x128xf32, #tpu.memory_space<vmem>>) dst(%dma_wait3A_160 : memref<10240x128xf32, #tpu.memory_space<vmem_shared>>)
        tpu.yield
      }) : () -> ()
      %add3A_112 = arith.constant 82 : i32
      %add3A_113 = arith.addi %mul3A_71, %add3A_112 : i32
      "tpu.region"() ({
        %run_scoped3A = tpu.sem_alloc : memref<!tpu.dma_semaphore, #tpu.memory_space<semaphore_mem>>
        %dma_start3A_155 = arith.constant 0 : i32
        %dma_start3A_156 = arith.constant 0 : i32
        %dma_start3A_157 = tpu.memref_slice %arg6[%dma_start3A_155, %dma_start3A_156] : memref<82x128xi32, #tpu.memory_space<vmem>> -> memref<64x128xi32, #tpu.memory_space<vmem>>
        %dma_start3A_158 = arith.constant 0 : i32
        %dma_start3A_159 = tpu.memref_slice %arg2[%add3A_113, %dma_start3A_158] : memref<2624x128xi32, #tpu.memory_space<hbm>> -> memref<64x128xi32, #tpu.memory_space<hbm>>
        %dma_start3A_160 = arith.constant 0 : i32
        %dma_start3A_161 = arith.constant 0 : i32
        %dma_start3A_162 = tpu.memref_slice %arg6[%dma_start3A_160, %dma_start3A_161] : memref<82x128xi32, #tpu.memory_space<vmem>> -> memref<64x128xi32, #tpu.memory_space<vmem>>
        %dma_start3A_163 = arith.constant 0 : i32
        %dma_start3A_164 = tpu.memref_slice %arg2[%add3A_113, %dma_start3A_163] : memref<2624x128xi32, #tpu.memory_space<hbm>> -> memref<64x128xi32, #tpu.memory_space<hbm>>
        tpu.enqueue_dma source(%dma_start3A_164 : memref<64x128xi32, #tpu.memory_space<hbm>>) target(%dma_start3A_162 : memref<64x128xi32, #tpu.memory_space<vmem>>) target_semaphore(%run_scoped3A : memref<!tpu.dma_semaphore, #tpu.memory_space<semaphore_mem>>)
        %dma_wait3A_165 = arith.constant 0 : i32
        %dma_wait3A_166 = arith.constant 0 : i32
        %dma_wait3A_167 = tpu.memref_slice %arg6[%dma_wait3A_165, %dma_wait3A_166] : memref<82x128xi32, #tpu.memory_space<vmem>> -> memref<64x128xi32, #tpu.memory_space<vmem>>
        %dma_wait3A_168 = arith.constant 0 : i32
        %dma_wait3A_169 = tpu.memref_slice %arg2[%add3A_113, %dma_wait3A_168] : memref<2624x128xi32, #tpu.memory_space<hbm>> -> memref<64x128xi32, #tpu.memory_space<hbm>>
        %dma_wait3A_170 = arith.constant 0 : i32
        %dma_wait3A_171 = arith.constant 0 : i32
        %dma_wait3A_172 = tpu.memref_slice %arg6[%dma_wait3A_170, %dma_wait3A_171] : memref<82x128xi32, #tpu.memory_space<vmem>> -> memref<64x128xi32, #tpu.memory_space<vmem>>
        %dma_wait3A_173 = arith.constant 0 : i32
        %dma_wait3A_174 = tpu.memref_slice %arg2[%add3A_113, %dma_wait3A_173] : memref<2624x128xi32, #tpu.memory_space<hbm>> -> memref<64x128xi32, #tpu.memory_space<hbm>>
        tpu.wait_dma2 semaphore(%run_scoped3A : memref<!tpu.dma_semaphore, #tpu.memory_space<semaphore_mem>>) src(%dma_wait3A_174 : memref<64x128xi32, #tpu.memory_space<hbm>>) dst(%dma_wait3A_172 : memref<64x128xi32, #tpu.memory_space<vmem>>)
        tpu.yield
      }) : () -> ()
      %dma_start3A_114 = arith.constant 0 : i32
      %dma_start3A_115 = arith.constant 0 : i32
      %dma_start3A_116 = tpu.memref_slice %arg6[%dma_start3A_114, %dma_start3A_115] : memref<82x128xi32, #tpu.memory_space<vmem>> -> memref<1x128xi32, #tpu.memory_space<vmem>>
      %dma_start3A_117 = tpu.memref_squeeze %dma_start3A_116 : memref<1x128xi32, #tpu.memory_space<vmem>> -> memref<128xi32, #tpu.memory_space<vmem>>
      %dma_start3A_118 = arith.constant 0 : i32
      %dma_start3A_119 = arith.constant 0 : i32
      %dma_start3A_120 = tpu.memref_slice %arg4[%dma_start3A_118, %dma_start3A_119] : memref<10000x128xf32, #tpu.memory_space<hbm>> -> memref<10000x128xf32, #tpu.memory_space<hbm>>
      tpu.enqueue_indirect_dma source(%dma_start3A_120 : memref<10000x128xf32, #tpu.memory_space<hbm>>) target(%arg9 : memref<128x128xf32, #tpu.memory_space<vmem>>) offsets(%dma_start3A_117 : memref<128xi32, #tpu.memory_space<vmem>>) semaphore(%arg12 : memref<!tpu.dma_semaphore, #tpu.memory_space<semaphore_mem>>)
      %scan3A_121 = arith.constant 0 : i32
      %scan3A_122 = arith.constant 31 : i32
      %scan3A_123 = arith.addi %scan3A_121, %scan3A_122 : i32
      %scan3A_124 = arith.constant 1 : i32
      scf.for %scan3A_155 = %scan3A_121 to %scan3A_123 step %scan3A_124  : i32 {
        %mul3A_156 = arith.constant 2 : i32
        %mul3A_157 = arith.muli %scan3A_155, %mul3A_156 : i32
        %add3A_158 = arith.constant 0 : i32
        %add3A_159 = arith.addi %add3A_158, %mul3A_157 : i32
        %add3A_160 = arith.constant 1 : i32
        %add3A_161 = arith.addi %add3A_159, %add3A_160 : i32
        %dma_start3A_162 = arith.constant 0 : i32
        %dma_start3A_163 = tpu.memref_slice %arg6[%add3A_161, %dma_start3A_162] : memref<82x128xi32, #tpu.memory_space<vmem>> -> memref<1x128xi32, #tpu.memory_space<vmem>>
        %dma_start3A_164 = tpu.memref_squeeze %dma_start3A_163 : memref<1x128xi32, #tpu.memory_space<vmem>> -> memref<128xi32, #tpu.memory_space<vmem>>
        %dma_start3A_165 = arith.constant 0 : i32
        %dma_start3A_166 = arith.constant 0 : i32
        %dma_start3A_167 = tpu.memref_slice %arg4[%dma_start3A_165, %dma_start3A_166] : memref<10000x128xf32, #tpu.memory_space<hbm>> -> memref<10000x128xf32, #tpu.memory_space<hbm>>
        tpu.enqueue_indirect_dma source(%dma_start3A_167 : memref<10000x128xf32, #tpu.memory_space<hbm>>) target(%arg10 : memref<128x128xf32, #tpu.memory_space<vmem>>) offsets(%dma_start3A_164 : memref<128xi32, #tpu.memory_space<vmem>>) semaphore(%arg13 : memref<!tpu.dma_semaphore, #tpu.memory_space<semaphore_mem>>)
        %dma_wait3A_168 = arith.constant 0 : i32
        %dma_wait3A_169 = tpu.memref_slice %arg6[%add3A_159, %dma_wait3A_168] : memref<82x128xi32, #tpu.memory_space<vmem>> -> memref<1x128xi32, #tpu.memory_space<vmem>>
        %dma_wait3A_170 = tpu.memref_squeeze %dma_wait3A_169 : memref<1x128xi32, #tpu.memory_space<vmem>> -> memref<128xi32, #tpu.memory_space<vmem>>
        %dma_wait3A_171 = arith.constant 0 : i32
        %dma_wait3A_172 = arith.constant 0 : i32
        %dma_wait3A_173 = tpu.memref_slice %arg4[%dma_wait3A_171, %dma_wait3A_172] : memref<10000x128xf32, #tpu.memory_space<hbm>> -> memref<10000x128xf32, #tpu.memory_space<hbm>>
        tpu.wait_indirect_dma semaphore(%arg12 : memref<!tpu.dma_semaphore, #tpu.memory_space<semaphore_mem>>) src(%dma_wait3A_173 : memref<10000x128xf32, #tpu.memory_space<hbm>>) dst(%arg9 : memref<128x128xf32, #tpu.memory_space<vmem>>)
        %add3A_174 = arith.addi %add3A_113, %add3A_159 : i32
        "tpu.region"() ({
          %run_scoped3A = tpu.sem_alloc : memref<!tpu.dma_semaphore, #tpu.memory_space<semaphore_mem>>
          %dma_start3A_194 = arith.constant 0 : i32
          %dma_start3A_195 = tpu.memref_slice %arg3[%add3A_174, %dma_start3A_194] : memref<2624x128xi32, #tpu.memory_space<hbm>> -> memref<1x128xi32, #tpu.memory_space<hbm>>
          %dma_start3A_196 = tpu.memref_squeeze %dma_start3A_195 : memref<1x128xi32, #tpu.memory_space<hbm>> -> memref<128xi32, #tpu.memory_space<hbm>>
          %dma_start3A_197 = arith.constant 0 : i32
          %dma_start3A_198 = tpu.memref_slice %arg3[%add3A_174, %dma_start3A_197] : memref<2624x128xi32, #tpu.memory_space<hbm>> -> memref<1x128xi32, #tpu.memory_space<hbm>>
          %dma_start3A_199 = tpu.memref_squeeze %dma_start3A_198 : memref<1x128xi32, #tpu.memory_space<hbm>> -> memref<128xi32, #tpu.memory_space<hbm>>
          tpu.enqueue_dma source(%dma_start3A_199 : memref<128xi32, #tpu.memory_space<hbm>>) target(%arg7 : memref<128xi32, #tpu.memory_space<vmem>>) target_semaphore(%run_scoped3A : memref<!tpu.dma_semaphore, #tpu.memory_space<semaphore_mem>>)
          %dma_wait3A_200 = arith.constant 0 : i32
          %dma_wait3A_201 = tpu.memref_slice %arg3[%add3A_174, %dma_wait3A_200] : memref<2624x128xi32, #tpu.memory_space<hbm>> -> memref<1x128xi32, #tpu.memory_space<hbm>>
          %dma_wait3A_202 = tpu.memref_squeeze %dma_wait3A_201 : memref<1x128xi32, #tpu.memory_space<hbm>> -> memref<128xi32, #tpu.memory_space<hbm>>
          %dma_wait3A_203 = arith.constant 0 : i32
          %dma_wait3A_204 = tpu.memref_slice %arg3[%add3A_174, %dma_wait3A_203] : memref<2624x128xi32, #tpu.memory_space<hbm>> -> memref<1x128xi32, #tpu.memory_space<hbm>>
          %dma_wait3A_205 = tpu.memref_squeeze %dma_wait3A_204 : memref<1x128xi32, #tpu.memory_space<hbm>> -> memref<128xi32, #tpu.memory_space<hbm>>
          tpu.wait_dma2 semaphore(%run_scoped3A : memref<!tpu.dma_semaphore, #tpu.memory_space<semaphore_mem>>) src(%dma_wait3A_205 : memref<128xi32, #tpu.memory_space<hbm>>) dst(%arg7 : memref<128xi32, #tpu.memory_space<vmem>>)
          tpu.yield
        }) : () -> ()
        "tpu.region"() ({
          %run_scoped3A = tpu.sem_alloc : memref<!tpu.dma_semaphore, #tpu.memory_space<semaphore_mem>>
          %dma_start3A_194 = arith.constant 0 : i32
          %dma_start3A_195 = arith.constant 0 : i32
          %dma_start3A_196 = tpu.memref_slice %arg11[%dma_start3A_194, %dma_start3A_195] : memref<10240x128xf32, #tpu.memory_space<vmem_shared>> -> memref<10240x128xf32, #tpu.memory_space<vmem_shared>>
          tpu.enqueue_indirect_dma source(%arg9 : memref<128x128xf32, #tpu.memory_space<vmem>>) target(%dma_start3A_196 : memref<10240x128xf32, #tpu.memory_space<vmem_shared>>) offsets(%arg7 : memref<128xi32, #tpu.memory_space<vmem>>) semaphore(%run_scoped3A : memref<!tpu.dma_semaphore, #tpu.memory_space<semaphore_mem>>) {add = true}
          %dma_wait3A_197 = arith.constant 0 : i32
          %dma_wait3A_198 = arith.constant 0 : i32
          %dma_wait3A_199 = tpu.memref_slice %arg11[%dma_wait3A_197, %dma_wait3A_198] : memref<10240x128xf32, #tpu.memory_space<vmem_shared>> -> memref<10240x128xf32, #tpu.memory_space<vmem_shared>>
          tpu.wait_indirect_dma semaphore(%run_scoped3A : memref<!tpu.dma_semaphore, #tpu.memory_space<semaphore_mem>>) src(%arg9 : memref<128x128xf32, #tpu.memory_space<vmem>>) dst(%dma_wait3A_199 : memref<10240x128xf32, #tpu.memory_space<vmem_shared>>)
          tpu.yield
        }) : () -> ()
        %add3A_175 = arith.constant 2 : i32
        %add3A_176 = arith.addi %add3A_159, %add3A_175 : i32
        %dma_start3A_177 = arith.constant 0 : i32
        %dma_start3A_178 = tpu.memref_slice %arg6[%add3A_176, %dma_start3A_177] : memref<82x128xi32, #tpu.memory_space<vmem>> -> memref<1x128xi32, #tpu.memory_space<vmem>>
        %dma_start3A_179 = tpu.memref_squeeze %dma_start3A_178 : memref<1x128xi32, #tpu.memory_space<vmem>> -> memref<128xi32, #tpu.memory_space<vmem>>
        %dma_start3A_180 = arith.constant 0 : i32
        %dma_start3A_181 = arith.constant 0 : i32
        %dma_start3A_182 = tpu.memref_slice %arg4[%dma_start3A_180, %dma_start3A_181] : memref<10000x128xf32, #tpu.memory_space<hbm>> -> memref<10000x128xf32, #tpu.memory_space<hbm>>
        tpu.enqueue_indirect_dma source(%dma_start3A_182 : memref<10000x128xf32, #tpu.memory_space<hbm>>) target(%arg9 : memref<128x128xf32, #tpu.memory_space<vmem>>) offsets(%dma_start3A_179 : memref<128xi32, #tpu.memory_space<vmem>>) semaphore(%arg12 : memref<!tpu.dma_semaphore, #tpu.memory_space<semaphore_mem>>)
        %add3A_183 = arith.constant 1 : i32
        %add3A_184 = arith.addi %add3A_159, %add3A_183 : i32
        %dma_wait3A_185 = arith.constant 0 : i32
        %dma_wait3A_186 = tpu.memref_slice %arg6[%add3A_184, %dma_wait3A_185] : memref<82x128xi32, #tpu.memory_space<vmem>> -> memref<1x128xi32, #tpu.memory_space<vmem>>
        %dma_wait3A_187 = tpu.memref_squeeze %dma_wait3A_186 : memref<1x128xi32, #tpu.memory_space<vmem>> -> memref<128xi32, #tpu.memory_space<vmem>>
        %dma_wait3A_188 = arith.constant 0 : i32
        %dma_wait3A_189 = arith.constant 0 : i32
        %dma_wait3A_190 = tpu.memref_slice %arg4[%dma_wait3A_188, %dma_wait3A_189] : memref<10000x128xf32, #tpu.memory_space<hbm>> -> memref<10000x128xf32, #tpu.memory_space<hbm>>
        tpu.wait_indirect_dma semaphore(%arg13 : memref<!tpu.dma_semaphore, #tpu.memory_space<semaphore_mem>>) src(%dma_wait3A_190 : memref<10000x128xf32, #tpu.memory_space<hbm>>) dst(%arg10 : memref<128x128xf32, #tpu.memory_space<vmem>>)
        %add3A_191 = arith.addi %add3A_113, %add3A_159 : i32
        %add3A_192 = arith.constant 1 : i32
        %add3A_193 = arith.addi %add3A_191, %add3A_192 : i32
        "tpu.region"() ({
          %run_scoped3A = tpu.sem_alloc : memref<!tpu.dma_semaphore, #tpu.memory_space<semaphore_mem>>
          %dma_start3A_194 = arith.constant 0 : i32
          %dma_start3A_195 = tpu.memref_slice %arg3[%add3A_193, %dma_start3A_194] : memref<2624x128xi32, #tpu.memory_space<hbm>> -> memref<1x128xi32, #tpu.memory_space<hbm>>
          %dma_start3A_196 = tpu.memref_squeeze %dma_start3A_195 : memref<1x128xi32, #tpu.memory_space<hbm>> -> memref<128xi32, #tpu.memory_space<hbm>>
          %dma_start3A_197 = arith.constant 0 : i32
          %dma_start3A_198 = tpu.memref_slice %arg3[%add3A_193, %dma_start3A_197] : memref<2624x128xi32, #tpu.memory_space<hbm>> -> memref<1x128xi32, #tpu.memory_space<hbm>>
          %dma_start3A_199 = tpu.memref_squeeze %dma_start3A_198 : memref<1x128xi32, #tpu.memory_space<hbm>> -> memref<128xi32, #tpu.memory_space<hbm>>
          tpu.enqueue_dma source(%dma_start3A_199 : memref<128xi32, #tpu.memory_space<hbm>>) target(%arg8 : memref<128xi32, #tpu.memory_space<vmem>>) target_semaphore(%run_scoped3A : memref<!tpu.dma_semaphore, #tpu.memory_space<semaphore_mem>>)
          %dma_wait3A_200 = arith.constant 0 : i32
          %dma_wait3A_201 = tpu.memref_slice %arg3[%add3A_193, %dma_wait3A_200] : memref<2624x128xi32, #tpu.memory_space<hbm>> -> memref<1x128xi32, #tpu.memory_space<hbm>>
          %dma_wait3A_202 = tpu.memref_squeeze %dma_wait3A_201 : memref<1x128xi32, #tpu.memory_space<hbm>> -> memref<128xi32, #tpu.memory_space<hbm>>
          %dma_wait3A_203 = arith.constant 0 : i32
          %dma_wait3A_204 = tpu.memref_slice %arg3[%add3A_193, %dma_wait3A_203] : memref<2624x128xi32, #tpu.memory_space<hbm>> -> memref<1x128xi32, #tpu.memory_space<hbm>>
          %dma_wait3A_205 = tpu.memref_squeeze %dma_wait3A_204 : memref<1x128xi32, #tpu.memory_space<hbm>> -> memref<128xi32, #tpu.memory_space<hbm>>
          tpu.wait_dma2 semaphore(%run_scoped3A : memref<!tpu.dma_semaphore, #tpu.memory_space<semaphore_mem>>) src(%dma_wait3A_205 : memref<128xi32, #tpu.memory_space<hbm>>) dst(%arg8 : memref<128xi32, #tpu.memory_space<vmem>>)
          tpu.yield
        }) : () -> ()
        "tpu.region"() ({
          %run_scoped3A = tpu.sem_alloc : memref<!tpu.dma_semaphore, #tpu.memory_space<semaphore_mem>>
          %dma_start3A_194 = arith.constant 0 : i32
          %dma_start3A_195 = arith.constant 0 : i32
          %dma_start3A_196 = tpu.memref_slice %arg11[%dma_start3A_194, %dma_start3A_195] : memref<10240x128xf32, #tpu.memory_space<vmem_shared>> -> memref<10240x128xf32, #tpu.memory_space<vmem_shared>>
          tpu.enqueue_indirect_dma source(%arg10 : memref<128x128xf32, #tpu.memory_space<vmem>>) target(%dma_start3A_196 : memref<10240x128xf32, #tpu.memory_space<vmem_shared>>) offsets(%arg8 : memref<128xi32, #tpu.memory_space<vmem>>) semaphore(%run_scoped3A : memref<!tpu.dma_semaphore, #tpu.memory_space<semaphore_mem>>) {add = true}
          %dma_wait3A_197 = arith.constant 0 : i32
          %dma_wait3A_198 = arith.constant 0 : i32
          %dma_wait3A_199 = tpu.memref_slice %arg11[%dma_wait3A_197, %dma_wait3A_198] : memref<10240x128xf32, #tpu.memory_space<vmem_shared>> -> memref<10240x128xf32, #tpu.memory_space<vmem_shared>>
          tpu.wait_indirect_dma semaphore(%run_scoped3A : memref<!tpu.dma_semaphore, #tpu.memory_space<semaphore_mem>>) src(%arg10 : memref<128x128xf32, #tpu.memory_space<vmem>>) dst(%dma_wait3A_199 : memref<10240x128xf32, #tpu.memory_space<vmem_shared>>)
          tpu.yield
        }) : () -> ()
      }
      %scan3A_125 = arith.constant 31 : i32
      %dma_start3A_126 = arith.constant 63 : i32
      %dma_start3A_127 = arith.constant 0 : i32
      %dma_start3A_128 = tpu.memref_slice %arg6[%dma_start3A_126, %dma_start3A_127] : memref<82x128xi32, #tpu.memory_space<vmem>> -> memref<1x128xi32, #tpu.memory_space<vmem>>
      %dma_start3A_129 = tpu.memref_squeeze %dma_start3A_128 : memref<1x128xi32, #tpu.memory_space<vmem>> -> memref<128xi32, #tpu.memory_space<vmem>>
      %dma_start3A_130 = arith.constant 0 : i32
      %dma_start3A_131 = arith.constant 0 : i32
      %dma_start3A_132 = tpu.memref_slice %arg4[%dma_start3A_130, %dma_start3A_131] : memref<10000x128xf32, #tpu.memory_space<hbm>> -> memref<10000x128xf32, #tpu.memory_space<hbm>>
      tpu.enqueue_indirect_dma source(%dma_start3A_132 : memref<10000x128xf32, #tpu.memory_space<hbm>>) target(%arg10 : memref<128x128xf32, #tpu.memory_space<vmem>>) offsets(%dma_start3A_129 : memref<128xi32, #tpu.memory_space<vmem>>) semaphore(%arg13 : memref<!tpu.dma_semaphore, #tpu.memory_space<semaphore_mem>>)
      %dma_wait3A_133 = arith.constant 62 : i32
      %dma_wait3A_134 = arith.constant 0 : i32
      %dma_wait3A_135 = tpu.memref_slice %arg6[%dma_wait3A_133, %dma_wait3A_134] : memref<82x128xi32, #tpu.memory_space<vmem>> -> memref<1x128xi32, #tpu.memory_space<vmem>>
      %dma_wait3A_136 = tpu.memref_squeeze %dma_wait3A_135 : memref<1x128xi32, #tpu.memory_space<vmem>> -> memref<128xi32, #tpu.memory_space<vmem>>
      %dma_wait3A_137 = arith.constant 0 : i32
      %dma_wait3A_138 = arith.constant 0 : i32
      %dma_wait3A_139 = tpu.memref_slice %arg4[%dma_wait3A_137, %dma_wait3A_138] : memref<10000x128xf32, #tpu.memory_space<hbm>> -> memref<10000x128xf32, #tpu.memory_space<hbm>>
      tpu.wait_indirect_dma semaphore(%arg12 : memref<!tpu.dma_semaphore, #tpu.memory_space<semaphore_mem>>) src(%dma_wait3A_139 : memref<10000x128xf32, #tpu.memory_space<hbm>>) dst(%arg9 : memref<128x128xf32, #tpu.memory_space<vmem>>)
      %add3A_140 = arith.constant 64 : i32
      %add3A_141 = arith.addi %add3A_113, %add3A_140 : i32
      %sub3A_142 = arith.constant 2 : i32
      %sub3A_143 = arith.subi %add3A_141, %sub3A_142 : i32
      "tpu.region"() ({
        %run_scoped3A = tpu.sem_alloc : memref<!tpu.dma_semaphore, #tpu.memory_space<semaphore_mem>>
        %dma_start3A_155 = arith.constant 0 : i32
        %dma_start3A_156 = tpu.memref_slice %arg3[%sub3A_143, %dma_start3A_155] : memref<2624x128xi32, #tpu.memory_space<hbm>> -> memref<1x128xi32, #tpu.memory_space<hbm>>
        %dma_start3A_157 = tpu.memref_squeeze %dma_start3A_156 : memref<1x128xi32, #tpu.memory_space<hbm>> -> memref<128xi32, #tpu.memory_space<hbm>>
        %dma_start3A_158 = arith.constant 0 : i32
        %dma_start3A_159 = tpu.memref_slice %arg3[%sub3A_143, %dma_start3A_158] : memref<2624x128xi32, #tpu.memory_space<hbm>> -> memref<1x128xi32, #tpu.memory_space<hbm>>
        %dma_start3A_160 = tpu.memref_squeeze %dma_start3A_159 : memref<1x128xi32, #tpu.memory_space<hbm>> -> memref<128xi32, #tpu.memory_space<hbm>>
        tpu.enqueue_dma source(%dma_start3A_160 : memref<128xi32, #tpu.memory_space<hbm>>) target(%arg7 : memref<128xi32, #tpu.memory_space<vmem>>) target_semaphore(%run_scoped3A : memref<!tpu.dma_semaphore, #tpu.memory_space<semaphore_mem>>)
        %dma_wait3A_161 = arith.constant 0 : i32
        %dma_wait3A_162 = tpu.memref_slice %arg3[%sub3A_143, %dma_wait3A_161] : memref<2624x128xi32, #tpu.memory_space<hbm>> -> memref<1x128xi32, #tpu.memory_space<hbm>>
        %dma_wait3A_163 = tpu.memref_squeeze %dma_wait3A_162 : memref<1x128xi32, #tpu.memory_space<hbm>> -> memref<128xi32, #tpu.memory_space<hbm>>
        %dma_wait3A_164 = arith.constant 0 : i32
        %dma_wait3A_165 = tpu.memref_slice %arg3[%sub3A_143, %dma_wait3A_164] : memref<2624x128xi32, #tpu.memory_space<hbm>> -> memref<1x128xi32, #tpu.memory_space<hbm>>
        %dma_wait3A_166 = tpu.memref_squeeze %dma_wait3A_165 : memref<1x128xi32, #tpu.memory_space<hbm>> -> memref<128xi32, #tpu.memory_space<hbm>>
        tpu.wait_dma2 semaphore(%run_scoped3A : memref<!tpu.dma_semaphore, #tpu.memory_space<semaphore_mem>>) src(%dma_wait3A_166 : memref<128xi32, #tpu.memory_space<hbm>>) dst(%arg7 : memref<128xi32, #tpu.memory_space<vmem>>)
        tpu.yield
      }) : () -> ()
      "tpu.region"() ({
        %run_scoped3A = tpu.sem_alloc : memref<!tpu.dma_semaphore, #tpu.memory_space<semaphore_mem>>
        %dma_start3A_155 = arith.constant 0 : i32
        %dma_start3A_156 = arith.constant 0 : i32
        %dma_start3A_157 = tpu.memref_slice %arg11[%dma_start3A_155, %dma_start3A_156] : memref<10240x128xf32, #tpu.memory_space<vmem_shared>> -> memref<10240x128xf32, #tpu.memory_space<vmem_shared>>
        tpu.enqueue_indirect_dma source(%arg9 : memref<128x128xf32, #tpu.memory_space<vmem>>) target(%dma_start3A_157 : memref<10240x128xf32, #tpu.memory_space<vmem_shared>>) offsets(%arg7 : memref<128xi32, #tpu.memory_space<vmem>>) semaphore(%run_scoped3A : memref<!tpu.dma_semaphore, #tpu.memory_space<semaphore_mem>>) {add = true}
        %dma_wait3A_158 = arith.constant 0 : i32
        %dma_wait3A_159 = arith.constant 0 : i32
        %dma_wait3A_160 = tpu.memref_slice %arg11[%dma_wait3A_158, %dma_wait3A_159] : memref<10240x128xf32, #tpu.memory_space<vmem_shared>> -> memref<10240x128xf32, #tpu.memory_space<vmem_shared>>
        tpu.wait_indirect_dma semaphore(%run_scoped3A : memref<!tpu.dma_semaphore, #tpu.memory_space<semaphore_mem>>) src(%arg9 : memref<128x128xf32, #tpu.memory_space<vmem>>) dst(%dma_wait3A_160 : memref<10240x128xf32, #tpu.memory_space<vmem_shared>>)
        tpu.yield
      }) : () -> ()
      %dma_wait3A_144 = arith.constant 63 : i32
      %dma_wait3A_145 = arith.constant 0 : i32
      %dma_wait3A_146 = tpu.memref_slice %arg6[%dma_wait3A_144, %dma_wait3A_145] : memref<82x128xi32, #tpu.memory_space<vmem>> -> memref<1x128xi32, #tpu.memory_space<vmem>>
      %dma_wait3A_147 = tpu.memref_squeeze %dma_wait3A_146 : memref<1x128xi32, #tpu.memory_space<vmem>> -> memref<128xi32, #tpu.memory_space<vmem>>
      %dma_wait3A_148 = arith.constant 0 : i32
      %dma_wait3A_149 = arith.constant 0 : i32
      %dma_wait3A_150 = tpu.memref_slice %arg4[%dma_wait3A_148, %dma_wait3A_149] : memref<10000x128xf32, #tpu.memory_space<hbm>> -> memref<10000x128xf32, #tpu.memory_space<hbm>>
      tpu.wait_indirect_dma semaphore(%arg13 : memref<!tpu.dma_semaphore, #tpu.memory_space<semaphore_mem>>) src(%dma_wait3A_150 : memref<10000x128xf32, #tpu.memory_space<hbm>>) dst(%arg10 : memref<128x128xf32, #tpu.memory_space<vmem>>)
      %add3A_151 = arith.constant 64 : i32
      %add3A_152 = arith.addi %add3A_113, %add3A_151 : i32
      %sub3A_153 = arith.constant 1 : i32
      %sub3A_154 = arith.subi %add3A_152, %sub3A_153 : i32
      "tpu.region"() ({
        %run_scoped3A = tpu.sem_alloc : memref<!tpu.dma_semaphore, #tpu.memory_space<semaphore_mem>>
        %dma_start3A_155 = arith.constant 0 : i32
        %dma_start3A_156 = tpu.memref_slice %arg3[%sub3A_154, %dma_start3A_155] : memref<2624x128xi32, #tpu.memory_space<hbm>> -> memref<1x128xi32, #tpu.memory_space<hbm>>
        %dma_start3A_157 = tpu.memref_squeeze %dma_start3A_156 : memref<1x128xi32, #tpu.memory_space<hbm>> -> memref<128xi32, #tpu.memory_space<hbm>>
        %dma_start3A_158 = arith.constant 0 : i32
        %dma_start3A_159 = tpu.memref_slice %arg3[%sub3A_154, %dma_start3A_158] : memref<2624x128xi32, #tpu.memory_space<hbm>> -> memref<1x128xi32, #tpu.memory_space<hbm>>
        %dma_start3A_160 = tpu.memref_squeeze %dma_start3A_159 : memref<1x128xi32, #tpu.memory_space<hbm>> -> memref<128xi32, #tpu.memory_space<hbm>>
        tpu.enqueue_dma source(%dma_start3A_160 : memref<128xi32, #tpu.memory_space<hbm>>) target(%arg8 : memref<128xi32, #tpu.memory_space<vmem>>) target_semaphore(%run_scoped3A : memref<!tpu.dma_semaphore, #tpu.memory_space<semaphore_mem>>)
        %dma_wait3A_161 = arith.constant 0 : i32
        %dma_wait3A_162 = tpu.memref_slice %arg3[%sub3A_154, %dma_wait3A_161] : memref<2624x128xi32, #tpu.memory_space<hbm>> -> memref<1x128xi32, #tpu.memory_space<hbm>>
        %dma_wait3A_163 = tpu.memref_squeeze %dma_wait3A_162 : memref<1x128xi32, #tpu.memory_space<hbm>> -> memref<128xi32, #tpu.memory_space<hbm>>
        %dma_wait3A_164 = arith.constant 0 : i32
        %dma_wait3A_165 = tpu.memref_slice %arg3[%sub3A_154, %dma_wait3A_164] : memref<2624x128xi32, #tpu.memory_space<hbm>> -> memref<1x128xi32, #tpu.memory_space<hbm>>
        %dma_wait3A_166 = tpu.memref_squeeze %dma_wait3A_165 : memref<1x128xi32, #tpu.memory_space<hbm>> -> memref<128xi32, #tpu.memory_space<hbm>>
        tpu.wait_dma2 semaphore(%run_scoped3A : memref<!tpu.dma_semaphore, #tpu.memory_space<semaphore_mem>>) src(%dma_wait3A_166 : memref<128xi32, #tpu.memory_space<hbm>>) dst(%arg8 : memref<128xi32, #tpu.memory_space<vmem>>)
        tpu.yield
      }) : () -> ()
      "tpu.region"() ({
        %run_scoped3A = tpu.sem_alloc : memref<!tpu.dma_semaphore, #tpu.memory_space<semaphore_mem>>
        %dma_start3A_155 = arith.constant 0 : i32
        %dma_start3A_156 = arith.constant 0 : i32
        %dma_start3A_157 = tpu.memref_slice %arg11[%dma_start3A_155, %dma_start3A_156] : memref<10240x128xf32, #tpu.memory_space<vmem_shared>> -> memref<10240x128xf32, #tpu.memory_space<vmem_shared>>
        tpu.enqueue_indirect_dma source(%arg10 : memref<128x128xf32, #tpu.memory_space<vmem>>) target(%dma_start3A_157 : memref<10240x128xf32, #tpu.memory_space<vmem_shared>>) offsets(%arg8 : memref<128xi32, #tpu.memory_space<vmem>>) semaphore(%run_scoped3A : memref<!tpu.dma_semaphore, #tpu.memory_space<semaphore_mem>>) {add = true}
        %dma_wait3A_158 = arith.constant 0 : i32
        %dma_wait3A_159 = arith.constant 0 : i32
        %dma_wait3A_160 = tpu.memref_slice %arg11[%dma_wait3A_158, %dma_wait3A_159] : memref<10240x128xf32, #tpu.memory_space<vmem_shared>> -> memref<10240x128xf32, #tpu.memory_space<vmem_shared>>
        tpu.wait_indirect_dma semaphore(%run_scoped3A : memref<!tpu.dma_semaphore, #tpu.memory_space<semaphore_mem>>) src(%arg10 : memref<128x128xf32, #tpu.memory_space<vmem>>) dst(%dma_wait3A_160 : memref<10240x128xf32, #tpu.memory_space<vmem_shared>>)
        tpu.yield
      }) : () -> ()
    } else {
    }
    %eq3A_24 = arith.constant 1 : i32
    %eq3A_25 = arith.cmpi eq, %arg0, %eq3A_24 : i32
    %convert_element_type3A_26 = arith.extui %eq3A_25 : i1 to i32
    %cond3A_27 = arith.constant 0 : i32
    %cond3A_28 = arith.cmpi ne, %convert_element_type3A_26, %cond3A_27 : i32
    scf.if %cond3A_28 {
      %mul3A_70 = arith.constant 18 : i32
      %mul3A_71 = arith.muli %arg1, %mul3A_70 : i32
      %add3A_72 = arith.constant 2336 : i32
      %add3A_73 = arith.addi %add3A_72, %mul3A_71 : i32
      %add3A_74 = arith.constant 0 : i32
      %add3A_75 = arith.addi %add3A_73, %add3A_74 : i32
      "tpu.region"() ({
        %run_scoped3A = tpu.sem_alloc : memref<!tpu.dma_semaphore, #tpu.memory_space<semaphore_mem>>
        %dma_start3A_114 = arith.constant 0 : i32
        %dma_start3A_115 = arith.constant 0 : i32
        %dma_start3A_116 = tpu.memref_slice %arg6[%dma_start3A_114, %dma_start3A_115] : memref<82x128xi32, #tpu.memory_space<vmem>> -> memref<18x128xi32, #tpu.memory_space<vmem>>
        %dma_start3A_117 = arith.constant 0 : i32
        %dma_start3A_118 = tpu.memref_slice %arg2[%add3A_75, %dma_start3A_117] : memref<2624x128xi32, #tpu.memory_space<hbm>> -> memref<18x128xi32, #tpu.memory_space<hbm>>
        %dma_start3A_119 = arith.constant 0 : i32
        %dma_start3A_120 = arith.constant 0 : i32
        %dma_start3A_121 = tpu.memref_slice %arg6[%dma_start3A_119, %dma_start3A_120] : memref<82x128xi32, #tpu.memory_space<vmem>> -> memref<18x128xi32, #tpu.memory_space<vmem>>
        %dma_start3A_122 = arith.constant 0 : i32
        %dma_start3A_123 = tpu.memref_slice %arg2[%add3A_75, %dma_start3A_122] : memref<2624x128xi32, #tpu.memory_space<hbm>> -> memref<18x128xi32, #tpu.memory_space<hbm>>
        tpu.enqueue_dma source(%dma_start3A_123 : memref<18x128xi32, #tpu.memory_space<hbm>>) target(%dma_start3A_121 : memref<18x128xi32, #tpu.memory_space<vmem>>) target_semaphore(%run_scoped3A : memref<!tpu.dma_semaphore, #tpu.memory_space<semaphore_mem>>)
        %dma_wait3A_124 = arith.constant 0 : i32
        %dma_wait3A_125 = arith.constant 0 : i32
        %dma_wait3A_126 = tpu.memref_slice %arg6[%dma_wait3A_124, %dma_wait3A_125] : memref<82x128xi32, #tpu.memory_space<vmem>> -> memref<18x128xi32, #tpu.memory_space<vmem>>
        %dma_wait3A_127 = arith.constant 0 : i32
        %dma_wait3A_128 = tpu.memref_slice %arg2[%add3A_75, %dma_wait3A_127] : memref<2624x128xi32, #tpu.memory_space<hbm>> -> memref<18x128xi32, #tpu.memory_space<hbm>>
        %dma_wait3A_129 = arith.constant 0 : i32
        %dma_wait3A_130 = arith.constant 0 : i32
        %dma_wait3A_131 = tpu.memref_slice %arg6[%dma_wait3A_129, %dma_wait3A_130] : memref<82x128xi32, #tpu.memory_space<vmem>> -> memref<18x128xi32, #tpu.memory_space<vmem>>
        %dma_wait3A_132 = arith.constant 0 : i32
        %dma_wait3A_133 = tpu.memref_slice %arg2[%add3A_75, %dma_wait3A_132] : memref<2624x128xi32, #tpu.memory_space<hbm>> -> memref<18x128xi32, #tpu.memory_space<hbm>>
        tpu.wait_dma2 semaphore(%run_scoped3A : memref<!tpu.dma_semaphore, #tpu.memory_space<semaphore_mem>>) src(%dma_wait3A_133 : memref<18x128xi32, #tpu.memory_space<hbm>>) dst(%dma_wait3A_131 : memref<18x128xi32, #tpu.memory_space<vmem>>)
        tpu.yield
      }) : () -> ()
      %dma_start3A = arith.constant 0 : i32
      %dma_start3A_76 = arith.constant 0 : i32
      %dma_start3A_77 = tpu.memref_slice %arg6[%dma_start3A, %dma_start3A_76] : memref<82x128xi32, #tpu.memory_space<vmem>> -> memref<1x128xi32, #tpu.memory_space<vmem>>
      %dma_start3A_78 = tpu.memref_squeeze %dma_start3A_77 : memref<1x128xi32, #tpu.memory_space<vmem>> -> memref<128xi32, #tpu.memory_space<vmem>>
      %dma_start3A_79 = arith.constant 0 : i32
      %dma_start3A_80 = arith.constant 0 : i32
      %dma_start3A_81 = tpu.memref_slice %arg4[%dma_start3A_79, %dma_start3A_80] : memref<10000x128xf32, #tpu.memory_space<hbm>> -> memref<10000x128xf32, #tpu.memory_space<hbm>>
      tpu.enqueue_indirect_dma source(%dma_start3A_81 : memref<10000x128xf32, #tpu.memory_space<hbm>>) target(%arg9 : memref<128x128xf32, #tpu.memory_space<vmem>>) offsets(%dma_start3A_78 : memref<128xi32, #tpu.memory_space<vmem>>) semaphore(%arg12 : memref<!tpu.dma_semaphore, #tpu.memory_space<semaphore_mem>>)
      %scan3A_82 = arith.constant 0 : i32
      %scan3A_83 = arith.constant 8 : i32
      %scan3A_84 = arith.addi %scan3A_82, %scan3A_83 : i32
      %scan3A_85 = arith.constant 1 : i32
      scf.for %scan3A_114 = %scan3A_82 to %scan3A_84 step %scan3A_85  : i32 {
        %mul3A_115 = arith.constant 2 : i32
        %mul3A_116 = arith.muli %scan3A_114, %mul3A_115 : i32
        %add3A_117 = arith.constant 0 : i32
        %add3A_118 = arith.addi %add3A_117, %mul3A_116 : i32
        %add3A_119 = arith.constant 1 : i32
        %add3A_120 = arith.addi %add3A_118, %add3A_119 : i32
        %dma_start3A_121 = arith.constant 0 : i32
        %dma_start3A_122 = tpu.memref_slice %arg6[%add3A_120, %dma_start3A_121] : memref<82x128xi32, #tpu.memory_space<vmem>> -> memref<1x128xi32, #tpu.memory_space<vmem>>
        %dma_start3A_123 = tpu.memref_squeeze %dma_start3A_122 : memref<1x128xi32, #tpu.memory_space<vmem>> -> memref<128xi32, #tpu.memory_space<vmem>>
        %dma_start3A_124 = arith.constant 0 : i32
        %dma_start3A_125 = arith.constant 0 : i32
        %dma_start3A_126 = tpu.memref_slice %arg4[%dma_start3A_124, %dma_start3A_125] : memref<10000x128xf32, #tpu.memory_space<hbm>> -> memref<10000x128xf32, #tpu.memory_space<hbm>>
        tpu.enqueue_indirect_dma source(%dma_start3A_126 : memref<10000x128xf32, #tpu.memory_space<hbm>>) target(%arg10 : memref<128x128xf32, #tpu.memory_space<vmem>>) offsets(%dma_start3A_123 : memref<128xi32, #tpu.memory_space<vmem>>) semaphore(%arg13 : memref<!tpu.dma_semaphore, #tpu.memory_space<semaphore_mem>>)
        %dma_wait3A_127 = arith.constant 0 : i32
        %dma_wait3A_128 = tpu.memref_slice %arg6[%add3A_118, %dma_wait3A_127] : memref<82x128xi32, #tpu.memory_space<vmem>> -> memref<1x128xi32, #tpu.memory_space<vmem>>
        %dma_wait3A_129 = tpu.memref_squeeze %dma_wait3A_128 : memref<1x128xi32, #tpu.memory_space<vmem>> -> memref<128xi32, #tpu.memory_space<vmem>>
        %dma_wait3A_130 = arith.constant 0 : i32
        %dma_wait3A_131 = arith.constant 0 : i32
        %dma_wait3A_132 = tpu.memref_slice %arg4[%dma_wait3A_130, %dma_wait3A_131] : memref<10000x128xf32, #tpu.memory_space<hbm>> -> memref<10000x128xf32, #tpu.memory_space<hbm>>
        tpu.wait_indirect_dma semaphore(%arg12 : memref<!tpu.dma_semaphore, #tpu.memory_space<semaphore_mem>>) src(%dma_wait3A_132 : memref<10000x128xf32, #tpu.memory_space<hbm>>) dst(%arg9 : memref<128x128xf32, #tpu.memory_space<vmem>>)
        %add3A_133 = arith.addi %add3A_75, %add3A_118 : i32
        "tpu.region"() ({
          %run_scoped3A = tpu.sem_alloc : memref<!tpu.dma_semaphore, #tpu.memory_space<semaphore_mem>>
          %dma_start3A_153 = arith.constant 0 : i32
          %dma_start3A_154 = tpu.memref_slice %arg3[%add3A_133, %dma_start3A_153] : memref<2624x128xi32, #tpu.memory_space<hbm>> -> memref<1x128xi32, #tpu.memory_space<hbm>>
          %dma_start3A_155 = tpu.memref_squeeze %dma_start3A_154 : memref<1x128xi32, #tpu.memory_space<hbm>> -> memref<128xi32, #tpu.memory_space<hbm>>
          %dma_start3A_156 = arith.constant 0 : i32
          %dma_start3A_157 = tpu.memref_slice %arg3[%add3A_133, %dma_start3A_156] : memref<2624x128xi32, #tpu.memory_space<hbm>> -> memref<1x128xi32, #tpu.memory_space<hbm>>
          %dma_start3A_158 = tpu.memref_squeeze %dma_start3A_157 : memref<1x128xi32, #tpu.memory_space<hbm>> -> memref<128xi32, #tpu.memory_space<hbm>>
          tpu.enqueue_dma source(%dma_start3A_158 : memref<128xi32, #tpu.memory_space<hbm>>) target(%arg7 : memref<128xi32, #tpu.memory_space<vmem>>) target_semaphore(%run_scoped3A : memref<!tpu.dma_semaphore, #tpu.memory_space<semaphore_mem>>)
          %dma_wait3A_159 = arith.constant 0 : i32
          %dma_wait3A_160 = tpu.memref_slice %arg3[%add3A_133, %dma_wait3A_159] : memref<2624x128xi32, #tpu.memory_space<hbm>> -> memref<1x128xi32, #tpu.memory_space<hbm>>
          %dma_wait3A_161 = tpu.memref_squeeze %dma_wait3A_160 : memref<1x128xi32, #tpu.memory_space<hbm>> -> memref<128xi32, #tpu.memory_space<hbm>>
          %dma_wait3A_162 = arith.constant 0 : i32
          %dma_wait3A_163 = tpu.memref_slice %arg3[%add3A_133, %dma_wait3A_162] : memref<2624x128xi32, #tpu.memory_space<hbm>> -> memref<1x128xi32, #tpu.memory_space<hbm>>
          %dma_wait3A_164 = tpu.memref_squeeze %dma_wait3A_163 : memref<1x128xi32, #tpu.memory_space<hbm>> -> memref<128xi32, #tpu.memory_space<hbm>>
          tpu.wait_dma2 semaphore(%run_scoped3A : memref<!tpu.dma_semaphore, #tpu.memory_space<semaphore_mem>>) src(%dma_wait3A_164 : memref<128xi32, #tpu.memory_space<hbm>>) dst(%arg7 : memref<128xi32, #tpu.memory_space<vmem>>)
          tpu.yield
        }) : () -> ()
        "tpu.region"() ({
          %run_scoped3A = tpu.sem_alloc : memref<!tpu.dma_semaphore, #tpu.memory_space<semaphore_mem>>
          %dma_start3A_153 = arith.constant 0 : i32
          %dma_start3A_154 = arith.constant 0 : i32
          %dma_start3A_155 = tpu.memref_slice %arg11[%dma_start3A_153, %dma_start3A_154] : memref<10240x128xf32, #tpu.memory_space<vmem_shared>> -> memref<10240x128xf32, #tpu.memory_space<vmem_shared>>
          tpu.enqueue_indirect_dma source(%arg9 : memref<128x128xf32, #tpu.memory_space<vmem>>) target(%dma_start3A_155 : memref<10240x128xf32, #tpu.memory_space<vmem_shared>>) offsets(%arg7 : memref<128xi32, #tpu.memory_space<vmem>>) semaphore(%run_scoped3A : memref<!tpu.dma_semaphore, #tpu.memory_space<semaphore_mem>>) {add = true}
          %dma_wait3A_156 = arith.constant 0 : i32
          %dma_wait3A_157 = arith.constant 0 : i32
          %dma_wait3A_158 = tpu.memref_slice %arg11[%dma_wait3A_156, %dma_wait3A_157] : memref<10240x128xf32, #tpu.memory_space<vmem_shared>> -> memref<10240x128xf32, #tpu.memory_space<vmem_shared>>
          tpu.wait_indirect_dma semaphore(%run_scoped3A : memref<!tpu.dma_semaphore, #tpu.memory_space<semaphore_mem>>) src(%arg9 : memref<128x128xf32, #tpu.memory_space<vmem>>) dst(%dma_wait3A_158 : memref<10240x128xf32, #tpu.memory_space<vmem_shared>>)
          tpu.yield
        }) : () -> ()
        %add3A_134 = arith.constant 2 : i32
        %add3A_135 = arith.addi %add3A_118, %add3A_134 : i32
        %dma_start3A_136 = arith.constant 0 : i32
        %dma_start3A_137 = tpu.memref_slice %arg6[%add3A_135, %dma_start3A_136] : memref<82x128xi32, #tpu.memory_space<vmem>> -> memref<1x128xi32, #tpu.memory_space<vmem>>
        %dma_start3A_138 = tpu.memref_squeeze %dma_start3A_137 : memref<1x128xi32, #tpu.memory_space<vmem>> -> memref<128xi32, #tpu.memory_space<vmem>>
        %dma_start3A_139 = arith.constant 0 : i32
        %dma_start3A_140 = arith.constant 0 : i32
        %dma_start3A_141 = tpu.memref_slice %arg4[%dma_start3A_139, %dma_start3A_140] : memref<10000x128xf32, #tpu.memory_space<hbm>> -> memref<10000x128xf32, #tpu.memory_space<hbm>>
        tpu.enqueue_indirect_dma source(%dma_start3A_141 : memref<10000x128xf32, #tpu.memory_space<hbm>>) target(%arg9 : memref<128x128xf32, #tpu.memory_space<vmem>>) offsets(%dma_start3A_138 : memref<128xi32, #tpu.memory_space<vmem>>) semaphore(%arg12 : memref<!tpu.dma_semaphore, #tpu.memory_space<semaphore_mem>>)
        %add3A_142 = arith.constant 1 : i32
        %add3A_143 = arith.addi %add3A_118, %add3A_142 : i32
        %dma_wait3A_144 = arith.constant 0 : i32
        %dma_wait3A_145 = tpu.memref_slice %arg6[%add3A_143, %dma_wait3A_144] : memref<82x128xi32, #tpu.memory_space<vmem>> -> memref<1x128xi32, #tpu.memory_space<vmem>>
        %dma_wait3A_146 = tpu.memref_squeeze %dma_wait3A_145 : memref<1x128xi32, #tpu.memory_space<vmem>> -> memref<128xi32, #tpu.memory_space<vmem>>
        %dma_wait3A_147 = arith.constant 0 : i32
        %dma_wait3A_148 = arith.constant 0 : i32
        %dma_wait3A_149 = tpu.memref_slice %arg4[%dma_wait3A_147, %dma_wait3A_148] : memref<10000x128xf32, #tpu.memory_space<hbm>> -> memref<10000x128xf32, #tpu.memory_space<hbm>>
        tpu.wait_indirect_dma semaphore(%arg13 : memref<!tpu.dma_semaphore, #tpu.memory_space<semaphore_mem>>) src(%dma_wait3A_149 : memref<10000x128xf32, #tpu.memory_space<hbm>>) dst(%arg10 : memref<128x128xf32, #tpu.memory_space<vmem>>)
        %add3A_150 = arith.addi %add3A_75, %add3A_118 : i32
        %add3A_151 = arith.constant 1 : i32
        %add3A_152 = arith.addi %add3A_150, %add3A_151 : i32
        "tpu.region"() ({
          %run_scoped3A = tpu.sem_alloc : memref<!tpu.dma_semaphore, #tpu.memory_space<semaphore_mem>>
          %dma_start3A_153 = arith.constant 0 : i32
          %dma_start3A_154 = tpu.memref_slice %arg3[%add3A_152, %dma_start3A_153] : memref<2624x128xi32, #tpu.memory_space<hbm>> -> memref<1x128xi32, #tpu.memory_space<hbm>>
          %dma_start3A_155 = tpu.memref_squeeze %dma_start3A_154 : memref<1x128xi32, #tpu.memory_space<hbm>> -> memref<128xi32, #tpu.memory_space<hbm>>
          %dma_start3A_156 = arith.constant 0 : i32
          %dma_start3A_157 = tpu.memref_slice %arg3[%add3A_152, %dma_start3A_156] : memref<2624x128xi32, #tpu.memory_space<hbm>> -> memref<1x128xi32, #tpu.memory_space<hbm>>
          %dma_start3A_158 = tpu.memref_squeeze %dma_start3A_157 : memref<1x128xi32, #tpu.memory_space<hbm>> -> memref<128xi32, #tpu.memory_space<hbm>>
          tpu.enqueue_dma source(%dma_start3A_158 : memref<128xi32, #tpu.memory_space<hbm>>) target(%arg8 : memref<128xi32, #tpu.memory_space<vmem>>) target_semaphore(%run_scoped3A : memref<!tpu.dma_semaphore, #tpu.memory_space<semaphore_mem>>)
          %dma_wait3A_159 = arith.constant 0 : i32
          %dma_wait3A_160 = tpu.memref_slice %arg3[%add3A_152, %dma_wait3A_159] : memref<2624x128xi32, #tpu.memory_space<hbm>> -> memref<1x128xi32, #tpu.memory_space<hbm>>
          %dma_wait3A_161 = tpu.memref_squeeze %dma_wait3A_160 : memref<1x128xi32, #tpu.memory_space<hbm>> -> memref<128xi32, #tpu.memory_space<hbm>>
          %dma_wait3A_162 = arith.constant 0 : i32
          %dma_wait3A_163 = tpu.memref_slice %arg3[%add3A_152, %dma_wait3A_162] : memref<2624x128xi32, #tpu.memory_space<hbm>> -> memref<1x128xi32, #tpu.memory_space<hbm>>
          %dma_wait3A_164 = tpu.memref_squeeze %dma_wait3A_163 : memref<1x128xi32, #tpu.memory_space<hbm>> -> memref<128xi32, #tpu.memory_space<hbm>>
          tpu.wait_dma2 semaphore(%run_scoped3A : memref<!tpu.dma_semaphore, #tpu.memory_space<semaphore_mem>>) src(%dma_wait3A_164 : memref<128xi32, #tpu.memory_space<hbm>>) dst(%arg8 : memref<128xi32, #tpu.memory_space<vmem>>)
          tpu.yield
        }) : () -> ()
        "tpu.region"() ({
          %run_scoped3A = tpu.sem_alloc : memref<!tpu.dma_semaphore, #tpu.memory_space<semaphore_mem>>
          %dma_start3A_153 = arith.constant 0 : i32
          %dma_start3A_154 = arith.constant 0 : i32
          %dma_start3A_155 = tpu.memref_slice %arg11[%dma_start3A_153, %dma_start3A_154] : memref<10240x128xf32, #tpu.memory_space<vmem_shared>> -> memref<10240x128xf32, #tpu.memory_space<vmem_shared>>
          tpu.enqueue_indirect_dma source(%arg10 : memref<128x128xf32, #tpu.memory_space<vmem>>) target(%dma_start3A_155 : memref<10240x128xf32, #tpu.memory_space<vmem_shared>>) offsets(%arg8 : memref<128xi32, #tpu.memory_space<vmem>>) semaphore(%run_scoped3A : memref<!tpu.dma_semaphore, #tpu.memory_space<semaphore_mem>>) {add = true}
          %dma_wait3A_156 = arith.constant 0 : i32
          %dma_wait3A_157 = arith.constant 0 : i32
          %dma_wait3A_158 = tpu.memref_slice %arg11[%dma_wait3A_156, %dma_wait3A_157] : memref<10240x128xf32, #tpu.memory_space<vmem_shared>> -> memref<10240x128xf32, #tpu.memory_space<vmem_shared>>
          tpu.wait_indirect_dma semaphore(%run_scoped3A : memref<!tpu.dma_semaphore, #tpu.memory_space<semaphore_mem>>) src(%arg10 : memref<128x128xf32, #tpu.memory_space<vmem>>) dst(%dma_wait3A_158 : memref<10240x128xf32, #tpu.memory_space<vmem_shared>>)
          tpu.yield
        }) : () -> ()
      }
      %scan3A_86 = arith.constant 8 : i32
      %dma_start3A_87 = arith.constant 17 : i32
      %dma_start3A_88 = arith.constant 0 : i32
      %dma_start3A_89 = tpu.memref_slice %arg6[%dma_start3A_87, %dma_start3A_88] : memref<82x128xi32, #tpu.memory_space<vmem>> -> memref<1x128xi32, #tpu.memory_space<vmem>>
      %dma_start3A_90 = tpu.memref_squeeze %dma_start3A_89 : memref<1x128xi32, #tpu.memory_space<vmem>> -> memref<128xi32, #tpu.memory_space<vmem>>
      %dma_start3A_91 = arith.constant 0 : i32
      %dma_start3A_92 = arith.constant 0 : i32
      %dma_start3A_93 = tpu.memref_slice %arg4[%dma_start3A_91, %dma_start3A_92] : memref<10000x128xf32, #tpu.memory_space<hbm>> -> memref<10000x128xf32, #tpu.memory_space<hbm>>
      tpu.enqueue_indirect_dma source(%dma_start3A_93 : memref<10000x128xf32, #tpu.memory_space<hbm>>) target(%arg10 : memref<128x128xf32, #tpu.memory_space<vmem>>) offsets(%dma_start3A_90 : memref<128xi32, #tpu.memory_space<vmem>>) semaphore(%arg13 : memref<!tpu.dma_semaphore, #tpu.memory_space<semaphore_mem>>)
      %dma_wait3A = arith.constant 16 : i32
      %dma_wait3A_94 = arith.constant 0 : i32
      %dma_wait3A_95 = tpu.memref_slice %arg6[%dma_wait3A, %dma_wait3A_94] : memref<82x128xi32, #tpu.memory_space<vmem>> -> memref<1x128xi32, #tpu.memory_space<vmem>>
      %dma_wait3A_96 = tpu.memref_squeeze %dma_wait3A_95 : memref<1x128xi32, #tpu.memory_space<vmem>> -> memref<128xi32, #tpu.memory_space<vmem>>
      %dma_wait3A_97 = arith.constant 0 : i32
      %dma_wait3A_98 = arith.constant 0 : i32
      %dma_wait3A_99 = tpu.memref_slice %arg4[%dma_wait3A_97, %dma_wait3A_98] : memref<10000x128xf32, #tpu.memory_space<hbm>> -> memref<10000x128xf32, #tpu.memory_space<hbm>>
      tpu.wait_indirect_dma semaphore(%arg12 : memref<!tpu.dma_semaphore, #tpu.memory_space<semaphore_mem>>) src(%dma_wait3A_99 : memref<10000x128xf32, #tpu.memory_space<hbm>>) dst(%arg9 : memref<128x128xf32, #tpu.memory_space<vmem>>)
      %add3A_100 = arith.constant 18 : i32
      %add3A_101 = arith.addi %add3A_75, %add3A_100 : i32
      %sub3A = arith.constant 2 : i32
      %sub3A_102 = arith.subi %add3A_101, %sub3A : i32
      "tpu.region"() ({
        %run_scoped3A = tpu.sem_alloc : memref<!tpu.dma_semaphore, #tpu.memory_space<semaphore_mem>>
        %dma_start3A_114 = arith.constant 0 : i32
        %dma_start3A_115 = tpu.memref_slice %arg3[%sub3A_102, %dma_start3A_114] : memref<2624x128xi32, #tpu.memory_space<hbm>> -> memref<1x128xi32, #tpu.memory_space<hbm>>
        %dma_start3A_116 = tpu.memref_squeeze %dma_start3A_115 : memref<1x128xi32, #tpu.memory_space<hbm>> -> memref<128xi32, #tpu.memory_space<hbm>>
        %dma_start3A_117 = arith.constant 0 : i32
        %dma_start3A_118 = tpu.memref_slice %arg3[%sub3A_102, %dma_start3A_117] : memref<2624x128xi32, #tpu.memory_space<hbm>> -> memref<1x128xi32, #tpu.memory_space<hbm>>
        %dma_start3A_119 = tpu.memref_squeeze %dma_start3A_118 : memref<1x128xi32, #tpu.memory_space<hbm>> -> memref<128xi32, #tpu.memory_space<hbm>>
        tpu.enqueue_dma source(%dma_start3A_119 : memref<128xi32, #tpu.memory_space<hbm>>) target(%arg7 : memref<128xi32, #tpu.memory_space<vmem>>) target_semaphore(%run_scoped3A : memref<!tpu.dma_semaphore, #tpu.memory_space<semaphore_mem>>)
        %dma_wait3A_120 = arith.constant 0 : i32
        %dma_wait3A_121 = tpu.memref_slice %arg3[%sub3A_102, %dma_wait3A_120] : memref<2624x128xi32, #tpu.memory_space<hbm>> -> memref<1x128xi32, #tpu.memory_space<hbm>>
        %dma_wait3A_122 = tpu.memref_squeeze %dma_wait3A_121 : memref<1x128xi32, #tpu.memory_space<hbm>> -> memref<128xi32, #tpu.memory_space<hbm>>
        %dma_wait3A_123 = arith.constant 0 : i32
        %dma_wait3A_124 = tpu.memref_slice %arg3[%sub3A_102, %dma_wait3A_123] : memref<2624x128xi32, #tpu.memory_space<hbm>> -> memref<1x128xi32, #tpu.memory_space<hbm>>
        %dma_wait3A_125 = tpu.memref_squeeze %dma_wait3A_124 : memref<1x128xi32, #tpu.memory_space<hbm>> -> memref<128xi32, #tpu.memory_space<hbm>>
        tpu.wait_dma2 semaphore(%run_scoped3A : memref<!tpu.dma_semaphore, #tpu.memory_space<semaphore_mem>>) src(%dma_wait3A_125 : memref<128xi32, #tpu.memory_space<hbm>>) dst(%arg7 : memref<128xi32, #tpu.memory_space<vmem>>)
        tpu.yield
      }) : () -> ()
      "tpu.region"() ({
        %run_scoped3A = tpu.sem_alloc : memref<!tpu.dma_semaphore, #tpu.memory_space<semaphore_mem>>
        %dma_start3A_114 = arith.constant 0 : i32
        %dma_start3A_115 = arith.constant 0 : i32
        %dma_start3A_116 = tpu.memref_slice %arg11[%dma_start3A_114, %dma_start3A_115] : memref<10240x128xf32, #tpu.memory_space<vmem_shared>> -> memref<10240x128xf32, #tpu.memory_space<vmem_shared>>
        tpu.enqueue_indirect_dma source(%arg9 : memref<128x128xf32, #tpu.memory_space<vmem>>) target(%dma_start3A_116 : memref<10240x128xf32, #tpu.memory_space<vmem_shared>>) offsets(%arg7 : memref<128xi32, #tpu.memory_space<vmem>>) semaphore(%run_scoped3A : memref<!tpu.dma_semaphore, #tpu.memory_space<semaphore_mem>>) {add = true}
        %dma_wait3A_117 = arith.constant 0 : i32
        %dma_wait3A_118 = arith.constant 0 : i32
        %dma_wait3A_119 = tpu.memref_slice %arg11[%dma_wait3A_117, %dma_wait3A_118] : memref<10240x128xf32, #tpu.memory_space<vmem_shared>> -> memref<10240x128xf32, #tpu.memory_space<vmem_shared>>
        tpu.wait_indirect_dma semaphore(%run_scoped3A : memref<!tpu.dma_semaphore, #tpu.memory_space<semaphore_mem>>) src(%arg9 : memref<128x128xf32, #tpu.memory_space<vmem>>) dst(%dma_wait3A_119 : memref<10240x128xf32, #tpu.memory_space<vmem_shared>>)
        tpu.yield
      }) : () -> ()
      %dma_wait3A_103 = arith.constant 17 : i32
      %dma_wait3A_104 = arith.constant 0 : i32
      %dma_wait3A_105 = tpu.memref_slice %arg6[%dma_wait3A_103, %dma_wait3A_104] : memref<82x128xi32, #tpu.memory_space<vmem>> -> memref<1x128xi32, #tpu.memory_space<vmem>>
      %dma_wait3A_106 = tpu.memref_squeeze %dma_wait3A_105 : memref<1x128xi32, #tpu.memory_space<vmem>> -> memref<128xi32, #tpu.memory_space<vmem>>
      %dma_wait3A_107 = arith.constant 0 : i32
      %dma_wait3A_108 = arith.constant 0 : i32
      %dma_wait3A_109 = tpu.memref_slice %arg4[%dma_wait3A_107, %dma_wait3A_108] : memref<10000x128xf32, #tpu.memory_space<hbm>> -> memref<10000x128xf32, #tpu.memory_space<hbm>>
      tpu.wait_indirect_dma semaphore(%arg13 : memref<!tpu.dma_semaphore, #tpu.memory_space<semaphore_mem>>) src(%dma_wait3A_109 : memref<10000x128xf32, #tpu.memory_space<hbm>>) dst(%arg10 : memref<128x128xf32, #tpu.memory_space<vmem>>)
      %add3A_110 = arith.constant 18 : i32
      %add3A_111 = arith.addi %add3A_75, %add3A_110 : i32
      %sub3A_112 = arith.constant 1 : i32
      %sub3A_113 = arith.subi %add3A_111, %sub3A_112 : i32
      "tpu.region"() ({
        %run_scoped3A = tpu.sem_alloc : memref<!tpu.dma_semaphore, #tpu.memory_space<semaphore_mem>>
        %dma_start3A_114 = arith.constant 0 : i32
        %dma_start3A_115 = tpu.memref_slice %arg3[%sub3A_113, %dma_start3A_114] : memref<2624x128xi32, #tpu.memory_space<hbm>> -> memref<1x128xi32, #tpu.memory_space<hbm>>
        %dma_start3A_116 = tpu.memref_squeeze %dma_start3A_115 : memref<1x128xi32, #tpu.memory_space<hbm>> -> memref<128xi32, #tpu.memory_space<hbm>>
        %dma_start3A_117 = arith.constant 0 : i32
        %dma_start3A_118 = tpu.memref_slice %arg3[%sub3A_113, %dma_start3A_117] : memref<2624x128xi32, #tpu.memory_space<hbm>> -> memref<1x128xi32, #tpu.memory_space<hbm>>
        %dma_start3A_119 = tpu.memref_squeeze %dma_start3A_118 : memref<1x128xi32, #tpu.memory_space<hbm>> -> memref<128xi32, #tpu.memory_space<hbm>>
        tpu.enqueue_dma source(%dma_start3A_119 : memref<128xi32, #tpu.memory_space<hbm>>) target(%arg8 : memref<128xi32, #tpu.memory_space<vmem>>) target_semaphore(%run_scoped3A : memref<!tpu.dma_semaphore, #tpu.memory_space<semaphore_mem>>)
        %dma_wait3A_120 = arith.constant 0 : i32
        %dma_wait3A_121 = tpu.memref_slice %arg3[%sub3A_113, %dma_wait3A_120] : memref<2624x128xi32, #tpu.memory_space<hbm>> -> memref<1x128xi32, #tpu.memory_space<hbm>>
        %dma_wait3A_122 = tpu.memref_squeeze %dma_wait3A_121 : memref<1x128xi32, #tpu.memory_space<hbm>> -> memref<128xi32, #tpu.memory_space<hbm>>
        %dma_wait3A_123 = arith.constant 0 : i32
        %dma_wait3A_124 = tpu.memref_slice %arg3[%sub3A_113, %dma_wait3A_123] : memref<2624x128xi32, #tpu.memory_space<hbm>> -> memref<1x128xi32, #tpu.memory_space<hbm>>
        %dma_wait3A_125 = tpu.memref_squeeze %dma_wait3A_124 : memref<1x128xi32, #tpu.memory_space<hbm>> -> memref<128xi32, #tpu.memory_space<hbm>>
        tpu.wait_dma2 semaphore(%run_scoped3A : memref<!tpu.dma_semaphore, #tpu.memory_space<semaphore_mem>>) src(%dma_wait3A_125 : memref<128xi32, #tpu.memory_space<hbm>>) dst(%arg8 : memref<128xi32, #tpu.memory_space<vmem>>)
        tpu.yield
      }) : () -> ()
      "tpu.region"() ({
        %run_scoped3A = tpu.sem_alloc : memref<!tpu.dma_semaphore, #tpu.memory_space<semaphore_mem>>
        %dma_start3A_114 = arith.constant 0 : i32
        %dma_start3A_115 = arith.constant 0 : i32
        %dma_start3A_116 = tpu.memref_slice %arg11[%dma_start3A_114, %dma_start3A_115] : memref<10240x128xf32, #tpu.memory_space<vmem_shared>> -> memref<10240x128xf32, #tpu.memory_space<vmem_shared>>
        tpu.enqueue_indirect_dma source(%arg10 : memref<128x128xf32, #tpu.memory_space<vmem>>) target(%dma_start3A_116 : memref<10240x128xf32, #tpu.memory_space<vmem_shared>>) offsets(%arg8 : memref<128xi32, #tpu.memory_space<vmem>>) semaphore(%run_scoped3A : memref<!tpu.dma_semaphore, #tpu.memory_space<semaphore_mem>>) {add = true}
        %dma_wait3A_117 = arith.constant 0 : i32
        %dma_wait3A_118 = arith.constant 0 : i32
        %dma_wait3A_119 = tpu.memref_slice %arg11[%dma_wait3A_117, %dma_wait3A_118] : memref<10240x128xf32, #tpu.memory_space<vmem_shared>> -> memref<10240x128xf32, #tpu.memory_space<vmem_shared>>
        tpu.wait_indirect_dma semaphore(%run_scoped3A : memref<!tpu.dma_semaphore, #tpu.memory_space<semaphore_mem>>) src(%arg10 : memref<128x128xf32, #tpu.memory_space<vmem>>) dst(%dma_wait3A_119 : memref<10240x128xf32, #tpu.memory_space<vmem_shared>>)
        tpu.yield
      }) : () -> ()
    } else {
    }
    %barrier3A_29 = arith.constant 0 : index
    tpu.barrier barrier_id(%barrier3A_29)
    %mul3A_30 = arith.constant 640 : i32
    %mul3A_31 = arith.muli %arg1, %mul3A_30 : i32
    %add3A_32 = arith.constant 0 : i32
    %add3A_33 = arith.addi %mul3A_31, %add3A_32 : i32
    %mul3A_34 = arith.constant 640 : i32
    %mul3A_35 = arith.muli %arg1, %mul3A_34 : i32
    %add3A_36 = arith.constant 0 : i32
    %add3A_37 = arith.addi %mul3A_35, %add3A_36 : i32
    "tpu.region"() ({
      %run_scoped3A = tpu.sem_alloc : memref<!tpu.dma_semaphore, #tpu.memory_space<semaphore_mem>>
      %dma_start3A = arith.constant 0 : i32
      %dma_start3A_70 = tpu.memref_slice %arg5[%arg0, %add3A_37, %dma_start3A] : memref<2x10240x128xf32, #tpu.memory_space<hbm>> -> memref<1x128x128xf32, #tpu.memory_space<hbm>>
      %dma_start3A_71 = tpu.memref_squeeze %dma_start3A_70 : memref<1x128x128xf32, #tpu.memory_space<hbm>> -> memref<128x128xf32, #tpu.memory_space<hbm>>
      %dma_start3A_72 = arith.constant 0 : i32
      %dma_start3A_73 = tpu.memref_slice %arg11[%add3A_33, %dma_start3A_72] : memref<10240x128xf32, #tpu.memory_space<vmem_shared>> -> memref<128x128xf32, #tpu.memory_space<vmem_shared>>
      tpu.enqueue_dma source(%dma_start3A_73 : memref<128x128xf32, #tpu.memory_space<vmem_shared>>) target(%dma_start3A_71 : memref<128x128xf32, #tpu.memory_space<hbm>>) target_semaphore(%run_scoped3A : memref<!tpu.dma_semaphore, #tpu.memory_space<semaphore_mem>>)
      %dma_wait3A = arith.constant 0 : i32
      %dma_wait3A_74 = tpu.memref_slice %arg5[%arg0, %add3A_37, %dma_wait3A] : memref<2x10240x128xf32, #tpu.memory_space<hbm>> -> memref<1x128x128xf32, #tpu.memory_space<hbm>>
      %dma_wait3A_75 = tpu.memref_squeeze %dma_wait3A_74 : memref<1x128x128xf32, #tpu.memory_space<hbm>> -> memref<128x128xf32, #tpu.memory_space<hbm>>
      %dma_wait3A_76 = arith.constant 0 : i32
      %dma_wait3A_77 = tpu.memref_slice %arg11[%add3A_33, %dma_wait3A_76] : memref<10240x128xf32, #tpu.memory_space<vmem_shared>> -> memref<128x128xf32, #tpu.memory_space<vmem_shared>>
      tpu.wait_dma2 semaphore(%run_scoped3A : memref<!tpu.dma_semaphore, #tpu.memory_space<semaphore_mem>>) src(%dma_wait3A_77 : memref<128x128xf32, #tpu.memory_space<vmem_shared>>) dst(%dma_wait3A_75 : memref<128x128xf32, #tpu.memory_space<hbm>>)
      tpu.yield
    }) : () -> ()
    %mul3A_38 = arith.constant 640 : i32
    %mul3A_39 = arith.muli %arg1, %mul3A_38 : i32
    %add3A_40 = arith.constant 128 : i32
    %add3A_41 = arith.addi %mul3A_39, %add3A_40 : i32
    %mul3A_42 = arith.constant 640 : i32
    %mul3A_43 = arith.muli %arg1, %mul3A_42 : i32
    %add3A_44 = arith.constant 128 : i32
    %add3A_45 = arith.addi %mul3A_43, %add3A_44 : i32
    "tpu.region"() ({
      %run_scoped3A = tpu.sem_alloc : memref<!tpu.dma_semaphore, #tpu.memory_space<semaphore_mem>>
      %dma_start3A = arith.constant 0 : i32
      %dma_start3A_70 = tpu.memref_slice %arg5[%arg0, %add3A_45, %dma_start3A] : memref<2x10240x128xf32, #tpu.memory_space<hbm>> -> memref<1x128x128xf32, #tpu.memory_space<hbm>>
      %dma_start3A_71 = tpu.memref_squeeze %dma_start3A_70 : memref<1x128x128xf32, #tpu.memory_space<hbm>> -> memref<128x128xf32, #tpu.memory_space<hbm>>
      %dma_start3A_72 = arith.constant 0 : i32
      %dma_start3A_73 = tpu.memref_slice %arg11[%add3A_41, %dma_start3A_72] : memref<10240x128xf32, #tpu.memory_space<vmem_shared>> -> memref<128x128xf32, #tpu.memory_space<vmem_shared>>
      tpu.enqueue_dma source(%dma_start3A_73 : memref<128x128xf32, #tpu.memory_space<vmem_shared>>) target(%dma_start3A_71 : memref<128x128xf32, #tpu.memory_space<hbm>>) target_semaphore(%run_scoped3A : memref<!tpu.dma_semaphore, #tpu.memory_space<semaphore_mem>>)
      %dma_wait3A = arith.constant 0 : i32
      %dma_wait3A_74 = tpu.memref_slice %arg5[%arg0, %add3A_45, %dma_wait3A] : memref<2x10240x128xf32, #tpu.memory_space<hbm>> -> memref<1x128x128xf32, #tpu.memory_space<hbm>>
      %dma_wait3A_75 = tpu.memref_squeeze %dma_wait3A_74 : memref<1x128x128xf32, #tpu.memory_space<hbm>> -> memref<128x128xf32, #tpu.memory_space<hbm>>
      %dma_wait3A_76 = arith.constant 0 : i32
      %dma_wait3A_77 = tpu.memref_slice %arg11[%add3A_41, %dma_wait3A_76] : memref<10240x128xf32, #tpu.memory_space<vmem_shared>> -> memref<128x128xf32, #tpu.memory_space<vmem_shared>>
      tpu.wait_dma2 semaphore(%run_scoped3A : memref<!tpu.dma_semaphore, #tpu.memory_space<semaphore_mem>>) src(%dma_wait3A_77 : memref<128x128xf32, #tpu.memory_space<vmem_shared>>) dst(%dma_wait3A_75 : memref<128x128xf32, #tpu.memory_space<hbm>>)
      tpu.yield
    }) : () -> ()
    %mul3A_46 = arith.constant 640 : i32
    %mul3A_47 = arith.muli %arg1, %mul3A_46 : i32
    %add3A_48 = arith.constant 256 : i32
    %add3A_49 = arith.addi %mul3A_47, %add3A_48 : i32
    %mul3A_50 = arith.constant 640 : i32
    %mul3A_51 = arith.muli %arg1, %mul3A_50 : i32
    %add3A_52 = arith.constant 256 : i32
    %add3A_53 = arith.addi %mul3A_51, %add3A_52 : i32
    "tpu.region"() ({
      %run_scoped3A = tpu.sem_alloc : memref<!tpu.dma_semaphore, #tpu.memory_space<semaphore_mem>>
      %dma_start3A = arith.constant 0 : i32
      %dma_start3A_70 = tpu.memref_slice %arg5[%arg0, %add3A_53, %dma_start3A] : memref<2x10240x128xf32, #tpu.memory_space<hbm>> -> memref<1x128x128xf32, #tpu.memory_space<hbm>>
      %dma_start3A_71 = tpu.memref_squeeze %dma_start3A_70 : memref<1x128x128xf32, #tpu.memory_space<hbm>> -> memref<128x128xf32, #tpu.memory_space<hbm>>
      %dma_start3A_72 = arith.constant 0 : i32
      %dma_start3A_73 = tpu.memref_slice %arg11[%add3A_49, %dma_start3A_72] : memref<10240x128xf32, #tpu.memory_space<vmem_shared>> -> memref<128x128xf32, #tpu.memory_space<vmem_shared>>
      tpu.enqueue_dma source(%dma_start3A_73 : memref<128x128xf32, #tpu.memory_space<vmem_shared>>) target(%dma_start3A_71 : memref<128x128xf32, #tpu.memory_space<hbm>>) target_semaphore(%run_scoped3A : memref<!tpu.dma_semaphore, #tpu.memory_space<semaphore_mem>>)
      %dma_wait3A = arith.constant 0 : i32
      %dma_wait3A_74 = tpu.memref_slice %arg5[%arg0, %add3A_53, %dma_wait3A] : memref<2x10240x128xf32, #tpu.memory_space<hbm>> -> memref<1x128x128xf32, #tpu.memory_space<hbm>>
      %dma_wait3A_75 = tpu.memref_squeeze %dma_wait3A_74 : memref<1x128x128xf32, #tpu.memory_space<hbm>> -> memref<128x128xf32, #tpu.memory_space<hbm>>
      %dma_wait3A_76 = arith.constant 0 : i32
      %dma_wait3A_77 = tpu.memref_slice %arg11[%add3A_49, %dma_wait3A_76] : memref<10240x128xf32, #tpu.memory_space<vmem_shared>> -> memref<128x128xf32, #tpu.memory_space<vmem_shared>>
      tpu.wait_dma2 semaphore(%run_scoped3A : memref<!tpu.dma_semaphore, #tpu.memory_space<semaphore_mem>>) src(%dma_wait3A_77 : memref<128x128xf32, #tpu.memory_space<vmem_shared>>) dst(%dma_wait3A_75 : memref<128x128xf32, #tpu.memory_space<hbm>>)
      tpu.yield
    }) : () -> ()
    %mul3A_54 = arith.constant 640 : i32
    %mul3A_55 = arith.muli %arg1, %mul3A_54 : i32
    %add3A_56 = arith.constant 384 : i32
    %add3A_57 = arith.addi %mul3A_55, %add3A_56 : i32
    %mul3A_58 = arith.constant 640 : i32
    %mul3A_59 = arith.muli %arg1, %mul3A_58 : i32
    %add3A_60 = arith.constant 384 : i32
    %add3A_61 = arith.addi %mul3A_59, %add3A_60 : i32
    "tpu.region"() ({
      %run_scoped3A = tpu.sem_alloc : memref<!tpu.dma_semaphore, #tpu.memory_space<semaphore_mem>>
      %dma_start3A = arith.constant 0 : i32
      %dma_start3A_70 = tpu.memref_slice %arg5[%arg0, %add3A_61, %dma_start3A] : memref<2x10240x128xf32, #tpu.memory_space<hbm>> -> memref<1x128x128xf32, #tpu.memory_space<hbm>>
      %dma_start3A_71 = tpu.memref_squeeze %dma_start3A_70 : memref<1x128x128xf32, #tpu.memory_space<hbm>> -> memref<128x128xf32, #tpu.memory_space<hbm>>
      %dma_start3A_72 = arith.constant 0 : i32
      %dma_start3A_73 = tpu.memref_slice %arg11[%add3A_57, %dma_start3A_72] : memref<10240x128xf32, #tpu.memory_space<vmem_shared>> -> memref<128x128xf32, #tpu.memory_space<vmem_shared>>
      tpu.enqueue_dma source(%dma_start3A_73 : memref<128x128xf32, #tpu.memory_space<vmem_shared>>) target(%dma_start3A_71 : memref<128x128xf32, #tpu.memory_space<hbm>>) target_semaphore(%run_scoped3A : memref<!tpu.dma_semaphore, #tpu.memory_space<semaphore_mem>>)
      %dma_wait3A = arith.constant 0 : i32
      %dma_wait3A_74 = tpu.memref_slice %arg5[%arg0, %add3A_61, %dma_wait3A] : memref<2x10240x128xf32, #tpu.memory_space<hbm>> -> memref<1x128x128xf32, #tpu.memory_space<hbm>>
      %dma_wait3A_75 = tpu.memref_squeeze %dma_wait3A_74 : memref<1x128x128xf32, #tpu.memory_space<hbm>> -> memref<128x128xf32, #tpu.memory_space<hbm>>
      %dma_wait3A_76 = arith.constant 0 : i32
      %dma_wait3A_77 = tpu.memref_slice %arg11[%add3A_57, %dma_wait3A_76] : memref<10240x128xf32, #tpu.memory_space<vmem_shared>> -> memref<128x128xf32, #tpu.memory_space<vmem_shared>>
      tpu.wait_dma2 semaphore(%run_scoped3A : memref<!tpu.dma_semaphore, #tpu.memory_space<semaphore_mem>>) src(%dma_wait3A_77 : memref<128x128xf32, #tpu.memory_space<vmem_shared>>) dst(%dma_wait3A_75 : memref<128x128xf32, #tpu.memory_space<hbm>>)
      tpu.yield
    }) : () -> ()
    %mul3A_62 = arith.constant 640 : i32
    %mul3A_63 = arith.muli %arg1, %mul3A_62 : i32
    %add3A_64 = arith.constant 512 : i32
    %add3A_65 = arith.addi %mul3A_63, %add3A_64 : i32
    %mul3A_66 = arith.constant 640 : i32
    %mul3A_67 = arith.muli %arg1, %mul3A_66 : i32
    %add3A_68 = arith.constant 512 : i32
    %add3A_69 = arith.addi %mul3A_67, %add3A_68 : i32
    "tpu.region"() ({
      %run_scoped3A = tpu.sem_alloc : memref<!tpu.dma_semaphore, #tpu.memory_space<semaphore_mem>>
      %dma_start3A = arith.constant 0 : i32
      %dma_start3A_70 = tpu.memref_slice %arg5[%arg0, %add3A_69, %dma_start3A] : memref<2x10240x128xf32, #tpu.memory_space<hbm>> -> memref<1x128x128xf32, #tpu.memory_space<hbm>>
      %dma_start3A_71 = tpu.memref_squeeze %dma_start3A_70 : memref<1x128x128xf32, #tpu.memory_space<hbm>> -> memref<128x128xf32, #tpu.memory_space<hbm>>
      %dma_start3A_72 = arith.constant 0 : i32
      %dma_start3A_73 = tpu.memref_slice %arg11[%add3A_65, %dma_start3A_72] : memref<10240x128xf32, #tpu.memory_space<vmem_shared>> -> memref<128x128xf32, #tpu.memory_space<vmem_shared>>
      tpu.enqueue_dma source(%dma_start3A_73 : memref<128x128xf32, #tpu.memory_space<vmem_shared>>) target(%dma_start3A_71 : memref<128x128xf32, #tpu.memory_space<hbm>>) target_semaphore(%run_scoped3A : memref<!tpu.dma_semaphore, #tpu.memory_space<semaphore_mem>>)
      %dma_wait3A = arith.constant 0 : i32
      %dma_wait3A_74 = tpu.memref_slice %arg5[%arg0, %add3A_69, %dma_wait3A] : memref<2x10240x128xf32, #tpu.memory_space<hbm>> -> memref<1x128x128xf32, #tpu.memory_space<hbm>>
      %dma_wait3A_75 = tpu.memref_squeeze %dma_wait3A_74 : memref<1x128x128xf32, #tpu.memory_space<hbm>> -> memref<128x128xf32, #tpu.memory_space<hbm>>
      %dma_wait3A_76 = arith.constant 0 : i32
      %dma_wait3A_77 = tpu.memref_slice %arg11[%add3A_65, %dma_wait3A_76] : memref<10240x128xf32, #tpu.memory_space<vmem_shared>> -> memref<128x128xf32, #tpu.memory_space<vmem_shared>>
      tpu.wait_dma2 semaphore(%run_scoped3A : memref<!tpu.dma_semaphore, #tpu.memory_space<semaphore_mem>>) src(%dma_wait3A_77 : memref<128x128xf32, #tpu.memory_space<vmem_shared>>) dst(%dma_wait3A_75 : memref<128x128xf32, #tpu.memory_space<hbm>>)
      tpu.yield
    }) : () -> ()
    return
  }
}

module attributes {stable_mosaic.version = 14 : i64} {
  func.func @_tc1_body(%arg0: i32, %arg1: memref<400x128xf32, #tpu.memory_space<vmem>>, %arg2: memref<128x128xf32, #tpu.memory_space<vmem>>, %arg3: memref<128xf32, #tpu.memory_space<vmem>>, %arg4: memref<128xf32, #tpu.memory_space<vmem>>, %arg5: memref<2x400x16xf32, #tpu.memory_space<vmem>>, %arg6: memref<400x128xf32, #tpu.memory_space<vmem>>) attributes {dimension_semantics = [#tpu.dimension_semantics<arbitrary>], iteration_bounds = array<i64: 25>, scalar_prefetch = 0 : i64, scratch_operands = 0 : i64, tpu.core_type = #tpu.core_type<tc>, window_params = [{transform_indices = @transform_0, window_bounds = array<i64: 400, 128>}, {pipeline_mode = #tpu.pipeline_mode<synchronous>, transform_indices = @transform_1, window_bounds = array<i64: 128, 128>}, {pipeline_mode = #tpu.pipeline_mode<synchronous>, transform_indices = @transform_2, window_bounds = array<i64: 128>}, {pipeline_mode = #tpu.pipeline_mode<synchronous>, transform_indices = @transform_3, window_bounds = array<i64: 128>}, {transform_indices = @transform_4, window_bounds = array<i64: 2, 400, 16>}, {transform_indices = @transform_5, window_bounds = array<i64: 400, 128>}]} {
    %get3A = arith.constant 0 : index
    %get3A_0 = arith.constant 0 : index
    %get3A_1 = arith.constant 0 : index
    %get3A_2 = vector.load %arg5[%get3A, %get3A_0, %get3A_1] : memref<2x400x16xf32, #tpu.memory_space<vmem>>, vector<1x400x1xf32>
    %get3A_3 = vector.shape_cast %get3A_2 : vector<1x400x1xf32> to vector<400xf32>
    %get3A_4 = arith.constant 1 : index
    %get3A_5 = arith.constant 0 : index
    %get3A_6 = arith.constant 0 : index
    %get3A_7 = vector.load %arg5[%get3A_4, %get3A_5, %get3A_6] : memref<2x400x16xf32, #tpu.memory_space<vmem>>, vector<1x400x1xf32>
    %get3A_8 = vector.shape_cast %get3A_7 : vector<1x400x1xf32> to vector<400xf32>
    %add3A = arith.addf %get3A_3, %get3A_8 : vector<400xf32>
    %max3A = arith.constant 1.000000e+00 : f32
    %max3A_9 = vector.broadcast %max3A : f32 to vector<400xf32>
    %max3A_10 = arith.maximumf %add3A, %max3A_9 : vector<400xf32>
    %rsqrt3A = math.rsqrt %max3A_10 : vector<400xf32>
    %get3A_11 = arith.constant 0 : index
    %get3A_12 = vector.load %arg3[%get3A_11] : memref<128xf32, #tpu.memory_space<vmem>>, vector<128xf32>
    %rsqrt3A_13 = arith.constant 1.000010e+00 : f32
    %rsqrt3A_14 = math.rsqrt %rsqrt3A_13 : f32
    %mul3A = vector.broadcast %rsqrt3A_14 : f32 to vector<128xf32>
    %mul3A_15 = arith.mulf %get3A_12, %mul3A : vector<128xf32>
    %get3A_16 = arith.constant 0 : index
    %get3A_17 = arith.constant 0 : index
    %get3A_18 = vector.load %arg1[%get3A_16, %get3A_17] : memref<400x128xf32, #tpu.memory_space<vmem>>, vector<400x128xf32>
    %broadcast_in_dim3A = vector.shape_cast %mul3A_15 : vector<128xf32> to vector<1x128xf32>
    %mul3A_19 = vector.broadcast %broadcast_in_dim3A : vector<1x128xf32> to vector<400x128xf32>
    %mul3A_20 = arith.mulf %get3A_18, %mul3A_19 : vector<400x128xf32>
    %get3A_21 = arith.constant 0 : index
    %get3A_22 = vector.load %arg4[%get3A_21] : memref<128xf32, #tpu.memory_space<vmem>>, vector<128xf32>
    %broadcast_in_dim3A_23 = vector.shape_cast %get3A_22 : vector<128xf32> to vector<1x128xf32>
    %add3A_24 = vector.broadcast %broadcast_in_dim3A_23 : vector<1x128xf32> to vector<400x128xf32>
    %add3A_25 = arith.addf %mul3A_20, %add3A_24 : vector<400x128xf32>
    %get3A_26 = arith.constant 0 : index
    %get3A_27 = arith.constant 0 : index
    %get3A_28 = vector.load %arg2[%get3A_26, %get3A_27] : memref<128x128xf32, #tpu.memory_space<vmem>>, vector<128x128xf32>
    %dot_general3A = arith.constant dense<0.000000e+00> : vector<400x128xf32>
    %dot_general3A_29 = tpu.matmul %add3A_25, %get3A_28, %dot_general3A {dimension_numbers = #tpu.dot_dimension_numbers<[1], [0], [0], [1], [0, 0, 1, 1], [], []>, transpose_lhs_hint = false} : vector<400x128xf32>, vector<128x128xf32>, vector<400x128xf32> -> vector<400x128xf32>
    %broadcast_in_dim3A_30 = vector.shape_cast %rsqrt3A : vector<400xf32> to vector<400x1xf32>
    %mul3A_31 = vector.broadcast %broadcast_in_dim3A_30 : vector<400x1xf32> to vector<400x128xf32>
    %mul3A_32 = arith.mulf %dot_general3A_29, %mul3A_31 : vector<400x128xf32>
    %swap3A = arith.constant 0 : index
    %swap3A_33 = arith.constant 0 : index
    %swap3A_34 = vector.load %arg6[%swap3A, %swap3A_33] : memref<400x128xf32, #tpu.memory_space<vmem>>, vector<400x128xf32>
    tpu.vector_store %arg6[%swap3A, %swap3A_33], %mul3A_32 {strides = array<i32>} : memref<400x128xf32, #tpu.memory_space<vmem>>, vector<400x128xf32>,
    return
  }
  func.func @transform_0(%arg0: i32) -> (i32, i32) {
    %c0_i32 = arith.constant 0 : i32
    %c0_i32_0 = arith.constant 0 : i32
    return %arg0, %c0_i32 : i32, i32
  }
  func.func @transform_1(%arg0: i32) -> (i32, i32) {
    %c0_i32 = arith.constant 0 : i32
    %c0_i32_0 = arith.constant 0 : i32
    %c0_i32_1 = arith.constant 0 : i32
    return %c0_i32, %c0_i32_0 : i32, i32
  }
  func.func @transform_2(%arg0: i32) -> i32 {
    %c0_i32 = arith.constant 0 : i32
    %c0_i32_0 = arith.constant 0 : i32
    return %c0_i32 : i32
  }
  func.func @transform_3(%arg0: i32) -> i32 {
    %c0_i32 = arith.constant 0 : i32
    %c0_i32_0 = arith.constant 0 : i32
    return %c0_i32 : i32
  }
  func.func @transform_4(%arg0: i32) -> (i32, i32, i32) {
    %c0_i32 = arith.constant 0 : i32
    %c0_i32_0 = arith.constant 0 : i32
    %c0_i32_1 = arith.constant 0 : i32
    return %c0_i32, %arg0, %c0_i32_0 : i32, i32, i32
  }
  func.func @transform_5(%arg0: i32) -> (i32, i32) {
    %c0_i32 = arith.constant 0 : i32
    %c0_i32_0 = arith.constant 0 : i32
    return %arg0, %c0_i32 : i32, i32
  }
}

module attributes {stable_mosaic.version = 14 : i64} {
  func.func @_tc2_body(%arg0: i32, %arg1: memref<2x400x128xf32, #tpu.memory_space<vmem>>, %arg2: memref<2x400x16xf32, #tpu.memory_space<vmem>>, %arg3: memref<128x40xf32, #tpu.memory_space<vmem>>, %arg4: memref<128xf32, #tpu.memory_space<vmem>>, %arg5: memref<128xf32, #tpu.memory_space<vmem>>, %arg6: memref<128xf32, #tpu.memory_space<vmem>>, %arg7: memref<400x48xf32, #tpu.memory_space<vmem>>) attributes {dimension_semantics = [#tpu.dimension_semantics<arbitrary>], iteration_bounds = array<i64: 25>, scalar_prefetch = 0 : i64, scratch_operands = 0 : i64, tpu.core_type = #tpu.core_type<tc>, window_params = [{transform_indices = @transform_0, window_bounds = array<i64: 2, 400, 128>}, {transform_indices = @transform_1, window_bounds = array<i64: 2, 400, 16>}, {pipeline_mode = #tpu.pipeline_mode<synchronous>, transform_indices = @transform_2, window_bounds = array<i64: 128, 40>}, {pipeline_mode = #tpu.pipeline_mode<synchronous>, transform_indices = @transform_3, window_bounds = array<i64: 128>}, {pipeline_mode = #tpu.pipeline_mode<synchronous>, transform_indices = @transform_4, window_bounds = array<i64: 128>}, {pipeline_mode = #tpu.pipeline_mode<synchronous>, transform_indices = @transform_5, window_bounds = array<i64: 128>}, {transform_indices = @transform_6, window_bounds = array<i64: 400, 48>}]} {
    %get3A = arith.constant 0 : index
    %get3A_0 = arith.constant 0 : index
    %get3A_1 = arith.constant 0 : index
    %get3A_2 = vector.load %arg2[%get3A, %get3A_0, %get3A_1] : memref<2x400x16xf32, #tpu.memory_space<vmem>>, vector<1x400x1xf32>
    %get3A_3 = vector.shape_cast %get3A_2 : vector<1x400x1xf32> to vector<400xf32>
    %get3A_4 = arith.constant 1 : index
    %get3A_5 = arith.constant 0 : index
    %get3A_6 = arith.constant 0 : index
    %get3A_7 = vector.load %arg2[%get3A_4, %get3A_5, %get3A_6] : memref<2x400x16xf32, #tpu.memory_space<vmem>>, vector<1x400x1xf32>
    %get3A_8 = vector.shape_cast %get3A_7 : vector<1x400x1xf32> to vector<400xf32>
    %add3A = arith.addf %get3A_3, %get3A_8 : vector<400xf32>
    %max3A = arith.constant 1.000000e+00 : f32
    %max3A_9 = vector.broadcast %max3A : f32 to vector<400xf32>
    %max3A_10 = arith.maximumf %add3A, %max3A_9 : vector<400xf32>
    %rsqrt3A = math.rsqrt %max3A_10 : vector<400xf32>
    %get3A_11 = arith.constant 0 : index
    %get3A_12 = arith.constant 0 : index
    %get3A_13 = arith.constant 0 : index
    %get3A_14 = vector.load %arg1[%get3A_11, %get3A_12, %get3A_13] : memref<2x400x128xf32, #tpu.memory_space<vmem>>, vector<1x400x128xf32>
    %get3A_15 = vector.shape_cast %get3A_14 : vector<1x400x128xf32> to vector<400x128xf32>
    %get3A_16 = arith.constant 1 : index
    %get3A_17 = arith.constant 0 : index
    %get3A_18 = arith.constant 0 : index
    %get3A_19 = vector.load %arg1[%get3A_16, %get3A_17, %get3A_18] : memref<2x400x128xf32, #tpu.memory_space<vmem>>, vector<1x400x128xf32>
    %get3A_20 = vector.shape_cast %get3A_19 : vector<1x400x128xf32> to vector<400x128xf32>
    %add3A_21 = arith.addf %get3A_15, %get3A_20 : vector<400x128xf32>
    %broadcast_in_dim3A = vector.shape_cast %rsqrt3A : vector<400xf32> to vector<400x1xf32>
    %mul3A = vector.broadcast %broadcast_in_dim3A : vector<400x1xf32> to vector<400x128xf32>
    %mul3A_22 = arith.mulf %add3A_21, %mul3A : vector<400x128xf32>
    %get3A_23 = arith.constant 0 : index
    %get3A_24 = vector.load %arg4[%get3A_23] : memref<128xf32, #tpu.memory_space<vmem>>, vector<128xf32>
    %broadcast_in_dim3A_25 = vector.shape_cast %get3A_24 : vector<128xf32> to vector<1x128xf32>
    %add3A_26 = vector.broadcast %broadcast_in_dim3A_25 : vector<1x128xf32> to vector<400x128xf32>
    %add3A_27 = arith.addf %mul3A_22, %add3A_26 : vector<400x128xf32>
    %get3A_28 = arith.constant 0 : index
    %get3A_29 = vector.load %arg5[%get3A_28] : memref<128xf32, #tpu.memory_space<vmem>>, vector<128xf32>
    %rsqrt3A_30 = arith.constant 1.000010e+00 : f32
    %rsqrt3A_31 = math.rsqrt %rsqrt3A_30 : f32
    %mul3A_32 = vector.broadcast %rsqrt3A_31 : f32 to vector<128xf32>
    %mul3A_33 = arith.mulf %get3A_29, %mul3A_32 : vector<128xf32>
    %broadcast_in_dim3A_34 = vector.shape_cast %mul3A_33 : vector<128xf32> to vector<1x128xf32>
    %mul3A_35 = vector.broadcast %broadcast_in_dim3A_34 : vector<1x128xf32> to vector<400x128xf32>
    %mul3A_36 = arith.mulf %add3A_27, %mul3A_35 : vector<400x128xf32>
    %get3A_37 = arith.constant 0 : index
    %get3A_38 = vector.load %arg6[%get3A_37] : memref<128xf32, #tpu.memory_space<vmem>>, vector<128xf32>
    %broadcast_in_dim3A_39 = vector.shape_cast %get3A_38 : vector<128xf32> to vector<1x128xf32>
    %add3A_40 = vector.broadcast %broadcast_in_dim3A_39 : vector<1x128xf32> to vector<400x128xf32>
    %add3A_41 = arith.addf %mul3A_36, %add3A_40 : vector<400x128xf32>
    %max3A_42 = arith.constant 0.000000e+00 : f32
    %max3A_43 = vector.broadcast %max3A_42 : f32 to vector<400x128xf32>
    %max3A_44 = arith.maximumf %add3A_41, %max3A_43 : vector<400x128xf32>
    %get3A_45 = arith.constant 0 : index
    %get3A_46 = arith.constant 0 : index
    %get3A_47 = vector.load %arg3[%get3A_45, %get3A_46] : memref<128x40xf32, #tpu.memory_space<vmem>>, vector<128x40xf32>
    %dot_general3A = arith.constant dense<0.000000e+00> : vector<400x40xf32>
    %dot_general3A_48 = tpu.matmul %max3A_44, %get3A_47, %dot_general3A {dimension_numbers = #tpu.dot_dimension_numbers<[1], [0], [0], [1], [0, 0, 1, 1], [], []>, transpose_lhs_hint = false} : vector<400x128xf32>, vector<128x40xf32>, vector<400x40xf32> -> vector<400x40xf32>
    %broadcast_in_dim3A_49 = vector.shape_cast %rsqrt3A : vector<400xf32> to vector<400x1xf32>
    %mul3A_50 = vector.broadcast %broadcast_in_dim3A_49 : vector<400x1xf32> to vector<400x40xf32>
    %mul3A_51 = arith.mulf %dot_general3A_48, %mul3A_50 : vector<400x40xf32>
    %broadcast_in_dim3A_52 = arith.constant 0.000000e+00 : f32
    %broadcast_in_dim3A_53 = vector.broadcast %broadcast_in_dim3A_52 : f32 to vector<400x8xf32>
    %concatenate3A = tpu.concatenate %mul3A_51, %broadcast_in_dim3A_53 in 1 : vector<400x40xf32>, vector<400x8xf32> -> vector<400x48xf32>
    %swap3A = arith.constant 0 : index
    %swap3A_54 = arith.constant 0 : index
    %swap3A_55 = vector.load %arg7[%swap3A, %swap3A_54] : memref<400x48xf32, #tpu.memory_space<vmem>>, vector<400x48xf32>
    tpu.vector_store %arg7[%swap3A, %swap3A_54], %concatenate3A {strides = array<i32>} : memref<400x48xf32, #tpu.memory_space<vmem>>, vector<400x48xf32>,
    return
  }
  func.func @transform_0(%arg0: i32) -> (i32, i32, i32) {
    %c0_i32 = arith.constant 0 : i32
    %c0_i32_0 = arith.constant 0 : i32
    %c0_i32_1 = arith.constant 0 : i32
    return %c0_i32, %arg0, %c0_i32_0 : i32, i32, i32
  }
  func.func @transform_1(%arg0: i32) -> (i32, i32, i32) {
    %c0_i32 = arith.constant 0 : i32
    %c0_i32_0 = arith.constant 0 : i32
    %c0_i32_1 = arith.constant 0 : i32
    return %c0_i32, %arg0, %c0_i32_0 : i32, i32, i32
  }
  func.func @transform_2(%arg0: i32) -> (i32, i32) {
    %c0_i32 = arith.constant 0 : i32
    %c0_i32_0 = arith.constant 0 : i32
    %c0_i32_1 = arith.constant 0 : i32
    return %c0_i32, %c0_i32_0 : i32, i32
  }
  func.func @transform_3(%arg0: i32) -> i32 {
    %c0_i32 = arith.constant 0 : i32
    %c0_i32_0 = arith.constant 0 : i32
    return %c0_i32 : i32
  }
  func.func @transform_4(%arg0: i32) -> i32 {
    %c0_i32 = arith.constant 0 : i32
    %c0_i32_0 = arith.constant 0 : i32
    return %c0_i32 : i32
  }
  func.func @transform_5(%arg0: i32) -> i32 {
    %c0_i32 = arith.constant 0 : i32
    %c0_i32_0 = arith.constant 0 : i32
    return %c0_i32 : i32
  }
  func.func @transform_6(%arg0: i32) -> (i32, i32) {
    %c0_i32 = arith.constant 0 : i32
    %c0_i32_0 = arith.constant 0 : i32
    return %arg0, %c0_i32 : i32, i32
  }
}

module attributes {stable_mosaic.version = 14 : i64} {
  func.func @_tc3_body(%arg0: i32, %arg1: memref<2x400x48xf32, #tpu.memory_space<vmem>>, %arg2: memref<2x400x16xf32, #tpu.memory_space<vmem>>, %arg3: memref<40xf32, #tpu.memory_space<vmem>>, %arg4: memref<400x40xf32, #tpu.memory_space<vmem>>) attributes {dimension_semantics = [#tpu.dimension_semantics<arbitrary>], iteration_bounds = array<i64: 25>, scalar_prefetch = 0 : i64, scratch_operands = 0 : i64, tpu.core_type = #tpu.core_type<tc>, window_params = [{transform_indices = @transform_0, window_bounds = array<i64: 2, 400, 48>}, {transform_indices = @transform_1, window_bounds = array<i64: 2, 400, 16>}, {pipeline_mode = #tpu.pipeline_mode<synchronous>, transform_indices = @transform_2, window_bounds = array<i64: 40>}, {transform_indices = @transform_3, window_bounds = array<i64: 400, 40>}]} {
    %get3A = arith.constant 0 : index
    %get3A_0 = arith.constant 0 : index
    %get3A_1 = arith.constant 0 : index
    %get3A_2 = vector.load %arg2[%get3A, %get3A_0, %get3A_1] : memref<2x400x16xf32, #tpu.memory_space<vmem>>, vector<1x400x1xf32>
    %get3A_3 = vector.shape_cast %get3A_2 : vector<1x400x1xf32> to vector<400xf32>
    %get3A_4 = arith.constant 1 : index
    %get3A_5 = arith.constant 0 : index
    %get3A_6 = arith.constant 0 : index
    %get3A_7 = vector.load %arg2[%get3A_4, %get3A_5, %get3A_6] : memref<2x400x16xf32, #tpu.memory_space<vmem>>, vector<1x400x1xf32>
    %get3A_8 = vector.shape_cast %get3A_7 : vector<1x400x1xf32> to vector<400xf32>
    %add3A = arith.addf %get3A_3, %get3A_8 : vector<400xf32>
    %max3A = arith.constant 1.000000e+00 : f32
    %max3A_9 = vector.broadcast %max3A : f32 to vector<400xf32>
    %max3A_10 = arith.maximumf %add3A, %max3A_9 : vector<400xf32>
    %rsqrt3A = math.rsqrt %max3A_10 : vector<400xf32>
    %get3A_11 = arith.constant 0 : index
    %get3A_12 = arith.constant 0 : index
    %get3A_13 = arith.constant 0 : index
    %get3A_14 = vector.load %arg1[%get3A_11, %get3A_12, %get3A_13] : memref<2x400x48xf32, #tpu.memory_space<vmem>>, vector<1x400x48xf32>
    %get3A_15 = vector.shape_cast %get3A_14 : vector<1x400x48xf32> to vector<400x48xf32>
    %get3A_16 = arith.constant 1 : index
    %get3A_17 = arith.constant 0 : index
    %get3A_18 = arith.constant 0 : index
    %get3A_19 = vector.load %arg1[%get3A_16, %get3A_17, %get3A_18] : memref<2x400x48xf32, #tpu.memory_space<vmem>>, vector<1x400x48xf32>
    %get3A_20 = vector.shape_cast %get3A_19 : vector<1x400x48xf32> to vector<400x48xf32>
    %add3A_21 = arith.addf %get3A_15, %get3A_20 : vector<400x48xf32>
    %slice3A = vector.extract_strided_slice %add3A_21 {offsets = [0, 0], sizes = [400, 40], strides = [1, 1]} : vector<400x48xf32> to vector<400x40xf32>
    %broadcast_in_dim3A = vector.shape_cast %rsqrt3A : vector<400xf32> to vector<400x1xf32>
    %mul3A = vector.broadcast %broadcast_in_dim3A : vector<400x1xf32> to vector<400x40xf32>
    %mul3A_22 = arith.mulf %slice3A, %mul3A : vector<400x40xf32>
    %get3A_23 = arith.constant 0 : index
    %get3A_24 = vector.load %arg3[%get3A_23] : memref<40xf32, #tpu.memory_space<vmem>>, vector<40xf32>
    %broadcast_in_dim3A_25 = vector.shape_cast %get3A_24 : vector<40xf32> to vector<1x40xf32>
    %add3A_26 = vector.broadcast %broadcast_in_dim3A_25 : vector<1x40xf32> to vector<400x40xf32>
    %add3A_27 = arith.addf %mul3A_22, %add3A_26 : vector<400x40xf32>
    %swap3A = arith.constant 0 : index
    %swap3A_28 = arith.constant 0 : index
    %swap3A_29 = vector.load %arg4[%swap3A, %swap3A_28] : memref<400x40xf32, #tpu.memory_space<vmem>>, vector<400x40xf32>
    tpu.vector_store %arg4[%swap3A, %swap3A_28], %add3A_27 {strides = array<i32>} : memref<400x40xf32, #tpu.memory_space<vmem>>, vector<400x40xf32>,
    return
  }
  func.func @transform_0(%arg0: i32) -> (i32, i32, i32) {
    %c0_i32 = arith.constant 0 : i32
    %c0_i32_0 = arith.constant 0 : i32
    %c0_i32_1 = arith.constant 0 : i32
    return %c0_i32, %arg0, %c0_i32_0 : i32, i32, i32
  }
  func.func @transform_1(%arg0: i32) -> (i32, i32, i32) {
    %c0_i32 = arith.constant 0 : i32
    %c0_i32_0 = arith.constant 0 : i32
    %c0_i32_1 = arith.constant 0 : i32
    return %c0_i32, %arg0, %c0_i32_0 : i32, i32, i32
  }
  func.func @transform_2(%arg0: i32) -> i32 {
    %c0_i32 = arith.constant 0 : i32
    %c0_i32_0 = arith.constant 0 : i32
    return %c0_i32 : i32
  }
  func.func @transform_3(%arg0: i32) -> (i32, i32) {
    %c0_i32 = arith.constant 0 : i32
    %c0_i32_0 = arith.constant 0 : i32
    return %arg0, %c0_i32 : i32, i32
  }
}

</mosaic_0001>

<sc_bundles>
// kernel: kernel.11.cloned.1.call-start
scs
__scs_entry_jumppad:
0x0: {  	(pc) =	sbr.rel $0x88, $3  }
0x1: {  	(tag) =	ssettag $0x0;
	lr =	simm.s32 $0x1  }
0x2: {  	[smem:$0x3F97] =	sst lr;
	_ =	strace $0xD0000000  }
0x3: {  	_ = 	snop  }
0x4: {  	_ = 	snop  }
0x5: {  	_ = 	snop  }
0x6: {  	_ = 	snop  }
0x7: {  	_ = 	snop  }
__scs_overlays_trampoline_lowered:
0x8: {  	[smem:$0x3FA6] =	sst s0  }
0x9: {  	[smem:$0x3FA7] =	sst s1  }
0xa: {  	[smem:$0x3FA8] =	sst s2  }
0xb: {  	[smem:$0x3FA9] =	sst s3  }
0xc: {  	[smem:$0x3FAA] =	sst s4  }
0xd: {  	[smem:$0x3FAB] =	sst s5  }
0xe: {  	[smem:$0x3FAC] =	sst s6  }
0xf: {  	[smem:$0x3FAD] =	sst s7  }
0x10: {  	[smem:$0x3FAE] =	sst s8  }
0x11: {  	[smem:$0x3FAF] =	sst s9;
	s0 =	simm.s32 @!p0 $0x0  }
0x12: {  	s1 =	sld [smem:$0x3F95];
	s0 =	simm.s32 @p0 $0x1  }
0x13: {  	[smem:$0x3FB0] =	sst s0;
	s0 =	simm.s32 @!p1 $0x0  }
0x14: {  	s2 =	sld [smem:$0x3F94];
	s0 =	simm.s32 @p1 $0x1  }
0x15: {  	[smem:$0x3FB1] =	sst s0;
	s0 =	simm.s32 @!p2 $0x0  }
0x16: {  	s3 =	sld [smem:$0x3FDB];
	s0 =	simm.s32 @p2 $0x1  }
0x17: {  	s4 =	simm.s32 $0x1BF5;
	[smem:$0x3FB3] =	sst s0  }
0x18: {  	s0 =	sld [smem:$0x3F96];
	_ =	swait.ge [sflag:s4], $0x0  }
0x19: {  	s7 =	sld [smem:$0x3F97]  }
0x1a: {  	s8 =	sadd.s32 $0xFFFFE003, lr  }
0x1b: {  	s9 =	sadd.s32 $0xFFFFFEF7, lr;
	s5 =	simm.s32 $0xFFFFFFFF;
	p2 =	slt.u32 s8, $0xFFFFF086  }
0x1c: {  	p1 =	slt.u32 s9, $0xF7A;
	s5 =	simm.s32 @!p2 $0x0  }
0x1d: {  	s5 =	simm.s32 @p1 $0x1;
	p0 =	seq.s32 s7, s2  }
0x1e: {  	s7 =	smul.u32 @!p0 $0xF7A, s2;
	p2 =	seq.s32 @!p0 s5, $0x0  }
0x1f: {  	s9 =	smul.u32 $0xF7A, s1;
	s8 =	simm.s32 @!p0 $0x1BF5;
	p2 =	por !p2, p0  }
0x20: {  	[sflag:s8] =	ssyncset.s32 @!p0 $0xFFFFF086;
	s6 =	sadd.s32 @!p0 s3, s7;
	s7 =	simm.s32 @!p0 $0x108  }
0x21: {  	s3 =	sadd.s32 s3, s9;
	s6 =	sadd.s32 @!p0 $0x88, s6;
	s7 =	simm.s32 @p2 $0x1082  }
0x22: {  	[simem:s7], [sflag:s8] =	dma.local @!p0 [hbm:s6], $0xF7A  }
0x23: {  	s9 =	sor.u32 $0xD0000000, s2;
	s6 =	simm.s32 $0x108;
	_ =	swait.ge @!p0 [sflag:s8], $0x0  }
0x24: {  	s3 =	sadd.s32 $0x88, s3;
	s6 =	simm.s32 @!p1 $0x1082;
	[sflag:s4] =	ssyncset.s32 $0xFFFFF086  }
0x25: {  	[simem:s6], [sflag:s4] =	dma.local [hbm:s3], $0xF7A  }
0x26: {  	[smem:$0x3F97] =	sst s1;
	(tag) =	ssettag s2;
	_ =	strace s9  }
0x27: {  	s1 =	sld [smem:$0x3FA7]  }
0x28: {  	s2 =	sld [smem:$0x3FA8]  }
0x29: {  	s4 =	sld [smem:$0x3FAA]  }
0x2a: {  	p0 =	seq.s32 s5, $0x0;
	s5 =	sld [smem:$0x3FAB]  }
0x2b: {  	s6 =	sld [smem:$0x3FAC]  }
0x2c: {  	s7 =	sld [smem:$0x3FAD]  }
0x2d: {  	s3 =	simm.s32 $0x108;
	s8 =	sld [smem:$0x3FAE]  }
0x2e: {  	s3 =	simm.s32 @!p0 $0x1082;
	s9 =	sld [smem:$0x3FAF]  }
0x2f: {  	lr =	sadd.s32 s0, s3;
	s0 =	sld [smem:$0x3FA6]  }
0x30: {  	s3 =	sld [smem:$0x3FA9]  }
0x31: {  	[smem:$0x3FB2] =	sst s10  }
0x32: {  	s10 =	sld [smem:$0x3FB0];
	_ =	sdelay $0x3  }
0x33: {  	p0 =	seq.s32 s10, $0x1;
	s10 =	sld [smem:$0x3FB2];
	_ =	sdelay $0x3  }
0x34: {  	[smem:$0x3FB2] =	sst s10  }
0x35: {  	s10 =	sld [smem:$0x3FB1];
	_ =	sdelay $0x3  }
0x36: {  	p1 =	seq.s32 s10, $0x1;
	s10 =	sld [smem:$0x3FB2];
	_ =	sdelay $0x3  }
0x37: {  	[smem:$0x3FB2] =	sst s10  }
0x38: {  	s10 =	sld [smem:$0x3FB3]  }
0x39: {  	_ = 	snop;
	(pc) =	sbr.ind lr, $3  }
0x3a: {  	_ = 	snop  }
0x3b: {  	_ = 	snop  }
0x3c: {  	p2 =	seq.s32 s10, $0x1;
	s10 =	sld [smem:$0x3FB2]  }
0x3d: {  	_ =	shalt  }
0x3e: {  	_ =	shalt  }
0x3f: {  	_ =	shalt  }
0x40: {  	_ =	shalt  }
0x41: {  	_ =	shalt  }
0x42: {  	_ =	shalt  }
0x43: {  	_ =	shalt  }
0x44: {  	_ =	shalt  }
0x45: {  	_ =	shalt  }
0x46: {  	_ =	shalt  }
0x47: {  	_ =	shalt  }
0x48: {  	_ =	shalt  }
0x49: {  	_ =	shalt  }
0x4a: {  	_ =	shalt  }
0x4b: {  	_ =	shalt  }
0x4c: {  	_ =	shalt  }
0x4d: {  	_ =	shalt  }
0x4e: {  	_ =	shalt  }
0x4f: {  	_ =	shalt  }
0x50: {  	_ =	shalt  }
0x51: {  	_ =	shalt  }
0x52: {  	_ =	shalt  }
0x53: {  	_ =	shalt  }
0x54: {  	_ =	shalt  }
0x55: {  	_ =	shalt  }
0x56: {  	_ =	shalt  }
0x57: {  	_ =	shalt  }
0x58: {  	_ =	shalt  }
0x59: {  	_ =	shalt  }
0x5a: {  	_ =	shalt  }
0x5b: {  	_ =	shalt  }
0x5c: {  	_ =	shalt  }
0x5d: {  	_ =	shalt  }
0x5e: {  	_ =	shalt  }
0x5f: {  	_ =	shalt  }
0x60: {  	_ =	shalt  }
0x61: {  	_ =	shalt  }
0x62: {  	_ =	shalt  }
0x63: {  	_ =	shalt  }
0x64: {  	_ =	shalt  }
0x65: {  	_ =	shalt  }
0x66: {  	_ =	shalt  }
0x67: {  	_ =	shalt  }
0x68: {  	_ =	shalt  }
0x69: {  	_ =	shalt  }
0x6a: {  	_ =	shalt  }
0x6b: {  	_ =	shalt  }
0x6c: {  	_ =	shalt  }
0x6d: {  	_ =	shalt  }
0x6e: {  	_ =	shalt  }
0x6f: {  	_ =	shalt  }
0x70: {  	_ =	shalt  }
0x71: {  	_ =	shalt  }
0x72: {  	_ =	shalt  }
0x73: {  	_ =	shalt  }
0x74: {  	_ =	shalt  }
0x75: {  	_ =	shalt  }
0x76: {  	_ =	shalt  }
0x77: {  	_ =	shalt  }
0x78: {  	_ =	shalt  }
0x79: {  	_ =	shalt  }
0x7a: {  	_ =	shalt  }
0x7b: {  	_ =	shalt  }
0x7c: {  	_ =	shalt  }
0x7d: {  	_ =	shalt  }
0x7e: {  	_ =	shalt  }
0x7f: {  	_ =	shalt  }
0x80: {  	_ =	shalt  }
0x81: {  	_ =	shalt  }
0x82: {  	_ =	shalt  }
0x83: {  	_ =	shalt  }
0x84: {  	_ =	shalt  }
0x85: {  	_ =	shalt  }
0x86: {  	_ =	shalt  }
0x87: {  	_ =	shalt  }
.Lfunc_end0:
.L_simem_size_0:
called_computation.1_lowered:
.L_overlay_start_0:
0x88: {  	s2 =	sld [smem:$0x3FD9]  }
0x89: {  	s3 =	sld [smem:$0x3FFE];
	_ =	sdelay $0x1  }
0x8a: {  	s1 =	srdreg.scid  }
0x8b: {  	s0 =	sand.u32 $0x1, s1  }
0x8c: {  	s17 =	sshll.u32 s0, $0xA;
	s2 =	sadd.s32 s3, s2  }
0x8d: {  	s2 =	sadd.s32 s2, s17  }
0x8e: {  	[smem:$0x3FBE] =	sst s2  }
0x8f: {  	_ = 	snop  }
0x90: {  	s2 =	sld [smem:$0x3FD0];
	(tm) =	ssettm $0x1  }
0x91: {  	s18 =	sld [smem:$0x3FFB];
	_ =	sdelay $0x3  }
0x92: {  	_ =	strace s18  }
0x93: {  	s3 =	sld [smem:$0x3FFC];
	_ =	sdelay $0x3  }
0x94: {  	_ =	strace s3  }
0x95: {  	s3 =	sld [smem:$0x3FFD];
	_ =	sdelay $0x3  }
0x96: {  	_ =	strace s3  }
0x97: {  	_ =	strace $0x8FFFFFFF  }
0x98: {  	s19 =	sld [smem:$0x3FDB];
	_ =	sdelay $0x1  }
0x99: {  	s4 =	simm.s32 $_scs_section_size  }
0x9a: {  	s5 =	simm.s32 $_size__tile_overlayer_lowered;
	s6 =	simm.s32 $_tile_overlayer_lowered  }
0x9b: {  	s22 =	simm.s32 $0x1BFF;
	s21 =	sshll.u32 s6, $0x1;
	s3 =	sadd.s32 s4, s19  }
0x9c: {  	s7 =	simm.s32 $0x0;
	s20 =	sshll.u32 s5, $0x1;
	s5 =	sadd.s32 s21, s3  }
0x9d: {  	[timem:s7], [sflag:s22] =	dma.local [hbm:s5], s20  }
0x9e: {  	_ =	swait.ge [sflag:s22], s20  }
0x9f: {  	s4 =	ssub.s32 $0x0, s20;
	[sflag:s22] =	ssyncset.done $0x0  }
0xa0: {  	[sflag:s22] =	ssyncadd.s32 s4;
	_ =	sdelay $0x1  }
0xa1: {  	s23 =	simm.s32 $0x1B8B  }
0xa2: {  	_ =	swait.ge [sflag:s23], $0x1  }
0xa3: {  	[sflag:s23] =	ssyncset.done $0x0  }
0xa4: {  	s25 =	simm.s32 $0x1B8E;
	s24 =	sld [smem:$0x3FFE];
	[sflag:s23] =	ssyncadd.s32 $0xFFFFFFFF  }
0xa5: {  	s26 =	simm.s32 $execute0_lowered;
	[smem:$0x3FD2] =	sst s25  }
0xa6: {  	s5 =	sshll.u32 s26, $0x1;
	_ =	strace $0x80000049;
	[dreg:$0x1] =	wrdreg $0xFFFFFFFF  }
0xa7: {  	s28 =	simm.s32 $_size_execute0_lowered;
	s3 =	sadd.s32 s3, s5;
	[dreg:$0x0] =	wrdreg $0x0  }
0xa8: {  	s5 =	sshll.u32 s28, $0x1;
	[dreg:$0x2] =	wrdreg s3  }
0xa9: {  	[dreg:$0x3] =	wrdreg s5  }
0xaa: {  	[dreg:$0x4] =	wrdreg $0xC0  }
0xab: {  	_ =	task [dreg:s7], $0x5FFFF  }
0xac: {  	[dreg:$0x1] =	wrdreg $0xFFFFFFFF  }
0xad: {  	[dreg:$0x0] =	wrdreg $0x60  }
0xae: {  	[dreg:$0x2] =	wrdreg s2  }
0xaf: {  	[dreg:$0x3] =	wrdreg s24  }
0xb0: {  	[dreg:$0x4] =	wrdreg $0xAA000  }
0xb1: {  	[dreg:$0x5] =	wrdreg $0x9  }
0xb2: {  	_ =	task.clear_ibuf [dreg:s7], $0x6FFFF;
	_ =	strace $0x90000049  }
0xb3: {  	s29 =	simm.s32 $0x9;
	_ =	strace $0x8000004B  }
0xb4: {  	_ =	swait.ge [sflag:s29], $0x1  }
0xb5: {  	[sflag:s29] =	ssyncadd.s32 $0xFFFFFFFF  }
0xb6: {  	_ =	strace $0x9000004B  }
0xb7: {  	_ =	sfence  }
0xb8: {  	s30 =	sld [smem:$0x0];
	_ =	sdelay $0x2  }
0xb9: {  	s31 =	sshll.u32 s1, $0xD;
	s1 =	sshrl.u32 s1, $0x2  }
0xba: {  	s3 =	sand.u32 $0x4000, s31;
	s1 =	sadd.s32 s1, s30  }
0xbb: {  	s0 =	sor.u32 s3, s0;
	s1 =	sshll.u32 s1, $0x11  }
0xbc: {  	s0 =	sor.u32 s1, s0  }
0xbd: {  	s0 =	sadd.s32 $0x8F2B, s0  }
0xbe: {  	[sflag:s0] =	ssyncadd.remote.s32 $0x1  }
0xbf: {  	_ =	sfence.sel $0xFFFF  }
0xc0: {  	[dreg:$0x0] =	wrdreg $0xFFFFFFFF;
	(pc) =	sbr.abs _section_cstart, $3  }
0xc1: {  	[dreg:$0x1] =	wrdreg $0xFFFFFFFF  }
0xc2: {  	_ =	task.clear_ibuf [dreg:s7], $0x2FFFF;
	_ =	strace $0x9FFFFFFF  }
0xc3: {  	(tm) =	ssettm $0x7FFFFFFF  }
tec
execute0_lowered:
.L_overlay_start_1:
0x0: {  	(tag) =	ssettag $0x1  }
0x1: {  	s0 =	rddreg [dreg:$0x0]  }
0x2: {  	s6 =	rddreg [dreg:$0x1]  }
0x3: {  	s1 =	rddreg [dreg:$0x2]  }
0x4: {  	s3 =	simm.s32 $0x0;
	s4 =	srdreg.scid;
	s2 =	stileid.u32  }
0x5: {  	s30 =	simm.s32 $0x2A00;
	s31 =	simm.s32 $0x3;
	[smem:$0x7FF] =	sst s3  }
0x6: {  	s11 =	sand.u32 $0x1, s4;
	s12 =	smul.u32 $0x14000, s2;
	s4 =	sadd.s32 $0x2200, s6  }
0x7: {  	s5 =	sadd.s32 $0x5C600, s6;
	s13 =	sadd.s32 $0x83800, s6;
	s20 =	smul.u32 $0x4900, s2  }
0x8: {  	s21 =	smul.u32 $0x920, s2;
	_ =	strace $0x8000004A;
	s7 =	ssub.s32 $0x2, s11  }
0x9: {  	p0 =	seq.s32 s11, $0x1;
	s11 =	smul.u32 $0x140000, s11;
	s24 =	sshrl.u32 s7, $0x1  }
0xa: {  	s14 =	sadd.s32 $0x4000, s12;
	s6 =	sadd.s32 s12, s1;
	s15 =	sadd.s32 $0x8000, s12  }
0xb: {  	s16 =	sadd.s32 $0xC000, s12;
	s17 =	sadd.s32 $0x10000, s12;
	s18 =	sshrl.u32 s20, $0x3  }
0xc: {  	s28 =	sadd.s32 s0, s21;
	s19 =	ssub.s32 s7, s24;
	s7 =	sadd.s32 s14, s1  }
0xd: {  	s8 =	sadd.s32 s15, s1;
	s9 =	sadd.s32 s16, s1;
	s10 =	sadd.s32 s17, s1  }
0xe: {  	s18 =	sadd.s32 s4, s18;
	s12 =	sadd.s32 s12, s11;
	s14 =	sadd.s32 s11, s14  }
0xf: {  	s23 =	sadd.s32 s11, s15;
	s16 =	sadd.s32 s11, s16;
	s11 =	sadd.s32 s11, s17  }
0x10: {  	s24 =	smul.u32 $0x900, s2;
	s15 =	sadd.s32 $0x4800, s20;
	s20 =	sadd.s32 $0x4880, s20  }
0x11: {  	[dreg:$0x4] =	wrdreg s28;
	s22 =	sadd.s32 $0x500, s18;
	s18 =	sadd.s32 $0x510, s18  }
0x12: {  	s12 =	sshrl.u32 s12, $0x3;
	s25 =	sshrl.u32 s14, $0x3;
	[dreg:$0x9] =	wrdreg s15  }
0x13: {  	s14 =	sshrl.u32 s16, $0x3;
	s11 =	sshrl.u32 s11, $0x3;
	[dreg:$0xa] =	wrdreg s20  }
0x14: {  	s20 =	simm.s32 $0x2980;
	[dreg:$0x5] =	wrdreg s22;
	s22 =	smul.u32 $0x120, s2  }
0x15: {  	[dreg:$0x6] =	wrdreg s18;
	s26 =	sadd.s32 s13, s12;
	s29 =	sadd.s32 s13, s25  }
0x16: {  	s2 =	sshrl.u32 s23, $0x3;
	s17 =	sadd.s32 s13, s14;
	s18 =	sadd.s32 s13, s11  }
0x17: {  	s23 =	sadd.s32 $0x49800, s24;
	s25 =	sadd.s32 $0x49880, s24;
	[dreg:$0x7] =	wrdreg s26  }
0x18: {  	s24 =	smax.u32 s19, $0x1;
	s12 =	simm.s32 $0x6A00;
	[dreg:$0x8] =	wrdreg s29  }
0x19: {  	s19 =	simm.s32 $0x2;
	s16 =	sadd.s32 s13, s2;
	[dreg:$0xc] =	wrdreg s23  }
.Ltmp0:
0x1a: {  	[dreg:$0xd] =	wrdreg s25;
	s25 =	sadd.s32 s21, s4;
	(pc) =	sbr.rel .LBB2_1-.Ltmp0, $4  }
0x1b: {  	s29 =	sadd.s32 $0x520, s28;
	s13 =	simm.s32 $0x1;
	s21 =	simm.s32 $0x2900  }
0x1c: {  	s0 =	sadd.s32 s0, s22;
	s26 =	sadd.s32 s22, s4;
	[dreg:$0xe] =	wrdreg s29  }
0x1d: {  	s28 =	sadd.s32 $0x530, s25;
	s22 =	simm.s32 $0x0;
	s0 =	sadd.s32 $0x9200, s0  }
0x1e: {  	v0 =	vimm.f32 $0.0e+00;
	s26 =	sadd.s32 $0x9210, s26;
	[dreg:$0xb] =	wrdreg s0;
	s0 =	simm.s32 $0x80  }
.LBB2_9:
0x1f: {  	s2 =	sadd.s32 $0x1F80, s23;
	[sflag:s31] =	ssyncadd.s32 @p1 $0xFFFFC000  }
0x20: {  	[tilespmem:s12], [sflag:$0x2] =	stream.indirect.gather [hbm4b:s5+s0], $0x80, s2, s0, $0xb8;
	[tilespmem:$0x1EA00] =	vst v63  }
0x21: {  	_ =	swait.ge [sflag:s13], $0x4000  }
0x22: {  	[sflag:s13] =	ssyncset.done $0x0  }
0x23: {  	s15 =	sadd.s32 $0xFFFFFFF0, s29;
	[sflag:s13] =	ssyncadd.s32 $0xFFFFC000  }
0x24: {  	[tilespmem:s21], [sflag:$0x3] =	stream.linear.gather [hbm4b:s15+s3], $0x80, $0x38;
	[tilespmem:$0x1EA00] =	vst v63  }
0x25: {  	_ =	swait.ge [sflag:s31], $0x80  }
0x26: {  	[sflag:s31] =	ssyncset.done $0x0  }
0x27: {  	[sflag:s31] =	ssyncadd.s32 $0xFFFFFF80  }
0x28: {  	[spmem:s1] =	stream.indirect.scatter.add.f32 [tilespmem:s30], [sflag:$0x3], $0x80, s21, s0, $0xb8;
	[tilespmem:$0x1EA00] =	vst v63  }
0x29: {  	_ =	swait.ge [sflag:s31], $0x4000  }
0x2a: {  	[sflag:s31] =	ssyncset.done $0x0  }
0x2b: {  	s23 =	sadd.s32 $0x2000, s23;
	[sflag:s31] =	ssyncadd.s32 $0xFFFFC000  }
0x2c: {  	[tilespmem:s30], [sflag:$0x1] =	stream.indirect.gather [hbm4b:s5+s0], $0x80, s23, s0, $0xb8;
	[tilespmem:$0x1EA00] =	vst v63  }
0x2d: {  	_ =	swait.ge [sflag:s19], $0x4000  }
0x2e: {  	[sflag:s19] =	ssyncset.done $0x0  }
0x2f: {  	[sflag:s19] =	ssyncadd.s32 $0xFFFFC000  }
0x30: {  	[tilespmem:s20], [sflag:$0x3] =	stream.linear.gather [hbm4b:s29+s3], $0x80, $0x38;
	[tilespmem:$0x1EA00] =	vst v63  }
0x31: {  	_ =	swait.ge [sflag:s31], $0x80  }
0x32: {  	[sflag:s31] =	ssyncset.done $0x0  }
0x33: {  	[sflag:s31] =	ssyncadd.s32 $0xFFFFFF80  }
0x34: {  	[spmem:s1] =	stream.indirect.scatter.add.f32 [tilespmem:s12], [sflag:$0x3], $0x80, s20, s0, $0xb8;
	[tilespmem:$0x1EA00] =	vst v63  }
0x35: {  	_ =	swait.ge [sflag:s31], $0x4000  }
0x36: {  	[sflag:s31] =	ssyncset.done $0x0;
	s29 =	rddreg [dreg:$0x9]  }
0x37: {  	s23 =	simm.s32 $0x1F80;
	s11 =	rddreg [dreg:$0xa];
	[sflag:s31] =	ssyncadd.s32 $0xFFFFC000  }
.LBB2_13:
0x38: {  	[tilespmem:s12], [sflag:$0x2] =	stream.indirect.gather [hbm4b:s5+s0], $0x80, s23, s0, $0xb8;
	[tilespmem:$0x1EA00] =	vst v63  }
0x39: {  	_ =	swait.ge [sflag:s13], $0x4000  }
0x3a: {  	s2 =	sshrl.u32 s29, $0x3;
	[sflag:s13] =	ssyncset.done $0x0  }
0x3b: {  	s2 =	sadd.s32 s4, s2;
	[sflag:s13] =	ssyncadd.s32 $0xFFFFC000  }
0x3c: {  	[tilespmem:s21], [sflag:$0x3] =	stream.linear.gather [hbm4b:s2+s3], $0x80, $0x38;
	[tilespmem:$0x1EA00] =	vst v63  }
0x3d: {  	_ =	swait.ge [sflag:s31], $0x80  }
0x3e: {  	[sflag:s31] =	ssyncset.done $0x0  }
0x3f: {  	[sflag:s31] =	ssyncadd.s32 $0xFFFFFF80  }
0x40: {  	[spmem:s1] =	stream.indirect.scatter.add.f32 [tilespmem:s30], [sflag:$0x3], $0x80, s21, s0, $0xb8;
	[tilespmem:$0x1EA00] =	vst v63  }
0x41: {  	_ =	swait.ge [sflag:s31], $0x4000  }
0x42: {  	[sflag:s31] =	ssyncset.done $0x0  }
0x43: {  	[sflag:s31] =	ssyncadd.s32 $0xFFFFC000  }
0x44: {  	_ =	swait.ge [sflag:s19], $0x4000  }
0x45: {  	s11 =	sshrl.u32 s11, $0x3;
	[sflag:s19] =	ssyncset.done $0x0  }
0x46: {  	s2 =	sadd.s32 s4, s11;
	[sflag:s19] =	ssyncadd.s32 $0xFFFFC000  }
0x47: {  	[tilespmem:s20], [sflag:$0x3] =	stream.linear.gather [hbm4b:s2+s3], $0x80, $0x38;
	[tilespmem:$0x1EA00] =	vst v63  }
0x48: {  	_ =	swait.ge [sflag:s31], $0x80  }
0x49: {  	[sflag:s31] =	ssyncset.done $0x0  }
0x4a: {  	[sflag:s31] =	ssyncadd.s32 $0xFFFFFF80  }
0x4b: {  	[spmem:s1] =	stream.indirect.scatter.add.f32 [tilespmem:s12], [sflag:$0x3], $0x80, s20, s0, $0xb8;
	[tilespmem:$0x1EA00] =	vst v63  }
0x4c: {  	_ =	swait.ge [sflag:s31], $0x4000  }
0x4d: {  	[sflag:s31] =	ssyncset.done $0x0  }
0x4e: {  	s14 =	stileid.u32;
	[sflag:s31] =	ssyncadd.s32 $0xFFFFC000  }
0x4f: {  	s2 =	sshll.u32 s14, $0x6;
	[bflag:$0x0] =	sbarrier.arrive $0xFFFF  }
0x50: {  	s15 =	sshrl.u32 s6, $0x3;
	s2 =	sor.u32 $0x1C03, s2;
	s14 =	rddreg [dreg:$0x7]  }
0x51: {  	[hbm:s14], [sflag:s2] =	dma.local [spmem:s15], $0x800  }
0x52: {  	_ =	swait.ge [sflag:s31], $0x800  }
0x53: {  	[sflag:s31] =	ssyncset.done $0x0  }
0x54: {  	s23 =	sshrl.u32 s7, $0x3;
	s29 =	rddreg [dreg:$0x8];
	[sflag:s31] =	ssyncadd.s32 $0xFFFFF800  }
0x55: {  	[hbm:s29], [sflag:s2] =	dma.local [spmem:s23], $0x800  }
0x56: {  	_ =	swait.ge [sflag:s31], $0x800  }
0x57: {  	[sflag:s31] =	ssyncset.done $0x0  }
0x58: {  	s15 =	sshrl.u32 s8, $0x3;
	[sflag:s31] =	ssyncadd.s32 $0xFFFFF800  }
0x59: {  	[hbm:s16], [sflag:s2] =	dma.local [spmem:s15], $0x800  }
0x5a: {  	_ =	swait.ge [sflag:s31], $0x800  }
0x5b: {  	[sflag:s31] =	ssyncset.done $0x0  }
0x5c: {  	s23 =	sshrl.u32 s9, $0x3;
	[sflag:s31] =	ssyncadd.s32 $0xFFFFF800  }
0x5d: {  	[hbm:s17], [sflag:s2] =	dma.local [spmem:s23], $0x800  }
0x5e: {  	s22 =	sadd.s32 $0x1, s22;
	_ =	swait.ge [sflag:s31], $0x800  }
0x5f: {  	p1 =	sne.s32 s22, s24;
	[sflag:s31] =	ssyncset.done $0x0  }
.Ltmp1:
0x60: {  	s29 =	sshrl.u32 s10, $0x3;
	[sflag:s31] =	ssyncadd.s32 $0xFFFFF800;
	(pc) =	sbr.rel @!p1 .LBB2_14-.Ltmp1, $4  }
0x61: {  	[hbm:s18], [sflag:s2] =	dma.local [spmem:s29], $0x800  }
0x62: {  	_ =	swait.ge [sflag:s31], $0x800  }
0x63: {  	[sflag:s31] =	ssyncset.done $0x0  }
0x64: {  	[sflag:s31] =	ssyncadd.s32 $0xFFFFF800  }
.LBB2_1:
0x65: {  	s11 =	simm.s32 $0x0;
	s23 =	simm.s32 $0x200  }
.LBB2_2:
0x66: {  	p1 =	sne.s32 s23, $0xFE00;
	[tilespmem:s11+$0x2A70] =	vst v0  }
0x67: {  	[tilespmem:s11+$0x2A00] =	vst v0  }
0x68: {  	[tilespmem:s11+$0x2A10] =	vst v0  }
.Ltmp2:
0x69: {  	[tilespmem:s11+$0x2A20] =	vst v0;
	(pc) =	sbr.rel @p1 .LBB2_2-.Ltmp2, $4  }
0x6a: {  	[tilespmem:s11+$0x2A30] =	vst v0  }
0x6b: {  	[tilespmem:s11+$0x2A40] =	vst v0  }
0x6c: {  	[tilespmem:s11+$0x2A50] =	vst v0  }
0x6d: {  	[tilespmem:s11+$0x2A60] =	vst v0;
	s11 =	sshra.s32 s23, $0x2;
	s23 =	sadd.s32 $0x200, s23  }
0x6e: {  	[tilespmem:s11+$0x2A70] =	vst v0  }
0x6f: {  	[tilespmem:s11+$0x2A00] =	vst v0  }
0x70: {  	[tilespmem:s11+$0x2A10] =	vst v0  }
0x71: {  	[tilespmem:s11+$0x2A20] =	vst v0  }
0x72: {  	[tilespmem:s11+$0x2A30] =	vst v0  }
0x73: {  	[tilespmem:s11+$0x2A40] =	vst v0  }
0x74: {  	[tilespmem:s11+$0x2A50] =	vst v0  }
0x75: {  	[tilespmem:s11+$0x2A60] =	vst v0  }
0x76: {  	[spmem:s6] =	stream.linear.scatter [tilespmem:s30], [sflag:$0x3], $0x4000, $0x38;
	[tilespmem:$0x1EA00] =	vst v63  }
0x77: {  	_ =	swait.ge [sflag:s31], $0x4000  }
0x78: {  	[sflag:s31] =	ssyncset.done $0x0  }
0x79: {  	[sflag:s31] =	ssyncadd.s32 $0xFFFFC000  }
0x7a: {  	[spmem:s7] =	stream.linear.scatter [tilespmem:s30], [sflag:$0x3], $0x4000, $0x38;
	[tilespmem:$0x1EA00] =	vst v63  }
0x7b: {  	_ =	swait.ge [sflag:s31], $0x4000  }
0x7c: {  	[sflag:s31] =	ssyncset.done $0x0  }
0x7d: {  	[sflag:s31] =	ssyncadd.s32 $0xFFFFC000  }
0x7e: {  	[spmem:s8] =	stream.linear.scatter [tilespmem:s30], [sflag:$0x3], $0x4000, $0x38;
	[tilespmem:$0x1EA00] =	vst v63  }
0x7f: {  	_ =	swait.ge [sflag:s31], $0x4000  }
0x80: {  	[sflag:s31] =	ssyncset.done $0x0  }
0x81: {  	[sflag:s31] =	ssyncadd.s32 $0xFFFFC000  }
0x82: {  	[spmem:s9] =	stream.linear.scatter [tilespmem:s30], [sflag:$0x3], $0x4000, $0x38;
	[tilespmem:$0x1EA00] =	vst v63  }
0x83: {  	_ =	swait.ge [sflag:s31], $0x4000  }
0x84: {  	[sflag:s31] =	ssyncset.done $0x0  }
0x85: {  	[sflag:s31] =	ssyncadd.s32 $0xFFFFC000  }
0x86: {  	[spmem:s10] =	stream.linear.scatter [tilespmem:s30], [sflag:$0x3], $0x4000, $0x38;
	[tilespmem:$0x1EA00] =	vst v63  }
.Ltmp3:
0x87: {  	_ =	swait.ge [sflag:s31], $0x4000;
	(pc) =	sbr.rel @!p0 .LBB2_4-.Ltmp3, $3  }
0x88: {  	[sflag:s31] =	ssyncset.done $0x0  }
0x89: {  	[sflag:s31] =	ssyncadd.s32 $0xFFFFC000  }
0x8a: {  	[bflag:$0x0] =	sbarrier.arrive $0xFFFF;
	_ =	sdelay $0x1  }
0x8b: {  	s2 =	rddreg [dreg:$0xb]  }
0x8c: {  	[tilespmem:s3], [sflag:$0x3] =	stream.linear.gather [hbm4b:s2+s3], $0x900, $0x38;
	[tilespmem:$0x1EA00] =	vst v63  }
0x8d: {  	_ =	swait.ge [sflag:s31], $0x900  }
0x8e: {  	[sflag:s31] =	ssyncset.done $0x0  }
0x8f: {  	[sflag:s31] =	ssyncadd.s32 $0xFFFFF700  }
0x90: {  	[tilespmem:s30], [sflag:$0x1] =	stream.indirect.gather [hbm4b:s5+s0], $0x80, s3, s0, $0xb8;
	[tilespmem:$0x1EA00] =	vst v63  }
0x91: {  	s14 =	simm.s32 $0x80  }
0x92: {  	[tilespmem:s12], [sflag:$0x2] =	stream.indirect.gather [hbm4b:s5+s0], $0x80, s14, s0, $0xb8;
	[tilespmem:$0x1EA00] =	vst v63  }
0x93: {  	_ =	swait.ge [sflag:s13], $0x4000  }
0x94: {  	[sflag:s13] =	ssyncset.done $0x0  }
0x95: {  	s15 =	sadd.s32 $0xFFFFFFF0, s26;
	[sflag:s13] =	ssyncadd.s32 $0xFFFFC000  }
0x96: {  	[tilespmem:s21], [sflag:$0x3] =	stream.linear.gather [hbm4b:s15+s3], $0x80, $0x38;
	[tilespmem:$0x1EA00] =	vst v63  }
0x97: {  	_ =	swait.ge [sflag:s31], $0x80  }
0x98: {  	[sflag:s31] =	ssyncset.done $0x0  }
0x99: {  	[sflag:s31] =	ssyncadd.s32 $0xFFFFFF80  }
0x9a: {  	[spmem:s1] =	stream.indirect.scatter.add.f32 [tilespmem:s30], [sflag:$0x3], $0x80, s21, s0, $0xb8;
	[tilespmem:$0x1EA00] =	vst v63  }
0x9b: {  	_ =	swait.ge [sflag:s31], $0x4000  }
0x9c: {  	[sflag:s31] =	ssyncset.done $0x0  }
0x9d: {  	s23 =	simm.s32 $0x100;
	[sflag:s31] =	ssyncadd.s32 $0xFFFFC000  }
0x9e: {  	[tilespmem:s30], [sflag:$0x1] =	stream.indirect.gather [hbm4b:s5+s0], $0x80, s23, s0, $0xb8;
	[tilespmem:$0x1EA00] =	vst v63  }
0x9f: {  	_ =	swait.ge [sflag:s19], $0x4000  }
0xa0: {  	[sflag:s19] =	ssyncset.done $0x0  }
0xa1: {  	[sflag:s19] =	ssyncadd.s32 $0xFFFFC000  }
0xa2: {  	[tilespmem:s20], [sflag:$0x3] =	stream.linear.gather [hbm4b:s26+s3], $0x80, $0x38;
	[tilespmem:$0x1EA00] =	vst v63  }
0xa3: {  	_ =	swait.ge [sflag:s31], $0x80  }
0xa4: {  	[sflag:s31] =	ssyncset.done $0x0  }
0xa5: {  	[sflag:s31] =	ssyncadd.s32 $0xFFFFFF80  }
0xa6: {  	[spmem:s1] =	stream.indirect.scatter.add.f32 [tilespmem:s12], [sflag:$0x3], $0x80, s20, s0, $0xb8;
	[tilespmem:$0x1EA00] =	vst v63  }
0xa7: {  	s11 =	simm.s32 $0xFFFFF900;
	_ =	swait.ge [sflag:s31], $0x4000  }
0xa8: {  	s29 =	sadd.s32 $0x20, s26;
	s23 =	simm.s32 $0xFFFFE800;
	[sflag:s31] =	ssyncset.done $0x0  }
.LBB2_11:
0xa9: {  	s2 =	sadd.s32 $0x880, s11  }
0xaa: {  	[sflag:s31] =	ssyncadd.s32 $0xFFFFC000;
	s14 =	smov.u32 s23;
	s15 =	sadd.s32 $0x400, s23  }
0xab: {  	[tilespmem:s12], [sflag:$0x2] =	stream.indirect.gather [hbm4b:s5+s0], $0x80, s2, s0, $0xb8;
	[tilespmem:$0x1EA00] =	vst v63  }
0xac: {  	p1 =	sne.s32 s23, $0xFFFFFC00;
	_ =	swait.ge [sflag:s13], $0x4000  }
0xad: {  	[sflag:s13] =	ssyncset.done $0x0  }
0xae: {  	s2 =	sadd.s32 $0xFFFFFFF0, s29;
	[sflag:s13] =	ssyncadd.s32 $0xFFFFC000  }
0xaf: {  	[tilespmem:s21], [sflag:$0x3] =	stream.linear.gather [hbm4b:s2+s3], $0x80, $0x38;
	[tilespmem:$0x1EA00] =	vst v63  }
0xb0: {  	_ =	swait.ge [sflag:s31], $0x80  }
0xb1: {  	[sflag:s31] =	ssyncset.done $0x0  }
0xb2: {  	[sflag:s31] =	ssyncadd.s32 $0xFFFFFF80  }
0xb3: {  	[spmem:s1] =	stream.indirect.scatter.add.f32 [tilespmem:s30], [sflag:$0x3], $0x80, s21, s0, $0xb8;
	[tilespmem:$0x1EA00] =	vst v63  }
0xb4: {  	_ =	swait.ge [sflag:s31], $0x4000  }
0xb5: {  	[sflag:s31] =	ssyncset.done $0x0  }
0xb6: {  	s2 =	sadd.s32 $0x900, s11;
	[sflag:s31] =	ssyncadd.s32 $0xFFFFC000  }
0xb7: {  	[tilespmem:s30], [sflag:$0x1] =	stream.indirect.gather [hbm4b:s5+s0], $0x80, s2, s0, $0xb8;
	[tilespmem:$0x1EA00] =	vst v63  }
0xb8: {  	_ =	swait.ge [sflag:s19], $0x4000  }
0xb9: {  	[sflag:s19] =	ssyncset.done $0x0  }
0xba: {  	[sflag:s19] =	ssyncadd.s32 $0xFFFFC000  }
0xbb: {  	[tilespmem:s20], [sflag:$0x3] =	stream.linear.gather [hbm4b:s29+s3], $0x80, $0x38;
	[tilespmem:$0x1EA00] =	vst v63  }
0xbc: {  	_ =	swait.ge [sflag:s31], $0x80  }
.Ltmp4:
0xbd: {  	[sflag:s31] =	ssyncset.done $0x0;
	(pc) =	sbr.rel @p1 .LBB2_11-.Ltmp4, $4  }
0xbe: {  	[sflag:s31] =	ssyncadd.s32 $0xFFFFFF80  }
0xbf: {  	[spmem:s1] =	stream.indirect.scatter.add.f32 [tilespmem:s12], [sflag:$0x3], $0x80, s20, s0, $0xb8;
	[tilespmem:$0x1EA00] =	vst v63  }
0xc0: {  	s23 =	smov.u32 s15;
	_ =	swait.ge [sflag:s31], $0x4000  }
0xc1: {  	s11 =	sshra.s32 s14, $0x2;
	s29 =	sadd.s32 $0x20, s29;
	[sflag:s31] =	ssyncset.done $0x0  }
0xc2: {  	s2 =	sadd.s32 $0x880, s11;
	[sflag:s31] =	ssyncadd.s32 $0xFFFFC000  }
0xc3: {  	[tilespmem:s12], [sflag:$0x2] =	stream.indirect.gather [hbm4b:s5+s0], $0x80, s2, s0, $0xb8;
	[tilespmem:$0x1EA00] =	vst v63  }
0xc4: {  	_ =	swait.ge [sflag:s13], $0x4000  }
0xc5: {  	[sflag:s13] =	ssyncset.done $0x0  }
0xc6: {  	s15 =	sadd.s32 $0xFFFFFFF0, s29;
	[sflag:s13] =	ssyncadd.s32 $0xFFFFC000  }
0xc7: {  	[tilespmem:s21], [sflag:$0x3] =	stream.linear.gather [hbm4b:s15+s3], $0x80, $0x38;
	[tilespmem:$0x1EA00] =	vst v63  }
0xc8: {  	_ =	swait.ge [sflag:s31], $0x80  }
0xc9: {  	[sflag:s31] =	ssyncset.done $0x0  }
0xca: {  	[sflag:s31] =	ssyncadd.s32 $0xFFFFFF80  }
0xcb: {  	[spmem:s1] =	stream.indirect.scatter.add.f32 [tilespmem:s30], [sflag:$0x3], $0x80, s21, s0, $0xb8;
	[tilespmem:$0x1EA00] =	vst v63  }
0xcc: {  	_ =	swait.ge [sflag:s31], $0x4000  }
0xcd: {  	[sflag:s31] =	ssyncset.done $0x0  }
0xce: {  	s23 =	sadd.s32 $0x900, s11;
	[sflag:s31] =	ssyncadd.s32 $0xFFFFC000  }
0xcf: {  	[tilespmem:s30], [sflag:$0x1] =	stream.indirect.gather [hbm4b:s5+s0], $0x80, s23, s0, $0xb8;
	[tilespmem:$0x1EA00] =	vst v63  }
0xd0: {  	_ =	swait.ge [sflag:s19], $0x4000  }
0xd1: {  	[sflag:s19] =	ssyncset.done $0x0  }
0xd2: {  	[sflag:s19] =	ssyncadd.s32 $0xFFFFC000  }
0xd3: {  	[tilespmem:s20], [sflag:$0x3] =	stream.linear.gather [hbm4b:s29+s3], $0x80, $0x38;
	[tilespmem:$0x1EA00] =	vst v63  }
0xd4: {  	_ =	swait.ge [sflag:s31], $0x80  }
0xd5: {  	[sflag:s31] =	ssyncset.done $0x0  }
.Ltmp5:
0xd6: {  	[sflag:s31] =	ssyncadd.s32 $0xFFFFFF80;
	(pc) =	sbr.rel .LBB2_13-.Ltmp5, $4  }
0xd7: {  	[spmem:s1] =	stream.indirect.scatter.add.f32 [tilespmem:s12], [sflag:$0x3], $0x80, s20, s0, $0xb8;
	[tilespmem:$0x1EA00] =	vst v63  }
0xd8: {  	_ =	swait.ge [sflag:s31], $0x4000  }
0xd9: {  	[sflag:s31] =	ssyncset.done $0x0;
	s29 =	rddreg [dreg:$0xc]  }
0xda: {  	s23 =	simm.s32 $0x880;
	s11 =	rddreg [dreg:$0xd];
	[sflag:s31] =	ssyncadd.s32 $0xFFFFC000  }
.LBB2_4:
0xdb: {  	s11 =	simm.s32 $0x0;
	s2 =	rddreg [dreg:$0x4]  }
0xdc: {  	[tilespmem:s11], [sflag:$0x3] =	stream.linear.gather [hbm4b:s2+s11], $0x2900, $0x38;
	[tilespmem:$0x1EA00] =	vst v63  }
0xdd: {  	_ =	swait.ge [sflag:s31], $0x2900  }
0xde: {  	[sflag:s31] =	ssyncset.done $0x0  }
0xdf: {  	[sflag:s31] =	ssyncadd.s32 $0xFFFFD700  }
0xe0: {  	[tilespmem:s30], [sflag:$0x1] =	stream.indirect.gather [hbm4b:s5+s0], $0x80, s11, s0, $0xb8;
	[tilespmem:$0x1EA00] =	vst v63  }
0xe1: {  	s14 =	simm.s32 $0x80  }
0xe2: {  	[tilespmem:s12], [sflag:$0x2] =	stream.indirect.gather [hbm4b:s5+s0], $0x80, s14, s0, $0xb8;
	[tilespmem:$0x1EA00] =	vst v63  }
0xe3: {  	_ =	swait.ge [sflag:s13], $0x4000  }
0xe4: {  	[sflag:s13] =	ssyncset.done $0x0  }
0xe5: {  	s15 =	sadd.s32 $0x0, s25;
	[sflag:s13] =	ssyncadd.s32 $0xFFFFC000  }
0xe6: {  	[tilespmem:s21], [sflag:$0x3] =	stream.linear.gather [hbm4b:s15+s3], $0x80, $0x38;
	[tilespmem:$0x1EA00] =	vst v63  }
0xe7: {  	_ =	swait.ge [sflag:s31], $0x80  }
0xe8: {  	[sflag:s31] =	ssyncset.done $0x0  }
0xe9: {  	[sflag:s31] =	ssyncadd.s32 $0xFFFFFF80  }
0xea: {  	[spmem:s1] =	stream.indirect.scatter.add.f32 [tilespmem:s30], [sflag:$0x3], $0x80, s21, s0, $0xb8;
	[tilespmem:$0x1EA00] =	vst v63  }
0xeb: {  	_ =	swait.ge [sflag:s31], $0x4000  }
0xec: {  	[sflag:s31] =	ssyncset.done $0x0  }
0xed: {  	s23 =	simm.s32 $0x100;
	[sflag:s31] =	ssyncadd.s32 $0xFFFFC000  }
0xee: {  	[tilespmem:s30], [sflag:$0x1] =	stream.indirect.gather [hbm4b:s5+s0], $0x80, s23, s0, $0xb8;
	[tilespmem:$0x1EA00] =	vst v63  }
0xef: {  	_ =	swait.ge [sflag:s19], $0x4000  }
0xf0: {  	[sflag:s19] =	ssyncset.done $0x0  }
0xf1: {  	s11 =	sadd.s32 $0x10, s15;
	[sflag:s19] =	ssyncadd.s32 $0xFFFFC000  }
0xf2: {  	[tilespmem:s20], [sflag:$0x3] =	stream.linear.gather [hbm4b:s11+s3], $0x80, $0x38;
	[tilespmem:$0x1EA00] =	vst v63  }
0xf3: {  	_ =	swait.ge [sflag:s31], $0x80  }
0xf4: {  	[sflag:s31] =	ssyncset.done $0x0  }
0xf5: {  	[sflag:s31] =	ssyncadd.s32 $0xFFFFFF80  }
0xf6: {  	[spmem:s1] =	stream.indirect.scatter.add.f32 [tilespmem:s12], [sflag:$0x3], $0x80, s20, s0, $0xb8;
	[tilespmem:$0x1EA00] =	vst v63  }
0xf7: {  	s29 =	simm.s32 $0x200;
	_ =	swait.ge [sflag:s31], $0x4000  }
0xf8: {  	s23 =	simm.s32 $0x20;
	s11 =	simm.s32 $0x40;
	[sflag:s31] =	ssyncset.done $0x0  }
.LBB2_5:
0xf9: {  	p1 =	sne.s32 s11, $0x4E0;
	s2 =	sadd.s32 $0xFFFFFF80, s29;
	[sflag:s31] =	ssyncadd.s32 $0xFFFFC000  }
0xfa: {  	[tilespmem:s12], [sflag:$0x2] =	stream.indirect.gather [hbm4b:s5+s0], $0x80, s2, s0, $0xb8;
	[tilespmem:$0x1EA00] =	vst v63  }
0xfb: {  	s2 =	smov.u32 s11;
	s11 =	sadd.s32 $0x20, s11;
	_ =	swait.ge [sflag:s13], $0x4000  }
0xfc: {  	[sflag:s13] =	ssyncset.done $0x0  }
0xfd: {  	s14 =	sadd.s32 s23, s25;
	s23 =	smov.u32 s2;
	[sflag:s13] =	ssyncadd.s32 $0xFFFFC000  }
0xfe: {  	[tilespmem:s21], [sflag:$0x3] =	stream.linear.gather [hbm4b:s14+s3], $0x80, $0x38;
	[tilespmem:$0x1EA00] =	vst v63  }
0xff: {  	_ =	swait.ge [sflag:s31], $0x80  }
0x100: {  	[sflag:s31] =	ssyncset.done $0x0  }
0x101: {  	[sflag:s31] =	ssyncadd.s32 $0xFFFFFF80  }
0x102: {  	[spmem:s1] =	stream.indirect.scatter.add.f32 [tilespmem:s30], [sflag:$0x3], $0x80, s21, s0, $0xb8;
	[tilespmem:$0x1EA00] =	vst v63  }
0x103: {  	_ =	swait.ge [sflag:s31], $0x4000  }
0x104: {  	[sflag:s31] =	ssyncset.done $0x0  }
0x105: {  	[sflag:s31] =	ssyncadd.s32 $0xFFFFC000  }
0x106: {  	[tilespmem:s30], [sflag:$0x1] =	stream.indirect.gather [hbm4b:s5+s0], $0x80, s29, s0, $0xb8;
	[tilespmem:$0x1EA00] =	vst v63  }
0x107: {  	_ =	swait.ge [sflag:s19], $0x4000  }
0x108: {  	[sflag:s19] =	ssyncset.done $0x0  }
0x109: {  	s2 =	sadd.s32 $0x10, s14;
	[sflag:s19] =	ssyncadd.s32 $0xFFFFC000  }
0x10a: {  	[tilespmem:s20], [sflag:$0x3] =	stream.linear.gather [hbm4b:s2+s3], $0x80, $0x38;
	[tilespmem:$0x1EA00] =	vst v63  }
0x10b: {  	_ =	swait.ge [sflag:s31], $0x80  }
.Ltmp6:
0x10c: {  	[sflag:s31] =	ssyncset.done $0x0;
	(pc) =	sbr.rel @p1 .LBB2_5-.Ltmp6, $4  }
0x10d: {  	[sflag:s31] =	ssyncadd.s32 $0xFFFFFF80  }
0x10e: {  	[spmem:s1] =	stream.indirect.scatter.add.f32 [tilespmem:s12], [sflag:$0x3], $0x80, s20, s0, $0xb8;
	[tilespmem:$0x1EA00] =	vst v63  }
0x10f: {  	_ =	swait.ge [sflag:s31], $0x4000  }
0x110: {  	s29 =	sadd.s32 $0x100, s29;
	[sflag:s31] =	ssyncset.done $0x0  }
0x111: {  	s2 =	sadd.s32 $0xFFFFFF80, s29;
	[sflag:s31] =	ssyncadd.s32 $0xFFFFC000  }
0x112: {  	[tilespmem:s12], [sflag:$0x2] =	stream.indirect.gather [hbm4b:s5+s0], $0x80, s2, s0, $0xb8;
	[tilespmem:$0x1EA00] =	vst v63  }
0x113: {  	_ =	swait.ge [sflag:s13], $0x4000  }
0x114: {  	[sflag:s13] =	ssyncset.done $0x0  }
0x115: {  	s23 =	sadd.s32 s23, s25;
	[sflag:s13] =	ssyncadd.s32 $0xFFFFC000  }
0x116: {  	[tilespmem:s21], [sflag:$0x3] =	stream.linear.gather [hbm4b:s23+s3], $0x80, $0x38;
	[tilespmem:$0x1EA00] =	vst v63  }
0x117: {  	_ =	swait.ge [sflag:s31], $0x80  }
0x118: {  	[sflag:s31] =	ssyncset.done $0x0  }
0x119: {  	[sflag:s31] =	ssyncadd.s32 $0xFFFFFF80  }
0x11a: {  	[spmem:s1] =	stream.indirect.scatter.add.f32 [tilespmem:s30], [sflag:$0x3], $0x80, s21, s0, $0xb8;
	[tilespmem:$0x1EA00] =	vst v63  }
0x11b: {  	_ =	swait.ge [sflag:s31], $0x4000  }
0x11c: {  	[sflag:s31] =	ssyncset.done $0x0  }
0x11d: {  	[sflag:s31] =	ssyncadd.s32 $0xFFFFC000  }
0x11e: {  	[tilespmem:s30], [sflag:$0x1] =	stream.indirect.gather [hbm4b:s5+s0], $0x80, s29, s0, $0xb8;
	[tilespmem:$0x1EA00] =	vst v63  }
0x11f: {  	_ =	swait.ge [sflag:s19], $0x4000  }
0x120: {  	[sflag:s19] =	ssyncset.done $0x0  }
0x121: {  	s2 =	sadd.s32 $0x10, s23;
	[sflag:s19] =	ssyncadd.s32 $0xFFFFC000  }
0x122: {  	[tilespmem:s20], [sflag:$0x3] =	stream.linear.gather [hbm4b:s2+s3], $0x80, $0x38;
	[tilespmem:$0x1EA00] =	vst v63  }
0x123: {  	_ =	swait.ge [sflag:s31], $0x80  }
0x124: {  	[sflag:s31] =	ssyncset.done $0x0  }
0x125: {  	[sflag:s31] =	ssyncadd.s32 $0xFFFFFF80  }
0x126: {  	[spmem:s1] =	stream.indirect.scatter.add.f32 [tilespmem:s12], [sflag:$0x3], $0x80, s20, s0, $0xb8;
	[tilespmem:$0x1EA00] =	vst v63  }
0x127: {  	_ =	swait.ge [sflag:s31], $0x4000  }
0x128: {  	[sflag:s31] =	ssyncset.done $0x0  }
0x129: {  	s11 =	simm.s32 $0x2880;
	[sflag:s31] =	ssyncadd.s32 $0xFFFFC000  }
0x12a: {  	[tilespmem:s12], [sflag:$0x2] =	stream.indirect.gather [hbm4b:s5+s0], $0x80, s11, s0, $0xb8;
	[tilespmem:$0x1EA00] =	vst v63  }
0x12b: {  	_ =	swait.ge [sflag:s13], $0x4000  }
0x12c: {  	[sflag:s13] =	ssyncset.done $0x0  }
0x12d: {  	s14 =	rddreg [dreg:$0x5];
	[sflag:s13] =	ssyncadd.s32 $0xFFFFC000  }
0x12e: {  	[tilespmem:s21], [sflag:$0x3] =	stream.linear.gather [hbm4b:s14+s3], $0x80, $0x38;
	[tilespmem:$0x1EA00] =	vst v63  }
0x12f: {  	_ =	swait.ge [sflag:s31], $0x80  }
0x130: {  	[sflag:s31] =	ssyncset.done $0x0  }
0x131: {  	[sflag:s31] =	ssyncadd.s32 $0xFFFFFF80  }
0x132: {  	[spmem:s1] =	stream.indirect.scatter.add.f32 [tilespmem:s30], [sflag:$0x3], $0x80, s21, s0, $0xb8;
	[tilespmem:$0x1EA00] =	vst v63  }
0x133: {  	_ =	swait.ge [sflag:s31], $0x4000  }
0x134: {  	[sflag:s31] =	ssyncset.done $0x0  }
0x135: {  	[sflag:s31] =	ssyncadd.s32 $0xFFFFC000  }
0x136: {  	_ =	swait.ge [sflag:s19], $0x4000  }
0x137: {  	[sflag:s19] =	ssyncset.done $0x0  }
0x138: {  	s15 =	rddreg [dreg:$0x6];
	[sflag:s19] =	ssyncadd.s32 $0xFFFFC000  }
0x139: {  	[tilespmem:s20], [sflag:$0x3] =	stream.linear.gather [hbm4b:s15+s3], $0x80, $0x38;
	[tilespmem:$0x1EA00] =	vst v63  }
0x13a: {  	_ =	swait.ge [sflag:s31], $0x80  }
0x13b: {  	[sflag:s31] =	ssyncset.done $0x0  }
0x13c: {  	[sflag:s31] =	ssyncadd.s32 $0xFFFFFF80  }
0x13d: {  	[spmem:s1] =	stream.indirect.scatter.add.f32 [tilespmem:s12], [sflag:$0x3], $0x80, s20, s0, $0xb8;
	[tilespmem:$0x1EA00] =	vst v63  }
0x13e: {  	_ =	swait.ge [sflag:s31], $0x4000  }
0x13f: {  	[sflag:s31] =	ssyncset.done $0x0  }
0x140: {  	p2 =	por $0x0, $0x0;
	s23 =	rddreg [dreg:$0xe];
	[sflag:s31] =	ssyncadd.s32 $0xFFFFC000  }
0x141: {  	[tilespmem:s3], [sflag:$0x3] =	stream.linear.gather [hbm4b:s23+s3], $0x2000, $0x38;
	[tilespmem:$0x1EA00] =	vst v63  }
.Ltmp7:
0x142: {  	_ = 	snop;
	(pc) =	sbr.rel @p2 .LBB2_9-.Ltmp7, $4  }
0x143: {  	_ =	swait.ge [sflag:s31], $0x2000  }
0x144: {  	p1 =	por $0x0, $0x0;
	[sflag:s31] =	ssyncset.done $0x0  }
0x145: {  	s29 =	smov.u32 s28;
	s23 =	simm.s32 $0xFFFFE100;
	[sflag:s31] =	ssyncadd.s32 $0xFFFFE000  }
0x146: {  	[tilespmem:s30], [sflag:$0x1] =	stream.indirect.gather [hbm4b:s5+s0], $0x80, s3, s0, $0xb8;
	[tilespmem:$0x1EA00] =	vst v63  }
0x147: {  	s2 =	simm.s32 $0x80  }
0x148: {  	[tilespmem:s12], [sflag:$0x2] =	stream.indirect.gather [hbm4b:s5+s0], $0x80, s2, s0, $0xb8;
	[tilespmem:$0x1EA00] =	vst v63  }
0x149: {  	_ =	swait.ge [sflag:s13], $0x4000  }
0x14a: {  	[sflag:s13] =	ssyncset.done $0x0  }
0x14b: {  	s15 =	sadd.s32 $0xFFFFFFF0, s28;
	[sflag:s13] =	ssyncadd.s32 $0xFFFFC000  }
0x14c: {  	[tilespmem:s21], [sflag:$0x3] =	stream.linear.gather [hbm4b:s15+s3], $0x80, $0x38;
	[tilespmem:$0x1EA00] =	vst v63  }
0x14d: {  	_ =	swait.ge [sflag:s31], $0x80  }
0x14e: {  	[sflag:s31] =	ssyncset.done $0x0  }
0x14f: {  	[sflag:s31] =	ssyncadd.s32 $0xFFFFFF80  }
0x150: {  	[spmem:s1] =	stream.indirect.scatter.add.f32 [tilespmem:s30], [sflag:$0x3], $0x80, s21, s0, $0xb8;
	[tilespmem:$0x1EA00] =	vst v63  }
0x151: {  	_ =	swait.ge [sflag:s31], $0x4000  }
0x152: {  	[sflag:s31] =	ssyncset.done $0x0  }
0x153: {  	s23 =	simm.s32 $0x100;
	[sflag:s31] =	ssyncadd.s32 $0xFFFFC000  }
0x154: {  	[tilespmem:s30], [sflag:$0x1] =	stream.indirect.gather [hbm4b:s5+s0], $0x80, s23, s0, $0xb8;
	[tilespmem:$0x1EA00] =	vst v63  }
0x155: {  	_ =	swait.ge [sflag:s19], $0x4000  }
0x156: {  	[sflag:s19] =	ssyncset.done $0x0  }
0x157: {  	[sflag:s19] =	ssyncadd.s32 $0xFFFFC000  }
0x158: {  	[tilespmem:s20], [sflag:$0x3] =	stream.linear.gather [hbm4b:s28+s3], $0x80, $0x38;
	[tilespmem:$0x1EA00] =	vst v63  }
0x159: {  	p2 =	por $0x0, $0x0;
	_ =	swait.ge [sflag:s31], $0x80  }
.Ltmp8:
0x15a: {  	[sflag:s31] =	ssyncset.done $0x0;
	(pc) =	sbr.rel @p2 .LBB2_9-.Ltmp8, $4  }
0x15b: {  	[sflag:s31] =	ssyncadd.s32 $0xFFFFFF80  }
0x15c: {  	[spmem:s1] =	stream.indirect.scatter.add.f32 [tilespmem:s12], [sflag:$0x3], $0x80, s20, s0, $0xb8;
	[tilespmem:$0x1EA00] =	vst v63  }
0x15d: {  	s11 =	simm.s32 $0xFFFF8C00;
	s29 =	sadd.s32 $0x20, s28;
	_ =	swait.ge [sflag:s31], $0x4000  }
0x15e: {  	p1 =	por $0x1, $0x1;
	s23 =	simm.s32 $0xFFFFE200;
	[sflag:s31] =	ssyncset.done $0x0  }
.LBB2_8:
0x15f: {  	s2 =	sadd.s32 $0x1F80, s23  }
0x160: {  	[sflag:s31] =	ssyncadd.s32 $0xFFFFC000;
	s14 =	smov.u32 s11;
	s15 =	sadd.s32 $0x400, s11  }
0x161: {  	[tilespmem:s12], [sflag:$0x2] =	stream.indirect.gather [hbm4b:s5+s0], $0x80, s2, s0, $0xb8;
	[tilespmem:$0x1EA00] =	vst v63  }
0x162: {  	p2 =	seq.s32 s11, $0xFFFFFC00;
	_ =	swait.ge [sflag:s13], $0x4000  }
0x163: {  	[sflag:s13] =	ssyncset.done $0x0  }
0x164: {  	s2 =	sadd.s32 $0xFFFFFFF0, s29;
	[sflag:s13] =	ssyncadd.s32 $0xFFFFC000  }
0x165: {  	[tilespmem:s21], [sflag:$0x3] =	stream.linear.gather [hbm4b:s2+s3], $0x80, $0x38;
	[tilespmem:$0x1EA00] =	vst v63  }
0x166: {  	_ =	swait.ge [sflag:s31], $0x80  }
0x167: {  	[sflag:s31] =	ssyncset.done $0x0  }
0x168: {  	[sflag:s31] =	ssyncadd.s32 $0xFFFFFF80  }
0x169: {  	[spmem:s1] =	stream.indirect.scatter.add.f32 [tilespmem:s30], [sflag:$0x3], $0x80, s21, s0, $0xb8;
	[tilespmem:$0x1EA00] =	vst v63  }
0x16a: {  	_ =	swait.ge [sflag:s31], $0x4000  }
0x16b: {  	[sflag:s31] =	ssyncset.done $0x0  }
0x16c: {  	s2 =	sadd.s32 $0x2000, s23;
	[sflag:s31] =	ssyncadd.s32 $0xFFFFC000  }
0x16d: {  	[tilespmem:s30], [sflag:$0x1] =	stream.indirect.gather [hbm4b:s5+s0], $0x80, s2, s0, $0xb8;
	[tilespmem:$0x1EA00] =	vst v63  }
0x16e: {  	_ =	swait.ge [sflag:s19], $0x4000  }
0x16f: {  	[sflag:s19] =	ssyncset.done $0x0  }
0x170: {  	[sflag:s19] =	ssyncadd.s32 $0xFFFFC000  }
0x171: {  	[tilespmem:s20], [sflag:$0x3] =	stream.linear.gather [hbm4b:s29+s3], $0x80, $0x38;
	[tilespmem:$0x1EA00] =	vst v63  }
0x172: {  	_ =	swait.ge [sflag:s31], $0x80  }
.Ltmp9:
0x173: {  	[sflag:s31] =	ssyncset.done $0x0;
	(pc) =	sbr.rel @!p2 .LBB2_8-.Ltmp9, $4  }
0x174: {  	[sflag:s31] =	ssyncadd.s32 $0xFFFFFF80  }
0x175: {  	[spmem:s1] =	stream.indirect.scatter.add.f32 [tilespmem:s12], [sflag:$0x3], $0x80, s20, s0, $0xb8;
	[tilespmem:$0x1EA00] =	vst v63  }
0x176: {  	s11 =	smov.u32 s15;
	_ =	swait.ge [sflag:s31], $0x4000  }
0x177: {  	s23 =	sshra.s32 s14, $0x2;
	s29 =	sadd.s32 $0x20, s29;
	[sflag:s31] =	ssyncset.done $0x0  }
.Ltmp10:
0x178: {  	_ = 	snop;
	(pc) =	sbr.rel .LBB2_9-.Ltmp10, $1  }
0x179: {  	_ =	sdelay $0x3  }
.LBB2_14:
0x17a: {  	_ =	sfence.sel $0x180000  }
0x17b: {  	[bflag:$0x0] =	sbarrier.arrive $0xFFFF  }
0x17c: {  	_ =	strace $0x9000004A  }
0x17d: {  	s0 =	stileid.u32;
	[bflag:$0x2] =	sbarrier.arrive $0xFFFF  }
0x17e: {  	p0 =	sne.s32 s0, $0x0;
	s0 =	rddreg [dreg:$0x3]  }
0x17f: {  	s0 =	sadd.s32 @!p0 $0x100000, s0  }
0x180: {  	[sflag:s0] =	ssyncadd.tile.s32 @!p0 $0x1;
	_ =	shalt  }
.Lfunc_end2:
_tile_overlayer_lowered:
.L_overlay_start_2:
0x181: {  	(tag) =	ssettag $0x2  }
0x182: {  	s0 =	rddreg [dreg:$0x0];
	s2 =	stileid.u32  }
0x183: {  	s1 =	rddreg [dreg:$0x1];
	p0 =	sne.s32 s2, $0x0  }
0x184: {  	s3 =	rddreg [dreg:$0x2];
	[bflag:$0x3] =	sbarrier.arrive $0xFFFF;
	s2 =	simm.s32 @!p0 $0x1C03  }
0x185: {  	[timem:s3], [sflag:s2] =	dma.local @!p0 [hbm:s0], s1  }
0x186: {  	s0 =	simm.s32 @!p0 $0x3  }
0x187: {  	_ =	swait.ge @!p0 [sflag:s0], s1  }
0x188: {  	s1 =	ssub.s32 @!p0 $0x0, s1;
	[sflag:s0] =	ssyncset.done @!p0 $0x0  }
0x189: {  	[sflag:s0] =	ssyncadd.s32 @!p0 s1  }
0x18a: {  	[bflag:$0x3] =	sbarrier.arrive $0xFFFF  }
0x18b: {  	_ =	shalt  }

// kernel: kernel.14.cloned.1.call-start
scs
__scs_entry_jumppad:
0x0: {  	(pc) =	sbr.rel $0x88, $3  }
0x1: {  	(tag) =	ssettag $0x0;
	lr =	simm.s32 $0x1  }
0x2: {  	[smem:$0x3F97] =	sst lr;
	_ =	strace $0xD0000000  }
0x3: {  	_ = 	snop  }
0x4: {  	_ = 	snop  }
0x5: {  	_ = 	snop  }
0x6: {  	_ = 	snop  }
0x7: {  	_ = 	snop  }
__scs_overlays_trampoline_lowered:
0x8: {  	[smem:$0x3FA6] =	sst s0  }
0x9: {  	[smem:$0x3FA7] =	sst s1  }
0xa: {  	[smem:$0x3FA8] =	sst s2  }
0xb: {  	[smem:$0x3FA9] =	sst s3  }
0xc: {  	[smem:$0x3FAA] =	sst s4  }
0xd: {  	[smem:$0x3FAB] =	sst s5  }
0xe: {  	[smem:$0x3FAC] =	sst s6  }
0xf: {  	[smem:$0x3FAD] =	sst s7  }
0x10: {  	[smem:$0x3FAE] =	sst s8  }
0x11: {  	[smem:$0x3FAF] =	sst s9;
	s0 =	simm.s32 @!p0 $0x0  }
0x12: {  	s1 =	sld [smem:$0x3F95];
	s0 =	simm.s32 @p0 $0x1  }
0x13: {  	[smem:$0x3FB0] =	sst s0;
	s0 =	simm.s32 @!p1 $0x0  }
0x14: {  	s2 =	sld [smem:$0x3F94];
	s0 =	simm.s32 @p1 $0x1  }
0x15: {  	[smem:$0x3FB1] =	sst s0;
	s0 =	simm.s32 @!p2 $0x0  }
0x16: {  	s3 =	sld [smem:$0x3FDB];
	s0 =	simm.s32 @p2 $0x1  }
0x17: {  	s4 =	simm.s32 $0x1BF5;
	[smem:$0x3FB3] =	sst s0  }
0x18: {  	s0 =	sld [smem:$0x3F96];
	_ =	swait.ge [sflag:s4], $0x0  }
0x19: {  	s7 =	sld [smem:$0x3F97]  }
0x1a: {  	s8 =	sadd.s32 $0xFFFFE003, lr  }
0x1b: {  	s9 =	sadd.s32 $0xFFFFFEF7, lr;
	s5 =	simm.s32 $0xFFFFFFFF;
	p2 =	slt.u32 s8, $0xFFFFF086  }
0x1c: {  	p1 =	slt.u32 s9, $0xF7A;
	s5 =	simm.s32 @!p2 $0x0  }
0x1d: {  	s5 =	simm.s32 @p1 $0x1;
	p0 =	seq.s32 s7, s2  }
0x1e: {  	s7 =	smul.u32 @!p0 $0xF7A, s2;
	p2 =	seq.s32 @!p0 s5, $0x0  }
0x1f: {  	s9 =	smul.u32 $0xF7A, s1;
	s8 =	simm.s32 @!p0 $0x1BF5;
	p2 =	por !p2, p0  }
0x20: {  	[sflag:s8] =	ssyncset.s32 @!p0 $0xFFFFF086;
	s6 =	sadd.s32 @!p0 s3, s7;
	s7 =	simm.s32 @!p0 $0x108  }
0x21: {  	s3 =	sadd.s32 s3, s9;
	s6 =	sadd.s32 @!p0 $0x88, s6;
	s7 =	simm.s32 @p2 $0x1082  }
0x22: {  	[simem:s7], [sflag:s8] =	dma.local @!p0 [hbm:s6], $0xF7A  }
0x23: {  	s9 =	sor.u32 $0xD0000000, s2;
	s6 =	simm.s32 $0x108;
	_ =	swait.ge @!p0 [sflag:s8], $0x0  }
0x24: {  	s3 =	sadd.s32 $0x88, s3;
	s6 =	simm.s32 @!p1 $0x1082;
	[sflag:s4] =	ssyncset.s32 $0xFFFFF086  }
0x25: {  	[simem:s6], [sflag:s4] =	dma.local [hbm:s3], $0xF7A  }
0x26: {  	[smem:$0x3F97] =	sst s1;
	(tag) =	ssettag s2;
	_ =	strace s9  }
0x27: {  	s1 =	sld [smem:$0x3FA7]  }
0x28: {  	s2 =	sld [smem:$0x3FA8]  }
0x29: {  	s4 =	sld [smem:$0x3FAA]  }
0x2a: {  	p0 =	seq.s32 s5, $0x0;
	s5 =	sld [smem:$0x3FAB]  }
0x2b: {  	s6 =	sld [smem:$0x3FAC]  }
0x2c: {  	s7 =	sld [smem:$0x3FAD]  }
0x2d: {  	s3 =	simm.s32 $0x108;
	s8 =	sld [smem:$0x3FAE]  }
0x2e: {  	s3 =	simm.s32 @!p0 $0x1082;
	s9 =	sld [smem:$0x3FAF]  }
0x2f: {  	lr =	sadd.s32 s0, s3;
	s0 =	sld [smem:$0x3FA6]  }
0x30: {  	s3 =	sld [smem:$0x3FA9]  }
0x31: {  	[smem:$0x3FB2] =	sst s10  }
0x32: {  	s10 =	sld [smem:$0x3FB0];
	_ =	sdelay $0x3  }
0x33: {  	p0 =	seq.s32 s10, $0x1;
	s10 =	sld [smem:$0x3FB2];
	_ =	sdelay $0x3  }
0x34: {  	[smem:$0x3FB2] =	sst s10  }
0x35: {  	s10 =	sld [smem:$0x3FB1];
	_ =	sdelay $0x3  }
0x36: {  	p1 =	seq.s32 s10, $0x1;
	s10 =	sld [smem:$0x3FB2];
	_ =	sdelay $0x3  }
0x37: {  	[smem:$0x3FB2] =	sst s10  }
0x38: {  	s10 =	sld [smem:$0x3FB3]  }
0x39: {  	_ = 	snop;
	(pc) =	sbr.ind lr, $3  }
0x3a: {  	_ = 	snop  }
0x3b: {  	_ = 	snop  }
0x3c: {  	p2 =	seq.s32 s10, $0x1;
	s10 =	sld [smem:$0x3FB2]  }
0x3d: {  	_ =	shalt  }
0x3e: {  	_ =	shalt  }
0x3f: {  	_ =	shalt  }
0x40: {  	_ =	shalt  }
0x41: {  	_ =	shalt  }
0x42: {  	_ =	shalt  }
0x43: {  	_ =	shalt  }
0x44: {  	_ =	shalt  }
0x45: {  	_ =	shalt  }
0x46: {  	_ =	shalt  }
0x47: {  	_ =	shalt  }
0x48: {  	_ =	shalt  }
0x49: {  	_ =	shalt  }
0x4a: {  	_ =	shalt  }
0x4b: {  	_ =	shalt  }
0x4c: {  	_ =	shalt  }
0x4d: {  	_ =	shalt  }
0x4e: {  	_ =	shalt  }
0x4f: {  	_ =	shalt  }
0x50: {  	_ =	shalt  }
0x51: {  	_ =	shalt  }
0x52: {  	_ =	shalt  }
0x53: {  	_ =	shalt  }
0x54: {  	_ =	shalt  }
0x55: {  	_ =	shalt  }
0x56: {  	_ =	shalt  }
0x57: {  	_ =	shalt  }
0x58: {  	_ =	shalt  }
0x59: {  	_ =	shalt  }
0x5a: {  	_ =	shalt  }
0x5b: {  	_ =	shalt  }
0x5c: {  	_ =	shalt  }
0x5d: {  	_ =	shalt  }
0x5e: {  	_ =	shalt  }
0x5f: {  	_ =	shalt  }
0x60: {  	_ =	shalt  }
0x61: {  	_ =	shalt  }
0x62: {  	_ =	shalt  }
0x63: {  	_ =	shalt  }
0x64: {  	_ =	shalt  }
0x65: {  	_ =	shalt  }
0x66: {  	_ =	shalt  }
0x67: {  	_ =	shalt  }
0x68: {  	_ =	shalt  }
0x69: {  	_ =	shalt  }
0x6a: {  	_ =	shalt  }
0x6b: {  	_ =	shalt  }
0x6c: {  	_ =	shalt  }
0x6d: {  	_ =	shalt  }
0x6e: {  	_ =	shalt  }
0x6f: {  	_ =	shalt  }
0x70: {  	_ =	shalt  }
0x71: {  	_ =	shalt  }
0x72: {  	_ =	shalt  }
0x73: {  	_ =	shalt  }
0x74: {  	_ =	shalt  }
0x75: {  	_ =	shalt  }
0x76: {  	_ =	shalt  }
0x77: {  	_ =	shalt  }
0x78: {  	_ =	shalt  }
0x79: {  	_ =	shalt  }
0x7a: {  	_ =	shalt  }
0x7b: {  	_ =	shalt  }
0x7c: {  	_ =	shalt  }
0x7d: {  	_ =	shalt  }
0x7e: {  	_ =	shalt  }
0x7f: {  	_ =	shalt  }
0x80: {  	_ =	shalt  }
0x81: {  	_ =	shalt  }
0x82: {  	_ =	shalt  }
0x83: {  	_ =	shalt  }
0x84: {  	_ =	shalt  }
0x85: {  	_ =	shalt  }
0x86: {  	_ =	shalt  }
0x87: {  	_ =	shalt  }
.Lfunc_end0:
.L_simem_size_0:
called_computation.2_lowered:
.L_overlay_start_0:
0x88: {  	s2 =	sld [smem:$0x3FD9]  }
0x89: {  	s3 =	sld [smem:$0x3FFE];
	_ =	sdelay $0x1  }
0x8a: {  	s1 =	srdreg.scid  }
0x8b: {  	s0 =	sand.u32 $0x1, s1  }
0x8c: {  	s17 =	sshll.u32 s0, $0xA;
	s2 =	sadd.s32 s3, s2  }
0x8d: {  	s2 =	sadd.s32 s2, s17  }
0x8e: {  	[smem:$0x3FBE] =	sst s2  }
0x8f: {  	_ = 	snop  }
0x90: {  	s2 =	sld [smem:$0x3FD0];
	(tm) =	ssettm $0x1  }
0x91: {  	s18 =	sld [smem:$0x3FFB];
	_ =	sdelay $0x3  }
0x92: {  	_ =	strace s18  }
0x93: {  	s3 =	sld [smem:$0x3FFC];
	_ =	sdelay $0x3  }
0x94: {  	_ =	strace s3  }
0x95: {  	s3 =	sld [smem:$0x3FFD];
	_ =	sdelay $0x3  }
0x96: {  	_ =	strace s3  }
0x97: {  	_ =	strace $0x8FFFFFFF  }
0x98: {  	s19 =	sld [smem:$0x3FDB];
	_ =	sdelay $0x1  }
0x99: {  	s4 =	simm.s32 $_scs_section_size  }
0x9a: {  	s5 =	simm.s32 $_size__tile_overlayer_lowered;
	s6 =	simm.s32 $_tile_overlayer_lowered  }
0x9b: {  	s22 =	simm.s32 $0x1BFF;
	s21 =	sshll.u32 s6, $0x1;
	s3 =	sadd.s32 s4, s19  }
0x9c: {  	s7 =	simm.s32 $0x0;
	s20 =	sshll.u32 s5, $0x1;
	s5 =	sadd.s32 s21, s3  }
0x9d: {  	[timem:s7], [sflag:s22] =	dma.local [hbm:s5], s20  }
0x9e: {  	_ =	swait.ge [sflag:s22], s20  }
0x9f: {  	s4 =	ssub.s32 $0x0, s20;
	[sflag:s22] =	ssyncset.done $0x0  }
0xa0: {  	[sflag:s22] =	ssyncadd.s32 s4;
	_ =	sdelay $0x1  }
0xa1: {  	s23 =	simm.s32 $0x1B8B  }
0xa2: {  	_ =	swait.ge [sflag:s23], $0x1  }
0xa3: {  	[sflag:s23] =	ssyncset.done $0x0  }
0xa4: {  	s25 =	simm.s32 $0x1B8E;
	s24 =	sld [smem:$0x3FFE];
	[sflag:s23] =	ssyncadd.s32 $0xFFFFFFFF  }
0xa5: {  	s26 =	simm.s32 $execute0_lowered;
	[smem:$0x3FD2] =	sst s25  }
0xa6: {  	s5 =	sshll.u32 s26, $0x1;
	_ =	strace $0x8000004C;
	[dreg:$0x1] =	wrdreg $0xFFFFFFFF  }
0xa7: {  	s28 =	simm.s32 $_size_execute0_lowered;
	s3 =	sadd.s32 s3, s5;
	[dreg:$0x0] =	wrdreg $0x0  }
0xa8: {  	s5 =	sshll.u32 s28, $0x1;
	[dreg:$0x2] =	wrdreg s3  }
0xa9: {  	[dreg:$0x3] =	wrdreg s5  }
0xaa: {  	[dreg:$0x4] =	wrdreg $0xC0  }
0xab: {  	_ =	task [dreg:s7], $0x5FFFF  }
0xac: {  	[dreg:$0x1] =	wrdreg $0xFFFFFFFF  }
0xad: {  	[dreg:$0x0] =	wrdreg $0x60  }
0xae: {  	[dreg:$0x2] =	wrdreg s2  }
0xaf: {  	[dreg:$0x3] =	wrdreg s24  }
0xb0: {  	[dreg:$0x4] =	wrdreg $0x5A000  }
0xb1: {  	[dreg:$0x5] =	wrdreg $0x9  }
0xb2: {  	_ =	task.clear_ibuf [dreg:s7], $0x6FFFF;
	_ =	strace $0x9000004C  }
0xb3: {  	s29 =	simm.s32 $0x9;
	_ =	strace $0x8000004E  }
0xb4: {  	_ =	swait.ge [sflag:s29], $0x1  }
0xb5: {  	[sflag:s29] =	ssyncadd.s32 $0xFFFFFFFF  }
0xb6: {  	_ =	strace $0x9000004E  }
0xb7: {  	_ =	sfence  }
0xb8: {  	s30 =	sld [smem:$0x0];
	_ =	sdelay $0x2  }
0xb9: {  	s31 =	sshll.u32 s1, $0xD;
	s1 =	sshrl.u32 s1, $0x2  }
0xba: {  	s3 =	sand.u32 $0x4000, s31;
	s1 =	sadd.s32 s1, s30  }
0xbb: {  	s0 =	sor.u32 s3, s0;
	s1 =	sshll.u32 s1, $0x11  }
0xbc: {  	s0 =	sor.u32 s1, s0  }
0xbd: {  	s0 =	sadd.s32 $0x8F2B, s0  }
0xbe: {  	[sflag:s0] =	ssyncadd.remote.s32 $0x1  }
0xbf: {  	_ =	sfence.sel $0xFFFF  }
0xc0: {  	[dreg:$0x0] =	wrdreg $0xFFFFFFFF;
	(pc) =	sbr.abs _section_cstart, $3  }
0xc1: {  	[dreg:$0x1] =	wrdreg $0xFFFFFFFF  }
0xc2: {  	_ =	task.clear_ibuf [dreg:s7], $0x2FFFF;
	_ =	strace $0x9FFFFFFF  }
0xc3: {  	(tm) =	ssettm $0x7FFFFFFF  }
tec
execute0_lowered:
.L_overlay_start_1:
0x0: {  	(tag) =	ssettag $0x1  }
0x1: {  	s0 =	rddreg [dreg:$0x0]  }
0x2: {  	s6 =	rddreg [dreg:$0x1]  }
0x3: {  	s1 =	rddreg [dreg:$0x2]  }
0x4: {  	s3 =	simm.s32 $0x0;
	s4 =	srdreg.scid;
	s2 =	stileid.u32  }
0x5: {  	s30 =	simm.s32 $0x2A00;
	s31 =	simm.s32 $0x3;
	[smem:$0x7FF] =	sst s3  }
0x6: {  	s11 =	sand.u32 $0x1, s4;
	s12 =	smul.u32 $0x7800, s2;
	s4 =	sadd.s32 $0x2200, s6  }
0x7: {  	s5 =	sadd.s32 $0x5C600, s6;
	s13 =	sadd.s32 $0x6B200, s6;
	s20 =	smul.u32 $0x3900, s2  }
0x8: {  	s21 =	smul.u32 $0x720, s2;
	_ =	strace $0x8000004D;
	s7 =	ssub.s32 $0x2, s11  }
0x9: {  	p0 =	seq.s32 s11, $0x1;
	s11 =	smul.u32 $0x78000, s11;
	s24 =	sshrl.u32 s7, $0x1  }
0xa: {  	s14 =	sadd.s32 $0x1800, s12;
	s6 =	sadd.s32 s12, s1;
	s15 =	sadd.s32 $0x3000, s12  }
0xb: {  	s16 =	sadd.s32 $0x4800, s12;
	s17 =	sadd.s32 $0x6000, s12;
	s18 =	sshrl.u32 s20, $0x3  }
0xc: {  	s28 =	sadd.s32 s0, s21;
	s19 =	ssub.s32 s7, s24;
	s7 =	sadd.s32 s14, s1  }
0xd: {  	s8 =	sadd.s32 s15, s1;
	s9 =	sadd.s32 s16, s1;
	s10 =	sadd.s32 s17, s1  }
0xe: {  	s18 =	sadd.s32 s4, s18;
	s12 =	sadd.s32 s12, s11;
	s14 =	sadd.s32 s11, s14  }
0xf: {  	s23 =	sadd.s32 s11, s15;
	s16 =	sadd.s32 s11, s16;
	s11 =	sadd.s32 s11, s17  }
0x10: {  	s24 =	smul.u32 $0x1900, s2;
	s15 =	sadd.s32 $0x3800, s20;
	s20 =	sadd.s32 $0x3880, s20  }
0x11: {  	[dreg:$0x4] =	wrdreg s28;
	s22 =	sadd.s32 $0x500, s18;
	s18 =	sadd.s32 $0x510, s18  }
0x12: {  	s12 =	sshrl.u32 s12, $0x3;
	s25 =	sshrl.u32 s14, $0x3;
	[dreg:$0x9] =	wrdreg s15  }
0x13: {  	s14 =	sshrl.u32 s16, $0x3;
	s11 =	sshrl.u32 s11, $0x3;
	[dreg:$0xa] =	wrdreg s20  }
0x14: {  	s20 =	simm.s32 $0x2980;
	[dreg:$0x5] =	wrdreg s22;
	s22 =	smul.u32 $0x320, s2  }
0x15: {  	[dreg:$0x6] =	wrdreg s18;
	s26 =	sadd.s32 s13, s12;
	s29 =	sadd.s32 s13, s25  }
0x16: {  	s2 =	sshrl.u32 s23, $0x3;
	s17 =	sadd.s32 s13, s14;
	s18 =	sadd.s32 s13, s11  }
0x17: {  	s23 =	sadd.s32 $0x3A800, s24;
	s25 =	sadd.s32 $0x3A880, s24;
	[dreg:$0x7] =	wrdreg s26  }
0x18: {  	s24 =	smax.u32 s19, $0x1;
	s12 =	simm.s32 $0x4200;
	[dreg:$0x8] =	wrdreg s29  }
0x19: {  	s19 =	simm.s32 $0x2;
	s16 =	sadd.s32 s13, s2;
	[dreg:$0xc] =	wrdreg s23  }
.Ltmp0:
0x1a: {  	[dreg:$0xd] =	wrdreg s25;
	s25 =	sadd.s32 s21, s4;
	(pc) =	sbr.rel .LBB2_1-.Ltmp0, $4  }
0x1b: {  	s29 =	sadd.s32 $0x520, s28;
	s13 =	simm.s32 $0x1;
	s21 =	simm.s32 $0x2900  }
0x1c: {  	s0 =	sadd.s32 s0, s22;
	s26 =	sadd.s32 s22, s4;
	[dreg:$0xe] =	wrdreg s29  }
0x1d: {  	s28 =	sadd.s32 $0x530, s25;
	s22 =	simm.s32 $0x0;
	s0 =	sadd.s32 $0x7200, s0  }
0x1e: {  	v0 =	vimm.f32 $0.0e+00;
	s26 =	sadd.s32 $0x7210, s26;
	[dreg:$0xb] =	wrdreg s0;
	s0 =	simm.s32 $0x80  }
.LBB2_9:
0x1f: {  	s2 =	sadd.s32 $0xF80, s23;
	[sflag:s31] =	ssyncadd.s32 @p1 $0xFFFFE800  }
0x20: {  	[tilespmem:s12], [sflag:$0x2] =	stream.indirect.gather [hbm4b:s5+s0], $0x30, s2, s0, $0xb8;
	[tilespmem:$0xD200] =	vst v63  }
0x21: {  	_ =	swait.ge [sflag:s13], $0x1800  }
0x22: {  	[sflag:s13] =	ssyncset.done $0x0  }
0x23: {  	s15 =	sadd.s32 $0xFFFFFFF0, s29;
	[sflag:s13] =	ssyncadd.s32 $0xFFFFE800  }
0x24: {  	[tilespmem:s21], [sflag:$0x3] =	stream.linear.gather [hbm4b:s15+s3], $0x80, $0x38;
	[tilespmem:$0xD200] =	vst v63  }
0x25: {  	_ =	swait.ge [sflag:s31], $0x80  }
0x26: {  	[sflag:s31] =	ssyncset.done $0x0  }
0x27: {  	[sflag:s31] =	ssyncadd.s32 $0xFFFFFF80  }
0x28: {  	[spmem:s1] =	stream.indirect.scatter.add.f32 [tilespmem:s30], [sflag:$0x3], $0x30, s21, s0, $0xb8;
	[tilespmem:$0xD200] =	vst v63  }
0x29: {  	_ =	swait.ge [sflag:s31], $0x1800  }
0x2a: {  	[sflag:s31] =	ssyncset.done $0x0  }
0x2b: {  	s23 =	sadd.s32 $0x1000, s23;
	[sflag:s31] =	ssyncadd.s32 $0xFFFFE800  }
0x2c: {  	[tilespmem:s30], [sflag:$0x1] =	stream.indirect.gather [hbm4b:s5+s0], $0x30, s23, s0, $0xb8;
	[tilespmem:$0xD200] =	vst v63  }
0x2d: {  	_ =	swait.ge [sflag:s19], $0x1800  }
0x2e: {  	[sflag:s19] =	ssyncset.done $0x0  }
0x2f: {  	[sflag:s19] =	ssyncadd.s32 $0xFFFFE800  }
0x30: {  	[tilespmem:s20], [sflag:$0x3] =	stream.linear.gather [hbm4b:s29+s3], $0x80, $0x38;
	[tilespmem:$0xD200] =	vst v63  }
0x31: {  	_ =	swait.ge [sflag:s31], $0x80  }
0x32: {  	[sflag:s31] =	ssyncset.done $0x0  }
0x33: {  	[sflag:s31] =	ssyncadd.s32 $0xFFFFFF80  }
0x34: {  	[spmem:s1] =	stream.indirect.scatter.add.f32 [tilespmem:s12], [sflag:$0x3], $0x30, s20, s0, $0xb8;
	[tilespmem:$0xD200] =	vst v63  }
0x35: {  	_ =	swait.ge [sflag:s31], $0x1800  }
0x36: {  	[sflag:s31] =	ssyncset.done $0x0;
	s29 =	rddreg [dreg:$0x9]  }
0x37: {  	s23 =	simm.s32 $0xF80;
	s11 =	rddreg [dreg:$0xa];
	[sflag:s31] =	ssyncadd.s32 $0xFFFFE800  }
.LBB2_13:
0x38: {  	[tilespmem:s12], [sflag:$0x2] =	stream.indirect.gather [hbm4b:s5+s0], $0x30, s23, s0, $0xb8;
	[tilespmem:$0xD200] =	vst v63  }
0x39: {  	_ =	swait.ge [sflag:s13], $0x1800  }
0x3a: {  	s2 =	sshrl.u32 s29, $0x3;
	[sflag:s13] =	ssyncset.done $0x0  }
0x3b: {  	s2 =	sadd.s32 s4, s2;
	[sflag:s13] =	ssyncadd.s32 $0xFFFFE800  }
0x3c: {  	[tilespmem:s21], [sflag:$0x3] =	stream.linear.gather [hbm4b:s2+s3], $0x80, $0x38;
	[tilespmem:$0xD200] =	vst v63  }
0x3d: {  	_ =	swait.ge [sflag:s31], $0x80  }
0x3e: {  	[sflag:s31] =	ssyncset.done $0x0  }
0x3f: {  	[sflag:s31] =	ssyncadd.s32 $0xFFFFFF80  }
0x40: {  	[spmem:s1] =	stream.indirect.scatter.add.f32 [tilespmem:s30], [sflag:$0x3], $0x30, s21, s0, $0xb8;
	[tilespmem:$0xD200] =	vst v63  }
0x41: {  	_ =	swait.ge [sflag:s31], $0x1800  }
0x42: {  	[sflag:s31] =	ssyncset.done $0x0  }
0x43: {  	[sflag:s31] =	ssyncadd.s32 $0xFFFFE800  }
0x44: {  	_ =	swait.ge [sflag:s19], $0x1800  }
0x45: {  	s11 =	sshrl.u32 s11, $0x3;
	[sflag:s19] =	ssyncset.done $0x0  }
0x46: {  	s2 =	sadd.s32 s4, s11;
	[sflag:s19] =	ssyncadd.s32 $0xFFFFE800  }
0x47: {  	[tilespmem:s20], [sflag:$0x3] =	stream.linear.gather [hbm4b:s2+s3], $0x80, $0x38;
	[tilespmem:$0xD200] =	vst v63  }
0x48: {  	_ =	swait.ge [sflag:s31], $0x80  }
0x49: {  	[sflag:s31] =	ssyncset.done $0x0  }
0x4a: {  	[sflag:s31] =	ssyncadd.s32 $0xFFFFFF80  }
0x4b: {  	[spmem:s1] =	stream.indirect.scatter.add.f32 [tilespmem:s12], [sflag:$0x3], $0x30, s20, s0, $0xb8;
	[tilespmem:$0xD200] =	vst v63  }
0x4c: {  	_ =	swait.ge [sflag:s31], $0x1800  }
0x4d: {  	[sflag:s31] =	ssyncset.done $0x0  }
0x4e: {  	s14 =	stileid.u32;
	[sflag:s31] =	ssyncadd.s32 $0xFFFFE800  }
0x4f: {  	s2 =	sshll.u32 s14, $0x6;
	[bflag:$0x0] =	sbarrier.arrive $0xFFFF  }
0x50: {  	s15 =	sshrl.u32 s6, $0x3;
	s2 =	sor.u32 $0x1C03, s2;
	s14 =	rddreg [dreg:$0x7]  }
0x51: {  	[hbm:s14], [sflag:s2] =	dma.local [spmem:s15], $0x300  }
0x52: {  	_ =	swait.ge [sflag:s31], $0x300  }
0x53: {  	[sflag:s31] =	ssyncset.done $0x0  }
0x54: {  	s23 =	sshrl.u32 s7, $0x3;
	s29 =	rddreg [dreg:$0x8];
	[sflag:s31] =	ssyncadd.s32 $0xFFFFFD00  }
0x55: {  	[hbm:s29], [sflag:s2] =	dma.local [spmem:s23], $0x300  }
0x56: {  	_ =	swait.ge [sflag:s31], $0x300  }
0x57: {  	[sflag:s31] =	ssyncset.done $0x0  }
0x58: {  	s15 =	sshrl.u32 s8, $0x3;
	[sflag:s31] =	ssyncadd.s32 $0xFFFFFD00  }
0x59: {  	[hbm:s16], [sflag:s2] =	dma.local [spmem:s15], $0x300  }
0x5a: {  	_ =	swait.ge [sflag:s31], $0x300  }
0x5b: {  	[sflag:s31] =	ssyncset.done $0x0  }
0x5c: {  	s23 =	sshrl.u32 s9, $0x3;
	[sflag:s31] =	ssyncadd.s32 $0xFFFFFD00  }
0x5d: {  	[hbm:s17], [sflag:s2] =	dma.local [spmem:s23], $0x300  }
0x5e: {  	s22 =	sadd.s32 $0x1, s22;
	_ =	swait.ge [sflag:s31], $0x300  }
0x5f: {  	p1 =	sne.s32 s22, s24;
	[sflag:s31] =	ssyncset.done $0x0  }
.Ltmp1:
0x60: {  	s29 =	sshrl.u32 s10, $0x3;
	[sflag:s31] =	ssyncadd.s32 $0xFFFFFD00;
	(pc) =	sbr.rel @!p1 .LBB2_14-.Ltmp1, $4  }
0x61: {  	[hbm:s18], [sflag:s2] =	dma.local [spmem:s29], $0x300  }
0x62: {  	_ =	swait.ge [sflag:s31], $0x300  }
0x63: {  	[sflag:s31] =	ssyncset.done $0x0  }
0x64: {  	[sflag:s31] =	ssyncadd.s32 $0xFFFFFD00  }
.LBB2_1:
0x65: {  	s11 =	simm.s32 $0xC0;
	s23 =	simm.s32 $0x0  }
.LBB2_2:
0x66: {  	p1 =	sne.s32 s11, $0x5F40;
	[tilespmem:s23+$0x2A20] =	vst v0;
	s29 =	smov.u32 s11;
	s11 =	sadd.s32 $0xC0, s11  }
.Ltmp2:
0x67: {  	[tilespmem:s23+$0x2A00] =	vst v0;
	(pc) =	sbr.rel @p1 .LBB2_2-.Ltmp2, $2  }
0x68: {  	[tilespmem:s23+$0x2A10] =	vst v0;
	_ =	sdelay $0x2  }
0x69: {  	s23 =	sshra.s32 s29, $0x2  }
0x6a: {  	[tilespmem:s23+$0x2A20] =	vst v0  }
0x6b: {  	[tilespmem:s23+$0x2A00] =	vst v0  }
0x6c: {  	[tilespmem:s23+$0x2A10] =	vst v0  }
0x6d: {  	[spmem:s6] =	stream.linear.scatter [tilespmem:s30], [sflag:$0x3], $0x1800, $0x38;
	[tilespmem:$0xD200] =	vst v63  }
0x6e: {  	_ =	swait.ge [sflag:s31], $0x1800  }
0x6f: {  	[sflag:s31] =	ssyncset.done $0x0  }
0x70: {  	[sflag:s31] =	ssyncadd.s32 $0xFFFFE800  }
0x71: {  	[spmem:s7] =	stream.linear.scatter [tilespmem:s30], [sflag:$0x3], $0x1800, $0x38;
	[tilespmem:$0xD200] =	vst v63  }
0x72: {  	_ =	swait.ge [sflag:s31], $0x1800  }
0x73: {  	[sflag:s31] =	ssyncset.done $0x0  }
0x74: {  	[sflag:s31] =	ssyncadd.s32 $0xFFFFE800  }
0x75: {  	[spmem:s8] =	stream.linear.scatter [tilespmem:s30], [sflag:$0x3], $0x1800, $0x38;
	[tilespmem:$0xD200] =	vst v63  }
0x76: {  	_ =	swait.ge [sflag:s31], $0x1800  }
0x77: {  	[sflag:s31] =	ssyncset.done $0x0  }
0x78: {  	[sflag:s31] =	ssyncadd.s32 $0xFFFFE800  }
0x79: {  	[spmem:s9] =	stream.linear.scatter [tilespmem:s30], [sflag:$0x3], $0x1800, $0x38;
	[tilespmem:$0xD200] =	vst v63  }
0x7a: {  	_ =	swait.ge [sflag:s31], $0x1800  }
0x7b: {  	[sflag:s31] =	ssyncset.done $0x0  }
0x7c: {  	[sflag:s31] =	ssyncadd.s32 $0xFFFFE800  }
0x7d: {  	[spmem:s10] =	stream.linear.scatter [tilespmem:s30], [sflag:$0x3], $0x1800, $0x38;
	[tilespmem:$0xD200] =	vst v63  }
.Ltmp3:
0x7e: {  	_ =	swait.ge [sflag:s31], $0x1800;
	(pc) =	sbr.rel @!p0 .LBB2_4-.Ltmp3, $3  }
0x7f: {  	[sflag:s31] =	ssyncset.done $0x0  }
0x80: {  	[sflag:s31] =	ssyncadd.s32 $0xFFFFE800  }
0x81: {  	[bflag:$0x0] =	sbarrier.arrive $0xFFFF;
	_ =	sdelay $0x1  }
0x82: {  	s2 =	rddreg [dreg:$0xb]  }
0x83: {  	[tilespmem:s3], [sflag:$0x3] =	stream.linear.gather [hbm4b:s2+s3], $0x1900, $0x38;
	[tilespmem:$0xD200] =	vst v63  }
0x84: {  	_ =	swait.ge [sflag:s31], $0x1900  }
0x85: {  	[sflag:s31] =	ssyncset.done $0x0  }
0x86: {  	[sflag:s31] =	ssyncadd.s32 $0xFFFFE700  }
0x87: {  	[tilespmem:s30], [sflag:$0x1] =	stream.indirect.gather [hbm4b:s5+s0], $0x30, s3, s0, $0xb8;
	[tilespmem:$0xD200] =	vst v63  }
0x88: {  	s14 =	simm.s32 $0x80  }
0x89: {  	[tilespmem:s12], [sflag:$0x2] =	stream.indirect.gather [hbm4b:s5+s0], $0x30, s14, s0, $0xb8;
	[tilespmem:$0xD200] =	vst v63  }
0x8a: {  	_ =	swait.ge [sflag:s13], $0x1800  }
0x8b: {  	[sflag:s13] =	ssyncset.done $0x0  }
0x8c: {  	s15 =	sadd.s32 $0xFFFFFFF0, s26;
	[sflag:s13] =	ssyncadd.s32 $0xFFFFE800  }
0x8d: {  	[tilespmem:s21], [sflag:$0x3] =	stream.linear.gather [hbm4b:s15+s3], $0x80, $0x38;
	[tilespmem:$0xD200] =	vst v63  }
0x8e: {  	_ =	swait.ge [sflag:s31], $0x80  }
0x8f: {  	[sflag:s31] =	ssyncset.done $0x0  }
0x90: {  	[sflag:s31] =	ssyncadd.s32 $0xFFFFFF80  }
0x91: {  	[spmem:s1] =	stream.indirect.scatter.add.f32 [tilespmem:s30], [sflag:$0x3], $0x30, s21, s0, $0xb8;
	[tilespmem:$0xD200] =	vst v63  }
0x92: {  	_ =	swait.ge [sflag:s31], $0x1800  }
0x93: {  	[sflag:s31] =	ssyncset.done $0x0  }
0x94: {  	s23 =	simm.s32 $0x100;
	[sflag:s31] =	ssyncadd.s32 $0xFFFFE800  }
0x95: {  	[tilespmem:s30], [sflag:$0x1] =	stream.indirect.gather [hbm4b:s5+s0], $0x30, s23, s0, $0xb8;
	[tilespmem:$0xD200] =	vst v63  }
0x96: {  	_ =	swait.ge [sflag:s19], $0x1800  }
0x97: {  	[sflag:s19] =	ssyncset.done $0x0  }
0x98: {  	[sflag:s19] =	ssyncadd.s32 $0xFFFFE800  }
0x99: {  	[tilespmem:s20], [sflag:$0x3] =	stream.linear.gather [hbm4b:s26+s3], $0x80, $0x38;
	[tilespmem:$0xD200] =	vst v63  }
0x9a: {  	_ =	swait.ge [sflag:s31], $0x80  }
0x9b: {  	[sflag:s31] =	ssyncset.done $0x0  }
0x9c: {  	[sflag:s31] =	ssyncadd.s32 $0xFFFFFF80  }
0x9d: {  	[spmem:s1] =	stream.indirect.scatter.add.f32 [tilespmem:s12], [sflag:$0x3], $0x30, s20, s0, $0xb8;
	[tilespmem:$0xD200] =	vst v63  }
0x9e: {  	s11 =	simm.s32 $0xFFFFE900;
	_ =	swait.ge [sflag:s31], $0x1800  }
0x9f: {  	s29 =	sadd.s32 $0x20, s26;
	s23 =	simm.s32 $0xFFFFA800;
	[sflag:s31] =	ssyncset.done $0x0  }
.LBB2_11:
0xa0: {  	s2 =	sadd.s32 $0x1880, s11  }
0xa1: {  	[sflag:s31] =	ssyncadd.s32 $0xFFFFE800;
	s14 =	smov.u32 s23;
	s15 =	sadd.s32 $0x400, s23  }
0xa2: {  	[tilespmem:s12], [sflag:$0x2] =	stream.indirect.gather [hbm4b:s5+s0], $0x30, s2, s0, $0xb8;
	[tilespmem:$0xD200] =	vst v63  }
0xa3: {  	p1 =	sne.s32 s23, $0xFFFFFC00;
	_ =	swait.ge [sflag:s13], $0x1800  }
0xa4: {  	[sflag:s13] =	ssyncset.done $0x0  }
0xa5: {  	s2 =	sadd.s32 $0xFFFFFFF0, s29;
	[sflag:s13] =	ssyncadd.s32 $0xFFFFE800  }
0xa6: {  	[tilespmem:s21], [sflag:$0x3] =	stream.linear.gather [hbm4b:s2+s3], $0x80, $0x38;
	[tilespmem:$0xD200] =	vst v63  }
0xa7: {  	_ =	swait.ge [sflag:s31], $0x80  }
0xa8: {  	[sflag:s31] =	ssyncset.done $0x0  }
0xa9: {  	[sflag:s31] =	ssyncadd.s32 $0xFFFFFF80  }
0xaa: {  	[spmem:s1] =	stream.indirect.scatter.add.f32 [tilespmem:s30], [sflag:$0x3], $0x30, s21, s0, $0xb8;
	[tilespmem:$0xD200] =	vst v63  }
0xab: {  	_ =	swait.ge [sflag:s31], $0x1800  }
0xac: {  	[sflag:s31] =	ssyncset.done $0x0  }
0xad: {  	s2 =	sadd.s32 $0x1900, s11;
	[sflag:s31] =	ssyncadd.s32 $0xFFFFE800  }
0xae: {  	[tilespmem:s30], [sflag:$0x1] =	stream.indirect.gather [hbm4b:s5+s0], $0x30, s2, s0, $0xb8;
	[tilespmem:$0xD200] =	vst v63  }
0xaf: {  	_ =	swait.ge [sflag:s19], $0x1800  }
0xb0: {  	[sflag:s19] =	ssyncset.done $0x0  }
0xb1: {  	[sflag:s19] =	ssyncadd.s32 $0xFFFFE800  }
0xb2: {  	[tilespmem:s20], [sflag:$0x3] =	stream.linear.gather [hbm4b:s29+s3], $0x80, $0x38;
	[tilespmem:$0xD200] =	vst v63  }
0xb3: {  	_ =	swait.ge [sflag:s31], $0x80  }
.Ltmp4:
0xb4: {  	[sflag:s31] =	ssyncset.done $0x0;
	(pc) =	sbr.rel @p1 .LBB2_11-.Ltmp4, $4  }
0xb5: {  	[sflag:s31] =	ssyncadd.s32 $0xFFFFFF80  }
0xb6: {  	[spmem:s1] =	stream.indirect.scatter.add.f32 [tilespmem:s12], [sflag:$0x3], $0x30, s20, s0, $0xb8;
	[tilespmem:$0xD200] =	vst v63  }
0xb7: {  	s23 =	smov.u32 s15;
	_ =	swait.ge [sflag:s31], $0x1800  }
0xb8: {  	s11 =	sshra.s32 s14, $0x2;
	s29 =	sadd.s32 $0x20, s29;
	[sflag:s31] =	ssyncset.done $0x0  }
0xb9: {  	s2 =	sadd.s32 $0x1880, s11;
	[sflag:s31] =	ssyncadd.s32 $0xFFFFE800  }
0xba: {  	[tilespmem:s12], [sflag:$0x2] =	stream.indirect.gather [hbm4b:s5+s0], $0x30, s2, s0, $0xb8;
	[tilespmem:$0xD200] =	vst v63  }
0xbb: {  	_ =	swait.ge [sflag:s13], $0x1800  }
0xbc: {  	[sflag:s13] =	ssyncset.done $0x0  }
0xbd: {  	s15 =	sadd.s32 $0xFFFFFFF0, s29;
	[sflag:s13] =	ssyncadd.s32 $0xFFFFE800  }
0xbe: {  	[tilespmem:s21], [sflag:$0x3] =	stream.linear.gather [hbm4b:s15+s3], $0x80, $0x38;
	[tilespmem:$0xD200] =	vst v63  }
0xbf: {  	_ =	swait.ge [sflag:s31], $0x80  }
0xc0: {  	[sflag:s31] =	ssyncset.done $0x0  }
0xc1: {  	[sflag:s31] =	ssyncadd.s32 $0xFFFFFF80  }
0xc2: {  	[spmem:s1] =	stream.indirect.scatter.add.f32 [tilespmem:s30], [sflag:$0x3], $0x30, s21, s0, $0xb8;
	[tilespmem:$0xD200] =	vst v63  }
0xc3: {  	_ =	swait.ge [sflag:s31], $0x1800  }
0xc4: {  	[sflag:s31] =	ssyncset.done $0x0  }
0xc5: {  	s23 =	sadd.s32 $0x1900, s11;
	[sflag:s31] =	ssyncadd.s32 $0xFFFFE800  }
0xc6: {  	[tilespmem:s30], [sflag:$0x1] =	stream.indirect.gather [hbm4b:s5+s0], $0x30, s23, s0, $0xb8;
	[tilespmem:$0xD200] =	vst v63  }
0xc7: {  	_ =	swait.ge [sflag:s19], $0x1800  }
0xc8: {  	[sflag:s19] =	ssyncset.done $0x0  }
0xc9: {  	[sflag:s19] =	ssyncadd.s32 $0xFFFFE800  }
0xca: {  	[tilespmem:s20], [sflag:$0x3] =	stream.linear.gather [hbm4b:s29+s3], $0x80, $0x38;
	[tilespmem:$0xD200] =	vst v63  }
0xcb: {  	_ =	swait.ge [sflag:s31], $0x80  }
0xcc: {  	[sflag:s31] =	ssyncset.done $0x0  }
.Ltmp5:
0xcd: {  	[sflag:s31] =	ssyncadd.s32 $0xFFFFFF80;
	(pc) =	sbr.rel .LBB2_13-.Ltmp5, $4  }
0xce: {  	[spmem:s1] =	stream.indirect.scatter.add.f32 [tilespmem:s12], [sflag:$0x3], $0x30, s20, s0, $0xb8;
	[tilespmem:$0xD200] =	vst v63  }
0xcf: {  	_ =	swait.ge [sflag:s31], $0x1800  }
0xd0: {  	[sflag:s31] =	ssyncset.done $0x0;
	s29 =	rddreg [dreg:$0xc]  }
0xd1: {  	s23 =	simm.s32 $0x1880;
	s11 =	rddreg [dreg:$0xd];
	[sflag:s31] =	ssyncadd.s32 $0xFFFFE800  }
.LBB2_4:
0xd2: {  	s11 =	simm.s32 $0x0;
	s2 =	rddreg [dreg:$0x4]  }
0xd3: {  	[tilespmem:s11], [sflag:$0x3] =	stream.linear.gather [hbm4b:s2+s11], $0x2900, $0x38;
	[tilespmem:$0xD200] =	vst v63  }
0xd4: {  	_ =	swait.ge [sflag:s31], $0x2900  }
0xd5: {  	[sflag:s31] =	ssyncset.done $0x0  }
0xd6: {  	[sflag:s31] =	ssyncadd.s32 $0xFFFFD700  }
0xd7: {  	[tilespmem:s30], [sflag:$0x1] =	stream.indirect.gather [hbm4b:s5+s0], $0x30, s11, s0, $0xb8;
	[tilespmem:$0xD200] =	vst v63  }
0xd8: {  	s14 =	simm.s32 $0x80  }
0xd9: {  	[tilespmem:s12], [sflag:$0x2] =	stream.indirect.gather [hbm4b:s5+s0], $0x30, s14, s0, $0xb8;
	[tilespmem:$0xD200] =	vst v63  }
0xda: {  	_ =	swait.ge [sflag:s13], $0x1800  }
0xdb: {  	[sflag:s13] =	ssyncset.done $0x0  }
0xdc: {  	s15 =	sadd.s32 $0x0, s25;
	[sflag:s13] =	ssyncadd.s32 $0xFFFFE800  }
0xdd: {  	[tilespmem:s21], [sflag:$0x3] =	stream.linear.gather [hbm4b:s15+s3], $0x80, $0x38;
	[tilespmem:$0xD200] =	vst v63  }
0xde: {  	_ =	swait.ge [sflag:s31], $0x80  }
0xdf: {  	[sflag:s31] =	ssyncset.done $0x0  }
0xe0: {  	[sflag:s31] =	ssyncadd.s32 $0xFFFFFF80  }
0xe1: {  	[spmem:s1] =	stream.indirect.scatter.add.f32 [tilespmem:s30], [sflag:$0x3], $0x30, s21, s0, $0xb8;
	[tilespmem:$0xD200] =	vst v63  }
0xe2: {  	_ =	swait.ge [sflag:s31], $0x1800  }
0xe3: {  	[sflag:s31] =	ssyncset.done $0x0  }
0xe4: {  	s23 =	simm.s32 $0x100;
	[sflag:s31] =	ssyncadd.s32 $0xFFFFE800  }
0xe5: {  	[tilespmem:s30], [sflag:$0x1] =	stream.indirect.gather [hbm4b:s5+s0], $0x30, s23, s0, $0xb8;
	[tilespmem:$0xD200] =	vst v63  }
0xe6: {  	_ =	swait.ge [sflag:s19], $0x1800  }
0xe7: {  	[sflag:s19] =	ssyncset.done $0x0  }
0xe8: {  	s11 =	sadd.s32 $0x10, s15;
	[sflag:s19] =	ssyncadd.s32 $0xFFFFE800  }
0xe9: {  	[tilespmem:s20], [sflag:$0x3] =	stream.linear.gather [hbm4b:s11+s3], $0x80, $0x38;
	[tilespmem:$0xD200] =	vst v63  }
0xea: {  	_ =	swait.ge [sflag:s31], $0x80  }
0xeb: {  	[sflag:s31] =	ssyncset.done $0x0  }
0xec: {  	[sflag:s31] =	ssyncadd.s32 $0xFFFFFF80  }
0xed: {  	[spmem:s1] =	stream.indirect.scatter.add.f32 [tilespmem:s12], [sflag:$0x3], $0x30, s20, s0, $0xb8;
	[tilespmem:$0xD200] =	vst v63  }
0xee: {  	s29 =	simm.s32 $0x200;
	_ =	swait.ge [sflag:s31], $0x1800  }
0xef: {  	s23 =	simm.s32 $0x20;
	s11 =	simm.s32 $0x40;
	[sflag:s31] =	ssyncset.done $0x0  }
.LBB2_5:
0xf0: {  	p1 =	sne.s32 s11, $0x4E0;
	s2 =	sadd.s32 $0xFFFFFF80, s29;
	[sflag:s31] =	ssyncadd.s32 $0xFFFFE800  }
0xf1: {  	[tilespmem:s12], [sflag:$0x2] =	stream.indirect.gather [hbm4b:s5+s0], $0x30, s2, s0, $0xb8;
	[tilespmem:$0xD200] =	vst v63  }
0xf2: {  	s2 =	smov.u32 s11;
	s11 =	sadd.s32 $0x20, s11;
	_ =	swait.ge [sflag:s13], $0x1800  }
0xf3: {  	[sflag:s13] =	ssyncset.done $0x0  }
0xf4: {  	s14 =	sadd.s32 s23, s25;
	s23 =	smov.u32 s2;
	[sflag:s13] =	ssyncadd.s32 $0xFFFFE800  }
0xf5: {  	[tilespmem:s21], [sflag:$0x3] =	stream.linear.gather [hbm4b:s14+s3], $0x80, $0x38;
	[tilespmem:$0xD200] =	vst v63  }
0xf6: {  	_ =	swait.ge [sflag:s31], $0x80  }
0xf7: {  	[sflag:s31] =	ssyncset.done $0x0  }
0xf8: {  	[sflag:s31] =	ssyncadd.s32 $0xFFFFFF80  }
0xf9: {  	[spmem:s1] =	stream.indirect.scatter.add.f32 [tilespmem:s30], [sflag:$0x3], $0x30, s21, s0, $0xb8;
	[tilespmem:$0xD200] =	vst v63  }
0xfa: {  	_ =	swait.ge [sflag:s31], $0x1800  }
0xfb: {  	[sflag:s31] =	ssyncset.done $0x0  }
0xfc: {  	[sflag:s31] =	ssyncadd.s32 $0xFFFFE800  }
0xfd: {  	[tilespmem:s30], [sflag:$0x1] =	stream.indirect.gather [hbm4b:s5+s0], $0x30, s29, s0, $0xb8;
	[tilespmem:$0xD200] =	vst v63  }
0xfe: {  	_ =	swait.ge [sflag:s19], $0x1800  }
0xff: {  	[sflag:s19] =	ssyncset.done $0x0  }
0x100: {  	s2 =	sadd.s32 $0x10, s14;
	[sflag:s19] =	ssyncadd.s32 $0xFFFFE800  }
0x101: {  	[tilespmem:s20], [sflag:$0x3] =	stream.linear.gather [hbm4b:s2+s3], $0x80, $0x38;
	[tilespmem:$0xD200] =	vst v63  }
0x102: {  	_ =	swait.ge [sflag:s31], $0x80  }
.Ltmp6:
0x103: {  	[sflag:s31] =	ssyncset.done $0x0;
	(pc) =	sbr.rel @p1 .LBB2_5-.Ltmp6, $4  }
0x104: {  	[sflag:s31] =	ssyncadd.s32 $0xFFFFFF80  }
0x105: {  	[spmem:s1] =	stream.indirect.scatter.add.f32 [tilespmem:s12], [sflag:$0x3], $0x30, s20, s0, $0xb8;
	[tilespmem:$0xD200] =	vst v63  }
0x106: {  	_ =	swait.ge [sflag:s31], $0x1800  }
0x107: {  	s29 =	sadd.s32 $0x100, s29;
	[sflag:s31] =	ssyncset.done $0x0  }
0x108: {  	s2 =	sadd.s32 $0xFFFFFF80, s29;
	[sflag:s31] =	ssyncadd.s32 $0xFFFFE800  }
0x109: {  	[tilespmem:s12], [sflag:$0x2] =	stream.indirect.gather [hbm4b:s5+s0], $0x30, s2, s0, $0xb8;
	[tilespmem:$0xD200] =	vst v63  }
0x10a: {  	_ =	swait.ge [sflag:s13], $0x1800  }
0x10b: {  	[sflag:s13] =	ssyncset.done $0x0  }
0x10c: {  	s23 =	sadd.s32 s23, s25;
	[sflag:s13] =	ssyncadd.s32 $0xFFFFE800  }
0x10d: {  	[tilespmem:s21], [sflag:$0x3] =	stream.linear.gather [hbm4b:s23+s3], $0x80, $0x38;
	[tilespmem:$0xD200] =	vst v63  }
0x10e: {  	_ =	swait.ge [sflag:s31], $0x80  }
0x10f: {  	[sflag:s31] =	ssyncset.done $0x0  }
0x110: {  	[sflag:s31] =	ssyncadd.s32 $0xFFFFFF80  }
0x111: {  	[spmem:s1] =	stream.indirect.scatter.add.f32 [tilespmem:s30], [sflag:$0x3], $0x30, s21, s0, $0xb8;
	[tilespmem:$0xD200] =	vst v63  }
0x112: {  	_ =	swait.ge [sflag:s31], $0x1800  }
0x113: {  	[sflag:s31] =	ssyncset.done $0x0  }
0x114: {  	[sflag:s31] =	ssyncadd.s32 $0xFFFFE800  }
0x115: {  	[tilespmem:s30], [sflag:$0x1] =	stream.indirect.gather [hbm4b:s5+s0], $0x30, s29, s0, $0xb8;
	[tilespmem:$0xD200] =	vst v63  }
0x116: {  	_ =	swait.ge [sflag:s19], $0x1800  }
0x117: {  	[sflag:s19] =	ssyncset.done $0x0  }
0x118: {  	s2 =	sadd.s32 $0x10, s23;
	[sflag:s19] =	ssyncadd.s32 $0xFFFFE800  }
0x119: {  	[tilespmem:s20], [sflag:$0x3] =	stream.linear.gather [hbm4b:s2+s3], $0x80, $0x38;
	[tilespmem:$0xD200] =	vst v63  }
0x11a: {  	_ =	swait.ge [sflag:s31], $0x80  }
0x11b: {  	[sflag:s31] =	ssyncset.done $0x0  }
0x11c: {  	[sflag:s31] =	ssyncadd.s32 $0xFFFFFF80  }
0x11d: {  	[spmem:s1] =	stream.indirect.scatter.add.f32 [tilespmem:s12], [sflag:$0x3], $0x30, s20, s0, $0xb8;
	[tilespmem:$0xD200] =	vst v63  }
0x11e: {  	_ =	swait.ge [sflag:s31], $0x1800  }
0x11f: {  	[sflag:s31] =	ssyncset.done $0x0  }
0x120: {  	s11 =	simm.s32 $0x2880;
	[sflag:s31] =	ssyncadd.s32 $0xFFFFE800  }
0x121: {  	[tilespmem:s12], [sflag:$0x2] =	stream.indirect.gather [hbm4b:s5+s0], $0x30, s11, s0, $0xb8;
	[tilespmem:$0xD200] =	vst v63  }
0x122: {  	_ =	swait.ge [sflag:s13], $0x1800  }
0x123: {  	[sflag:s13] =	ssyncset.done $0x0  }
0x124: {  	s14 =	rddreg [dreg:$0x5];
	[sflag:s13] =	ssyncadd.s32 $0xFFFFE800  }
0x125: {  	[tilespmem:s21], [sflag:$0x3] =	stream.linear.gather [hbm4b:s14+s3], $0x80, $0x38;
	[tilespmem:$0xD200] =	vst v63  }
0x126: {  	_ =	swait.ge [sflag:s31], $0x80  }
0x127: {  	[sflag:s31] =	ssyncset.done $0x0  }
0x128: {  	[sflag:s31] =	ssyncadd.s32 $0xFFFFFF80  }
0x129: {  	[spmem:s1] =	stream.indirect.scatter.add.f32 [tilespmem:s30], [sflag:$0x3], $0x30, s21, s0, $0xb8;
	[tilespmem:$0xD200] =	vst v63  }
0x12a: {  	_ =	swait.ge [sflag:s31], $0x1800  }
0x12b: {  	[sflag:s31] =	ssyncset.done $0x0  }
0x12c: {  	[sflag:s31] =	ssyncadd.s32 $0xFFFFE800  }
0x12d: {  	_ =	swait.ge [sflag:s19], $0x1800  }
0x12e: {  	[sflag:s19] =	ssyncset.done $0x0  }
0x12f: {  	s15 =	rddreg [dreg:$0x6];
	[sflag:s19] =	ssyncadd.s32 $0xFFFFE800  }
0x130: {  	[tilespmem:s20], [sflag:$0x3] =	stream.linear.gather [hbm4b:s15+s3], $0x80, $0x38;
	[tilespmem:$0xD200] =	vst v63  }
0x131: {  	_ =	swait.ge [sflag:s31], $0x80  }
0x132: {  	[sflag:s31] =	ssyncset.done $0x0  }
0x133: {  	[sflag:s31] =	ssyncadd.s32 $0xFFFFFF80  }
0x134: {  	[spmem:s1] =	stream.indirect.scatter.add.f32 [tilespmem:s12], [sflag:$0x3], $0x30, s20, s0, $0xb8;
	[tilespmem:$0xD200] =	vst v63  }
0x135: {  	_ =	swait.ge [sflag:s31], $0x1800  }
0x136: {  	[sflag:s31] =	ssyncset.done $0x0  }
0x137: {  	p2 =	por $0x0, $0x0;
	s23 =	rddreg [dreg:$0xe];
	[sflag:s31] =	ssyncadd.s32 $0xFFFFE800  }
0x138: {  	[tilespmem:s3], [sflag:$0x3] =	stream.linear.gather [hbm4b:s23+s3], $0x1000, $0x38;
	[tilespmem:$0xD200] =	vst v63  }
.Ltmp7:
0x139: {  	_ = 	snop;
	(pc) =	sbr.rel @p2 .LBB2_9-.Ltmp7, $4  }
0x13a: {  	_ =	swait.ge [sflag:s31], $0x1000  }
0x13b: {  	p1 =	por $0x0, $0x0;
	[sflag:s31] =	ssyncset.done $0x0  }
0x13c: {  	s29 =	smov.u32 s28;
	s23 =	simm.s32 $0xFFFFF100;
	[sflag:s31] =	ssyncadd.s32 $0xFFFFF000  }
0x13d: {  	[tilespmem:s30], [sflag:$0x1] =	stream.indirect.gather [hbm4b:s5+s0], $0x30, s3, s0, $0xb8;
	[tilespmem:$0xD200] =	vst v63  }
0x13e: {  	s2 =	simm.s32 $0x80  }
0x13f: {  	[tilespmem:s12], [sflag:$0x2] =	stream.indirect.gather [hbm4b:s5+s0], $0x30, s2, s0, $0xb8;
	[tilespmem:$0xD200] =	vst v63  }
0x140: {  	_ =	swait.ge [sflag:s13], $0x1800  }
0x141: {  	[sflag:s13] =	ssyncset.done $0x0  }
0x142: {  	s15 =	sadd.s32 $0xFFFFFFF0, s28;
	[sflag:s13] =	ssyncadd.s32 $0xFFFFE800  }
0x143: {  	[tilespmem:s21], [sflag:$0x3] =	stream.linear.gather [hbm4b:s15+s3], $0x80, $0x38;
	[tilespmem:$0xD200] =	vst v63  }
0x144: {  	_ =	swait.ge [sflag:s31], $0x80  }
0x145: {  	[sflag:s31] =	ssyncset.done $0x0  }
0x146: {  	[sflag:s31] =	ssyncadd.s32 $0xFFFFFF80  }
0x147: {  	[spmem:s1] =	stream.indirect.scatter.add.f32 [tilespmem:s30], [sflag:$0x3], $0x30, s21, s0, $0xb8;
	[tilespmem:$0xD200] =	vst v63  }
0x148: {  	_ =	swait.ge [sflag:s31], $0x1800  }
0x149: {  	[sflag:s31] =	ssyncset.done $0x0  }
0x14a: {  	s23 =	simm.s32 $0x100;
	[sflag:s31] =	ssyncadd.s32 $0xFFFFE800  }
0x14b: {  	[tilespmem:s30], [sflag:$0x1] =	stream.indirect.gather [hbm4b:s5+s0], $0x30, s23, s0, $0xb8;
	[tilespmem:$0xD200] =	vst v63  }
0x14c: {  	_ =	swait.ge [sflag:s19], $0x1800  }
0x14d: {  	[sflag:s19] =	ssyncset.done $0x0  }
0x14e: {  	[sflag:s19] =	ssyncadd.s32 $0xFFFFE800  }
0x14f: {  	[tilespmem:s20], [sflag:$0x3] =	stream.linear.gather [hbm4b:s28+s3], $0x80, $0x38;
	[tilespmem:$0xD200] =	vst v63  }
0x150: {  	p2 =	por $0x0, $0x0;
	_ =	swait.ge [sflag:s31], $0x80  }
.Ltmp8:
0x151: {  	[sflag:s31] =	ssyncset.done $0x0;
	(pc) =	sbr.rel @p2 .LBB2_9-.Ltmp8, $4  }
0x152: {  	[sflag:s31] =	ssyncadd.s32 $0xFFFFFF80  }
0x153: {  	[spmem:s1] =	stream.indirect.scatter.add.f32 [tilespmem:s12], [sflag:$0x3], $0x30, s20, s0, $0xb8;
	[tilespmem:$0xD200] =	vst v63  }
0x154: {  	s11 =	simm.s32 $0xFFFFCC00;
	s29 =	sadd.s32 $0x20, s28;
	_ =	swait.ge [sflag:s31], $0x1800  }
0x155: {  	p1 =	por $0x1, $0x1;
	s23 =	simm.s32 $0xFFFFF200;
	[sflag:s31] =	ssyncset.done $0x0  }
.LBB2_8:
0x156: {  	s2 =	sadd.s32 $0xF80, s23  }
0x157: {  	[sflag:s31] =	ssyncadd.s32 $0xFFFFE800;
	s14 =	smov.u32 s11;
	s15 =	sadd.s32 $0x400, s11  }
0x158: {  	[tilespmem:s12], [sflag:$0x2] =	stream.indirect.gather [hbm4b:s5+s0], $0x30, s2, s0, $0xb8;
	[tilespmem:$0xD200] =	vst v63  }
0x159: {  	p2 =	seq.s32 s11, $0xFFFFFC00;
	_ =	swait.ge [sflag:s13], $0x1800  }
0x15a: {  	[sflag:s13] =	ssyncset.done $0x0  }
0x15b: {  	s2 =	sadd.s32 $0xFFFFFFF0, s29;
	[sflag:s13] =	ssyncadd.s32 $0xFFFFE800  }
0x15c: {  	[tilespmem:s21], [sflag:$0x3] =	stream.linear.gather [hbm4b:s2+s3], $0x80, $0x38;
	[tilespmem:$0xD200] =	vst v63  }
0x15d: {  	_ =	swait.ge [sflag:s31], $0x80  }
0x15e: {  	[sflag:s31] =	ssyncset.done $0x0  }
0x15f: {  	[sflag:s31] =	ssyncadd.s32 $0xFFFFFF80  }
0x160: {  	[spmem:s1] =	stream.indirect.scatter.add.f32 [tilespmem:s30], [sflag:$0x3], $0x30, s21, s0, $0xb8;
	[tilespmem:$0xD200] =	vst v63  }
0x161: {  	_ =	swait.ge [sflag:s31], $0x1800  }
0x162: {  	[sflag:s31] =	ssyncset.done $0x0  }
0x163: {  	s2 =	sadd.s32 $0x1000, s23;
	[sflag:s31] =	ssyncadd.s32 $0xFFFFE800  }
0x164: {  	[tilespmem:s30], [sflag:$0x1] =	stream.indirect.gather [hbm4b:s5+s0], $0x30, s2, s0, $0xb8;
	[tilespmem:$0xD200] =	vst v63  }
0x165: {  	_ =	swait.ge [sflag:s19], $0x1800  }
0x166: {  	[sflag:s19] =	ssyncset.done $0x0  }
0x167: {  	[sflag:s19] =	ssyncadd.s32 $0xFFFFE800  }
0x168: {  	[tilespmem:s20], [sflag:$0x3] =	stream.linear.gather [hbm4b:s29+s3], $0x80, $0x38;
	[tilespmem:$0xD200] =	vst v63  }
0x169: {  	_ =	swait.ge [sflag:s31], $0x80  }
.Ltmp9:
0x16a: {  	[sflag:s31] =	ssyncset.done $0x0;
	(pc) =	sbr.rel @!p2 .LBB2_8-.Ltmp9, $4  }
0x16b: {  	[sflag:s31] =	ssyncadd.s32 $0xFFFFFF80  }
0x16c: {  	[spmem:s1] =	stream.indirect.scatter.add.f32 [tilespmem:s12], [sflag:$0x3], $0x30, s20, s0, $0xb8;
	[tilespmem:$0xD200] =	vst v63  }
0x16d: {  	s11 =	smov.u32 s15;
	_ =	swait.ge [sflag:s31], $0x1800  }
0x16e: {  	s23 =	sshra.s32 s14, $0x2;
	s29 =	sadd.s32 $0x20, s29;
	[sflag:s31] =	ssyncset.done $0x0  }
.Ltmp10:
0x16f: {  	_ = 	snop;
	(pc) =	sbr.rel .LBB2_9-.Ltmp10, $1  }
0x170: {  	_ =	sdelay $0x3  }
.LBB2_14:
0x171: {  	_ =	sfence.sel $0x180000  }
0x172: {  	[bflag:$0x0] =	sbarrier.arrive $0xFFFF  }
0x173: {  	_ =	strace $0x9000004D  }
0x174: {  	s0 =	stileid.u32;
	[bflag:$0x2] =	sbarrier.arrive $0xFFFF  }
0x175: {  	p0 =	sne.s32 s0, $0x0;
	s0 =	rddreg [dreg:$0x3]  }
0x176: {  	s0 =	sadd.s32 @!p0 $0x100000, s0  }
0x177: {  	[sflag:s0] =	ssyncadd.tile.s32 @!p0 $0x1;
	_ =	shalt  }
.Lfunc_end2:
_tile_overlayer_lowered:
.L_overlay_start_2:
0x178: {  	(tag) =	ssettag $0x2  }
0x179: {  	s0 =	rddreg [dreg:$0x0];
	s2 =	stileid.u32  }
0x17a: {  	s1 =	rddreg [dreg:$0x1];
	p0 =	sne.s32 s2, $0x0  }
0x17b: {  	s3 =	rddreg [dreg:$0x2];
	[bflag:$0x3] =	sbarrier.arrive $0xFFFF;
	s2 =	simm.s32 @!p0 $0x1C03  }
0x17c: {  	[timem:s3], [sflag:s2] =	dma.local @!p0 [hbm:s0], s1  }
0x17d: {  	s0 =	simm.s32 @!p0 $0x3  }
0x17e: {  	_ =	swait.ge @!p0 [sflag:s0], s1  }
0x17f: {  	s1 =	ssub.s32 @!p0 $0x0, s1;
	[sflag:s0] =	ssyncset.done @!p0 $0x0  }
0x180: {  	[sflag:s0] =	ssyncadd.s32 @!p0 s1  }
0x181: {  	[bflag:$0x3] =	sbarrier.arrive $0xFFFF  }
0x182: {  	_ =	shalt  }

// kernel: kernel.8.cloned.1.call-start
scs
__scs_entry_jumppad:
0x0: {  	(pc) =	sbr.rel $0x88, $3  }
0x1: {  	(tag) =	ssettag $0x0;
	lr =	simm.s32 $0x1  }
0x2: {  	[smem:$0x3F97] =	sst lr;
	_ =	strace $0xD0000000  }
0x3: {  	_ = 	snop  }
0x4: {  	_ = 	snop  }
0x5: {  	_ = 	snop  }
0x6: {  	_ = 	snop  }
0x7: {  	_ = 	snop  }
__scs_overlays_trampoline_lowered:
0x8: {  	[smem:$0x3FA6] =	sst s0  }
0x9: {  	[smem:$0x3FA7] =	sst s1  }
0xa: {  	[smem:$0x3FA8] =	sst s2  }
0xb: {  	[smem:$0x3FA9] =	sst s3  }
0xc: {  	[smem:$0x3FAA] =	sst s4  }
0xd: {  	[smem:$0x3FAB] =	sst s5  }
0xe: {  	[smem:$0x3FAC] =	sst s6  }
0xf: {  	[smem:$0x3FAD] =	sst s7  }
0x10: {  	[smem:$0x3FAE] =	sst s8  }
0x11: {  	[smem:$0x3FAF] =	sst s9;
	s0 =	simm.s32 @!p0 $0x0  }
0x12: {  	s1 =	sld [smem:$0x3F95];
	s0 =	simm.s32 @p0 $0x1  }
0x13: {  	[smem:$0x3FB0] =	sst s0;
	s0 =	simm.s32 @!p1 $0x0  }
0x14: {  	s2 =	sld [smem:$0x3F94];
	s0 =	simm.s32 @p1 $0x1  }
0x15: {  	[smem:$0x3FB1] =	sst s0;
	s0 =	simm.s32 @!p2 $0x0  }
0x16: {  	s3 =	sld [smem:$0x3FDB];
	s0 =	simm.s32 @p2 $0x1  }
0x17: {  	s4 =	simm.s32 $0x1BF5;
	[smem:$0x3FB3] =	sst s0  }
0x18: {  	s0 =	sld [smem:$0x3F96];
	_ =	swait.ge [sflag:s4], $0x0  }
0x19: {  	s7 =	sld [smem:$0x3F97]  }
0x1a: {  	s8 =	sadd.s32 $0xFFFFE003, lr  }
0x1b: {  	s9 =	sadd.s32 $0xFFFFFEF7, lr;
	s5 =	simm.s32 $0xFFFFFFFF;
	p2 =	slt.u32 s8, $0xFFFFF086  }
0x1c: {  	p1 =	slt.u32 s9, $0xF7A;
	s5 =	simm.s32 @!p2 $0x0  }
0x1d: {  	s5 =	simm.s32 @p1 $0x1;
	p0 =	seq.s32 s7, s2  }
0x1e: {  	s7 =	smul.u32 @!p0 $0xF7A, s2;
	p2 =	seq.s32 @!p0 s5, $0x0  }
0x1f: {  	s9 =	smul.u32 $0xF7A, s1;
	s8 =	simm.s32 @!p0 $0x1BF5;
	p2 =	por !p2, p0  }
0x20: {  	[sflag:s8] =	ssyncset.s32 @!p0 $0xFFFFF086;
	s6 =	sadd.s32 @!p0 s3, s7;
	s7 =	simm.s32 @!p0 $0x108  }
0x21: {  	s3 =	sadd.s32 s3, s9;
	s6 =	sadd.s32 @!p0 $0x88, s6;
	s7 =	simm.s32 @p2 $0x1082  }
0x22: {  	[simem:s7], [sflag:s8] =	dma.local @!p0 [hbm:s6], $0xF7A  }
0x23: {  	s9 =	sor.u32 $0xD0000000, s2;
	s6 =	simm.s32 $0x108;
	_ =	swait.ge @!p0 [sflag:s8], $0x0  }
0x24: {  	s3 =	sadd.s32 $0x88, s3;
	s6 =	simm.s32 @!p1 $0x1082;
	[sflag:s4] =	ssyncset.s32 $0xFFFFF086  }
0x25: {  	[simem:s6], [sflag:s4] =	dma.local [hbm:s3], $0xF7A  }
0x26: {  	[smem:$0x3F97] =	sst s1;
	(tag) =	ssettag s2;
	_ =	strace s9  }
0x27: {  	s1 =	sld [smem:$0x3FA7]  }
0x28: {  	s2 =	sld [smem:$0x3FA8]  }
0x29: {  	s4 =	sld [smem:$0x3FAA]  }
0x2a: {  	p0 =	seq.s32 s5, $0x0;
	s5 =	sld [smem:$0x3FAB]  }
0x2b: {  	s6 =	sld [smem:$0x3FAC]  }
0x2c: {  	s7 =	sld [smem:$0x3FAD]  }
0x2d: {  	s3 =	simm.s32 $0x108;
	s8 =	sld [smem:$0x3FAE]  }
0x2e: {  	s3 =	simm.s32 @!p0 $0x1082;
	s9 =	sld [smem:$0x3FAF]  }
0x2f: {  	lr =	sadd.s32 s0, s3;
	s0 =	sld [smem:$0x3FA6]  }
0x30: {  	s3 =	sld [smem:$0x3FA9]  }
0x31: {  	[smem:$0x3FB2] =	sst s10  }
0x32: {  	s10 =	sld [smem:$0x3FB0];
	_ =	sdelay $0x3  }
0x33: {  	p0 =	seq.s32 s10, $0x1;
	s10 =	sld [smem:$0x3FB2];
	_ =	sdelay $0x3  }
0x34: {  	[smem:$0x3FB2] =	sst s10  }
0x35: {  	s10 =	sld [smem:$0x3FB1];
	_ =	sdelay $0x3  }
0x36: {  	p1 =	seq.s32 s10, $0x1;
	s10 =	sld [smem:$0x3FB2];
	_ =	sdelay $0x3  }
0x37: {  	[smem:$0x3FB2] =	sst s10  }
0x38: {  	s10 =	sld [smem:$0x3FB3]  }
0x39: {  	_ = 	snop;
	(pc) =	sbr.ind lr, $3  }
0x3a: {  	_ = 	snop  }
0x3b: {  	_ = 	snop  }
0x3c: {  	p2 =	seq.s32 s10, $0x1;
	s10 =	sld [smem:$0x3FB2]  }
0x3d: {  	_ =	shalt  }
0x3e: {  	_ =	shalt  }
0x3f: {  	_ =	shalt  }
0x40: {  	_ =	shalt  }
0x41: {  	_ =	shalt  }
0x42: {  	_ =	shalt  }
0x43: {  	_ =	shalt  }
0x44: {  	_ =	shalt  }
0x45: {  	_ =	shalt  }
0x46: {  	_ =	shalt  }
0x47: {  	_ =	shalt  }
0x48: {  	_ =	shalt  }
0x49: {  	_ =	shalt  }
0x4a: {  	_ =	shalt  }
0x4b: {  	_ =	shalt  }
0x4c: {  	_ =	shalt  }
0x4d: {  	_ =	shalt  }
0x4e: {  	_ =	shalt  }
0x4f: {  	_ =	shalt  }
0x50: {  	_ =	shalt  }
0x51: {  	_ =	shalt  }
0x52: {  	_ =	shalt  }
0x53: {  	_ =	shalt  }
0x54: {  	_ =	shalt  }
0x55: {  	_ =	shalt  }
0x56: {  	_ =	shalt  }
0x57: {  	_ =	shalt  }
0x58: {  	_ =	shalt  }
0x59: {  	_ =	shalt  }
0x5a: {  	_ =	shalt  }
0x5b: {  	_ =	shalt  }
0x5c: {  	_ =	shalt  }
0x5d: {  	_ =	shalt  }
0x5e: {  	_ =	shalt  }
0x5f: {  	_ =	shalt  }
0x60: {  	_ =	shalt  }
0x61: {  	_ =	shalt  }
0x62: {  	_ =	shalt  }
0x63: {  	_ =	shalt  }
0x64: {  	_ =	shalt  }
0x65: {  	_ =	shalt  }
0x66: {  	_ =	shalt  }
0x67: {  	_ =	shalt  }
0x68: {  	_ =	shalt  }
0x69: {  	_ =	shalt  }
0x6a: {  	_ =	shalt  }
0x6b: {  	_ =	shalt  }
0x6c: {  	_ =	shalt  }
0x6d: {  	_ =	shalt  }
0x6e: {  	_ =	shalt  }
0x6f: {  	_ =	shalt  }
0x70: {  	_ =	shalt  }
0x71: {  	_ =	shalt  }
0x72: {  	_ =	shalt  }
0x73: {  	_ =	shalt  }
0x74: {  	_ =	shalt  }
0x75: {  	_ =	shalt  }
0x76: {  	_ =	shalt  }
0x77: {  	_ =	shalt  }
0x78: {  	_ =	shalt  }
0x79: {  	_ =	shalt  }
0x7a: {  	_ =	shalt  }
0x7b: {  	_ =	shalt  }
0x7c: {  	_ =	shalt  }
0x7d: {  	_ =	shalt  }
0x7e: {  	_ =	shalt  }
0x7f: {  	_ =	shalt  }
0x80: {  	_ =	shalt  }
0x81: {  	_ =	shalt  }
0x82: {  	_ =	shalt  }
0x83: {  	_ =	shalt  }
0x84: {  	_ =	shalt  }
0x85: {  	_ =	shalt  }
0x86: {  	_ =	shalt  }
0x87: {  	_ =	shalt  }
.Lfunc_end0:
.L_simem_size_0:
called_computation_lowered:
.L_overlay_start_0:
0x88: {  	s2 =	sld [smem:$0x3FD9]  }
0x89: {  	s3 =	sld [smem:$0x3FFE];
	_ =	sdelay $0x1  }
0x8a: {  	s1 =	srdreg.scid  }
0x8b: {  	s0 =	sand.u32 $0x1, s1  }
0x8c: {  	s16 =	sshll.u32 s0, $0xA;
	s2 =	sadd.s32 s3, s2  }
0x8d: {  	s2 =	sadd.s32 s2, s16  }
0x8e: {  	[smem:$0x3FBE] =	sst s2  }
0x8f: {  	_ = 	snop  }
0x90: {  	(tm) =	ssettm $0x1  }
0x91: {  	s17 =	sld [smem:$0x3FFB];
	_ =	sdelay $0x3  }
0x92: {  	_ =	strace s17  }
0x93: {  	s2 =	sld [smem:$0x3FFC];
	_ =	sdelay $0x3  }
0x94: {  	_ =	strace s2  }
0x95: {  	s2 =	sld [smem:$0x3FFD];
	_ =	sdelay $0x3  }
0x96: {  	_ =	strace s2  }
0x97: {  	_ =	strace $0x8FFFFFFF  }
0x98: {  	s18 =	sld [smem:$0x3FDB];
	_ =	sdelay $0x1  }
0x99: {  	s19 =	simm.s32 $_scs_section_size  }
0x9a: {  	s4 =	simm.s32 $_size__tile_overlayer_lowered;
	s5 =	simm.s32 $_tile_overlayer_lowered  }
0x9b: {  	s22 =	simm.s32 $0x1BFF;
	s21 =	sshll.u32 s5, $0x1;
	s2 =	sadd.s32 s19, s18  }
0x9c: {  	s6 =	simm.s32 $0x0;
	s20 =	sshll.u32 s4, $0x1;
	s4 =	sadd.s32 s21, s2  }
0x9d: {  	[timem:s6], [sflag:s22] =	dma.local [hbm:s4], s20  }
0x9e: {  	_ =	swait.ge [sflag:s22], s20  }
0x9f: {  	s3 =	ssub.s32 $0x0, s20;
	[sflag:s22] =	ssyncset.done $0x0  }
0xa0: {  	[sflag:s22] =	ssyncadd.s32 s3;
	_ =	sdelay $0x1  }
0xa1: {  	s23 =	simm.s32 $0x1B8B  }
0xa2: {  	_ =	swait.ge [sflag:s23], $0x1  }
0xa3: {  	[sflag:s23] =	ssyncset.done $0x0  }
0xa4: {  	s25 =	simm.s32 $0x1B8E;
	s24 =	sld [smem:$0x3FFE];
	[sflag:s23] =	ssyncadd.s32 $0xFFFFFFFF  }
0xa5: {  	s26 =	simm.s32 $execute0_lowered;
	[smem:$0x3FD2] =	sst s25  }
0xa6: {  	s4 =	sshll.u32 s26, $0x1;
	_ =	strace $0x80000046;
	[dreg:$0x1] =	wrdreg $0xFFFFFFFF  }
0xa7: {  	s28 =	simm.s32 $_size_execute0_lowered;
	s2 =	sadd.s32 s2, s4;
	[dreg:$0x0] =	wrdreg $0x0  }
0xa8: {  	s4 =	sshll.u32 s28, $0x1;
	[dreg:$0x2] =	wrdreg s2  }
0xa9: {  	[dreg:$0x3] =	wrdreg s4  }
0xaa: {  	[dreg:$0x4] =	wrdreg $0xC0  }
0xab: {  	_ =	task [dreg:s6], $0x5FFFF  }
0xac: {  	[dreg:$0x1] =	wrdreg $0xFFFFFFFF  }
0xad: {  	[dreg:$0x0] =	wrdreg $0x60  }
0xae: {  	[dreg:$0x2] =	wrdreg s24  }
0xaf: {  	[dreg:$0x3] =	wrdreg $0x59000  }
0xb0: {  	[dreg:$0x4] =	wrdreg $0x9  }
0xb1: {  	_ =	task.clear_ibuf [dreg:s6], $0x5FFFF;
	_ =	strace $0x90000046  }
0xb2: {  	s29 =	simm.s32 $0x9;
	_ =	strace $0x80000048  }
0xb3: {  	_ =	swait.ge [sflag:s29], $0x1  }
0xb4: {  	[sflag:s29] =	ssyncadd.s32 $0xFFFFFFFF  }
0xb5: {  	_ =	strace $0x90000048  }
0xb6: {  	_ =	sfence  }
0xb7: {  	s30 =	sld [smem:$0x0];
	_ =	sdelay $0x2  }
0xb8: {  	s31 =	sshll.u32 s1, $0xD;
	s1 =	sshrl.u32 s1, $0x2  }
0xb9: {  	s3 =	sand.u32 $0x4000, s31;
	s1 =	sadd.s32 s1, s30  }
0xba: {  	s0 =	sor.u32 s3, s0;
	s1 =	sshll.u32 s1, $0x11  }
0xbb: {  	s0 =	sor.u32 s1, s0  }
0xbc: {  	s0 =	sadd.s32 $0x8F2B, s0  }
0xbd: {  	[sflag:s0] =	ssyncadd.remote.s32 $0x1  }
0xbe: {  	_ =	sfence.sel $0xFFFF  }
0xbf: {  	[dreg:$0x0] =	wrdreg $0xFFFFFFFF;
	(pc) =	sbr.abs _section_cstart, $3  }
0xc0: {  	[dreg:$0x1] =	wrdreg $0xFFFFFFFF  }
0xc1: {  	_ =	task.clear_ibuf [dreg:s6], $0x2FFFF;
	_ =	strace $0x9FFFFFFF  }
0xc2: {  	(tm) =	ssettm $0x7FFFFFFF  }
0xc3: {  	_ =	shalt  }
tec
execute0_lowered:
.L_overlay_start_1:
0x0: {  	(tag) =	ssettag $0x1  }
0x1: {  	s4 =	rddreg [dreg:$0x0]  }
0x2: {  	s2 =	rddreg [dreg:$0x1];
	s3 =	srdreg.scid  }
0x3: {  	s1 =	stileid.u32;
	s0 =	rddreg [dreg:$0x2];
	s10 =	simm.s32 $0x800  }
0x4: {  	s11 =	simm.s32 $0x80;
	s14 =	simm.s32 $0x0;
	s5 =	sand.u32 $0x1, s3  }
0x5: {  	s6 =	smul.u32 $0x2800, s1;
	s3 =	simm.s32 $0x0;
	s7 =	sshll.u32 s1, $0x1  }
0x6: {  	s12 =	sshll.u32 s1, $0x6;
	s8 =	smul.u32 $0x28000, s5;
	[smem:$0x7FF] =	sst s3  }
0x7: {  	s7 =	sor.u32 s5, s7;
	s5 =	ssub.s32 $0x2, s5;
	s12 =	sor.u32 $0x1C01, s12  }
0x8: {  	s7 =	smul.u32 $0x520, s7;
	_ =	strace $0x80000047;
	s9 =	sshrl.u32 s5, $0x1  }
0x9: {  	s8 =	sadd.s32 s6, s8;
	s9 =	ssub.s32 s5, s9;
	s5 =	sadd.s32 s6, s2  }
0xa: {  	s8 =	sshrl.u32 s8, $0x3;
	s7 =	sadd.s32 s7, s4;
	s13 =	sshrl.u32 s5, $0x3  }
0xb: {  	s8 =	sadd.s32 s8, s4;
	s4 =	sadd.s32 $0x2200, s7;
	s7 =	smax.u32 s9, $0x1  }
0xc: {  	v0 =	vimm.f32 $1.000000000e+00;
	v1 =	vimm.f32 $0.0e+00;
	s9 =	simm.s32 $0x1;
	s6 =	sadd.s32 $0xC600, s8;
	s8 =	simm.s32 $0x3000  }
.LBB2_1:
0xd: {  	s15 =	simm.s32 $0x0  }
.LBB2_2:
0xe: {  	p0 =	sne.s32 s15, $0x1FC0  }
.Ltmp0:
0xf: {  	_ = 	snop;
	(pc) =	sbr.rel @p0 .LBB2_2-.Ltmp0, $3  }
0x10: {  	_ =	sdelay $0x1  }
0x11: {  	s16 =	sshra.s32 s15, $0x2  }
0x12: {  	s15 =	sadd.s32 $0x40, s15;
	[tilespmem:s16+$0x0] =	vst v0  }
0x13: {  	s15 =	simm.s32 $0x40;
	s16 =	simm.s32 $0x0  }
.LBB2_4:
0x14: {  	p0 =	sne.s32 s15, $0x9FC0;
	[tilespmem:s16+$0x800] =	vst v1;
	s16 =	smov.u32 s15;
	s15 =	sadd.s32 $0x40, s15  }
.Ltmp1:
0x15: {  	(pc) =	sbr.rel @p0 .LBB2_4-.Ltmp1, $2  }
0x16: {  	_ =	sdelay $0x2  }
0x17: {  	s16 =	sshra.s32 s16, $0x2  }
0x18: {  	[tilespmem:s16+$0x800] =	vst v1;
	s15 =	simm.s32 $0x0  }
0x19: {  	[tilespmem:s8], [sflag:$0x1] =	stream.linear.gather [hbm4b:s4+s15], $0x2900, $0x38;
	[tilespmem:$0x8100] =	vst v63  }
0x1a: {  	_ =	swait.ge [sflag:s9], $0x2900  }
0x1b: {  	[sflag:s9] =	ssyncset.done $0x0  }
0x1c: {  	[sflag:s9] =	ssyncadd.s32 $0xFFFFD700  }
0x1d: {  	[spmem:s5] =	stream.linear.scatter [tilespmem:s10], [sflag:$0x1], $0x2800, $0x38;
	[tilespmem:$0x8100] =	vst v63  }
0x1e: {  	_ =	swait.ge [sflag:s9], $0x2800  }
0x1f: {  	[sflag:s9] =	ssyncset.done $0x0  }
0x20: {  	[sflag:s9] =	ssyncadd.s32 $0xFFFFD800  }
0x21: {  	s31 =	simm.s32 $0x3000;
	[bflag:$0x0] =	sbarrier.arrive $0xFFFF  }
0x22: {  	[spmem:s2] =	stream.indirect.scatter.add.f32 [tilespmem:s3], [sflag:$0x1], $0x10, s31, s11, $0xb8;
	[tilespmem:$0x8100] =	vst v63  }
0x23: {  	s15 =	simm.s32 $0x200;
	_ =	swait.ge [sflag:s9], $0x800  }
.LBB2_6:
0x24: {  	s16 =	sshra.s32 s15, $0x2;
	[sflag:s9] =	ssyncset.done $0x0;
	p0 =	sne.s32 s15, $0xA200  }
.Ltmp2:
0x25: {  	s16 =	sadd.s32 $0x3000, s16;
	[sflag:s9] =	ssyncadd.s32 $0xFFFFF800;
	(pc) =	sbr.rel @p0 .LBB2_6-.Ltmp2, $3  }
0x26: {  	[spmem:s2] =	stream.indirect.scatter.add.f32 [tilespmem:s3], [sflag:$0x1], $0x10, s16, s11, $0xb8;
	[tilespmem:$0x8100] =	vst v63  }
0x27: {  	s15 =	sadd.s32 $0x200, s15;
	_ =	sdelay $0x1  }
0x28: {  	_ =	swait.ge [sflag:s9], $0x800  }
0x29: {  	[sflag:s9] =	ssyncset.done $0x0;
	s14 =	sadd.s32 $0x1, s14  }
0x2a: {  	[sflag:s9] =	ssyncadd.s32 $0xFFFFF800;
	p0 =	sne.s32 s14, s7  }
.Ltmp3:
0x2b: {  	[bflag:$0x0] =	sbarrier.arrive $0xFFFF;
	(pc) =	sbr.rel @p0 .LBB2_1-.Ltmp3, $4  }
0x2c: {  	[hbm:s6], [sflag:s12] =	dma.local [spmem:s13], $0x500  }
0x2d: {  	_ =	swait.ge [sflag:s9], $0x500  }
0x2e: {  	[sflag:s9] =	ssyncset.done $0x0  }
0x2f: {  	[sflag:s9] =	ssyncadd.s32 $0xFFFFFB00  }
0x30: {  	_ =	sfence.sel $0x180000  }
0x31: {  	[bflag:$0x0] =	sbarrier.arrive $0xFFFF  }
0x32: {  	p0 =	sne.s32 s1, $0x0;
	_ =	strace $0x90000047  }
0x33: {  	s0 =	sadd.s32 @!p0 $0x100000, s0;
	[bflag:$0x2] =	sbarrier.arrive $0xFFFF  }
0x34: {  	[sflag:s0] =	ssyncadd.tile.s32 @!p0 $0x1;
	_ =	shalt  }
.Lfunc_end2:
_tile_overlayer_lowered:
.L_overlay_start_2:
0x35: {  	(tag) =	ssettag $0x2  }
0x36: {  	s0 =	rddreg [dreg:$0x0];
	s2 =	stileid.u32  }
0x37: {  	s1 =	rddreg [dreg:$0x1];
	p0 =	sne.s32 s2, $0x0  }
0x38: {  	s3 =	rddreg [dreg:$0x2];
	[bflag:$0x3] =	sbarrier.arrive $0xFFFF;
	s2 =	simm.s32 @!p0 $0x1C01  }
0x39: {  	[timem:s3], [sflag:s2] =	dma.local @!p0 [hbm:s0], s1  }
0x3a: {  	s0 =	simm.s32 @!p0 $0x1  }
0x3b: {  	_ =	swait.ge @!p0 [sflag:s0], s1  }
0x3c: {  	s1 =	ssub.s32 @!p0 $0x0, s1;
	[sflag:s0] =	ssyncset.done @!p0 $0x0  }
0x3d: {  	[sflag:s0] =	ssyncadd.s32 @!p0 s1  }
0x3e: {  	[bflag:$0x3] =	sbarrier.arrive $0xFFFF  }
0x3f: {  	_ =	shalt  }

</sc_bundles>
